<compile_context>
chip_gen: v7x
topology: tpu7x:2x2x1
jax: 0.10.2.dev20260603
libtpu: 0.0.44.dev20260713+nightly
codegen_flags: <defaults>
</compile_context>

<pallas_src>
import functools

import jax
import jax.numpy as jnp
from jax import lax
from jax.experimental import pallas as pl
from jax.experimental.pallas import tpu as pltpu
from jax.experimental.pallas import tpu_sc as plsc

NC = 2
NS = 16
NW = NC * NS
CHUNK = 40
NBUF = 5

F32 = jnp.float32



def _proj_body(nf, w1a, w1b, b1, wn1a, bn1, ps, pr, pn):
    x = nf[...]
    ps[...] = jnp.dot(x, w1a[...], preferred_element_type=F32)
    pr[...] = jnp.dot(x, w1b[...], preferred_element_type=F32) + b1[...]
    pn[...] = jnp.dot(x, wn1a[...], preferred_element_type=F32) + bn1[...]


def _proj(nf, w1a, w1b, b1, wn1a, bn1):
    n, h = nf.shape
    nb = 2000
    grid = (n // nb,)
    full = pl.BlockSpec((h, h), lambda i: (0, 0))
    vec = pl.BlockSpec((1, h), lambda i: (0, 0))
    blk = pl.BlockSpec((nb, h), lambda i: (i, 0))
    return pl.pallas_call(
        _proj_body,
        grid=grid,
        in_specs=[blk, full, full, vec, full, vec],
        out_specs=[blk, blk, blk],
        out_shape=[jax.ShapeDtypeStruct((n, h), F32)] * 3,
    )(nf, w1a, w1b, b1, wn1a, bn1)



def _gather_body(ps_hbm, pr_hbm, snd_hbm, rcv_hbm, out_hbm,
                 sidx, ridx, srow, rrow,
                 g0, g1, g2, g3, g4, osem, *, epw, nchunk):
    gsems = (g0, g1, g2, g3, g4)
    wid = lax.axis_index("s") * NC + lax.axis_index("c")
    base = wid * epw
    pltpu.sync_copy(snd_hbm.at[pl.ds(base, epw)], sidx)
    pltpu.sync_copy(rcv_hbm.at[pl.ds(base, epw)], ridx)

    def super_step(oi, carry):
        c0 = oi * NBUF
        waits = []
        for b in range(NBUF):
            io = (c0 + b) * CHUNK
            a = pltpu.async_copy(ps_hbm.at[sidx.at[pl.ds(io, CHUNK)]],
                                 srow.at[b], gsems[b])
            d = pltpu.async_copy(pr_hbm.at[ridx.at[pl.ds(io, CHUNK)]],
                                 rrow.at[b], gsems[b])
            waits.append((a, d))
        for b in range(NBUF):
            a, d = waits[b]
            a.wait()
            d.wait()

            def row(i, c2, b=b):
                for j in range(8):
                    sl = pl.ds(j * 16, 16)
                    plsc.addupdate(srow.at[b, i, sl], rrow[b, i, sl])
                return c2

            lax.fori_loop(0, CHUNK, row, 0)
            pltpu.sync_copy(srow.at[b],
                            out_hbm.at[pl.ds(base + (c0 + b) * CHUNK, CHUNK)])
        return carry

    lax.fori_loop(0, nchunk // NBUF, super_step, 0)


def _gather(ps, pr, snd, rcv):
    n, h = ps.shape
    e = snd.shape[0]
    epw = e // NW
    nchunk = epw // CHUNK
    mesh = plsc.VectorSubcoreMesh(core_axis_name="c", subcore_axis_name="s")
    body = functools.partial(_gather_body, epw=epw, nchunk=nchunk)
    return pl.kernel(
        body,
        out_type=jax.ShapeDtypeStruct((e, h), F32),
        mesh=mesh,
        scratch_types=[
            pltpu.VMEM((epw,), jnp.int32),
            pltpu.VMEM((epw,), jnp.int32),
            pltpu.VMEM((NBUF, CHUNK, h), F32),
            pltpu.VMEM((NBUF, CHUNK, h), F32),
            pltpu.SemaphoreType.DMA,
            pltpu.SemaphoreType.DMA,
            pltpu.SemaphoreType.DMA,
            pltpu.SemaphoreType.DMA,
            pltpu.SemaphoreType.DMA,
            pltpu.SemaphoreType.DMA,
        ],
    )(ps, pr, snd, rcv)



def _edge_body(s_ref, e_ref, w1c, w2, b2, w3, b3, g, beta, oe_ref, ne_ref):
    x = e_ref[...]
    h = s_ref[...] + jnp.dot(x, w1c[...], preferred_element_type=F32)
    h = jnp.maximum(h, 0.0)
    h = jnp.maximum(jnp.dot(h, w2[...], preferred_element_type=F32) + b2[...], 0.0)
    h = jnp.dot(h, w3[...], preferred_element_type=F32) + b3[...]
    m = jnp.mean(h, axis=-1, keepdims=True)
    c = h - m
    v = jnp.mean(c * c, axis=-1, keepdims=True)
    ne = c * lax.rsqrt(v + 1e-5) * g[...] + beta[...]
    ne_ref[...] = ne
    oe_ref[...] = ne + x


def _edge_mlp(s, ef, w1c, w2, b2, w3, b3, g, beta):
    e, h = ef.shape
    eb = 1600
    grid = (e // eb,)
    full = pl.BlockSpec((h, h), lambda i: (0, 0))
    vec = pl.BlockSpec((1, h), lambda i: (0, 0))
    blk = pl.BlockSpec((eb, h), lambda i: (i, 0))
    return pl.pallas_call(
        _edge_body,
        grid=grid,
        in_specs=[blk, blk, full, full, vec, full, vec, vec, vec],
        out_specs=[blk, blk],
        out_shape=[jax.ShapeDtypeStruct((e, h), F32)] * 2,
    )(s, ef, w1c, w2, b2, w3, b3, g, beta)



SCHUNK = 80
SNBUF = 3
NSC = SCHUNK // 16


def _scatter_body(ne_hbm, rcv_hbm, out_hbm, idx, rows, accum,
                  l0, l1, l2, ssem, *, epw, nchunk, rows_per_sub):
    lsems = (l0, l1, l2)
    cid = lax.axis_index("c")
    sid = lax.axis_index("s")
    wid = sid * NC + cid
    base = wid * epw

    def zrow(i, c):
        for j in range(8):
            rows[0, i, pl.ds(j * 16, 16)] = jnp.zeros((16,), F32)
        return c

    lax.fori_loop(0, SCHUNK, zrow, 0)
    pltpu.sync_copy(rcv_hbm.at[pl.ds(base, epw)], idx)

    @pl.when(sid < 10)
    def _zero():
        for k in range(rows_per_sub // 40):
            pltpu.sync_copy(rows.at[0, pl.ds(0, 40)],
                            accum.at[pl.ds(sid * rows_per_sub + k * 40, 40)])

    plsc.subcore_barrier()

    def scat_chunk(b, ci):
        for k in range(NSC):
            idxv = idx[pl.ds(ci * SCHUNK + k * 16, 16)]
            pltpu.async_copy(rows.at[b, pl.ds(k * 16, 16)],
                             accum.at[idxv], ssem, add=True)

    def drain_scatters(nops):
        for _ in range(nops):
            pltpu.make_async_copy(ne_hbm.at[pl.ds(base, 16)],
                                  rows.at[0, pl.ds(0, 16)], ssem).wait()

    nsuper = nchunk // SNBUF

    def super_step(oi, c):
        @pl.when(oi > 0)
        def _drain():
            drain_scatters(SNBUF * NSC)

        c0 = oi * SNBUF
        waits = []
        for b in range(SNBUF):
            waits.append(pltpu.async_copy(
                ne_hbm.at[pl.ds(base + (c0 + b) * SCHUNK, SCHUNK)],
                rows.at[b], lsems[b]))
        for b in range(SNBUF):
            waits[b].wait()
            scat_chunk(b, c0 + b)
        return c

    lax.fori_loop(0, nsuper, super_step, 0)
    drain_scatters(SNBUF * NSC)
    for ci in range(nsuper * SNBUF, nchunk):
        b = ci - nsuper * SNBUF
        pltpu.sync_copy(ne_hbm.at[pl.ds(base + ci * SCHUNK, SCHUNK)], rows.at[b])
        for k in range(NSC):
            idxv = idx[pl.ds(ci * SCHUNK + k * 16, 16)]
            pltpu.sync_copy(rows.at[b, pl.ds(k * 16, 16)],
                            accum.at[idxv], add=True)
    plsc.subcore_barrier()

    @pl.when(sid < 10)
    def _writeout():
        pltpu.sync_copy(accum.at[pl.ds(sid * rows_per_sub, rows_per_sub)],
                        out_hbm.at[cid, pl.ds(sid * rows_per_sub, rows_per_sub)])


def _scatter(ne, rcv, n):
    e, h = ne.shape
    epw = e // NW
    nchunk = epw // SCHUNK
    rows_per_sub = n // 10
    mesh = plsc.VectorSubcoreMesh(core_axis_name="c", subcore_axis_name="s")
    body = functools.partial(_scatter_body, epw=epw, nchunk=nchunk,
                             rows_per_sub=rows_per_sub)
    return pl.kernel(
        body,
        out_type=jax.ShapeDtypeStruct((NC, n, h), F32),
        mesh=mesh,
        scratch_types=[
            pltpu.VMEM((epw,), jnp.int32),
            pltpu.VMEM((SNBUF, SCHUNK, h), F32),
            pltpu.VMEM_SHARED((n, h), F32),
            pltpu.SemaphoreType.DMA,
            pltpu.SemaphoreType.DMA,
            pltpu.SemaphoreType.DMA,
            pltpu.SemaphoreType.DMA,
        ],
    )(ne, rcv)



def _node_body(pn_ref, a0_ref, a1_ref, nf_ref, wn1b, w2, b2, w3, b3, g, beta,
               on_ref):
    acc = a0_ref[0] + a1_ref[0]
    h = pn_ref[...] + jnp.dot(acc, wn1b[...], preferred_element_type=F32)
    h = jnp.maximum(h, 0.0)
    h = jnp.maximum(jnp.dot(h, w2[...], preferred_element_type=F32) + b2[...], 0.0)
    h = jnp.dot(h, w3[...], preferred_element_type=F32) + b3[...]
    m = jnp.mean(h, axis=-1, keepdims=True)
    c = h - m
    v = jnp.mean(c * c, axis=-1, keepdims=True)
    nn = c * lax.rsqrt(v + 1e-5) * g[...] + beta[...]
    on_ref[...] = nn + nf_ref[...]


def _node_mlp(pn, acc, nf, wn1b, w2, b2, w3, b3, g, beta):
    n, h = nf.shape
    nb = 2000
    grid = (n // nb,)
    full = pl.BlockSpec((h, h), lambda i: (0, 0))
    vec = pl.BlockSpec((1, h), lambda i: (0, 0))
    blk = pl.BlockSpec((nb, h), lambda i: (i, 0))
    blk3 = pl.BlockSpec((1, nb, h), lambda i: (0, i, 0))
    return pl.pallas_call(
        _node_body,
        grid=grid,
        in_specs=[blk, blk3, blk3, blk, full, full, vec, full, vec, vec, vec],
        out_specs=blk,
        out_shape=jax.ShapeDtypeStruct((n, h), F32),
    )(pn, acc[0:1], acc[1:2], nf, wn1b, w2, b2, w3, b3, g, beta)



def kernel(senders, receivers, node_features, edge_features, is_connected, params):
    b, n, h = node_features.shape
    e = senders.shape[1]
    snd = senders.reshape(e).astype(jnp.int32)
    rcv = receivers.reshape(e).astype(jnp.int32)
    nf = node_features.reshape(n, h)
    ef = edge_features.reshape(e, h)
    p = params

    w1a = p['edge_w1'][:h]
    w1b = p['edge_w1'][h:2 * h]
    w1c = p['edge_w1'][2 * h:]
    b1 = p['edge_b1'].reshape(1, h)
    wn1a = p['node_w1'][:h]
    wn1b = p['node_w1'][h:]
    bn1 = p['node_b1'].reshape(1, h)

    ps, pr, pn = _proj(nf, w1a, w1b, b1, wn1a, bn1)
    s = _gather(ps, pr, snd, rcv)
    oe, ne = _edge_mlp(s, ef, w1c,
                       p['edge_w2'], p['edge_b2'].reshape(1, h),
                       p['edge_w3'], p['edge_b3'].reshape(1, h),
                       p['edge_g'].reshape(1, h), p['edge_beta'].reshape(1, h))
    acc = _scatter(ne, rcv, n)
    on = _node_mlp(pn, acc, nf, wn1b,
                   p['node_w2'], p['node_b2'].reshape(1, h),
                   p['node_w3'], p['node_b3'].reshape(1, h),
                   p['node_g'].reshape(1, h), p['node_beta'].reshape(1, h))
    return on.reshape(b, n, h), oe.reshape(b, e, h)

# --- scband reference (transcript-rebuilt; emitter-appended) ---
"""Pipeline reference for scband-graph-net-block-60060822667700 (READ-ONLY COPY).

The authoritative reference and input builder live on the scoring server;
editing this copy changes nothing except your own understanding.
"""

import jax, jax.numpy as jnp
import numpy as np

B = 1
N = 10000
E = 320000
H = 128


def _mlp(x, p, pre):
    h = jnp.dot(x, p[pre + '_w1']) + p[pre + '_b1']
    h = jax.nn.relu(h)
    h = jnp.dot(h, p[pre + '_w2']) + p[pre + '_b2']
    h = jax.nn.relu(h)
    h = jnp.dot(h, p[pre + '_w3']) + p[pre + '_b3']
    m = jnp.mean(h, axis=-1, keepdims=True)
    v = jnp.var(h, axis=-1, keepdims=True)
    return (h - m) / jnp.sqrt(v + 1e-5) * p[pre + '_g'] + p[pre + '_beta']


def setup_inputs(seed: int = 0) -> dict:
    key = jax.random.key(seed)
    ks = jax.random.split(key, 12)
    senders = jax.random.randint(ks[0], (B, E), 0, N)
    receivers = jax.random.randint(ks[1], (B, E), 0, N)
    node_features = jax.random.normal(ks[2], (B, N, H), dtype=jnp.float32)
    edge_features = jax.random.normal(ks[3], (B, E, H), dtype=jnp.float32)
    is_connected = jnp.zeros((B, E, 1), dtype=bool)

    def lin(k, i, o):
        return jax.random.normal(k, (i, o), dtype=jnp.float32) * 0.02

    params = {
        'edge_w1': lin(ks[4], 3 * H, H), 'edge_b1': jnp.zeros((H,), jnp.float32),
        'edge_w2': lin(ks[5], H, H), 'edge_b2': jnp.zeros((H,), jnp.float32),
        'edge_w3': lin(ks[6], H, H), 'edge_b3': jnp.zeros((H,), jnp.float32),
        'edge_g': jnp.ones((H,), jnp.float32), 'edge_beta': jnp.zeros((H,), jnp.float32),
        'node_w1': lin(ks[7], 2 * H, H), 'node_b1': jnp.zeros((H,), jnp.float32),
        'node_w2': lin(ks[8], H, H), 'node_b2': jnp.zeros((H,), jnp.float32),
        'node_w3': lin(ks[9], H, H), 'node_b3': jnp.zeros((H,), jnp.float32),
        'node_g': jnp.ones((H,), jnp.float32), 'node_beta': jnp.zeros((H,), jnp.float32),
    }
    return {'senders': senders, 'receivers': receivers,
            'node_features': node_features, 'edge_features': edge_features,
            'is_connected': is_connected, 'params': params}


def reference(senders, receivers, node_features, edge_features, is_connected, params):
    B_, N_, H_ = node_features.shape
    # update_edges: gather sender/receiver node features, concat with edge features, MLP
    sender_features = jnp.take_along_axis(node_features, senders[:, :, None], axis=1)
    receiver_features = jnp.take_along_axis(node_features, receivers[:, :, None], axis=1)
    feats_e = jnp.concatenate([sender_features, receiver_features, edge_features], axis=-1)
    new_edge_features = _mlp(feats_e, params, 'edge')
    # update_nodes: mask edges (in-place masked_fill_ in torch), scatter-add to receivers
    new_edge_features = jnp.where(is_connected, 0.0, new_edge_features)
    bidx = jnp.arange(B_)[:, None]
    accumulate_edges = jnp.zeros((B_, N_, H_), dtype=new_edge_features.dtype).at[bidx, receivers].add(new_edge_features)
    feats_n = jnp.concatenate([node_features, accumulate_edges], axis=-1)
    new_node_features = _mlp(feats_n, params, 'node')
    # residuals
    return (new_node_features + node_features, new_edge_features + edge_features)

if __name__ == "__main__":
    import jax
    _d = setup_inputs()
    print(jax.jit(kernel)(*tuple(_d.values())))

</pallas_src>

<mosaic_0001>
#map = affine_map<(d0, d1) -> (0, 0)>
#map1 = affine_map<(d0, d1) -> (0)>
#map2 = affine_map<(d0, d1) -> (0, 0, 0)>
module attributes {stable_mosaic.version = 14 : i64} {
  func.func @_scatter_body(%arg0: i32, %arg1: i32, %arg2: memref<320000x128xf32, #tpu.memory_space<hbm>>, %arg3: memref<320000xi32, #tpu.memory_space<hbm>>, %arg4: memref<2x10000x128xf32, #tpu.memory_space<hbm>>, %arg5: memref<10000xi32, #tpu.memory_space<vmem>>, %arg6: memref<3x80x128xf32, #tpu.memory_space<vmem>>, %arg7: memref<10000x128xf32, #tpu.memory_space<vmem_shared>>, %arg8: memref<!tpu.dma_semaphore, #tpu.memory_space<semaphore_mem>>, %arg9: memref<!tpu.dma_semaphore, #tpu.memory_space<semaphore_mem>>, %arg10: memref<!tpu.dma_semaphore, #tpu.memory_space<semaphore_mem>>, %arg11: memref<!tpu.dma_semaphore, #tpu.memory_space<semaphore_mem>>) attributes {dimension_semantics = [#tpu.dimension_semantics<core_parallel>, #tpu.dimension_semantics<subcore_parallel>], iteration_bounds = array<i64: 2, 16>, scalar_prefetch = 0 : i64, scratch_operands = 7 : i64, tpu.core_type = #tpu.core_type<sc_vector_subcore>, window_params = [{transform_indices = #map}, {transform_indices = #map1}, {transform_indices = #map2}]} {
    %mul3A = arith.constant 2 : i32
    %mul3A_0 = arith.muli %arg1, %mul3A : i32
    %add3A = arith.addi %mul3A_0, %arg0 : i32
    %mul3A_1 = arith.constant 10000 : i32
    %mul3A_2 = arith.muli %add3A, %mul3A_1 : i32
    %scan3A = arith.constant 0 : i32
    %scan3A_3 = arith.constant 0 : i32
    %scan3A_4 = arith.constant 80 : i32
    %scan3A_5 = arith.addi %scan3A_3, %scan3A_4 : i32
    %scan3A_6 = arith.constant 1 : i32
    scf.for %scan3A_260 = %scan3A_3 to %scan3A_5 step %scan3A_6  : i32 {
      %broadcast_in_dim3A = arith.constant 0.000000e+00 : f32
      %broadcast_in_dim3A_261 = vector.broadcast %broadcast_in_dim3A : f32 to vector<16xf32>
      %swap3A = arith.constant 0 : i32
      %swap3A_262 = arith.index_cast %swap3A : i32 to index
      %swap3A_263 = arith.index_cast %scan3A_260 : i32 to index
      %swap3A_264 = arith.constant 0 : index
      %swap3A_265 = tpu.vector_load %arg6[%swap3A_262, %swap3A_263, %swap3A_264] {strides = array<i32>} : memref<3x80x128xf32, #tpu.memory_space<vmem>>, vector<1x1x16xf32>,
      %swap3A_266 = vector.shape_cast %swap3A_265 : vector<1x1x16xf32> to vector<16xf32>
      %swap3A_267 = vector.shape_cast %broadcast_in_dim3A_261 : vector<16xf32> to vector<1x1x16xf32>
      tpu.vector_store %arg6[%swap3A_262, %swap3A_263, %swap3A_264], %swap3A_267 {strides = array<i32>} : memref<3x80x128xf32, #tpu.memory_space<vmem>>, vector<1x1x16xf32>,
      %broadcast_in_dim3A_268 = arith.constant 0.000000e+00 : f32
      %broadcast_in_dim3A_269 = vector.broadcast %broadcast_in_dim3A_268 : f32 to vector<16xf32>
      %swap3A_270 = arith.constant 0 : i32
      %swap3A_271 = arith.index_cast %swap3A_270 : i32 to index
      %swap3A_272 = arith.index_cast %scan3A_260 : i32 to index
      %swap3A_273 = arith.constant 16 : index
      %swap3A_274 = tpu.vector_load %arg6[%swap3A_271, %swap3A_272, %swap3A_273] {strides = array<i32>} : memref<3x80x128xf32, #tpu.memory_space<vmem>>, vector<1x1x16xf32>,
      %swap3A_275 = vector.shape_cast %swap3A_274 : vector<1x1x16xf32> to vector<16xf32>
      %swap3A_276 = vector.shape_cast %broadcast_in_dim3A_269 : vector<16xf32> to vector<1x1x16xf32>
      tpu.vector_store %arg6[%swap3A_271, %swap3A_272, %swap3A_273], %swap3A_276 {strides = array<i32>} : memref<3x80x128xf32, #tpu.memory_space<vmem>>, vector<1x1x16xf32>,
      %broadcast_in_dim3A_277 = arith.constant 0.000000e+00 : f32
      %broadcast_in_dim3A_278 = vector.broadcast %broadcast_in_dim3A_277 : f32 to vector<16xf32>
      %swap3A_279 = arith.constant 0 : i32
      %swap3A_280 = arith.index_cast %swap3A_279 : i32 to index
      %swap3A_281 = arith.index_cast %scan3A_260 : i32 to index
      %swap3A_282 = arith.constant 32 : index
      %swap3A_283 = tpu.vector_load %arg6[%swap3A_280, %swap3A_281, %swap3A_282] {strides = array<i32>} : memref<3x80x128xf32, #tpu.memory_space<vmem>>, vector<1x1x16xf32>,
      %swap3A_284 = vector.shape_cast %swap3A_283 : vector<1x1x16xf32> to vector<16xf32>
      %swap3A_285 = vector.shape_cast %broadcast_in_dim3A_278 : vector<16xf32> to vector<1x1x16xf32>
      tpu.vector_store %arg6[%swap3A_280, %swap3A_281, %swap3A_282], %swap3A_285 {strides = array<i32>} : memref<3x80x128xf32, #tpu.memory_space<vmem>>, vector<1x1x16xf32>,
      %broadcast_in_dim3A_286 = arith.constant 0.000000e+00 : f32
      %broadcast_in_dim3A_287 = vector.broadcast %broadcast_in_dim3A_286 : f32 to vector<16xf32>
      %swap3A_288 = arith.constant 0 : i32
      %swap3A_289 = arith.index_cast %swap3A_288 : i32 to index
      %swap3A_290 = arith.index_cast %scan3A_260 : i32 to index
      %swap3A_291 = arith.constant 48 : index
      %swap3A_292 = tpu.vector_load %arg6[%swap3A_289, %swap3A_290, %swap3A_291] {strides = array<i32>} : memref<3x80x128xf32, #tpu.memory_space<vmem>>, vector<1x1x16xf32>,
      %swap3A_293 = vector.shape_cast %swap3A_292 : vector<1x1x16xf32> to vector<16xf32>
      %swap3A_294 = vector.shape_cast %broadcast_in_dim3A_287 : vector<16xf32> to vector<1x1x16xf32>
      tpu.vector_store %arg6[%swap3A_289, %swap3A_290, %swap3A_291], %swap3A_294 {strides = array<i32>} : memref<3x80x128xf32, #tpu.memory_space<vmem>>, vector<1x1x16xf32>,
      %broadcast_in_dim3A_295 = arith.constant 0.000000e+00 : f32
      %broadcast_in_dim3A_296 = vector.broadcast %broadcast_in_dim3A_295 : f32 to vector<16xf32>
      %swap3A_297 = arith.constant 0 : i32
      %swap3A_298 = arith.index_cast %swap3A_297 : i32 to index
      %swap3A_299 = arith.index_cast %scan3A_260 : i32 to index
      %swap3A_300 = arith.constant 64 : index
      %swap3A_301 = tpu.vector_load %arg6[%swap3A_298, %swap3A_299, %swap3A_300] {strides = array<i32>} : memref<3x80x128xf32, #tpu.memory_space<vmem>>, vector<1x1x16xf32>,
      %swap3A_302 = vector.shape_cast %swap3A_301 : vector<1x1x16xf32> to vector<16xf32>
      %swap3A_303 = vector.shape_cast %broadcast_in_dim3A_296 : vector<16xf32> to vector<1x1x16xf32>
      tpu.vector_store %arg6[%swap3A_298, %swap3A_299, %swap3A_300], %swap3A_303 {strides = array<i32>} : memref<3x80x128xf32, #tpu.memory_space<vmem>>, vector<1x1x16xf32>,
      %broadcast_in_dim3A_304 = arith.constant 0.000000e+00 : f32
      %broadcast_in_dim3A_305 = vector.broadcast %broadcast_in_dim3A_304 : f32 to vector<16xf32>
      %swap3A_306 = arith.constant 0 : i32
      %swap3A_307 = arith.index_cast %swap3A_306 : i32 to index
      %swap3A_308 = arith.index_cast %scan3A_260 : i32 to index
      %swap3A_309 = arith.constant 80 : index
      %swap3A_310 = tpu.vector_load %arg6[%swap3A_307, %swap3A_308, %swap3A_309] {strides = array<i32>} : memref<3x80x128xf32, #tpu.memory_space<vmem>>, vector<1x1x16xf32>,
      %swap3A_311 = vector.shape_cast %swap3A_310 : vector<1x1x16xf32> to vector<16xf32>
      %swap3A_312 = vector.shape_cast %broadcast_in_dim3A_305 : vector<16xf32> to vector<1x1x16xf32>
      tpu.vector_store %arg6[%swap3A_307, %swap3A_308, %swap3A_309], %swap3A_312 {strides = array<i32>} : memref<3x80x128xf32, #tpu.memory_space<vmem>>, vector<1x1x16xf32>,
      %broadcast_in_dim3A_313 = arith.constant 0.000000e+00 : f32
      %broadcast_in_dim3A_314 = vector.broadcast %broadcast_in_dim3A_313 : f32 to vector<16xf32>
      %swap3A_315 = arith.constant 0 : i32
      %swap3A_316 = arith.index_cast %swap3A_315 : i32 to index
      %swap3A_317 = arith.index_cast %scan3A_260 : i32 to index
      %swap3A_318 = arith.constant 96 : index
      %swap3A_319 = tpu.vector_load %arg6[%swap3A_316, %swap3A_317, %swap3A_318] {strides = array<i32>} : memref<3x80x128xf32, #tpu.memory_space<vmem>>, vector<1x1x16xf32>,
      %swap3A_320 = vector.shape_cast %swap3A_319 : vector<1x1x16xf32> to vector<16xf32>
      %swap3A_321 = vector.shape_cast %broadcast_in_dim3A_314 : vector<16xf32> to vector<1x1x16xf32>
      tpu.vector_store %arg6[%swap3A_316, %swap3A_317, %swap3A_318], %swap3A_321 {strides = array<i32>} : memref<3x80x128xf32, #tpu.memory_space<vmem>>, vector<1x1x16xf32>,
      %broadcast_in_dim3A_322 = arith.constant 0.000000e+00 : f32
      %broadcast_in_dim3A_323 = vector.broadcast %broadcast_in_dim3A_322 : f32 to vector<16xf32>
      %swap3A_324 = arith.constant 0 : i32
      %swap3A_325 = arith.index_cast %swap3A_324 : i32 to index
      %swap3A_326 = arith.index_cast %scan3A_260 : i32 to index
      %swap3A_327 = arith.constant 112 : index
      %swap3A_328 = tpu.vector_load %arg6[%swap3A_325, %swap3A_326, %swap3A_327] {strides = array<i32>} : memref<3x80x128xf32, #tpu.memory_space<vmem>>, vector<1x1x16xf32>,
      %swap3A_329 = vector.shape_cast %swap3A_328 : vector<1x1x16xf32> to vector<16xf32>
      %swap3A_330 = vector.shape_cast %broadcast_in_dim3A_323 : vector<16xf32> to vector<1x1x16xf32>
      tpu.vector_store %arg6[%swap3A_325, %swap3A_326, %swap3A_327], %swap3A_330 {strides = array<i32>} : memref<3x80x128xf32, #tpu.memory_space<vmem>>, vector<1x1x16xf32>,
    }
    %scan3A_7 = arith.constant 80 : i32
    "tpu.region"() ({
      %run_scoped3A_260 = tpu.sem_alloc : memref<!tpu.dma_semaphore, #tpu.memory_space<semaphore_mem>>
      %dma_start3A = tpu.memref_slice %arg3[%mul3A_2] : memref<320000xi32, #tpu.memory_space<hbm>> -> memref<10000xi32, #tpu.memory_space<hbm>>
      %dma_start3A_261 = tpu.memref_slice %arg3[%mul3A_2] : memref<320000xi32, #tpu.memory_space<hbm>> -> memref<10000xi32, #tpu.memory_space<hbm>>
      tpu.enqueue_dma source(%dma_start3A_261 : memref<10000xi32, #tpu.memory_space<hbm>>) target(%arg5 : memref<10000xi32, #tpu.memory_space<vmem>>) target_semaphore(%run_scoped3A_260 : memref<!tpu.dma_semaphore, #tpu.memory_space<semaphore_mem>>)
      %dma_wait3A_262 = tpu.memref_slice %arg3[%mul3A_2] : memref<320000xi32, #tpu.memory_space<hbm>> -> memref<10000xi32, #tpu.memory_space<hbm>>
      %dma_wait3A_263 = tpu.memref_slice %arg3[%mul3A_2] : memref<320000xi32, #tpu.memory_space<hbm>> -> memref<10000xi32, #tpu.memory_space<hbm>>
      tpu.wait_dma2 semaphore(%run_scoped3A_260 : memref<!tpu.dma_semaphore, #tpu.memory_space<semaphore_mem>>) src(%dma_wait3A_263 : memref<10000xi32, #tpu.memory_space<hbm>>) dst(%arg5 : memref<10000xi32, #tpu.memory_space<vmem>>)
      tpu.yield
    }) : () -> ()
    %lt3A = arith.constant 10 : i32
    %lt3A_8 = arith.cmpi slt, %arg1, %lt3A : i32
    %convert_element_type3A = arith.extui %lt3A_8 : i1 to i32
    %cond3A = arith.constant 0 : i32
    %cond3A_9 = arith.cmpi ne, %convert_element_type3A, %cond3A : i32
    scf.if %cond3A_9 {
      %mul3A_260 = arith.constant 1000 : i32
      %mul3A_261 = arith.muli %arg1, %mul3A_260 : i32
      %add3A_262 = arith.constant 0 : i32
      %add3A_263 = arith.addi %mul3A_261, %add3A_262 : i32
      %run_scoped3A_264 = arith.constant 0 : i32
      "tpu.region"() ({
        %run_scoped3A_385 = tpu.sem_alloc : memref<!tpu.dma_semaphore, #tpu.memory_space<semaphore_mem>>
        %dma_start3A = arith.constant 0 : i32
        %dma_start3A_386 = arith.constant 0 : i32
        %dma_start3A_387 = tpu.memref_slice %arg6[%run_scoped3A_264, %dma_start3A, %dma_start3A_386] : memref<3x80x128xf32, #tpu.memory_space<vmem>> -> memref<1x40x128xf32, #tpu.memory_space<vmem>>
        %dma_start3A_388 = tpu.memref_squeeze %dma_start3A_387 : memref<1x40x128xf32, #tpu.memory_space<vmem>> -> memref<40x128xf32, #tpu.memory_space<vmem>>
        %dma_start3A_389 = arith.constant 0 : i32
        %dma_start3A_390 = tpu.memref_slice %arg7[%add3A_263, %dma_start3A_389] : memref<10000x128xf32, #tpu.memory_space<vmem_shared>> -> memref<40x128xf32, #tpu.memory_space<vmem_shared>>
        %dma_start3A_391 = arith.constant 0 : i32
        %dma_start3A_392 = tpu.memref_slice %arg7[%add3A_263, %dma_start3A_391] : memref<10000x128xf32, #tpu.memory_space<vmem_shared>> -> memref<40x128xf32, #tpu.memory_space<vmem_shared>>
        %dma_start3A_393 = arith.constant 0 : i32
        %dma_start3A_394 = arith.constant 0 : i32
        %dma_start3A_395 = tpu.memref_slice %arg6[%run_scoped3A_264, %dma_start3A_393, %dma_start3A_394] : memref<3x80x128xf32, #tpu.memory_space<vmem>> -> memref<1x40x128xf32, #tpu.memory_space<vmem>>
        %dma_start3A_396 = tpu.memref_squeeze %dma_start3A_395 : memref<1x40x128xf32, #tpu.memory_space<vmem>> -> memref<40x128xf32, #tpu.memory_space<vmem>>
        tpu.enqueue_dma source(%dma_start3A_396 : memref<40x128xf32, #tpu.memory_space<vmem>>) target(%dma_start3A_392 : memref<40x128xf32, #tpu.memory_space<vmem_shared>>) target_semaphore(%run_scoped3A_385 : memref<!tpu.dma_semaphore, #tpu.memory_space<semaphore_mem>>)
        %dma_wait3A_397 = arith.constant 0 : i32
        %dma_wait3A_398 = arith.constant 0 : i32
        %dma_wait3A_399 = tpu.memref_slice %arg6[%run_scoped3A_264, %dma_wait3A_397, %dma_wait3A_398] : memref<3x80x128xf32, #tpu.memory_space<vmem>> -> memref<1x40x128xf32, #tpu.memory_space<vmem>>
        %dma_wait3A_400 = tpu.memref_squeeze %dma_wait3A_399 : memref<1x40x128xf32, #tpu.memory_space<vmem>> -> memref<40x128xf32, #tpu.memory_space<vmem>>
        %dma_wait3A_401 = arith.constant 0 : i32
        %dma_wait3A_402 = tpu.memref_slice %arg7[%add3A_263, %dma_wait3A_401] : memref<10000x128xf32, #tpu.memory_space<vmem_shared>> -> memref<40x128xf32, #tpu.memory_space<vmem_shared>>
        %dma_wait3A_403 = arith.constant 0 : i32
        %dma_wait3A_404 = tpu.memref_slice %arg7[%add3A_263, %dma_wait3A_403] : memref<10000x128xf32, #tpu.memory_space<vmem_shared>> -> memref<40x128xf32, #tpu.memory_space<vmem_shared>>
        %dma_wait3A_405 = arith.constant 0 : i32
        %dma_wait3A_406 = arith.constant 0 : i32
        %dma_wait3A_407 = tpu.memref_slice %arg6[%run_scoped3A_264, %dma_wait3A_405, %dma_wait3A_406] : memref<3x80x128xf32, #tpu.memory_space<vmem>> -> memref<1x40x128xf32, #tpu.memory_space<vmem>>
        %dma_wait3A_408 = tpu.memref_squeeze %dma_wait3A_407 : memref<1x40x128xf32, #tpu.memory_space<vmem>> -> memref<40x128xf32, #tpu.memory_space<vmem>>
        tpu.wait_dma2 semaphore(%run_scoped3A_385 : memref<!tpu.dma_semaphore, #tpu.memory_space<semaphore_mem>>) src(%dma_wait3A_408 : memref<40x128xf32, #tpu.memory_space<vmem>>) dst(%dma_wait3A_404 : memref<40x128xf32, #tpu.memory_space<vmem_shared>>)
        tpu.yield
      }) : () -> ()
      %mul3A_265 = arith.constant 1000 : i32
      %mul3A_266 = arith.muli %arg1, %mul3A_265 : i32
      %add3A_267 = arith.constant 40 : i32
      %add3A_268 = arith.addi %mul3A_266, %add3A_267 : i32
      %run_scoped3A_269 = arith.constant 0 : i32
      "tpu.region"() ({
        %run_scoped3A_385 = tpu.sem_alloc : memref<!tpu.dma_semaphore, #tpu.memory_space<semaphore_mem>>
        %dma_start3A = arith.constant 0 : i32
        %dma_start3A_386 = arith.constant 0 : i32
        %dma_start3A_387 = tpu.memref_slice %arg6[%run_scoped3A_269, %dma_start3A, %dma_start3A_386] : memref<3x80x128xf32, #tpu.memory_space<vmem>> -> memref<1x40x128xf32, #tpu.memory_space<vmem>>
        %dma_start3A_388 = tpu.memref_squeeze %dma_start3A_387 : memref<1x40x128xf32, #tpu.memory_space<vmem>> -> memref<40x128xf32, #tpu.memory_space<vmem>>
        %dma_start3A_389 = arith.constant 0 : i32
        %dma_start3A_390 = tpu.memref_slice %arg7[%add3A_268, %dma_start3A_389] : memref<10000x128xf32, #tpu.memory_space<vmem_shared>> -> memref<40x128xf32, #tpu.memory_space<vmem_shared>>
        %dma_start3A_391 = arith.constant 0 : i32
        %dma_start3A_392 = tpu.memref_slice %arg7[%add3A_268, %dma_start3A_391] : memref<10000x128xf32, #tpu.memory_space<vmem_shared>> -> memref<40x128xf32, #tpu.memory_space<vmem_shared>>
        %dma_start3A_393 = arith.constant 0 : i32
        %dma_start3A_394 = arith.constant 0 : i32
        %dma_start3A_395 = tpu.memref_slice %arg6[%run_scoped3A_269, %dma_start3A_393, %dma_start3A_394] : memref<3x80x128xf32, #tpu.memory_space<vmem>> -> memref<1x40x128xf32, #tpu.memory_space<vmem>>
        %dma_start3A_396 = tpu.memref_squeeze %dma_start3A_395 : memref<1x40x128xf32, #tpu.memory_space<vmem>> -> memref<40x128xf32, #tpu.memory_space<vmem>>
        tpu.enqueue_dma source(%dma_start3A_396 : memref<40x128xf32, #tpu.memory_space<vmem>>) target(%dma_start3A_392 : memref<40x128xf32, #tpu.memory_space<vmem_shared>>) target_semaphore(%run_scoped3A_385 : memref<!tpu.dma_semaphore, #tpu.memory_space<semaphore_mem>>)
        %dma_wait3A_397 = arith.constant 0 : i32
        %dma_wait3A_398 = arith.constant 0 : i32
        %dma_wait3A_399 = tpu.memref_slice %arg6[%run_scoped3A_269, %dma_wait3A_397, %dma_wait3A_398] : memref<3x80x128xf32, #tpu.memory_space<vmem>> -> memref<1x40x128xf32, #tpu.memory_space<vmem>>
        %dma_wait3A_400 = tpu.memref_squeeze %dma_wait3A_399 : memref<1x40x128xf32, #tpu.memory_space<vmem>> -> memref<40x128xf32, #tpu.memory_space<vmem>>
        %dma_wait3A_401 = arith.constant 0 : i32
        %dma_wait3A_402 = tpu.memref_slice %arg7[%add3A_268, %dma_wait3A_401] : memref<10000x128xf32, #tpu.memory_space<vmem_shared>> -> memref<40x128xf32, #tpu.memory_space<vmem_shared>>
        %dma_wait3A_403 = arith.constant 0 : i32
        %dma_wait3A_404 = tpu.memref_slice %arg7[%add3A_268, %dma_wait3A_403] : memref<10000x128xf32, #tpu.memory_space<vmem_shared>> -> memref<40x128xf32, #tpu.memory_space<vmem_shared>>
        %dma_wait3A_405 = arith.constant 0 : i32
        %dma_wait3A_406 = arith.constant 0 : i32
        %dma_wait3A_407 = tpu.memref_slice %arg6[%run_scoped3A_269, %dma_wait3A_405, %dma_wait3A_406] : memref<3x80x128xf32, #tpu.memory_space<vmem>> -> memref<1x40x128xf32, #tpu.memory_space<vmem>>
        %dma_wait3A_408 = tpu.memref_squeeze %dma_wait3A_407 : memref<1x40x128xf32, #tpu.memory_space<vmem>> -> memref<40x128xf32, #tpu.memory_space<vmem>>
        tpu.wait_dma2 semaphore(%run_scoped3A_385 : memref<!tpu.dma_semaphore, #tpu.memory_space<semaphore_mem>>) src(%dma_wait3A_408 : memref<40x128xf32, #tpu.memory_space<vmem>>) dst(%dma_wait3A_404 : memref<40x128xf32, #tpu.memory_space<vmem_shared>>)
        tpu.yield
      }) : () -> ()
      %mul3A_270 = arith.constant 1000 : i32
      %mul3A_271 = arith.muli %arg1, %mul3A_270 : i32
      %add3A_272 = arith.constant 80 : i32
      %add3A_273 = arith.addi %mul3A_271, %add3A_272 : i32
      %run_scoped3A_274 = arith.constant 0 : i32
      "tpu.region"() ({
        %run_scoped3A_385 = tpu.sem_alloc : memref<!tpu.dma_semaphore, #tpu.memory_space<semaphore_mem>>
        %dma_start3A = arith.constant 0 : i32
        %dma_start3A_386 = arith.constant 0 : i32
        %dma_start3A_387 = tpu.memref_slice %arg6[%run_scoped3A_274, %dma_start3A, %dma_start3A_386] : memref<3x80x128xf32, #tpu.memory_space<vmem>> -> memref<1x40x128xf32, #tpu.memory_space<vmem>>
        %dma_start3A_388 = tpu.memref_squeeze %dma_start3A_387 : memref<1x40x128xf32, #tpu.memory_space<vmem>> -> memref<40x128xf32, #tpu.memory_space<vmem>>
        %dma_start3A_389 = arith.constant 0 : i32
        %dma_start3A_390 = tpu.memref_slice %arg7[%add3A_273, %dma_start3A_389] : memref<10000x128xf32, #tpu.memory_space<vmem_shared>> -> memref<40x128xf32, #tpu.memory_space<vmem_shared>>
        %dma_start3A_391 = arith.constant 0 : i32
        %dma_start3A_392 = tpu.memref_slice %arg7[%add3A_273, %dma_start3A_391] : memref<10000x128xf32, #tpu.memory_space<vmem_shared>> -> memref<40x128xf32, #tpu.memory_space<vmem_shared>>
        %dma_start3A_393 = arith.constant 0 : i32
        %dma_start3A_394 = arith.constant 0 : i32
        %dma_start3A_395 = tpu.memref_slice %arg6[%run_scoped3A_274, %dma_start3A_393, %dma_start3A_394] : memref<3x80x128xf32, #tpu.memory_space<vmem>> -> memref<1x40x128xf32, #tpu.memory_space<vmem>>
        %dma_start3A_396 = tpu.memref_squeeze %dma_start3A_395 : memref<1x40x128xf32, #tpu.memory_space<vmem>> -> memref<40x128xf32, #tpu.memory_space<vmem>>
        tpu.enqueue_dma source(%dma_start3A_396 : memref<40x128xf32, #tpu.memory_space<vmem>>) target(%dma_start3A_392 : memref<40x128xf32, #tpu.memory_space<vmem_shared>>) target_semaphore(%run_scoped3A_385 : memref<!tpu.dma_semaphore, #tpu.memory_space<semaphore_mem>>)
        %dma_wait3A_397 = arith.constant 0 : i32
        %dma_wait3A_398 = arith.constant 0 : i32
        %dma_wait3A_399 = tpu.memref_slice %arg6[%run_scoped3A_274, %dma_wait3A_397, %dma_wait3A_398] : memref<3x80x128xf32, #tpu.memory_space<vmem>> -> memref<1x40x128xf32, #tpu.memory_space<vmem>>
        %dma_wait3A_400 = tpu.memref_squeeze %dma_wait3A_399 : memref<1x40x128xf32, #tpu.memory_space<vmem>> -> memref<40x128xf32, #tpu.memory_space<vmem>>
        %dma_wait3A_401 = arith.constant 0 : i32
        %dma_wait3A_402 = tpu.memref_slice %arg7[%add3A_273, %dma_wait3A_401] : memref<10000x128xf32, #tpu.memory_space<vmem_shared>> -> memref<40x128xf32, #tpu.memory_space<vmem_shared>>
        %dma_wait3A_403 = arith.constant 0 : i32
        %dma_wait3A_404 = tpu.memref_slice %arg7[%add3A_273, %dma_wait3A_403] : memref<10000x128xf32, #tpu.memory_space<vmem_shared>> -> memref<40x128xf32, #tpu.memory_space<vmem_shared>>
        %dma_wait3A_405 = arith.constant 0 : i32
        %dma_wait3A_406 = arith.constant 0 : i32
        %dma_wait3A_407 = tpu.memref_slice %arg6[%run_scoped3A_274, %dma_wait3A_405, %dma_wait3A_406] : memref<3x80x128xf32, #tpu.memory_space<vmem>> -> memref<1x40x128xf32, #tpu.memory_space<vmem>>
        %dma_wait3A_408 = tpu.memref_squeeze %dma_wait3A_407 : memref<1x40x128xf32, #tpu.memory_space<vmem>> -> memref<40x128xf32, #tpu.memory_space<vmem>>
        tpu.wait_dma2 semaphore(%run_scoped3A_385 : memref<!tpu.dma_semaphore, #tpu.memory_space<semaphore_mem>>) src(%dma_wait3A_408 : memref<40x128xf32, #tpu.memory_space<vmem>>) dst(%dma_wait3A_404 : memref<40x128xf32, #tpu.memory_space<vmem_shared>>)
        tpu.yield
      }) : () -> ()
      %mul3A_275 = arith.constant 1000 : i32
      %mul3A_276 = arith.muli %arg1, %mul3A_275 : i32
      %add3A_277 = arith.constant 120 : i32
      %add3A_278 = arith.addi %mul3A_276, %add3A_277 : i32
      %run_scoped3A_279 = arith.constant 0 : i32
      "tpu.region"() ({
        %run_scoped3A_385 = tpu.sem_alloc : memref<!tpu.dma_semaphore, #tpu.memory_space<semaphore_mem>>
        %dma_start3A = arith.constant 0 : i32
        %dma_start3A_386 = arith.constant 0 : i32
        %dma_start3A_387 = tpu.memref_slice %arg6[%run_scoped3A_279, %dma_start3A, %dma_start3A_386] : memref<3x80x128xf32, #tpu.memory_space<vmem>> -> memref<1x40x128xf32, #tpu.memory_space<vmem>>
        %dma_start3A_388 = tpu.memref_squeeze %dma_start3A_387 : memref<1x40x128xf32, #tpu.memory_space<vmem>> -> memref<40x128xf32, #tpu.memory_space<vmem>>
        %dma_start3A_389 = arith.constant 0 : i32
        %dma_start3A_390 = tpu.memref_slice %arg7[%add3A_278, %dma_start3A_389] : memref<10000x128xf32, #tpu.memory_space<vmem_shared>> -> memref<40x128xf32, #tpu.memory_space<vmem_shared>>
        %dma_start3A_391 = arith.constant 0 : i32
        %dma_start3A_392 = tpu.memref_slice %arg7[%add3A_278, %dma_start3A_391] : memref<10000x128xf32, #tpu.memory_space<vmem_shared>> -> memref<40x128xf32, #tpu.memory_space<vmem_shared>>
        %dma_start3A_393 = arith.constant 0 : i32
        %dma_start3A_394 = arith.constant 0 : i32
        %dma_start3A_395 = tpu.memref_slice %arg6[%run_scoped3A_279, %dma_start3A_393, %dma_start3A_394] : memref<3x80x128xf32, #tpu.memory_space<vmem>> -> memref<1x40x128xf32, #tpu.memory_space<vmem>>
        %dma_start3A_396 = tpu.memref_squeeze %dma_start3A_395 : memref<1x40x128xf32, #tpu.memory_space<vmem>> -> memref<40x128xf32, #tpu.memory_space<vmem>>
        tpu.enqueue_dma source(%dma_start3A_396 : memref<40x128xf32, #tpu.memory_space<vmem>>) target(%dma_start3A_392 : memref<40x128xf32, #tpu.memory_space<vmem_shared>>) target_semaphore(%run_scoped3A_385 : memref<!tpu.dma_semaphore, #tpu.memory_space<semaphore_mem>>)
        %dma_wait3A_397 = arith.constant 0 : i32
        %dma_wait3A_398 = arith.constant 0 : i32
        %dma_wait3A_399 = tpu.memref_slice %arg6[%run_scoped3A_279, %dma_wait3A_397, %dma_wait3A_398] : memref<3x80x128xf32, #tpu.memory_space<vmem>> -> memref<1x40x128xf32, #tpu.memory_space<vmem>>
        %dma_wait3A_400 = tpu.memref_squeeze %dma_wait3A_399 : memref<1x40x128xf32, #tpu.memory_space<vmem>> -> memref<40x128xf32, #tpu.memory_space<vmem>>
        %dma_wait3A_401 = arith.constant 0 : i32
        %dma_wait3A_402 = tpu.memref_slice %arg7[%add3A_278, %dma_wait3A_401] : memref<10000x128xf32, #tpu.memory_space<vmem_shared>> -> memref<40x128xf32, #tpu.memory_space<vmem_shared>>
        %dma_wait3A_403 = arith.constant 0 : i32
        %dma_wait3A_404 = tpu.memref_slice %arg7[%add3A_278, %dma_wait3A_403] : memref<10000x128xf32, #tpu.memory_space<vmem_shared>> -> memref<40x128xf32, #tpu.memory_space<vmem_shared>>
        %dma_wait3A_405 = arith.constant 0 : i32
        %dma_wait3A_406 = arith.constant 0 : i32
        %dma_wait3A_407 = tpu.memref_slice %arg6[%run_scoped3A_279, %dma_wait3A_405, %dma_wait3A_406] : memref<3x80x128xf32, #tpu.memory_space<vmem>> -> memref<1x40x128xf32, #tpu.memory_space<vmem>>
        %dma_wait3A_408 = tpu.memref_squeeze %dma_wait3A_407 : memref<1x40x128xf32, #tpu.memory_space<vmem>> -> memref<40x128xf32, #tpu.memory_space<vmem>>
        tpu.wait_dma2 semaphore(%run_scoped3A_385 : memref<!tpu.dma_semaphore, #tpu.memory_space<semaphore_mem>>) src(%dma_wait3A_408 : memref<40x128xf32, #tpu.memory_space<vmem>>) dst(%dma_wait3A_404 : memref<40x128xf32, #tpu.memory_space<vmem_shared>>)
        tpu.yield
      }) : () -> ()
      %mul3A_280 = arith.constant 1000 : i32
      %mul3A_281 = arith.muli %arg1, %mul3A_280 : i32
      %add3A_282 = arith.constant 160 : i32
      %add3A_283 = arith.addi %mul3A_281, %add3A_282 : i32
      %run_scoped3A_284 = arith.constant 0 : i32
      "tpu.region"() ({
        %run_scoped3A_385 = tpu.sem_alloc : memref<!tpu.dma_semaphore, #tpu.memory_space<semaphore_mem>>
        %dma_start3A = arith.constant 0 : i32
        %dma_start3A_386 = arith.constant 0 : i32
        %dma_start3A_387 = tpu.memref_slice %arg6[%run_scoped3A_284, %dma_start3A, %dma_start3A_386] : memref<3x80x128xf32, #tpu.memory_space<vmem>> -> memref<1x40x128xf32, #tpu.memory_space<vmem>>
        %dma_start3A_388 = tpu.memref_squeeze %dma_start3A_387 : memref<1x40x128xf32, #tpu.memory_space<vmem>> -> memref<40x128xf32, #tpu.memory_space<vmem>>
        %dma_start3A_389 = arith.constant 0 : i32
        %dma_start3A_390 = tpu.memref_slice %arg7[%add3A_283, %dma_start3A_389] : memref<10000x128xf32, #tpu.memory_space<vmem_shared>> -> memref<40x128xf32, #tpu.memory_space<vmem_shared>>
        %dma_start3A_391 = arith.constant 0 : i32
        %dma_start3A_392 = tpu.memref_slice %arg7[%add3A_283, %dma_start3A_391] : memref<10000x128xf32, #tpu.memory_space<vmem_shared>> -> memref<40x128xf32, #tpu.memory_space<vmem_shared>>
        %dma_start3A_393 = arith.constant 0 : i32
        %dma_start3A_394 = arith.constant 0 : i32
        %dma_start3A_395 = tpu.memref_slice %arg6[%run_scoped3A_284, %dma_start3A_393, %dma_start3A_394] : memref<3x80x128xf32, #tpu.memory_space<vmem>> -> memref<1x40x128xf32, #tpu.memory_space<vmem>>
        %dma_start3A_396 = tpu.memref_squeeze %dma_start3A_395 : memref<1x40x128xf32, #tpu.memory_space<vmem>> -> memref<40x128xf32, #tpu.memory_space<vmem>>
        tpu.enqueue_dma source(%dma_start3A_396 : memref<40x128xf32, #tpu.memory_space<vmem>>) target(%dma_start3A_392 : memref<40x128xf32, #tpu.memory_space<vmem_shared>>) target_semaphore(%run_scoped3A_385 : memref<!tpu.dma_semaphore, #tpu.memory_space<semaphore_mem>>)
        %dma_wait3A_397 = arith.constant 0 : i32
        %dma_wait3A_398 = arith.constant 0 : i32
        %dma_wait3A_399 = tpu.memref_slice %arg6[%run_scoped3A_284, %dma_wait3A_397, %dma_wait3A_398] : memref<3x80x128xf32, #tpu.memory_space<vmem>> -> memref<1x40x128xf32, #tpu.memory_space<vmem>>
        %dma_wait3A_400 = tpu.memref_squeeze %dma_wait3A_399 : memref<1x40x128xf32, #tpu.memory_space<vmem>> -> memref<40x128xf32, #tpu.memory_space<vmem>>
        %dma_wait3A_401 = arith.constant 0 : i32
        %dma_wait3A_402 = tpu.memref_slice %arg7[%add3A_283, %dma_wait3A_401] : memref<10000x128xf32, #tpu.memory_space<vmem_shared>> -> memref<40x128xf32, #tpu.memory_space<vmem_shared>>
        %dma_wait3A_403 = arith.constant 0 : i32
        %dma_wait3A_404 = tpu.memref_slice %arg7[%add3A_283, %dma_wait3A_403] : memref<10000x128xf32, #tpu.memory_space<vmem_shared>> -> memref<40x128xf32, #tpu.memory_space<vmem_shared>>
        %dma_wait3A_405 = arith.constant 0 : i32
        %dma_wait3A_406 = arith.constant 0 : i32
        %dma_wait3A_407 = tpu.memref_slice %arg6[%run_scoped3A_284, %dma_wait3A_405, %dma_wait3A_406] : memref<3x80x128xf32, #tpu.memory_space<vmem>> -> memref<1x40x128xf32, #tpu.memory_space<vmem>>
        %dma_wait3A_408 = tpu.memref_squeeze %dma_wait3A_407 : memref<1x40x128xf32, #tpu.memory_space<vmem>> -> memref<40x128xf32, #tpu.memory_space<vmem>>
        tpu.wait_dma2 semaphore(%run_scoped3A_385 : memref<!tpu.dma_semaphore, #tpu.memory_space<semaphore_mem>>) src(%dma_wait3A_408 : memref<40x128xf32, #tpu.memory_space<vmem>>) dst(%dma_wait3A_404 : memref<40x128xf32, #tpu.memory_space<vmem_shared>>)
        tpu.yield
      }) : () -> ()
      %mul3A_285 = arith.constant 1000 : i32
      %mul3A_286 = arith.muli %arg1, %mul3A_285 : i32
      %add3A_287 = arith.constant 200 : i32
      %add3A_288 = arith.addi %mul3A_286, %add3A_287 : i32
      %run_scoped3A_289 = arith.constant 0 : i32
      "tpu.region"() ({
        %run_scoped3A_385 = tpu.sem_alloc : memref<!tpu.dma_semaphore, #tpu.memory_space<semaphore_mem>>
        %dma_start3A = arith.constant 0 : i32
        %dma_start3A_386 = arith.constant 0 : i32
        %dma_start3A_387 = tpu.memref_slice %arg6[%run_scoped3A_289, %dma_start3A, %dma_start3A_386] : memref<3x80x128xf32, #tpu.memory_space<vmem>> -> memref<1x40x128xf32, #tpu.memory_space<vmem>>
        %dma_start3A_388 = tpu.memref_squeeze %dma_start3A_387 : memref<1x40x128xf32, #tpu.memory_space<vmem>> -> memref<40x128xf32, #tpu.memory_space<vmem>>
        %dma_start3A_389 = arith.constant 0 : i32
        %dma_start3A_390 = tpu.memref_slice %arg7[%add3A_288, %dma_start3A_389] : memref<10000x128xf32, #tpu.memory_space<vmem_shared>> -> memref<40x128xf32, #tpu.memory_space<vmem_shared>>
        %dma_start3A_391 = arith.constant 0 : i32
        %dma_start3A_392 = tpu.memref_slice %arg7[%add3A_288, %dma_start3A_391] : memref<10000x128xf32, #tpu.memory_space<vmem_shared>> -> memref<40x128xf32, #tpu.memory_space<vmem_shared>>
        %dma_start3A_393 = arith.constant 0 : i32
        %dma_start3A_394 = arith.constant 0 : i32
        %dma_start3A_395 = tpu.memref_slice %arg6[%run_scoped3A_289, %dma_start3A_393, %dma_start3A_394] : memref<3x80x128xf32, #tpu.memory_space<vmem>> -> memref<1x40x128xf32, #tpu.memory_space<vmem>>
        %dma_start3A_396 = tpu.memref_squeeze %dma_start3A_395 : memref<1x40x128xf32, #tpu.memory_space<vmem>> -> memref<40x128xf32, #tpu.memory_space<vmem>>
        tpu.enqueue_dma source(%dma_start3A_396 : memref<40x128xf32, #tpu.memory_space<vmem>>) target(%dma_start3A_392 : memref<40x128xf32, #tpu.memory_space<vmem_shared>>) target_semaphore(%run_scoped3A_385 : memref<!tpu.dma_semaphore, #tpu.memory_space<semaphore_mem>>)
        %dma_wait3A_397 = arith.constant 0 : i32
        %dma_wait3A_398 = arith.constant 0 : i32
        %dma_wait3A_399 = tpu.memref_slice %arg6[%run_scoped3A_289, %dma_wait3A_397, %dma_wait3A_398] : memref<3x80x128xf32, #tpu.memory_space<vmem>> -> memref<1x40x128xf32, #tpu.memory_space<vmem>>
        %dma_wait3A_400 = tpu.memref_squeeze %dma_wait3A_399 : memref<1x40x128xf32, #tpu.memory_space<vmem>> -> memref<40x128xf32, #tpu.memory_space<vmem>>
        %dma_wait3A_401 = arith.constant 0 : i32
        %dma_wait3A_402 = tpu.memref_slice %arg7[%add3A_288, %dma_wait3A_401] : memref<10000x128xf32, #tpu.memory_space<vmem_shared>> -> memref<40x128xf32, #tpu.memory_space<vmem_shared>>
        %dma_wait3A_403 = arith.constant 0 : i32
        %dma_wait3A_404 = tpu.memref_slice %arg7[%add3A_288, %dma_wait3A_403] : memref<10000x128xf32, #tpu.memory_space<vmem_shared>> -> memref<40x128xf32, #tpu.memory_space<vmem_shared>>
        %dma_wait3A_405 = arith.constant 0 : i32
        %dma_wait3A_406 = arith.constant 0 : i32
        %dma_wait3A_407 = tpu.memref_slice %arg6[%run_scoped3A_289, %dma_wait3A_405, %dma_wait3A_406] : memref<3x80x128xf32, #tpu.memory_space<vmem>> -> memref<1x40x128xf32, #tpu.memory_space<vmem>>
        %dma_wait3A_408 = tpu.memref_squeeze %dma_wait3A_407 : memref<1x40x128xf32, #tpu.memory_space<vmem>> -> memref<40x128xf32, #tpu.memory_space<vmem>>
        tpu.wait_dma2 semaphore(%run_scoped3A_385 : memref<!tpu.dma_semaphore, #tpu.memory_space<semaphore_mem>>) src(%dma_wait3A_408 : memref<40x128xf32, #tpu.memory_space<vmem>>) dst(%dma_wait3A_404 : memref<40x128xf32, #tpu.memory_space<vmem_shared>>)
        tpu.yield
      }) : () -> ()
      %mul3A_290 = arith.constant 1000 : i32
      %mul3A_291 = arith.muli %arg1, %mul3A_290 : i32
      %add3A_292 = arith.constant 240 : i32
      %add3A_293 = arith.addi %mul3A_291, %add3A_292 : i32
      %run_scoped3A_294 = arith.constant 0 : i32
      "tpu.region"() ({
        %run_scoped3A_385 = tpu.sem_alloc : memref<!tpu.dma_semaphore, #tpu.memory_space<semaphore_mem>>
        %dma_start3A = arith.constant 0 : i32
        %dma_start3A_386 = arith.constant 0 : i32
        %dma_start3A_387 = tpu.memref_slice %arg6[%run_scoped3A_294, %dma_start3A, %dma_start3A_386] : memref<3x80x128xf32, #tpu.memory_space<vmem>> -> memref<1x40x128xf32, #tpu.memory_space<vmem>>
        %dma_start3A_388 = tpu.memref_squeeze %dma_start3A_387 : memref<1x40x128xf32, #tpu.memory_space<vmem>> -> memref<40x128xf32, #tpu.memory_space<vmem>>
        %dma_start3A_389 = arith.constant 0 : i32
        %dma_start3A_390 = tpu.memref_slice %arg7[%add3A_293, %dma_start3A_389] : memref<10000x128xf32, #tpu.memory_space<vmem_shared>> -> memref<40x128xf32, #tpu.memory_space<vmem_shared>>
        %dma_start3A_391 = arith.constant 0 : i32
        %dma_start3A_392 = tpu.memref_slice %arg7[%add3A_293, %dma_start3A_391] : memref<10000x128xf32, #tpu.memory_space<vmem_shared>> -> memref<40x128xf32, #tpu.memory_space<vmem_shared>>
        %dma_start3A_393 = arith.constant 0 : i32
        %dma_start3A_394 = arith.constant 0 : i32
        %dma_start3A_395 = tpu.memref_slice %arg6[%run_scoped3A_294, %dma_start3A_393, %dma_start3A_394] : memref<3x80x128xf32, #tpu.memory_space<vmem>> -> memref<1x40x128xf32, #tpu.memory_space<vmem>>
        %dma_start3A_396 = tpu.memref_squeeze %dma_start3A_395 : memref<1x40x128xf32, #tpu.memory_space<vmem>> -> memref<40x128xf32, #tpu.memory_space<vmem>>
        tpu.enqueue_dma source(%dma_start3A_396 : memref<40x128xf32, #tpu.memory_space<vmem>>) target(%dma_start3A_392 : memref<40x128xf32, #tpu.memory_space<vmem_shared>>) target_semaphore(%run_scoped3A_385 : memref<!tpu.dma_semaphore, #tpu.memory_space<semaphore_mem>>)
        %dma_wait3A_397 = arith.constant 0 : i32
        %dma_wait3A_398 = arith.constant 0 : i32
        %dma_wait3A_399 = tpu.memref_slice %arg6[%run_scoped3A_294, %dma_wait3A_397, %dma_wait3A_398] : memref<3x80x128xf32, #tpu.memory_space<vmem>> -> memref<1x40x128xf32, #tpu.memory_space<vmem>>
        %dma_wait3A_400 = tpu.memref_squeeze %dma_wait3A_399 : memref<1x40x128xf32, #tpu.memory_space<vmem>> -> memref<40x128xf32, #tpu.memory_space<vmem>>
        %dma_wait3A_401 = arith.constant 0 : i32
        %dma_wait3A_402 = tpu.memref_slice %arg7[%add3A_293, %dma_wait3A_401] : memref<10000x128xf32, #tpu.memory_space<vmem_shared>> -> memref<40x128xf32, #tpu.memory_space<vmem_shared>>
        %dma_wait3A_403 = arith.constant 0 : i32
        %dma_wait3A_404 = tpu.memref_slice %arg7[%add3A_293, %dma_wait3A_403] : memref<10000x128xf32, #tpu.memory_space<vmem_shared>> -> memref<40x128xf32, #tpu.memory_space<vmem_shared>>
        %dma_wait3A_405 = arith.constant 0 : i32
        %dma_wait3A_406 = arith.constant 0 : i32
        %dma_wait3A_407 = tpu.memref_slice %arg6[%run_scoped3A_294, %dma_wait3A_405, %dma_wait3A_406] : memref<3x80x128xf32, #tpu.memory_space<vmem>> -> memref<1x40x128xf32, #tpu.memory_space<vmem>>
        %dma_wait3A_408 = tpu.memref_squeeze %dma_wait3A_407 : memref<1x40x128xf32, #tpu.memory_space<vmem>> -> memref<40x128xf32, #tpu.memory_space<vmem>>
        tpu.wait_dma2 semaphore(%run_scoped3A_385 : memref<!tpu.dma_semaphore, #tpu.memory_space<semaphore_mem>>) src(%dma_wait3A_408 : memref<40x128xf32, #tpu.memory_space<vmem>>) dst(%dma_wait3A_404 : memref<40x128xf32, #tpu.memory_space<vmem_shared>>)
        tpu.yield
      }) : () -> ()
      %mul3A_295 = arith.constant 1000 : i32
      %mul3A_296 = arith.muli %arg1, %mul3A_295 : i32
      %add3A_297 = arith.constant 280 : i32
      %add3A_298 = arith.addi %mul3A_296, %add3A_297 : i32
      %run_scoped3A_299 = arith.constant 0 : i32
      "tpu.region"() ({
        %run_scoped3A_385 = tpu.sem_alloc : memref<!tpu.dma_semaphore, #tpu.memory_space<semaphore_mem>>
        %dma_start3A = arith.constant 0 : i32
        %dma_start3A_386 = arith.constant 0 : i32
        %dma_start3A_387 = tpu.memref_slice %arg6[%run_scoped3A_299, %dma_start3A, %dma_start3A_386] : memref<3x80x128xf32, #tpu.memory_space<vmem>> -> memref<1x40x128xf32, #tpu.memory_space<vmem>>
        %dma_start3A_388 = tpu.memref_squeeze %dma_start3A_387 : memref<1x40x128xf32, #tpu.memory_space<vmem>> -> memref<40x128xf32, #tpu.memory_space<vmem>>
        %dma_start3A_389 = arith.constant 0 : i32
        %dma_start3A_390 = tpu.memref_slice %arg7[%add3A_298, %dma_start3A_389] : memref<10000x128xf32, #tpu.memory_space<vmem_shared>> -> memref<40x128xf32, #tpu.memory_space<vmem_shared>>
        %dma_start3A_391 = arith.constant 0 : i32
        %dma_start3A_392 = tpu.memref_slice %arg7[%add3A_298, %dma_start3A_391] : memref<10000x128xf32, #tpu.memory_space<vmem_shared>> -> memref<40x128xf32, #tpu.memory_space<vmem_shared>>
        %dma_start3A_393 = arith.constant 0 : i32
        %dma_start3A_394 = arith.constant 0 : i32
        %dma_start3A_395 = tpu.memref_slice %arg6[%run_scoped3A_299, %dma_start3A_393, %dma_start3A_394] : memref<3x80x128xf32, #tpu.memory_space<vmem>> -> memref<1x40x128xf32, #tpu.memory_space<vmem>>
        %dma_start3A_396 = tpu.memref_squeeze %dma_start3A_395 : memref<1x40x128xf32, #tpu.memory_space<vmem>> -> memref<40x128xf32, #tpu.memory_space<vmem>>
        tpu.enqueue_dma source(%dma_start3A_396 : memref<40x128xf32, #tpu.memory_space<vmem>>) target(%dma_start3A_392 : memref<40x128xf32, #tpu.memory_space<vmem_shared>>) target_semaphore(%run_scoped3A_385 : memref<!tpu.dma_semaphore, #tpu.memory_space<semaphore_mem>>)
        %dma_wait3A_397 = arith.constant 0 : i32
        %dma_wait3A_398 = arith.constant 0 : i32
        %dma_wait3A_399 = tpu.memref_slice %arg6[%run_scoped3A_299, %dma_wait3A_397, %dma_wait3A_398] : memref<3x80x128xf32, #tpu.memory_space<vmem>> -> memref<1x40x128xf32, #tpu.memory_space<vmem>>
        %dma_wait3A_400 = tpu.memref_squeeze %dma_wait3A_399 : memref<1x40x128xf32, #tpu.memory_space<vmem>> -> memref<40x128xf32, #tpu.memory_space<vmem>>
        %dma_wait3A_401 = arith.constant 0 : i32
        %dma_wait3A_402 = tpu.memref_slice %arg7[%add3A_298, %dma_wait3A_401] : memref<10000x128xf32, #tpu.memory_space<vmem_shared>> -> memref<40x128xf32, #tpu.memory_space<vmem_shared>>
        %dma_wait3A_403 = arith.constant 0 : i32
        %dma_wait3A_404 = tpu.memref_slice %arg7[%add3A_298, %dma_wait3A_403] : memref<10000x128xf32, #tpu.memory_space<vmem_shared>> -> memref<40x128xf32, #tpu.memory_space<vmem_shared>>
        %dma_wait3A_405 = arith.constant 0 : i32
        %dma_wait3A_406 = arith.constant 0 : i32
        %dma_wait3A_407 = tpu.memref_slice %arg6[%run_scoped3A_299, %dma_wait3A_405, %dma_wait3A_406] : memref<3x80x128xf32, #tpu.memory_space<vmem>> -> memref<1x40x128xf32, #tpu.memory_space<vmem>>
        %dma_wait3A_408 = tpu.memref_squeeze %dma_wait3A_407 : memref<1x40x128xf32, #tpu.memory_space<vmem>> -> memref<40x128xf32, #tpu.memory_space<vmem>>
        tpu.wait_dma2 semaphore(%run_scoped3A_385 : memref<!tpu.dma_semaphore, #tpu.memory_space<semaphore_mem>>) src(%dma_wait3A_408 : memref<40x128xf32, #tpu.memory_space<vmem>>) dst(%dma_wait3A_404 : memref<40x128xf32, #tpu.memory_space<vmem_shared>>)
        tpu.yield
      }) : () -> ()
      %mul3A_300 = arith.constant 1000 : i32
      %mul3A_301 = arith.muli %arg1, %mul3A_300 : i32
      %add3A_302 = arith.constant 320 : i32
      %add3A_303 = arith.addi %mul3A_301, %add3A_302 : i32
      %run_scoped3A_304 = arith.constant 0 : i32
      "tpu.region"() ({
        %run_scoped3A_385 = tpu.sem_alloc : memref<!tpu.dma_semaphore, #tpu.memory_space<semaphore_mem>>
        %dma_start3A = arith.constant 0 : i32
        %dma_start3A_386 = arith.constant 0 : i32
        %dma_start3A_387 = tpu.memref_slice %arg6[%run_scoped3A_304, %dma_start3A, %dma_start3A_386] : memref<3x80x128xf32, #tpu.memory_space<vmem>> -> memref<1x40x128xf32, #tpu.memory_space<vmem>>
        %dma_start3A_388 = tpu.memref_squeeze %dma_start3A_387 : memref<1x40x128xf32, #tpu.memory_space<vmem>> -> memref<40x128xf32, #tpu.memory_space<vmem>>
        %dma_start3A_389 = arith.constant 0 : i32
        %dma_start3A_390 = tpu.memref_slice %arg7[%add3A_303, %dma_start3A_389] : memref<10000x128xf32, #tpu.memory_space<vmem_shared>> -> memref<40x128xf32, #tpu.memory_space<vmem_shared>>
        %dma_start3A_391 = arith.constant 0 : i32
        %dma_start3A_392 = tpu.memref_slice %arg7[%add3A_303, %dma_start3A_391] : memref<10000x128xf32, #tpu.memory_space<vmem_shared>> -> memref<40x128xf32, #tpu.memory_space<vmem_shared>>
        %dma_start3A_393 = arith.constant 0 : i32
        %dma_start3A_394 = arith.constant 0 : i32
        %dma_start3A_395 = tpu.memref_slice %arg6[%run_scoped3A_304, %dma_start3A_393, %dma_start3A_394] : memref<3x80x128xf32, #tpu.memory_space<vmem>> -> memref<1x40x128xf32, #tpu.memory_space<vmem>>
        %dma_start3A_396 = tpu.memref_squeeze %dma_start3A_395 : memref<1x40x128xf32, #tpu.memory_space<vmem>> -> memref<40x128xf32, #tpu.memory_space<vmem>>
        tpu.enqueue_dma source(%dma_start3A_396 : memref<40x128xf32, #tpu.memory_space<vmem>>) target(%dma_start3A_392 : memref<40x128xf32, #tpu.memory_space<vmem_shared>>) target_semaphore(%run_scoped3A_385 : memref<!tpu.dma_semaphore, #tpu.memory_space<semaphore_mem>>)
        %dma_wait3A_397 = arith.constant 0 : i32
        %dma_wait3A_398 = arith.constant 0 : i32
        %dma_wait3A_399 = tpu.memref_slice %arg6[%run_scoped3A_304, %dma_wait3A_397, %dma_wait3A_398] : memref<3x80x128xf32, #tpu.memory_space<vmem>> -> memref<1x40x128xf32, #tpu.memory_space<vmem>>
        %dma_wait3A_400 = tpu.memref_squeeze %dma_wait3A_399 : memref<1x40x128xf32, #tpu.memory_space<vmem>> -> memref<40x128xf32, #tpu.memory_space<vmem>>
        %dma_wait3A_401 = arith.constant 0 : i32
        %dma_wait3A_402 = tpu.memref_slice %arg7[%add3A_303, %dma_wait3A_401] : memref<10000x128xf32, #tpu.memory_space<vmem_shared>> -> memref<40x128xf32, #tpu.memory_space<vmem_shared>>
        %dma_wait3A_403 = arith.constant 0 : i32
        %dma_wait3A_404 = tpu.memref_slice %arg7[%add3A_303, %dma_wait3A_403] : memref<10000x128xf32, #tpu.memory_space<vmem_shared>> -> memref<40x128xf32, #tpu.memory_space<vmem_shared>>
        %dma_wait3A_405 = arith.constant 0 : i32
        %dma_wait3A_406 = arith.constant 0 : i32
        %dma_wait3A_407 = tpu.memref_slice %arg6[%run_scoped3A_304, %dma_wait3A_405, %dma_wait3A_406] : memref<3x80x128xf32, #tpu.memory_space<vmem>> -> memref<1x40x128xf32, #tpu.memory_space<vmem>>
        %dma_wait3A_408 = tpu.memref_squeeze %dma_wait3A_407 : memref<1x40x128xf32, #tpu.memory_space<vmem>> -> memref<40x128xf32, #tpu.memory_space<vmem>>
        tpu.wait_dma2 semaphore(%run_scoped3A_385 : memref<!tpu.dma_semaphore, #tpu.memory_space<semaphore_mem>>) src(%dma_wait3A_408 : memref<40x128xf32, #tpu.memory_space<vmem>>) dst(%dma_wait3A_404 : memref<40x128xf32, #tpu.memory_space<vmem_shared>>)
        tpu.yield
      }) : () -> ()
      %mul3A_305 = arith.constant 1000 : i32
      %mul3A_306 = arith.muli %arg1, %mul3A_305 : i32
      %add3A_307 = arith.constant 360 : i32
      %add3A_308 = arith.addi %mul3A_306, %add3A_307 : i32
      %run_scoped3A_309 = arith.constant 0 : i32
      "tpu.region"() ({
        %run_scoped3A_385 = tpu.sem_alloc : memref<!tpu.dma_semaphore, #tpu.memory_space<semaphore_mem>>
        %dma_start3A = arith.constant 0 : i32
        %dma_start3A_386 = arith.constant 0 : i32
        %dma_start3A_387 = tpu.memref_slice %arg6[%run_scoped3A_309, %dma_start3A, %dma_start3A_386] : memref<3x80x128xf32, #tpu.memory_space<vmem>> -> memref<1x40x128xf32, #tpu.memory_space<vmem>>
        %dma_start3A_388 = tpu.memref_squeeze %dma_start3A_387 : memref<1x40x128xf32, #tpu.memory_space<vmem>> -> memref<40x128xf32, #tpu.memory_space<vmem>>
        %dma_start3A_389 = arith.constant 0 : i32
        %dma_start3A_390 = tpu.memref_slice %arg7[%add3A_308, %dma_start3A_389] : memref<10000x128xf32, #tpu.memory_space<vmem_shared>> -> memref<40x128xf32, #tpu.memory_space<vmem_shared>>
        %dma_start3A_391 = arith.constant 0 : i32
        %dma_start3A_392 = tpu.memref_slice %arg7[%add3A_308, %dma_start3A_391] : memref<10000x128xf32, #tpu.memory_space<vmem_shared>> -> memref<40x128xf32, #tpu.memory_space<vmem_shared>>
        %dma_start3A_393 = arith.constant 0 : i32
        %dma_start3A_394 = arith.constant 0 : i32
        %dma_start3A_395 = tpu.memref_slice %arg6[%run_scoped3A_309, %dma_start3A_393, %dma_start3A_394] : memref<3x80x128xf32, #tpu.memory_space<vmem>> -> memref<1x40x128xf32, #tpu.memory_space<vmem>>
        %dma_start3A_396 = tpu.memref_squeeze %dma_start3A_395 : memref<1x40x128xf32, #tpu.memory_space<vmem>> -> memref<40x128xf32, #tpu.memory_space<vmem>>
        tpu.enqueue_dma source(%dma_start3A_396 : memref<40x128xf32, #tpu.memory_space<vmem>>) target(%dma_start3A_392 : memref<40x128xf32, #tpu.memory_space<vmem_shared>>) target_semaphore(%run_scoped3A_385 : memref<!tpu.dma_semaphore, #tpu.memory_space<semaphore_mem>>)
        %dma_wait3A_397 = arith.constant 0 : i32
        %dma_wait3A_398 = arith.constant 0 : i32
        %dma_wait3A_399 = tpu.memref_slice %arg6[%run_scoped3A_309, %dma_wait3A_397, %dma_wait3A_398] : memref<3x80x128xf32, #tpu.memory_space<vmem>> -> memref<1x40x128xf32, #tpu.memory_space<vmem>>
        %dma_wait3A_400 = tpu.memref_squeeze %dma_wait3A_399 : memref<1x40x128xf32, #tpu.memory_space<vmem>> -> memref<40x128xf32, #tpu.memory_space<vmem>>
        %dma_wait3A_401 = arith.constant 0 : i32
        %dma_wait3A_402 = tpu.memref_slice %arg7[%add3A_308, %dma_wait3A_401] : memref<10000x128xf32, #tpu.memory_space<vmem_shared>> -> memref<40x128xf32, #tpu.memory_space<vmem_shared>>
        %dma_wait3A_403 = arith.constant 0 : i32
        %dma_wait3A_404 = tpu.memref_slice %arg7[%add3A_308, %dma_wait3A_403] : memref<10000x128xf32, #tpu.memory_space<vmem_shared>> -> memref<40x128xf32, #tpu.memory_space<vmem_shared>>
        %dma_wait3A_405 = arith.constant 0 : i32
        %dma_wait3A_406 = arith.constant 0 : i32
        %dma_wait3A_407 = tpu.memref_slice %arg6[%run_scoped3A_309, %dma_wait3A_405, %dma_wait3A_406] : memref<3x80x128xf32, #tpu.memory_space<vmem>> -> memref<1x40x128xf32, #tpu.memory_space<vmem>>
        %dma_wait3A_408 = tpu.memref_squeeze %dma_wait3A_407 : memref<1x40x128xf32, #tpu.memory_space<vmem>> -> memref<40x128xf32, #tpu.memory_space<vmem>>
        tpu.wait_dma2 semaphore(%run_scoped3A_385 : memref<!tpu.dma_semaphore, #tpu.memory_space<semaphore_mem>>) src(%dma_wait3A_408 : memref<40x128xf32, #tpu.memory_space<vmem>>) dst(%dma_wait3A_404 : memref<40x128xf32, #tpu.memory_space<vmem_shared>>)
        tpu.yield
      }) : () -> ()
      %mul3A_310 = arith.constant 1000 : i32
      %mul3A_311 = arith.muli %arg1, %mul3A_310 : i32
      %add3A_312 = arith.constant 400 : i32
      %add3A_313 = arith.addi %mul3A_311, %add3A_312 : i32
      %run_scoped3A_314 = arith.constant 0 : i32
      "tpu.region"() ({
        %run_scoped3A_385 = tpu.sem_alloc : memref<!tpu.dma_semaphore, #tpu.memory_space<semaphore_mem>>
        %dma_start3A = arith.constant 0 : i32
        %dma_start3A_386 = arith.constant 0 : i32
        %dma_start3A_387 = tpu.memref_slice %arg6[%run_scoped3A_314, %dma_start3A, %dma_start3A_386] : memref<3x80x128xf32, #tpu.memory_space<vmem>> -> memref<1x40x128xf32, #tpu.memory_space<vmem>>
        %dma_start3A_388 = tpu.memref_squeeze %dma_start3A_387 : memref<1x40x128xf32, #tpu.memory_space<vmem>> -> memref<40x128xf32, #tpu.memory_space<vmem>>
        %dma_start3A_389 = arith.constant 0 : i32
        %dma_start3A_390 = tpu.memref_slice %arg7[%add3A_313, %dma_start3A_389] : memref<10000x128xf32, #tpu.memory_space<vmem_shared>> -> memref<40x128xf32, #tpu.memory_space<vmem_shared>>
        %dma_start3A_391 = arith.constant 0 : i32
        %dma_start3A_392 = tpu.memref_slice %arg7[%add3A_313, %dma_start3A_391] : memref<10000x128xf32, #tpu.memory_space<vmem_shared>> -> memref<40x128xf32, #tpu.memory_space<vmem_shared>>
        %dma_start3A_393 = arith.constant 0 : i32
        %dma_start3A_394 = arith.constant 0 : i32
        %dma_start3A_395 = tpu.memref_slice %arg6[%run_scoped3A_314, %dma_start3A_393, %dma_start3A_394] : memref<3x80x128xf32, #tpu.memory_space<vmem>> -> memref<1x40x128xf32, #tpu.memory_space<vmem>>
        %dma_start3A_396 = tpu.memref_squeeze %dma_start3A_395 : memref<1x40x128xf32, #tpu.memory_space<vmem>> -> memref<40x128xf32, #tpu.memory_space<vmem>>
        tpu.enqueue_dma source(%dma_start3A_396 : memref<40x128xf32, #tpu.memory_space<vmem>>) target(%dma_start3A_392 : memref<40x128xf32, #tpu.memory_space<vmem_shared>>) target_semaphore(%run_scoped3A_385 : memref<!tpu.dma_semaphore, #tpu.memory_space<semaphore_mem>>)
        %dma_wait3A_397 = arith.constant 0 : i32
        %dma_wait3A_398 = arith.constant 0 : i32
        %dma_wait3A_399 = tpu.memref_slice %arg6[%run_scoped3A_314, %dma_wait3A_397, %dma_wait3A_398] : memref<3x80x128xf32, #tpu.memory_space<vmem>> -> memref<1x40x128xf32, #tpu.memory_space<vmem>>
        %dma_wait3A_400 = tpu.memref_squeeze %dma_wait3A_399 : memref<1x40x128xf32, #tpu.memory_space<vmem>> -> memref<40x128xf32, #tpu.memory_space<vmem>>
        %dma_wait3A_401 = arith.constant 0 : i32
        %dma_wait3A_402 = tpu.memref_slice %arg7[%add3A_313, %dma_wait3A_401] : memref<10000x128xf32, #tpu.memory_space<vmem_shared>> -> memref<40x128xf32, #tpu.memory_space<vmem_shared>>
        %dma_wait3A_403 = arith.constant 0 : i32
        %dma_wait3A_404 = tpu.memref_slice %arg7[%add3A_313, %dma_wait3A_403] : memref<10000x128xf32, #tpu.memory_space<vmem_shared>> -> memref<40x128xf32, #tpu.memory_space<vmem_shared>>
        %dma_wait3A_405 = arith.constant 0 : i32
        %dma_wait3A_406 = arith.constant 0 : i32
        %dma_wait3A_407 = tpu.memref_slice %arg6[%run_scoped3A_314, %dma_wait3A_405, %dma_wait3A_406] : memref<3x80x128xf32, #tpu.memory_space<vmem>> -> memref<1x40x128xf32, #tpu.memory_space<vmem>>
        %dma_wait3A_408 = tpu.memref_squeeze %dma_wait3A_407 : memref<1x40x128xf32, #tpu.memory_space<vmem>> -> memref<40x128xf32, #tpu.memory_space<vmem>>
        tpu.wait_dma2 semaphore(%run_scoped3A_385 : memref<!tpu.dma_semaphore, #tpu.memory_space<semaphore_mem>>) src(%dma_wait3A_408 : memref<40x128xf32, #tpu.memory_space<vmem>>) dst(%dma_wait3A_404 : memref<40x128xf32, #tpu.memory_space<vmem_shared>>)
        tpu.yield
      }) : () -> ()
      %mul3A_315 = arith.constant 1000 : i32
      %mul3A_316 = arith.muli %arg1, %mul3A_315 : i32
      %add3A_317 = arith.constant 440 : i32
      %add3A_318 = arith.addi %mul3A_316, %add3A_317 : i32
      %run_scoped3A_319 = arith.constant 0 : i32
      "tpu.region"() ({
        %run_scoped3A_385 = tpu.sem_alloc : memref<!tpu.dma_semaphore, #tpu.memory_space<semaphore_mem>>
        %dma_start3A = arith.constant 0 : i32
        %dma_start3A_386 = arith.constant 0 : i32
        %dma_start3A_387 = tpu.memref_slice %arg6[%run_scoped3A_319, %dma_start3A, %dma_start3A_386] : memref<3x80x128xf32, #tpu.memory_space<vmem>> -> memref<1x40x128xf32, #tpu.memory_space<vmem>>
        %dma_start3A_388 = tpu.memref_squeeze %dma_start3A_387 : memref<1x40x128xf32, #tpu.memory_space<vmem>> -> memref<40x128xf32, #tpu.memory_space<vmem>>
        %dma_start3A_389 = arith.constant 0 : i32
        %dma_start3A_390 = tpu.memref_slice %arg7[%add3A_318, %dma_start3A_389] : memref<10000x128xf32, #tpu.memory_space<vmem_shared>> -> memref<40x128xf32, #tpu.memory_space<vmem_shared>>
        %dma_start3A_391 = arith.constant 0 : i32
        %dma_start3A_392 = tpu.memref_slice %arg7[%add3A_318, %dma_start3A_391] : memref<10000x128xf32, #tpu.memory_space<vmem_shared>> -> memref<40x128xf32, #tpu.memory_space<vmem_shared>>
        %dma_start3A_393 = arith.constant 0 : i32
        %dma_start3A_394 = arith.constant 0 : i32
        %dma_start3A_395 = tpu.memref_slice %arg6[%run_scoped3A_319, %dma_start3A_393, %dma_start3A_394] : memref<3x80x128xf32, #tpu.memory_space<vmem>> -> memref<1x40x128xf32, #tpu.memory_space<vmem>>
        %dma_start3A_396 = tpu.memref_squeeze %dma_start3A_395 : memref<1x40x128xf32, #tpu.memory_space<vmem>> -> memref<40x128xf32, #tpu.memory_space<vmem>>
        tpu.enqueue_dma source(%dma_start3A_396 : memref<40x128xf32, #tpu.memory_space<vmem>>) target(%dma_start3A_392 : memref<40x128xf32, #tpu.memory_space<vmem_shared>>) target_semaphore(%run_scoped3A_385 : memref<!tpu.dma_semaphore, #tpu.memory_space<semaphore_mem>>)
        %dma_wait3A_397 = arith.constant 0 : i32
        %dma_wait3A_398 = arith.constant 0 : i32
        %dma_wait3A_399 = tpu.memref_slice %arg6[%run_scoped3A_319, %dma_wait3A_397, %dma_wait3A_398] : memref<3x80x128xf32, #tpu.memory_space<vmem>> -> memref<1x40x128xf32, #tpu.memory_space<vmem>>
        %dma_wait3A_400 = tpu.memref_squeeze %dma_wait3A_399 : memref<1x40x128xf32, #tpu.memory_space<vmem>> -> memref<40x128xf32, #tpu.memory_space<vmem>>
        %dma_wait3A_401 = arith.constant 0 : i32
        %dma_wait3A_402 = tpu.memref_slice %arg7[%add3A_318, %dma_wait3A_401] : memref<10000x128xf32, #tpu.memory_space<vmem_shared>> -> memref<40x128xf32, #tpu.memory_space<vmem_shared>>
        %dma_wait3A_403 = arith.constant 0 : i32
        %dma_wait3A_404 = tpu.memref_slice %arg7[%add3A_318, %dma_wait3A_403] : memref<10000x128xf32, #tpu.memory_space<vmem_shared>> -> memref<40x128xf32, #tpu.memory_space<vmem_shared>>
        %dma_wait3A_405 = arith.constant 0 : i32
        %dma_wait3A_406 = arith.constant 0 : i32
        %dma_wait3A_407 = tpu.memref_slice %arg6[%run_scoped3A_319, %dma_wait3A_405, %dma_wait3A_406] : memref<3x80x128xf32, #tpu.memory_space<vmem>> -> memref<1x40x128xf32, #tpu.memory_space<vmem>>
        %dma_wait3A_408 = tpu.memref_squeeze %dma_wait3A_407 : memref<1x40x128xf32, #tpu.memory_space<vmem>> -> memref<40x128xf32, #tpu.memory_space<vmem>>
        tpu.wait_dma2 semaphore(%run_scoped3A_385 : memref<!tpu.dma_semaphore, #tpu.memory_space<semaphore_mem>>) src(%dma_wait3A_408 : memref<40x128xf32, #tpu.memory_space<vmem>>) dst(%dma_wait3A_404 : memref<40x128xf32, #tpu.memory_space<vmem_shared>>)
        tpu.yield
      }) : () -> ()
      %mul3A_320 = arith.constant 1000 : i32
      %mul3A_321 = arith.muli %arg1, %mul3A_320 : i32
      %add3A_322 = arith.constant 480 : i32
      %add3A_323 = arith.addi %mul3A_321, %add3A_322 : i32
      %run_scoped3A_324 = arith.constant 0 : i32
      "tpu.region"() ({
        %run_scoped3A_385 = tpu.sem_alloc : memref<!tpu.dma_semaphore, #tpu.memory_space<semaphore_mem>>
        %dma_start3A = arith.constant 0 : i32
        %dma_start3A_386 = arith.constant 0 : i32
        %dma_start3A_387 = tpu.memref_slice %arg6[%run_scoped3A_324, %dma_start3A, %dma_start3A_386] : memref<3x80x128xf32, #tpu.memory_space<vmem>> -> memref<1x40x128xf32, #tpu.memory_space<vmem>>
        %dma_start3A_388 = tpu.memref_squeeze %dma_start3A_387 : memref<1x40x128xf32, #tpu.memory_space<vmem>> -> memref<40x128xf32, #tpu.memory_space<vmem>>
        %dma_start3A_389 = arith.constant 0 : i32
        %dma_start3A_390 = tpu.memref_slice %arg7[%add3A_323, %dma_start3A_389] : memref<10000x128xf32, #tpu.memory_space<vmem_shared>> -> memref<40x128xf32, #tpu.memory_space<vmem_shared>>
        %dma_start3A_391 = arith.constant 0 : i32
        %dma_start3A_392 = tpu.memref_slice %arg7[%add3A_323, %dma_start3A_391] : memref<10000x128xf32, #tpu.memory_space<vmem_shared>> -> memref<40x128xf32, #tpu.memory_space<vmem_shared>>
        %dma_start3A_393 = arith.constant 0 : i32
        %dma_start3A_394 = arith.constant 0 : i32
        %dma_start3A_395 = tpu.memref_slice %arg6[%run_scoped3A_324, %dma_start3A_393, %dma_start3A_394] : memref<3x80x128xf32, #tpu.memory_space<vmem>> -> memref<1x40x128xf32, #tpu.memory_space<vmem>>
        %dma_start3A_396 = tpu.memref_squeeze %dma_start3A_395 : memref<1x40x128xf32, #tpu.memory_space<vmem>> -> memref<40x128xf32, #tpu.memory_space<vmem>>
        tpu.enqueue_dma source(%dma_start3A_396 : memref<40x128xf32, #tpu.memory_space<vmem>>) target(%dma_start3A_392 : memref<40x128xf32, #tpu.memory_space<vmem_shared>>) target_semaphore(%run_scoped3A_385 : memref<!tpu.dma_semaphore, #tpu.memory_space<semaphore_mem>>)
        %dma_wait3A_397 = arith.constant 0 : i32
        %dma_wait3A_398 = arith.constant 0 : i32
        %dma_wait3A_399 = tpu.memref_slice %arg6[%run_scoped3A_324, %dma_wait3A_397, %dma_wait3A_398] : memref<3x80x128xf32, #tpu.memory_space<vmem>> -> memref<1x40x128xf32, #tpu.memory_space<vmem>>
        %dma_wait3A_400 = tpu.memref_squeeze %dma_wait3A_399 : memref<1x40x128xf32, #tpu.memory_space<vmem>> -> memref<40x128xf32, #tpu.memory_space<vmem>>
        %dma_wait3A_401 = arith.constant 0 : i32
        %dma_wait3A_402 = tpu.memref_slice %arg7[%add3A_323, %dma_wait3A_401] : memref<10000x128xf32, #tpu.memory_space<vmem_shared>> -> memref<40x128xf32, #tpu.memory_space<vmem_shared>>
        %dma_wait3A_403 = arith.constant 0 : i32
        %dma_wait3A_404 = tpu.memref_slice %arg7[%add3A_323, %dma_wait3A_403] : memref<10000x128xf32, #tpu.memory_space<vmem_shared>> -> memref<40x128xf32, #tpu.memory_space<vmem_shared>>
        %dma_wait3A_405 = arith.constant 0 : i32
        %dma_wait3A_406 = arith.constant 0 : i32
        %dma_wait3A_407 = tpu.memref_slice %arg6[%run_scoped3A_324, %dma_wait3A_405, %dma_wait3A_406] : memref<3x80x128xf32, #tpu.memory_space<vmem>> -> memref<1x40x128xf32, #tpu.memory_space<vmem>>
        %dma_wait3A_408 = tpu.memref_squeeze %dma_wait3A_407 : memref<1x40x128xf32, #tpu.memory_space<vmem>> -> memref<40x128xf32, #tpu.memory_space<vmem>>
        tpu.wait_dma2 semaphore(%run_scoped3A_385 : memref<!tpu.dma_semaphore, #tpu.memory_space<semaphore_mem>>) src(%dma_wait3A_408 : memref<40x128xf32, #tpu.memory_space<vmem>>) dst(%dma_wait3A_404 : memref<40x128xf32, #tpu.memory_space<vmem_shared>>)
        tpu.yield
      }) : () -> ()
      %mul3A_325 = arith.constant 1000 : i32
      %mul3A_326 = arith.muli %arg1, %mul3A_325 : i32
      %add3A_327 = arith.constant 520 : i32
      %add3A_328 = arith.addi %mul3A_326, %add3A_327 : i32
      %run_scoped3A_329 = arith.constant 0 : i32
      "tpu.region"() ({
        %run_scoped3A_385 = tpu.sem_alloc : memref<!tpu.dma_semaphore, #tpu.memory_space<semaphore_mem>>
        %dma_start3A = arith.constant 0 : i32
        %dma_start3A_386 = arith.constant 0 : i32
        %dma_start3A_387 = tpu.memref_slice %arg6[%run_scoped3A_329, %dma_start3A, %dma_start3A_386] : memref<3x80x128xf32, #tpu.memory_space<vmem>> -> memref<1x40x128xf32, #tpu.memory_space<vmem>>
        %dma_start3A_388 = tpu.memref_squeeze %dma_start3A_387 : memref<1x40x128xf32, #tpu.memory_space<vmem>> -> memref<40x128xf32, #tpu.memory_space<vmem>>
        %dma_start3A_389 = arith.constant 0 : i32
        %dma_start3A_390 = tpu.memref_slice %arg7[%add3A_328, %dma_start3A_389] : memref<10000x128xf32, #tpu.memory_space<vmem_shared>> -> memref<40x128xf32, #tpu.memory_space<vmem_shared>>
        %dma_start3A_391 = arith.constant 0 : i32
        %dma_start3A_392 = tpu.memref_slice %arg7[%add3A_328, %dma_start3A_391] : memref<10000x128xf32, #tpu.memory_space<vmem_shared>> -> memref<40x128xf32, #tpu.memory_space<vmem_shared>>
        %dma_start3A_393 = arith.constant 0 : i32
        %dma_start3A_394 = arith.constant 0 : i32
        %dma_start3A_395 = tpu.memref_slice %arg6[%run_scoped3A_329, %dma_start3A_393, %dma_start3A_394] : memref<3x80x128xf32, #tpu.memory_space<vmem>> -> memref<1x40x128xf32, #tpu.memory_space<vmem>>
        %dma_start3A_396 = tpu.memref_squeeze %dma_start3A_395 : memref<1x40x128xf32, #tpu.memory_space<vmem>> -> memref<40x128xf32, #tpu.memory_space<vmem>>
        tpu.enqueue_dma source(%dma_start3A_396 : memref<40x128xf32, #tpu.memory_space<vmem>>) target(%dma_start3A_392 : memref<40x128xf32, #tpu.memory_space<vmem_shared>>) target_semaphore(%run_scoped3A_385 : memref<!tpu.dma_semaphore, #tpu.memory_space<semaphore_mem>>)
        %dma_wait3A_397 = arith.constant 0 : i32
        %dma_wait3A_398 = arith.constant 0 : i32
        %dma_wait3A_399 = tpu.memref_slice %arg6[%run_scoped3A_329, %dma_wait3A_397, %dma_wait3A_398] : memref<3x80x128xf32, #tpu.memory_space<vmem>> -> memref<1x40x128xf32, #tpu.memory_space<vmem>>
        %dma_wait3A_400 = tpu.memref_squeeze %dma_wait3A_399 : memref<1x40x128xf32, #tpu.memory_space<vmem>> -> memref<40x128xf32, #tpu.memory_space<vmem>>
        %dma_wait3A_401 = arith.constant 0 : i32
        %dma_wait3A_402 = tpu.memref_slice %arg7[%add3A_328, %dma_wait3A_401] : memref<10000x128xf32, #tpu.memory_space<vmem_shared>> -> memref<40x128xf32, #tpu.memory_space<vmem_shared>>
        %dma_wait3A_403 = arith.constant 0 : i32
        %dma_wait3A_404 = tpu.memref_slice %arg7[%add3A_328, %dma_wait3A_403] : memref<10000x128xf32, #tpu.memory_space<vmem_shared>> -> memref<40x128xf32, #tpu.memory_space<vmem_shared>>
        %dma_wait3A_405 = arith.constant 0 : i32
        %dma_wait3A_406 = arith.constant 0 : i32
        %dma_wait3A_407 = tpu.memref_slice %arg6[%run_scoped3A_329, %dma_wait3A_405, %dma_wait3A_406] : memref<3x80x128xf32, #tpu.memory_space<vmem>> -> memref<1x40x128xf32, #tpu.memory_space<vmem>>
        %dma_wait3A_408 = tpu.memref_squeeze %dma_wait3A_407 : memref<1x40x128xf32, #tpu.memory_space<vmem>> -> memref<40x128xf32, #tpu.memory_space<vmem>>
        tpu.wait_dma2 semaphore(%run_scoped3A_385 : memref<!tpu.dma_semaphore, #tpu.memory_space<semaphore_mem>>) src(%dma_wait3A_408 : memref<40x128xf32, #tpu.memory_space<vmem>>) dst(%dma_wait3A_404 : memref<40x128xf32, #tpu.memory_space<vmem_shared>>)
        tpu.yield
      }) : () -> ()
      %mul3A_330 = arith.constant 1000 : i32
      %mul3A_331 = arith.muli %arg1, %mul3A_330 : i32
      %add3A_332 = arith.constant 560 : i32
      %add3A_333 = arith.addi %mul3A_331, %add3A_332 : i32
      %run_scoped3A_334 = arith.constant 0 : i32
      "tpu.region"() ({
        %run_scoped3A_385 = tpu.sem_alloc : memref<!tpu.dma_semaphore, #tpu.memory_space<semaphore_mem>>
        %dma_start3A = arith.constant 0 : i32
        %dma_start3A_386 = arith.constant 0 : i32
        %dma_start3A_387 = tpu.memref_slice %arg6[%run_scoped3A_334, %dma_start3A, %dma_start3A_386] : memref<3x80x128xf32, #tpu.memory_space<vmem>> -> memref<1x40x128xf32, #tpu.memory_space<vmem>>
        %dma_start3A_388 = tpu.memref_squeeze %dma_start3A_387 : memref<1x40x128xf32, #tpu.memory_space<vmem>> -> memref<40x128xf32, #tpu.memory_space<vmem>>
        %dma_start3A_389 = arith.constant 0 : i32
        %dma_start3A_390 = tpu.memref_slice %arg7[%add3A_333, %dma_start3A_389] : memref<10000x128xf32, #tpu.memory_space<vmem_shared>> -> memref<40x128xf32, #tpu.memory_space<vmem_shared>>
        %dma_start3A_391 = arith.constant 0 : i32
        %dma_start3A_392 = tpu.memref_slice %arg7[%add3A_333, %dma_start3A_391] : memref<10000x128xf32, #tpu.memory_space<vmem_shared>> -> memref<40x128xf32, #tpu.memory_space<vmem_shared>>
        %dma_start3A_393 = arith.constant 0 : i32
        %dma_start3A_394 = arith.constant 0 : i32
        %dma_start3A_395 = tpu.memref_slice %arg6[%run_scoped3A_334, %dma_start3A_393, %dma_start3A_394] : memref<3x80x128xf32, #tpu.memory_space<vmem>> -> memref<1x40x128xf32, #tpu.memory_space<vmem>>
        %dma_start3A_396 = tpu.memref_squeeze %dma_start3A_395 : memref<1x40x128xf32, #tpu.memory_space<vmem>> -> memref<40x128xf32, #tpu.memory_space<vmem>>
        tpu.enqueue_dma source(%dma_start3A_396 : memref<40x128xf32, #tpu.memory_space<vmem>>) target(%dma_start3A_392 : memref<40x128xf32, #tpu.memory_space<vmem_shared>>) target_semaphore(%run_scoped3A_385 : memref<!tpu.dma_semaphore, #tpu.memory_space<semaphore_mem>>)
        %dma_wait3A_397 = arith.constant 0 : i32
        %dma_wait3A_398 = arith.constant 0 : i32
        %dma_wait3A_399 = tpu.memref_slice %arg6[%run_scoped3A_334, %dma_wait3A_397, %dma_wait3A_398] : memref<3x80x128xf32, #tpu.memory_space<vmem>> -> memref<1x40x128xf32, #tpu.memory_space<vmem>>
        %dma_wait3A_400 = tpu.memref_squeeze %dma_wait3A_399 : memref<1x40x128xf32, #tpu.memory_space<vmem>> -> memref<40x128xf32, #tpu.memory_space<vmem>>
        %dma_wait3A_401 = arith.constant 0 : i32
        %dma_wait3A_402 = tpu.memref_slice %arg7[%add3A_333, %dma_wait3A_401] : memref<10000x128xf32, #tpu.memory_space<vmem_shared>> -> memref<40x128xf32, #tpu.memory_space<vmem_shared>>
        %dma_wait3A_403 = arith.constant 0 : i32
        %dma_wait3A_404 = tpu.memref_slice %arg7[%add3A_333, %dma_wait3A_403] : memref<10000x128xf32, #tpu.memory_space<vmem_shared>> -> memref<40x128xf32, #tpu.memory_space<vmem_shared>>
        %dma_wait3A_405 = arith.constant 0 : i32
        %dma_wait3A_406 = arith.constant 0 : i32
        %dma_wait3A_407 = tpu.memref_slice %arg6[%run_scoped3A_334, %dma_wait3A_405, %dma_wait3A_406] : memref<3x80x128xf32, #tpu.memory_space<vmem>> -> memref<1x40x128xf32, #tpu.memory_space<vmem>>
        %dma_wait3A_408 = tpu.memref_squeeze %dma_wait3A_407 : memref<1x40x128xf32, #tpu.memory_space<vmem>> -> memref<40x128xf32, #tpu.memory_space<vmem>>
        tpu.wait_dma2 semaphore(%run_scoped3A_385 : memref<!tpu.dma_semaphore, #tpu.memory_space<semaphore_mem>>) src(%dma_wait3A_408 : memref<40x128xf32, #tpu.memory_space<vmem>>) dst(%dma_wait3A_404 : memref<40x128xf32, #tpu.memory_space<vmem_shared>>)
        tpu.yield
      }) : () -> ()
      %mul3A_335 = arith.constant 1000 : i32
      %mul3A_336 = arith.muli %arg1, %mul3A_335 : i32
      %add3A_337 = arith.constant 600 : i32
      %add3A_338 = arith.addi %mul3A_336, %add3A_337 : i32
      %run_scoped3A_339 = arith.constant 0 : i32
      "tpu.region"() ({
        %run_scoped3A_385 = tpu.sem_alloc : memref<!tpu.dma_semaphore, #tpu.memory_space<semaphore_mem>>
        %dma_start3A = arith.constant 0 : i32
        %dma_start3A_386 = arith.constant 0 : i32
        %dma_start3A_387 = tpu.memref_slice %arg6[%run_scoped3A_339, %dma_start3A, %dma_start3A_386] : memref<3x80x128xf32, #tpu.memory_space<vmem>> -> memref<1x40x128xf32, #tpu.memory_space<vmem>>
        %dma_start3A_388 = tpu.memref_squeeze %dma_start3A_387 : memref<1x40x128xf32, #tpu.memory_space<vmem>> -> memref<40x128xf32, #tpu.memory_space<vmem>>
        %dma_start3A_389 = arith.constant 0 : i32
        %dma_start3A_390 = tpu.memref_slice %arg7[%add3A_338, %dma_start3A_389] : memref<10000x128xf32, #tpu.memory_space<vmem_shared>> -> memref<40x128xf32, #tpu.memory_space<vmem_shared>>
        %dma_start3A_391 = arith.constant 0 : i32
        %dma_start3A_392 = tpu.memref_slice %arg7[%add3A_338, %dma_start3A_391] : memref<10000x128xf32, #tpu.memory_space<vmem_shared>> -> memref<40x128xf32, #tpu.memory_space<vmem_shared>>
        %dma_start3A_393 = arith.constant 0 : i32
        %dma_start3A_394 = arith.constant 0 : i32
        %dma_start3A_395 = tpu.memref_slice %arg6[%run_scoped3A_339, %dma_start3A_393, %dma_start3A_394] : memref<3x80x128xf32, #tpu.memory_space<vmem>> -> memref<1x40x128xf32, #tpu.memory_space<vmem>>
        %dma_start3A_396 = tpu.memref_squeeze %dma_start3A_395 : memref<1x40x128xf32, #tpu.memory_space<vmem>> -> memref<40x128xf32, #tpu.memory_space<vmem>>
        tpu.enqueue_dma source(%dma_start3A_396 : memref<40x128xf32, #tpu.memory_space<vmem>>) target(%dma_start3A_392 : memref<40x128xf32, #tpu.memory_space<vmem_shared>>) target_semaphore(%run_scoped3A_385 : memref<!tpu.dma_semaphore, #tpu.memory_space<semaphore_mem>>)
        %dma_wait3A_397 = arith.constant 0 : i32
        %dma_wait3A_398 = arith.constant 0 : i32
        %dma_wait3A_399 = tpu.memref_slice %arg6[%run_scoped3A_339, %dma_wait3A_397, %dma_wait3A_398] : memref<3x80x128xf32, #tpu.memory_space<vmem>> -> memref<1x40x128xf32, #tpu.memory_space<vmem>>
        %dma_wait3A_400 = tpu.memref_squeeze %dma_wait3A_399 : memref<1x40x128xf32, #tpu.memory_space<vmem>> -> memref<40x128xf32, #tpu.memory_space<vmem>>
        %dma_wait3A_401 = arith.constant 0 : i32
        %dma_wait3A_402 = tpu.memref_slice %arg7[%add3A_338, %dma_wait3A_401] : memref<10000x128xf32, #tpu.memory_space<vmem_shared>> -> memref<40x128xf32, #tpu.memory_space<vmem_shared>>
        %dma_wait3A_403 = arith.constant 0 : i32
        %dma_wait3A_404 = tpu.memref_slice %arg7[%add3A_338, %dma_wait3A_403] : memref<10000x128xf32, #tpu.memory_space<vmem_shared>> -> memref<40x128xf32, #tpu.memory_space<vmem_shared>>
        %dma_wait3A_405 = arith.constant 0 : i32
        %dma_wait3A_406 = arith.constant 0 : i32
        %dma_wait3A_407 = tpu.memref_slice %arg6[%run_scoped3A_339, %dma_wait3A_405, %dma_wait3A_406] : memref<3x80x128xf32, #tpu.memory_space<vmem>> -> memref<1x40x128xf32, #tpu.memory_space<vmem>>
        %dma_wait3A_408 = tpu.memref_squeeze %dma_wait3A_407 : memref<1x40x128xf32, #tpu.memory_space<vmem>> -> memref<40x128xf32, #tpu.memory_space<vmem>>
        tpu.wait_dma2 semaphore(%run_scoped3A_385 : memref<!tpu.dma_semaphore, #tpu.memory_space<semaphore_mem>>) src(%dma_wait3A_408 : memref<40x128xf32, #tpu.memory_space<vmem>>) dst(%dma_wait3A_404 : memref<40x128xf32, #tpu.memory_space<vmem_shared>>)
        tpu.yield
      }) : () -> ()
      %mul3A_340 = arith.constant 1000 : i32
      %mul3A_341 = arith.muli %arg1, %mul3A_340 : i32
      %add3A_342 = arith.constant 640 : i32
      %add3A_343 = arith.addi %mul3A_341, %add3A_342 : i32
      %run_scoped3A_344 = arith.constant 0 : i32
      "tpu.region"() ({
        %run_scoped3A_385 = tpu.sem_alloc : memref<!tpu.dma_semaphore, #tpu.memory_space<semaphore_mem>>
        %dma_start3A = arith.constant 0 : i32
        %dma_start3A_386 = arith.constant 0 : i32
        %dma_start3A_387 = tpu.memref_slice %arg6[%run_scoped3A_344, %dma_start3A, %dma_start3A_386] : memref<3x80x128xf32, #tpu.memory_space<vmem>> -> memref<1x40x128xf32, #tpu.memory_space<vmem>>
        %dma_start3A_388 = tpu.memref_squeeze %dma_start3A_387 : memref<1x40x128xf32, #tpu.memory_space<vmem>> -> memref<40x128xf32, #tpu.memory_space<vmem>>
        %dma_start3A_389 = arith.constant 0 : i32
        %dma_start3A_390 = tpu.memref_slice %arg7[%add3A_343, %dma_start3A_389] : memref<10000x128xf32, #tpu.memory_space<vmem_shared>> -> memref<40x128xf32, #tpu.memory_space<vmem_shared>>
        %dma_start3A_391 = arith.constant 0 : i32
        %dma_start3A_392 = tpu.memref_slice %arg7[%add3A_343, %dma_start3A_391] : memref<10000x128xf32, #tpu.memory_space<vmem_shared>> -> memref<40x128xf32, #tpu.memory_space<vmem_shared>>
        %dma_start3A_393 = arith.constant 0 : i32
        %dma_start3A_394 = arith.constant 0 : i32
        %dma_start3A_395 = tpu.memref_slice %arg6[%run_scoped3A_344, %dma_start3A_393, %dma_start3A_394] : memref<3x80x128xf32, #tpu.memory_space<vmem>> -> memref<1x40x128xf32, #tpu.memory_space<vmem>>
        %dma_start3A_396 = tpu.memref_squeeze %dma_start3A_395 : memref<1x40x128xf32, #tpu.memory_space<vmem>> -> memref<40x128xf32, #tpu.memory_space<vmem>>
        tpu.enqueue_dma source(%dma_start3A_396 : memref<40x128xf32, #tpu.memory_space<vmem>>) target(%dma_start3A_392 : memref<40x128xf32, #tpu.memory_space<vmem_shared>>) target_semaphore(%run_scoped3A_385 : memref<!tpu.dma_semaphore, #tpu.memory_space<semaphore_mem>>)
        %dma_wait3A_397 = arith.constant 0 : i32
        %dma_wait3A_398 = arith.constant 0 : i32
        %dma_wait3A_399 = tpu.memref_slice %arg6[%run_scoped3A_344, %dma_wait3A_397, %dma_wait3A_398] : memref<3x80x128xf32, #tpu.memory_space<vmem>> -> memref<1x40x128xf32, #tpu.memory_space<vmem>>
        %dma_wait3A_400 = tpu.memref_squeeze %dma_wait3A_399 : memref<1x40x128xf32, #tpu.memory_space<vmem>> -> memref<40x128xf32, #tpu.memory_space<vmem>>
        %dma_wait3A_401 = arith.constant 0 : i32
        %dma_wait3A_402 = tpu.memref_slice %arg7[%add3A_343, %dma_wait3A_401] : memref<10000x128xf32, #tpu.memory_space<vmem_shared>> -> memref<40x128xf32, #tpu.memory_space<vmem_shared>>
        %dma_wait3A_403 = arith.constant 0 : i32
        %dma_wait3A_404 = tpu.memref_slice %arg7[%add3A_343, %dma_wait3A_403] : memref<10000x128xf32, #tpu.memory_space<vmem_shared>> -> memref<40x128xf32, #tpu.memory_space<vmem_shared>>
        %dma_wait3A_405 = arith.constant 0 : i32
        %dma_wait3A_406 = arith.constant 0 : i32
        %dma_wait3A_407 = tpu.memref_slice %arg6[%run_scoped3A_344, %dma_wait3A_405, %dma_wait3A_406] : memref<3x80x128xf32, #tpu.memory_space<vmem>> -> memref<1x40x128xf32, #tpu.memory_space<vmem>>
        %dma_wait3A_408 = tpu.memref_squeeze %dma_wait3A_407 : memref<1x40x128xf32, #tpu.memory_space<vmem>> -> memref<40x128xf32, #tpu.memory_space<vmem>>
        tpu.wait_dma2 semaphore(%run_scoped3A_385 : memref<!tpu.dma_semaphore, #tpu.memory_space<semaphore_mem>>) src(%dma_wait3A_408 : memref<40x128xf32, #tpu.memory_space<vmem>>) dst(%dma_wait3A_404 : memref<40x128xf32, #tpu.memory_space<vmem_shared>>)
        tpu.yield
      }) : () -> ()
      %mul3A_345 = arith.constant 1000 : i32
      %mul3A_346 = arith.muli %arg1, %mul3A_345 : i32
      %add3A_347 = arith.constant 680 : i32
      %add3A_348 = arith.addi %mul3A_346, %add3A_347 : i32
      %run_scoped3A_349 = arith.constant 0 : i32
      "tpu.region"() ({
        %run_scoped3A_385 = tpu.sem_alloc : memref<!tpu.dma_semaphore, #tpu.memory_space<semaphore_mem>>
        %dma_start3A = arith.constant 0 : i32
        %dma_start3A_386 = arith.constant 0 : i32
        %dma_start3A_387 = tpu.memref_slice %arg6[%run_scoped3A_349, %dma_start3A, %dma_start3A_386] : memref<3x80x128xf32, #tpu.memory_space<vmem>> -> memref<1x40x128xf32, #tpu.memory_space<vmem>>
        %dma_start3A_388 = tpu.memref_squeeze %dma_start3A_387 : memref<1x40x128xf32, #tpu.memory_space<vmem>> -> memref<40x128xf32, #tpu.memory_space<vmem>>
        %dma_start3A_389 = arith.constant 0 : i32
        %dma_start3A_390 = tpu.memref_slice %arg7[%add3A_348, %dma_start3A_389] : memref<10000x128xf32, #tpu.memory_space<vmem_shared>> -> memref<40x128xf32, #tpu.memory_space<vmem_shared>>
        %dma_start3A_391 = arith.constant 0 : i32
        %dma_start3A_392 = tpu.memref_slice %arg7[%add3A_348, %dma_start3A_391] : memref<10000x128xf32, #tpu.memory_space<vmem_shared>> -> memref<40x128xf32, #tpu.memory_space<vmem_shared>>
        %dma_start3A_393 = arith.constant 0 : i32
        %dma_start3A_394 = arith.constant 0 : i32
        %dma_start3A_395 = tpu.memref_slice %arg6[%run_scoped3A_349, %dma_start3A_393, %dma_start3A_394] : memref<3x80x128xf32, #tpu.memory_space<vmem>> -> memref<1x40x128xf32, #tpu.memory_space<vmem>>
        %dma_start3A_396 = tpu.memref_squeeze %dma_start3A_395 : memref<1x40x128xf32, #tpu.memory_space<vmem>> -> memref<40x128xf32, #tpu.memory_space<vmem>>
        tpu.enqueue_dma source(%dma_start3A_396 : memref<40x128xf32, #tpu.memory_space<vmem>>) target(%dma_start3A_392 : memref<40x128xf32, #tpu.memory_space<vmem_shared>>) target_semaphore(%run_scoped3A_385 : memref<!tpu.dma_semaphore, #tpu.memory_space<semaphore_mem>>)
        %dma_wait3A_397 = arith.constant 0 : i32
        %dma_wait3A_398 = arith.constant 0 : i32
        %dma_wait3A_399 = tpu.memref_slice %arg6[%run_scoped3A_349, %dma_wait3A_397, %dma_wait3A_398] : memref<3x80x128xf32, #tpu.memory_space<vmem>> -> memref<1x40x128xf32, #tpu.memory_space<vmem>>
        %dma_wait3A_400 = tpu.memref_squeeze %dma_wait3A_399 : memref<1x40x128xf32, #tpu.memory_space<vmem>> -> memref<40x128xf32, #tpu.memory_space<vmem>>
        %dma_wait3A_401 = arith.constant 0 : i32
        %dma_wait3A_402 = tpu.memref_slice %arg7[%add3A_348, %dma_wait3A_401] : memref<10000x128xf32, #tpu.memory_space<vmem_shared>> -> memref<40x128xf32, #tpu.memory_space<vmem_shared>>
        %dma_wait3A_403 = arith.constant 0 : i32
        %dma_wait3A_404 = tpu.memref_slice %arg7[%add3A_348, %dma_wait3A_403] : memref<10000x128xf32, #tpu.memory_space<vmem_shared>> -> memref<40x128xf32, #tpu.memory_space<vmem_shared>>
        %dma_wait3A_405 = arith.constant 0 : i32
        %dma_wait3A_406 = arith.constant 0 : i32
        %dma_wait3A_407 = tpu.memref_slice %arg6[%run_scoped3A_349, %dma_wait3A_405, %dma_wait3A_406] : memref<3x80x128xf32, #tpu.memory_space<vmem>> -> memref<1x40x128xf32, #tpu.memory_space<vmem>>
        %dma_wait3A_408 = tpu.memref_squeeze %dma_wait3A_407 : memref<1x40x128xf32, #tpu.memory_space<vmem>> -> memref<40x128xf32, #tpu.memory_space<vmem>>
        tpu.wait_dma2 semaphore(%run_scoped3A_385 : memref<!tpu.dma_semaphore, #tpu.memory_space<semaphore_mem>>) src(%dma_wait3A_408 : memref<40x128xf32, #tpu.memory_space<vmem>>) dst(%dma_wait3A_404 : memref<40x128xf32, #tpu.memory_space<vmem_shared>>)
        tpu.yield
      }) : () -> ()
      %mul3A_350 = arith.constant 1000 : i32
      %mul3A_351 = arith.muli %arg1, %mul3A_350 : i32
      %add3A_352 = arith.constant 720 : i32
      %add3A_353 = arith.addi %mul3A_351, %add3A_352 : i32
      %run_scoped3A_354 = arith.constant 0 : i32
      "tpu.region"() ({
        %run_scoped3A_385 = tpu.sem_alloc : memref<!tpu.dma_semaphore, #tpu.memory_space<semaphore_mem>>
        %dma_start3A = arith.constant 0 : i32
        %dma_start3A_386 = arith.constant 0 : i32
        %dma_start3A_387 = tpu.memref_slice %arg6[%run_scoped3A_354, %dma_start3A, %dma_start3A_386] : memref<3x80x128xf32, #tpu.memory_space<vmem>> -> memref<1x40x128xf32, #tpu.memory_space<vmem>>
        %dma_start3A_388 = tpu.memref_squeeze %dma_start3A_387 : memref<1x40x128xf32, #tpu.memory_space<vmem>> -> memref<40x128xf32, #tpu.memory_space<vmem>>
        %dma_start3A_389 = arith.constant 0 : i32
        %dma_start3A_390 = tpu.memref_slice %arg7[%add3A_353, %dma_start3A_389] : memref<10000x128xf32, #tpu.memory_space<vmem_shared>> -> memref<40x128xf32, #tpu.memory_space<vmem_shared>>
        %dma_start3A_391 = arith.constant 0 : i32
        %dma_start3A_392 = tpu.memref_slice %arg7[%add3A_353, %dma_start3A_391] : memref<10000x128xf32, #tpu.memory_space<vmem_shared>> -> memref<40x128xf32, #tpu.memory_space<vmem_shared>>
        %dma_start3A_393 = arith.constant 0 : i32
        %dma_start3A_394 = arith.constant 0 : i32
        %dma_start3A_395 = tpu.memref_slice %arg6[%run_scoped3A_354, %dma_start3A_393, %dma_start3A_394] : memref<3x80x128xf32, #tpu.memory_space<vmem>> -> memref<1x40x128xf32, #tpu.memory_space<vmem>>
        %dma_start3A_396 = tpu.memref_squeeze %dma_start3A_395 : memref<1x40x128xf32, #tpu.memory_space<vmem>> -> memref<40x128xf32, #tpu.memory_space<vmem>>
        tpu.enqueue_dma source(%dma_start3A_396 : memref<40x128xf32, #tpu.memory_space<vmem>>) target(%dma_start3A_392 : memref<40x128xf32, #tpu.memory_space<vmem_shared>>) target_semaphore(%run_scoped3A_385 : memref<!tpu.dma_semaphore, #tpu.memory_space<semaphore_mem>>)
        %dma_wait3A_397 = arith.constant 0 : i32
        %dma_wait3A_398 = arith.constant 0 : i32
        %dma_wait3A_399 = tpu.memref_slice %arg6[%run_scoped3A_354, %dma_wait3A_397, %dma_wait3A_398] : memref<3x80x128xf32, #tpu.memory_space<vmem>> -> memref<1x40x128xf32, #tpu.memory_space<vmem>>
        %dma_wait3A_400 = tpu.memref_squeeze %dma_wait3A_399 : memref<1x40x128xf32, #tpu.memory_space<vmem>> -> memref<40x128xf32, #tpu.memory_space<vmem>>
        %dma_wait3A_401 = arith.constant 0 : i32
        %dma_wait3A_402 = tpu.memref_slice %arg7[%add3A_353, %dma_wait3A_401] : memref<10000x128xf32, #tpu.memory_space<vmem_shared>> -> memref<40x128xf32, #tpu.memory_space<vmem_shared>>
        %dma_wait3A_403 = arith.constant 0 : i32
        %dma_wait3A_404 = tpu.memref_slice %arg7[%add3A_353, %dma_wait3A_403] : memref<10000x128xf32, #tpu.memory_space<vmem_shared>> -> memref<40x128xf32, #tpu.memory_space<vmem_shared>>
        %dma_wait3A_405 = arith.constant 0 : i32
        %dma_wait3A_406 = arith.constant 0 : i32
        %dma_wait3A_407 = tpu.memref_slice %arg6[%run_scoped3A_354, %dma_wait3A_405, %dma_wait3A_406] : memref<3x80x128xf32, #tpu.memory_space<vmem>> -> memref<1x40x128xf32, #tpu.memory_space<vmem>>
        %dma_wait3A_408 = tpu.memref_squeeze %dma_wait3A_407 : memref<1x40x128xf32, #tpu.memory_space<vmem>> -> memref<40x128xf32, #tpu.memory_space<vmem>>
        tpu.wait_dma2 semaphore(%run_scoped3A_385 : memref<!tpu.dma_semaphore, #tpu.memory_space<semaphore_mem>>) src(%dma_wait3A_408 : memref<40x128xf32, #tpu.memory_space<vmem>>) dst(%dma_wait3A_404 : memref<40x128xf32, #tpu.memory_space<vmem_shared>>)
        tpu.yield
      }) : () -> ()
      %mul3A_355 = arith.constant 1000 : i32
      %mul3A_356 = arith.muli %arg1, %mul3A_355 : i32
      %add3A_357 = arith.constant 760 : i32
      %add3A_358 = arith.addi %mul3A_356, %add3A_357 : i32
      %run_scoped3A_359 = arith.constant 0 : i32
      "tpu.region"() ({
        %run_scoped3A_385 = tpu.sem_alloc : memref<!tpu.dma_semaphore, #tpu.memory_space<semaphore_mem>>
        %dma_start3A = arith.constant 0 : i32
        %dma_start3A_386 = arith.constant 0 : i32
        %dma_start3A_387 = tpu.memref_slice %arg6[%run_scoped3A_359, %dma_start3A, %dma_start3A_386] : memref<3x80x128xf32, #tpu.memory_space<vmem>> -> memref<1x40x128xf32, #tpu.memory_space<vmem>>
        %dma_start3A_388 = tpu.memref_squeeze %dma_start3A_387 : memref<1x40x128xf32, #tpu.memory_space<vmem>> -> memref<40x128xf32, #tpu.memory_space<vmem>>
        %dma_start3A_389 = arith.constant 0 : i32
        %dma_start3A_390 = tpu.memref_slice %arg7[%add3A_358, %dma_start3A_389] : memref<10000x128xf32, #tpu.memory_space<vmem_shared>> -> memref<40x128xf32, #tpu.memory_space<vmem_shared>>
        %dma_start3A_391 = arith.constant 0 : i32
        %dma_start3A_392 = tpu.memref_slice %arg7[%add3A_358, %dma_start3A_391] : memref<10000x128xf32, #tpu.memory_space<vmem_shared>> -> memref<40x128xf32, #tpu.memory_space<vmem_shared>>
        %dma_start3A_393 = arith.constant 0 : i32
        %dma_start3A_394 = arith.constant 0 : i32
        %dma_start3A_395 = tpu.memref_slice %arg6[%run_scoped3A_359, %dma_start3A_393, %dma_start3A_394] : memref<3x80x128xf32, #tpu.memory_space<vmem>> -> memref<1x40x128xf32, #tpu.memory_space<vmem>>
        %dma_start3A_396 = tpu.memref_squeeze %dma_start3A_395 : memref<1x40x128xf32, #tpu.memory_space<vmem>> -> memref<40x128xf32, #tpu.memory_space<vmem>>
        tpu.enqueue_dma source(%dma_start3A_396 : memref<40x128xf32, #tpu.memory_space<vmem>>) target(%dma_start3A_392 : memref<40x128xf32, #tpu.memory_space<vmem_shared>>) target_semaphore(%run_scoped3A_385 : memref<!tpu.dma_semaphore, #tpu.memory_space<semaphore_mem>>)
        %dma_wait3A_397 = arith.constant 0 : i32
        %dma_wait3A_398 = arith.constant 0 : i32
        %dma_wait3A_399 = tpu.memref_slice %arg6[%run_scoped3A_359, %dma_wait3A_397, %dma_wait3A_398] : memref<3x80x128xf32, #tpu.memory_space<vmem>> -> memref<1x40x128xf32, #tpu.memory_space<vmem>>
        %dma_wait3A_400 = tpu.memref_squeeze %dma_wait3A_399 : memref<1x40x128xf32, #tpu.memory_space<vmem>> -> memref<40x128xf32, #tpu.memory_space<vmem>>
        %dma_wait3A_401 = arith.constant 0 : i32
        %dma_wait3A_402 = tpu.memref_slice %arg7[%add3A_358, %dma_wait3A_401] : memref<10000x128xf32, #tpu.memory_space<vmem_shared>> -> memref<40x128xf32, #tpu.memory_space<vmem_shared>>
        %dma_wait3A_403 = arith.constant 0 : i32
        %dma_wait3A_404 = tpu.memref_slice %arg7[%add3A_358, %dma_wait3A_403] : memref<10000x128xf32, #tpu.memory_space<vmem_shared>> -> memref<40x128xf32, #tpu.memory_space<vmem_shared>>
        %dma_wait3A_405 = arith.constant 0 : i32
        %dma_wait3A_406 = arith.constant 0 : i32
        %dma_wait3A_407 = tpu.memref_slice %arg6[%run_scoped3A_359, %dma_wait3A_405, %dma_wait3A_406] : memref<3x80x128xf32, #tpu.memory_space<vmem>> -> memref<1x40x128xf32, #tpu.memory_space<vmem>>
        %dma_wait3A_408 = tpu.memref_squeeze %dma_wait3A_407 : memref<1x40x128xf32, #tpu.memory_space<vmem>> -> memref<40x128xf32, #tpu.memory_space<vmem>>
        tpu.wait_dma2 semaphore(%run_scoped3A_385 : memref<!tpu.dma_semaphore, #tpu.memory_space<semaphore_mem>>) src(%dma_wait3A_408 : memref<40x128xf32, #tpu.memory_space<vmem>>) dst(%dma_wait3A_404 : memref<40x128xf32, #tpu.memory_space<vmem_shared>>)
        tpu.yield
      }) : () -> ()
      %mul3A_360 = arith.constant 1000 : i32
      %mul3A_361 = arith.muli %arg1, %mul3A_360 : i32
      %add3A_362 = arith.constant 800 : i32
      %add3A_363 = arith.addi %mul3A_361, %add3A_362 : i32
      %run_scoped3A_364 = arith.constant 0 : i32
      "tpu.region"() ({
        %run_scoped3A_385 = tpu.sem_alloc : memref<!tpu.dma_semaphore, #tpu.memory_space<semaphore_mem>>
        %dma_start3A = arith.constant 0 : i32
        %dma_start3A_386 = arith.constant 0 : i32
        %dma_start3A_387 = tpu.memref_slice %arg6[%run_scoped3A_364, %dma_start3A, %dma_start3A_386] : memref<3x80x128xf32, #tpu.memory_space<vmem>> -> memref<1x40x128xf32, #tpu.memory_space<vmem>>
        %dma_start3A_388 = tpu.memref_squeeze %dma_start3A_387 : memref<1x40x128xf32, #tpu.memory_space<vmem>> -> memref<40x128xf32, #tpu.memory_space<vmem>>
        %dma_start3A_389 = arith.constant 0 : i32
        %dma_start3A_390 = tpu.memref_slice %arg7[%add3A_363, %dma_start3A_389] : memref<10000x128xf32, #tpu.memory_space<vmem_shared>> -> memref<40x128xf32, #tpu.memory_space<vmem_shared>>
        %dma_start3A_391 = arith.constant 0 : i32
        %dma_start3A_392 = tpu.memref_slice %arg7[%add3A_363, %dma_start3A_391] : memref<10000x128xf32, #tpu.memory_space<vmem_shared>> -> memref<40x128xf32, #tpu.memory_space<vmem_shared>>
        %dma_start3A_393 = arith.constant 0 : i32
        %dma_start3A_394 = arith.constant 0 : i32
        %dma_start3A_395 = tpu.memref_slice %arg6[%run_scoped3A_364, %dma_start3A_393, %dma_start3A_394] : memref<3x80x128xf32, #tpu.memory_space<vmem>> -> memref<1x40x128xf32, #tpu.memory_space<vmem>>
        %dma_start3A_396 = tpu.memref_squeeze %dma_start3A_395 : memref<1x40x128xf32, #tpu.memory_space<vmem>> -> memref<40x128xf32, #tpu.memory_space<vmem>>
        tpu.enqueue_dma source(%dma_start3A_396 : memref<40x128xf32, #tpu.memory_space<vmem>>) target(%dma_start3A_392 : memref<40x128xf32, #tpu.memory_space<vmem_shared>>) target_semaphore(%run_scoped3A_385 : memref<!tpu.dma_semaphore, #tpu.memory_space<semaphore_mem>>)
        %dma_wait3A_397 = arith.constant 0 : i32
        %dma_wait3A_398 = arith.constant 0 : i32
        %dma_wait3A_399 = tpu.memref_slice %arg6[%run_scoped3A_364, %dma_wait3A_397, %dma_wait3A_398] : memref<3x80x128xf32, #tpu.memory_space<vmem>> -> memref<1x40x128xf32, #tpu.memory_space<vmem>>
        %dma_wait3A_400 = tpu.memref_squeeze %dma_wait3A_399 : memref<1x40x128xf32, #tpu.memory_space<vmem>> -> memref<40x128xf32, #tpu.memory_space<vmem>>
        %dma_wait3A_401 = arith.constant 0 : i32
        %dma_wait3A_402 = tpu.memref_slice %arg7[%add3A_363, %dma_wait3A_401] : memref<10000x128xf32, #tpu.memory_space<vmem_shared>> -> memref<40x128xf32, #tpu.memory_space<vmem_shared>>
        %dma_wait3A_403 = arith.constant 0 : i32
        %dma_wait3A_404 = tpu.memref_slice %arg7[%add3A_363, %dma_wait3A_403] : memref<10000x128xf32, #tpu.memory_space<vmem_shared>> -> memref<40x128xf32, #tpu.memory_space<vmem_shared>>
        %dma_wait3A_405 = arith.constant 0 : i32
        %dma_wait3A_406 = arith.constant 0 : i32
        %dma_wait3A_407 = tpu.memref_slice %arg6[%run_scoped3A_364, %dma_wait3A_405, %dma_wait3A_406] : memref<3x80x128xf32, #tpu.memory_space<vmem>> -> memref<1x40x128xf32, #tpu.memory_space<vmem>>
        %dma_wait3A_408 = tpu.memref_squeeze %dma_wait3A_407 : memref<1x40x128xf32, #tpu.memory_space<vmem>> -> memref<40x128xf32, #tpu.memory_space<vmem>>
        tpu.wait_dma2 semaphore(%run_scoped3A_385 : memref<!tpu.dma_semaphore, #tpu.memory_space<semaphore_mem>>) src(%dma_wait3A_408 : memref<40x128xf32, #tpu.memory_space<vmem>>) dst(%dma_wait3A_404 : memref<40x128xf32, #tpu.memory_space<vmem_shared>>)
        tpu.yield
      }) : () -> ()
      %mul3A_365 = arith.constant 1000 : i32
      %mul3A_366 = arith.muli %arg1, %mul3A_365 : i32
      %add3A_367 = arith.constant 840 : i32
      %add3A_368 = arith.addi %mul3A_366, %add3A_367 : i32
      %run_scoped3A_369 = arith.constant 0 : i32
      "tpu.region"() ({
        %run_scoped3A_385 = tpu.sem_alloc : memref<!tpu.dma_semaphore, #tpu.memory_space<semaphore_mem>>
        %dma_start3A = arith.constant 0 : i32
        %dma_start3A_386 = arith.constant 0 : i32
        %dma_start3A_387 = tpu.memref_slice %arg6[%run_scoped3A_369, %dma_start3A, %dma_start3A_386] : memref<3x80x128xf32, #tpu.memory_space<vmem>> -> memref<1x40x128xf32, #tpu.memory_space<vmem>>
        %dma_start3A_388 = tpu.memref_squeeze %dma_start3A_387 : memref<1x40x128xf32, #tpu.memory_space<vmem>> -> memref<40x128xf32, #tpu.memory_space<vmem>>
        %dma_start3A_389 = arith.constant 0 : i32
        %dma_start3A_390 = tpu.memref_slice %arg7[%add3A_368, %dma_start3A_389] : memref<10000x128xf32, #tpu.memory_space<vmem_shared>> -> memref<40x128xf32, #tpu.memory_space<vmem_shared>>
        %dma_start3A_391 = arith.constant 0 : i32
        %dma_start3A_392 = tpu.memref_slice %arg7[%add3A_368, %dma_start3A_391] : memref<10000x128xf32, #tpu.memory_space<vmem_shared>> -> memref<40x128xf32, #tpu.memory_space<vmem_shared>>
        %dma_start3A_393 = arith.constant 0 : i32
        %dma_start3A_394 = arith.constant 0 : i32
        %dma_start3A_395 = tpu.memref_slice %arg6[%run_scoped3A_369, %dma_start3A_393, %dma_start3A_394] : memref<3x80x128xf32, #tpu.memory_space<vmem>> -> memref<1x40x128xf32, #tpu.memory_space<vmem>>
        %dma_start3A_396 = tpu.memref_squeeze %dma_start3A_395 : memref<1x40x128xf32, #tpu.memory_space<vmem>> -> memref<40x128xf32, #tpu.memory_space<vmem>>
        tpu.enqueue_dma source(%dma_start3A_396 : memref<40x128xf32, #tpu.memory_space<vmem>>) target(%dma_start3A_392 : memref<40x128xf32, #tpu.memory_space<vmem_shared>>) target_semaphore(%run_scoped3A_385 : memref<!tpu.dma_semaphore, #tpu.memory_space<semaphore_mem>>)
        %dma_wait3A_397 = arith.constant 0 : i32
        %dma_wait3A_398 = arith.constant 0 : i32
        %dma_wait3A_399 = tpu.memref_slice %arg6[%run_scoped3A_369, %dma_wait3A_397, %dma_wait3A_398] : memref<3x80x128xf32, #tpu.memory_space<vmem>> -> memref<1x40x128xf32, #tpu.memory_space<vmem>>
        %dma_wait3A_400 = tpu.memref_squeeze %dma_wait3A_399 : memref<1x40x128xf32, #tpu.memory_space<vmem>> -> memref<40x128xf32, #tpu.memory_space<vmem>>
        %dma_wait3A_401 = arith.constant 0 : i32
        %dma_wait3A_402 = tpu.memref_slice %arg7[%add3A_368, %dma_wait3A_401] : memref<10000x128xf32, #tpu.memory_space<vmem_shared>> -> memref<40x128xf32, #tpu.memory_space<vmem_shared>>
        %dma_wait3A_403 = arith.constant 0 : i32
        %dma_wait3A_404 = tpu.memref_slice %arg7[%add3A_368, %dma_wait3A_403] : memref<10000x128xf32, #tpu.memory_space<vmem_shared>> -> memref<40x128xf32, #tpu.memory_space<vmem_shared>>
        %dma_wait3A_405 = arith.constant 0 : i32
        %dma_wait3A_406 = arith.constant 0 : i32
        %dma_wait3A_407 = tpu.memref_slice %arg6[%run_scoped3A_369, %dma_wait3A_405, %dma_wait3A_406] : memref<3x80x128xf32, #tpu.memory_space<vmem>> -> memref<1x40x128xf32, #tpu.memory_space<vmem>>
        %dma_wait3A_408 = tpu.memref_squeeze %dma_wait3A_407 : memref<1x40x128xf32, #tpu.memory_space<vmem>> -> memref<40x128xf32, #tpu.memory_space<vmem>>
        tpu.wait_dma2 semaphore(%run_scoped3A_385 : memref<!tpu.dma_semaphore, #tpu.memory_space<semaphore_mem>>) src(%dma_wait3A_408 : memref<40x128xf32, #tpu.memory_space<vmem>>) dst(%dma_wait3A_404 : memref<40x128xf32, #tpu.memory_space<vmem_shared>>)
        tpu.yield
      }) : () -> ()
      %mul3A_370 = arith.constant 1000 : i32
      %mul3A_371 = arith.muli %arg1, %mul3A_370 : i32
      %add3A_372 = arith.constant 880 : i32
      %add3A_373 = arith.addi %mul3A_371, %add3A_372 : i32
      %run_scoped3A_374 = arith.constant 0 : i32
      "tpu.region"() ({
        %run_scoped3A_385 = tpu.sem_alloc : memref<!tpu.dma_semaphore, #tpu.memory_space<semaphore_mem>>
        %dma_start3A = arith.constant 0 : i32
        %dma_start3A_386 = arith.constant 0 : i32
        %dma_start3A_387 = tpu.memref_slice %arg6[%run_scoped3A_374, %dma_start3A, %dma_start3A_386] : memref<3x80x128xf32, #tpu.memory_space<vmem>> -> memref<1x40x128xf32, #tpu.memory_space<vmem>>
        %dma_start3A_388 = tpu.memref_squeeze %dma_start3A_387 : memref<1x40x128xf32, #tpu.memory_space<vmem>> -> memref<40x128xf32, #tpu.memory_space<vmem>>
        %dma_start3A_389 = arith.constant 0 : i32
        %dma_start3A_390 = tpu.memref_slice %arg7[%add3A_373, %dma_start3A_389] : memref<10000x128xf32, #tpu.memory_space<vmem_shared>> -> memref<40x128xf32, #tpu.memory_space<vmem_shared>>
        %dma_start3A_391 = arith.constant 0 : i32
        %dma_start3A_392 = tpu.memref_slice %arg7[%add3A_373, %dma_start3A_391] : memref<10000x128xf32, #tpu.memory_space<vmem_shared>> -> memref<40x128xf32, #tpu.memory_space<vmem_shared>>
        %dma_start3A_393 = arith.constant 0 : i32
        %dma_start3A_394 = arith.constant 0 : i32
        %dma_start3A_395 = tpu.memref_slice %arg6[%run_scoped3A_374, %dma_start3A_393, %dma_start3A_394] : memref<3x80x128xf32, #tpu.memory_space<vmem>> -> memref<1x40x128xf32, #tpu.memory_space<vmem>>
        %dma_start3A_396 = tpu.memref_squeeze %dma_start3A_395 : memref<1x40x128xf32, #tpu.memory_space<vmem>> -> memref<40x128xf32, #tpu.memory_space<vmem>>
        tpu.enqueue_dma source(%dma_start3A_396 : memref<40x128xf32, #tpu.memory_space<vmem>>) target(%dma_start3A_392 : memref<40x128xf32, #tpu.memory_space<vmem_shared>>) target_semaphore(%run_scoped3A_385 : memref<!tpu.dma_semaphore, #tpu.memory_space<semaphore_mem>>)
        %dma_wait3A_397 = arith.constant 0 : i32
        %dma_wait3A_398 = arith.constant 0 : i32
        %dma_wait3A_399 = tpu.memref_slice %arg6[%run_scoped3A_374, %dma_wait3A_397, %dma_wait3A_398] : memref<3x80x128xf32, #tpu.memory_space<vmem>> -> memref<1x40x128xf32, #tpu.memory_space<vmem>>
        %dma_wait3A_400 = tpu.memref_squeeze %dma_wait3A_399 : memref<1x40x128xf32, #tpu.memory_space<vmem>> -> memref<40x128xf32, #tpu.memory_space<vmem>>
        %dma_wait3A_401 = arith.constant 0 : i32
        %dma_wait3A_402 = tpu.memref_slice %arg7[%add3A_373, %dma_wait3A_401] : memref<10000x128xf32, #tpu.memory_space<vmem_shared>> -> memref<40x128xf32, #tpu.memory_space<vmem_shared>>
        %dma_wait3A_403 = arith.constant 0 : i32
        %dma_wait3A_404 = tpu.memref_slice %arg7[%add3A_373, %dma_wait3A_403] : memref<10000x128xf32, #tpu.memory_space<vmem_shared>> -> memref<40x128xf32, #tpu.memory_space<vmem_shared>>
        %dma_wait3A_405 = arith.constant 0 : i32
        %dma_wait3A_406 = arith.constant 0 : i32
        %dma_wait3A_407 = tpu.memref_slice %arg6[%run_scoped3A_374, %dma_wait3A_405, %dma_wait3A_406] : memref<3x80x128xf32, #tpu.memory_space<vmem>> -> memref<1x40x128xf32, #tpu.memory_space<vmem>>
        %dma_wait3A_408 = tpu.memref_squeeze %dma_wait3A_407 : memref<1x40x128xf32, #tpu.memory_space<vmem>> -> memref<40x128xf32, #tpu.memory_space<vmem>>
        tpu.wait_dma2 semaphore(%run_scoped3A_385 : memref<!tpu.dma_semaphore, #tpu.memory_space<semaphore_mem>>) src(%dma_wait3A_408 : memref<40x128xf32, #tpu.memory_space<vmem>>) dst(%dma_wait3A_404 : memref<40x128xf32, #tpu.memory_space<vmem_shared>>)
        tpu.yield
      }) : () -> ()
      %mul3A_375 = arith.constant 1000 : i32
      %mul3A_376 = arith.muli %arg1, %mul3A_375 : i32
      %add3A_377 = arith.constant 920 : i32
      %add3A_378 = arith.addi %mul3A_376, %add3A_377 : i32
      %run_scoped3A_379 = arith.constant 0 : i32
      "tpu.region"() ({
        %run_scoped3A_385 = tpu.sem_alloc : memref<!tpu.dma_semaphore, #tpu.memory_space<semaphore_mem>>
        %dma_start3A = arith.constant 0 : i32
        %dma_start3A_386 = arith.constant 0 : i32
        %dma_start3A_387 = tpu.memref_slice %arg6[%run_scoped3A_379, %dma_start3A, %dma_start3A_386] : memref<3x80x128xf32, #tpu.memory_space<vmem>> -> memref<1x40x128xf32, #tpu.memory_space<vmem>>
        %dma_start3A_388 = tpu.memref_squeeze %dma_start3A_387 : memref<1x40x128xf32, #tpu.memory_space<vmem>> -> memref<40x128xf32, #tpu.memory_space<vmem>>
        %dma_start3A_389 = arith.constant 0 : i32
        %dma_start3A_390 = tpu.memref_slice %arg7[%add3A_378, %dma_start3A_389] : memref<10000x128xf32, #tpu.memory_space<vmem_shared>> -> memref<40x128xf32, #tpu.memory_space<vmem_shared>>
        %dma_start3A_391 = arith.constant 0 : i32
        %dma_start3A_392 = tpu.memref_slice %arg7[%add3A_378, %dma_start3A_391] : memref<10000x128xf32, #tpu.memory_space<vmem_shared>> -> memref<40x128xf32, #tpu.memory_space<vmem_shared>>
        %dma_start3A_393 = arith.constant 0 : i32
        %dma_start3A_394 = arith.constant 0 : i32
        %dma_start3A_395 = tpu.memref_slice %arg6[%run_scoped3A_379, %dma_start3A_393, %dma_start3A_394] : memref<3x80x128xf32, #tpu.memory_space<vmem>> -> memref<1x40x128xf32, #tpu.memory_space<vmem>>
        %dma_start3A_396 = tpu.memref_squeeze %dma_start3A_395 : memref<1x40x128xf32, #tpu.memory_space<vmem>> -> memref<40x128xf32, #tpu.memory_space<vmem>>
        tpu.enqueue_dma source(%dma_start3A_396 : memref<40x128xf32, #tpu.memory_space<vmem>>) target(%dma_start3A_392 : memref<40x128xf32, #tpu.memory_space<vmem_shared>>) target_semaphore(%run_scoped3A_385 : memref<!tpu.dma_semaphore, #tpu.memory_space<semaphore_mem>>)
        %dma_wait3A_397 = arith.constant 0 : i32
        %dma_wait3A_398 = arith.constant 0 : i32
        %dma_wait3A_399 = tpu.memref_slice %arg6[%run_scoped3A_379, %dma_wait3A_397, %dma_wait3A_398] : memref<3x80x128xf32, #tpu.memory_space<vmem>> -> memref<1x40x128xf32, #tpu.memory_space<vmem>>
        %dma_wait3A_400 = tpu.memref_squeeze %dma_wait3A_399 : memref<1x40x128xf32, #tpu.memory_space<vmem>> -> memref<40x128xf32, #tpu.memory_space<vmem>>
        %dma_wait3A_401 = arith.constant 0 : i32
        %dma_wait3A_402 = tpu.memref_slice %arg7[%add3A_378, %dma_wait3A_401] : memref<10000x128xf32, #tpu.memory_space<vmem_shared>> -> memref<40x128xf32, #tpu.memory_space<vmem_shared>>
        %dma_wait3A_403 = arith.constant 0 : i32
        %dma_wait3A_404 = tpu.memref_slice %arg7[%add3A_378, %dma_wait3A_403] : memref<10000x128xf32, #tpu.memory_space<vmem_shared>> -> memref<40x128xf32, #tpu.memory_space<vmem_shared>>
        %dma_wait3A_405 = arith.constant 0 : i32
        %dma_wait3A_406 = arith.constant 0 : i32
        %dma_wait3A_407 = tpu.memref_slice %arg6[%run_scoped3A_379, %dma_wait3A_405, %dma_wait3A_406] : memref<3x80x128xf32, #tpu.memory_space<vmem>> -> memref<1x40x128xf32, #tpu.memory_space<vmem>>
        %dma_wait3A_408 = tpu.memref_squeeze %dma_wait3A_407 : memref<1x40x128xf32, #tpu.memory_space<vmem>> -> memref<40x128xf32, #tpu.memory_space<vmem>>
        tpu.wait_dma2 semaphore(%run_scoped3A_385 : memref<!tpu.dma_semaphore, #tpu.memory_space<semaphore_mem>>) src(%dma_wait3A_408 : memref<40x128xf32, #tpu.memory_space<vmem>>) dst(%dma_wait3A_404 : memref<40x128xf32, #tpu.memory_space<vmem_shared>>)
        tpu.yield
      }) : () -> ()
      %mul3A_380 = arith.constant 1000 : i32
      %mul3A_381 = arith.muli %arg1, %mul3A_380 : i32
      %add3A_382 = arith.constant 960 : i32
      %add3A_383 = arith.addi %mul3A_381, %add3A_382 : i32
      %run_scoped3A_384 = arith.constant 0 : i32
      "tpu.region"() ({
        %run_scoped3A_385 = tpu.sem_alloc : memref<!tpu.dma_semaphore, #tpu.memory_space<semaphore_mem>>
        %dma_start3A = arith.constant 0 : i32
        %dma_start3A_386 = arith.constant 0 : i32
        %dma_start3A_387 = tpu.memref_slice %arg6[%run_scoped3A_384, %dma_start3A, %dma_start3A_386] : memref<3x80x128xf32, #tpu.memory_space<vmem>> -> memref<1x40x128xf32, #tpu.memory_space<vmem>>
        %dma_start3A_388 = tpu.memref_squeeze %dma_start3A_387 : memref<1x40x128xf32, #tpu.memory_space<vmem>> -> memref<40x128xf32, #tpu.memory_space<vmem>>
        %dma_start3A_389 = arith.constant 0 : i32
        %dma_start3A_390 = tpu.memref_slice %arg7[%add3A_383, %dma_start3A_389] : memref<10000x128xf32, #tpu.memory_space<vmem_shared>> -> memref<40x128xf32, #tpu.memory_space<vmem_shared>>
        %dma_start3A_391 = arith.constant 0 : i32
        %dma_start3A_392 = tpu.memref_slice %arg7[%add3A_383, %dma_start3A_391] : memref<10000x128xf32, #tpu.memory_space<vmem_shared>> -> memref<40x128xf32, #tpu.memory_space<vmem_shared>>
        %dma_start3A_393 = arith.constant 0 : i32
        %dma_start3A_394 = arith.constant 0 : i32
        %dma_start3A_395 = tpu.memref_slice %arg6[%run_scoped3A_384, %dma_start3A_393, %dma_start3A_394] : memref<3x80x128xf32, #tpu.memory_space<vmem>> -> memref<1x40x128xf32, #tpu.memory_space<vmem>>
        %dma_start3A_396 = tpu.memref_squeeze %dma_start3A_395 : memref<1x40x128xf32, #tpu.memory_space<vmem>> -> memref<40x128xf32, #tpu.memory_space<vmem>>
        tpu.enqueue_dma source(%dma_start3A_396 : memref<40x128xf32, #tpu.memory_space<vmem>>) target(%dma_start3A_392 : memref<40x128xf32, #tpu.memory_space<vmem_shared>>) target_semaphore(%run_scoped3A_385 : memref<!tpu.dma_semaphore, #tpu.memory_space<semaphore_mem>>)
        %dma_wait3A_397 = arith.constant 0 : i32
        %dma_wait3A_398 = arith.constant 0 : i32
        %dma_wait3A_399 = tpu.memref_slice %arg6[%run_scoped3A_384, %dma_wait3A_397, %dma_wait3A_398] : memref<3x80x128xf32, #tpu.memory_space<vmem>> -> memref<1x40x128xf32, #tpu.memory_space<vmem>>
        %dma_wait3A_400 = tpu.memref_squeeze %dma_wait3A_399 : memref<1x40x128xf32, #tpu.memory_space<vmem>> -> memref<40x128xf32, #tpu.memory_space<vmem>>
        %dma_wait3A_401 = arith.constant 0 : i32
        %dma_wait3A_402 = tpu.memref_slice %arg7[%add3A_383, %dma_wait3A_401] : memref<10000x128xf32, #tpu.memory_space<vmem_shared>> -> memref<40x128xf32, #tpu.memory_space<vmem_shared>>
        %dma_wait3A_403 = arith.constant 0 : i32
        %dma_wait3A_404 = tpu.memref_slice %arg7[%add3A_383, %dma_wait3A_403] : memref<10000x128xf32, #tpu.memory_space<vmem_shared>> -> memref<40x128xf32, #tpu.memory_space<vmem_shared>>
        %dma_wait3A_405 = arith.constant 0 : i32
        %dma_wait3A_406 = arith.constant 0 : i32
        %dma_wait3A_407 = tpu.memref_slice %arg6[%run_scoped3A_384, %dma_wait3A_405, %dma_wait3A_406] : memref<3x80x128xf32, #tpu.memory_space<vmem>> -> memref<1x40x128xf32, #tpu.memory_space<vmem>>
        %dma_wait3A_408 = tpu.memref_squeeze %dma_wait3A_407 : memref<1x40x128xf32, #tpu.memory_space<vmem>> -> memref<40x128xf32, #tpu.memory_space<vmem>>
        tpu.wait_dma2 semaphore(%run_scoped3A_385 : memref<!tpu.dma_semaphore, #tpu.memory_space<semaphore_mem>>) src(%dma_wait3A_408 : memref<40x128xf32, #tpu.memory_space<vmem>>) dst(%dma_wait3A_404 : memref<40x128xf32, #tpu.memory_space<vmem_shared>>)
        tpu.yield
      }) : () -> ()
    } else {
    }
    %barrier3A = arith.constant 0 : index
    tpu.barrier barrier_id(%barrier3A)
    %scan3A_10 = arith.constant 0 : i32
    %scan3A_11 = arith.constant 0 : i32
    %scan3A_12 = arith.constant 41 : i32
    %scan3A_13 = arith.addi %scan3A_11, %scan3A_12 : i32
    %scan3A_14 = arith.constant 1 : i32
    scf.for %scan3A_260 = %scan3A_11 to %scan3A_13 step %scan3A_14  : i32 {
      %gt3A = arith.constant 0 : i32
      %gt3A_261 = arith.cmpi sgt, %scan3A_260, %gt3A : i32
      %convert_element_type3A_262 = arith.extui %gt3A_261 : i1 to i32
      %cond3A_263 = arith.constant 0 : i32
      %cond3A_264 = arith.cmpi ne, %convert_element_type3A_262, %cond3A_263 : i32
      scf.if %cond3A_264 {
        %dma_wait3A_590 = arith.constant 0 : i32
        %dma_wait3A_591 = arith.constant 0 : i32
        %dma_wait3A_592 = arith.constant 0 : i32
        %dma_wait3A_593 = tpu.memref_slice %arg6[%dma_wait3A_590, %dma_wait3A_591, %dma_wait3A_592] : memref<3x80x128xf32, #tpu.memory_space<vmem>> -> memref<1x16x128xf32, #tpu.memory_space<vmem>>
        %dma_wait3A_594 = tpu.memref_squeeze %dma_wait3A_593 : memref<1x16x128xf32, #tpu.memory_space<vmem>> -> memref<16x128xf32, #tpu.memory_space<vmem>>
        %dma_wait3A_595 = arith.constant 0 : i32
        %dma_wait3A_596 = tpu.memref_slice %arg2[%mul3A_2, %dma_wait3A_595] : memref<320000x128xf32, #tpu.memory_space<hbm>> -> memref<16x128xf32, #tpu.memory_space<hbm>>
        %dma_wait3A_597 = arith.constant 0 : i32
        %dma_wait3A_598 = arith.constant 0 : i32
        %dma_wait3A_599 = tpu.memref_slice %arg6[%dma_wait3A_590, %dma_wait3A_597, %dma_wait3A_598] : memref<3x80x128xf32, #tpu.memory_space<vmem>> -> memref<1x16x128xf32, #tpu.memory_space<vmem>>
        %dma_wait3A_600 = tpu.memref_squeeze %dma_wait3A_599 : memref<1x16x128xf32, #tpu.memory_space<vmem>> -> memref<16x128xf32, #tpu.memory_space<vmem>>
        %dma_wait3A_601 = arith.constant 0 : i32
        %dma_wait3A_602 = tpu.memref_slice %arg2[%mul3A_2, %dma_wait3A_601] : memref<320000x128xf32, #tpu.memory_space<hbm>> -> memref<16x128xf32, #tpu.memory_space<hbm>>
        tpu.wait_dma2 semaphore(%arg11 : memref<!tpu.dma_semaphore, #tpu.memory_space<semaphore_mem>>) src(%dma_wait3A_602 : memref<16x128xf32, #tpu.memory_space<hbm>>) dst(%dma_wait3A_600 : memref<16x128xf32, #tpu.memory_space<vmem>>)
        %dma_wait3A_603 = arith.constant 0 : i32
        %dma_wait3A_604 = arith.constant 0 : i32
        %dma_wait3A_605 = arith.constant 0 : i32
        %dma_wait3A_606 = tpu.memref_slice %arg6[%dma_wait3A_603, %dma_wait3A_604, %dma_wait3A_605] : memref<3x80x128xf32, #tpu.memory_space<vmem>> -> memref<1x16x128xf32, #tpu.memory_space<vmem>>
        %dma_wait3A_607 = tpu.memref_squeeze %dma_wait3A_606 : memref<1x16x128xf32, #tpu.memory_space<vmem>> -> memref<16x128xf32, #tpu.memory_space<vmem>>
        %dma_wait3A_608 = arith.constant 0 : i32
        %dma_wait3A_609 = tpu.memref_slice %arg2[%mul3A_2, %dma_wait3A_608] : memref<320000x128xf32, #tpu.memory_space<hbm>> -> memref<16x128xf32, #tpu.memory_space<hbm>>
        %dma_wait3A_610 = arith.constant 0 : i32
        %dma_wait3A_611 = arith.constant 0 : i32
        %dma_wait3A_612 = tpu.memref_slice %arg6[%dma_wait3A_603, %dma_wait3A_610, %dma_wait3A_611] : memref<3x80x128xf32, #tpu.memory_space<vmem>> -> memref<1x16x128xf32, #tpu.memory_space<vmem>>
        %dma_wait3A_613 = tpu.memref_squeeze %dma_wait3A_612 : memref<1x16x128xf32, #tpu.memory_space<vmem>> -> memref<16x128xf32, #tpu.memory_space<vmem>>
        %dma_wait3A_614 = arith.constant 0 : i32
        %dma_wait3A_615 = tpu.memref_slice %arg2[%mul3A_2, %dma_wait3A_614] : memref<320000x128xf32, #tpu.memory_space<hbm>> -> memref<16x128xf32, #tpu.memory_space<hbm>>
        tpu.wait_dma2 semaphore(%arg11 : memref<!tpu.dma_semaphore, #tpu.memory_space<semaphore_mem>>) src(%dma_wait3A_615 : memref<16x128xf32, #tpu.memory_space<hbm>>) dst(%dma_wait3A_613 : memref<16x128xf32, #tpu.memory_space<vmem>>)
        %dma_wait3A_616 = arith.constant 0 : i32
        %dma_wait3A_617 = arith.constant 0 : i32
        %dma_wait3A_618 = arith.constant 0 : i32
        %dma_wait3A_619 = tpu.memref_slice %arg6[%dma_wait3A_616, %dma_wait3A_617, %dma_wait3A_618] : memref<3x80x128xf32, #tpu.memory_space<vmem>> -> memref<1x16x128xf32, #tpu.memory_space<vmem>>
        %dma_wait3A_620 = tpu.memref_squeeze %dma_wait3A_619 : memref<1x16x128xf32, #tpu.memory_space<vmem>> -> memref<16x128xf32, #tpu.memory_space<vmem>>
        %dma_wait3A_621 = arith.constant 0 : i32
        %dma_wait3A_622 = tpu.memref_slice %arg2[%mul3A_2, %dma_wait3A_621] : memref<320000x128xf32, #tpu.memory_space<hbm>> -> memref<16x128xf32, #tpu.memory_space<hbm>>
        %dma_wait3A_623 = arith.constant 0 : i32
        %dma_wait3A_624 = arith.constant 0 : i32
        %dma_wait3A_625 = tpu.memref_slice %arg6[%dma_wait3A_616, %dma_wait3A_623, %dma_wait3A_624] : memref<3x80x128xf32, #tpu.memory_space<vmem>> -> memref<1x16x128xf32, #tpu.memory_space<vmem>>
        %dma_wait3A_626 = tpu.memref_squeeze %dma_wait3A_625 : memref<1x16x128xf32, #tpu.memory_space<vmem>> -> memref<16x128xf32, #tpu.memory_space<vmem>>
        %dma_wait3A_627 = arith.constant 0 : i32
        %dma_wait3A_628 = tpu.memref_slice %arg2[%mul3A_2, %dma_wait3A_627] : memref<320000x128xf32, #tpu.memory_space<hbm>> -> memref<16x128xf32, #tpu.memory_space<hbm>>
        tpu.wait_dma2 semaphore(%arg11 : memref<!tpu.dma_semaphore, #tpu.memory_space<semaphore_mem>>) src(%dma_wait3A_628 : memref<16x128xf32, #tpu.memory_space<hbm>>) dst(%dma_wait3A_626 : memref<16x128xf32, #tpu.memory_space<vmem>>)
        %dma_wait3A_629 = arith.constant 0 : i32
        %dma_wait3A_630 = arith.constant 0 : i32
        %dma_wait3A_631 = arith.constant 0 : i32
        %dma_wait3A_632 = tpu.memref_slice %arg6[%dma_wait3A_629, %dma_wait3A_630, %dma_wait3A_631] : memref<3x80x128xf32, #tpu.memory_space<vmem>> -> memref<1x16x128xf32, #tpu.memory_space<vmem>>
        %dma_wait3A_633 = tpu.memref_squeeze %dma_wait3A_632 : memref<1x16x128xf32, #tpu.memory_space<vmem>> -> memref<16x128xf32, #tpu.memory_space<vmem>>
        %dma_wait3A_634 = arith.constant 0 : i32
        %dma_wait3A_635 = tpu.memref_slice %arg2[%mul3A_2, %dma_wait3A_634] : memref<320000x128xf32, #tpu.memory_space<hbm>> -> memref<16x128xf32, #tpu.memory_space<hbm>>
        %dma_wait3A_636 = arith.constant 0 : i32
        %dma_wait3A_637 = arith.constant 0 : i32
        %dma_wait3A_638 = tpu.memref_slice %arg6[%dma_wait3A_629, %dma_wait3A_636, %dma_wait3A_637] : memref<3x80x128xf32, #tpu.memory_space<vmem>> -> memref<1x16x128xf32, #tpu.memory_space<vmem>>
        %dma_wait3A_639 = tpu.memref_squeeze %dma_wait3A_638 : memref<1x16x128xf32, #tpu.memory_space<vmem>> -> memref<16x128xf32, #tpu.memory_space<vmem>>
        %dma_wait3A_640 = arith.constant 0 : i32
        %dma_wait3A_641 = tpu.memref_slice %arg2[%mul3A_2, %dma_wait3A_640] : memref<320000x128xf32, #tpu.memory_space<hbm>> -> memref<16x128xf32, #tpu.memory_space<hbm>>
        tpu.wait_dma2 semaphore(%arg11 : memref<!tpu.dma_semaphore, #tpu.memory_space<semaphore_mem>>) src(%dma_wait3A_641 : memref<16x128xf32, #tpu.memory_space<hbm>>) dst(%dma_wait3A_639 : memref<16x128xf32, #tpu.memory_space<vmem>>)
        %dma_wait3A_642 = arith.constant 0 : i32
        %dma_wait3A_643 = arith.constant 0 : i32
        %dma_wait3A_644 = arith.constant 0 : i32
        %dma_wait3A_645 = tpu.memref_slice %arg6[%dma_wait3A_642, %dma_wait3A_643, %dma_wait3A_644] : memref<3x80x128xf32, #tpu.memory_space<vmem>> -> memref<1x16x128xf32, #tpu.memory_space<vmem>>
        %dma_wait3A_646 = tpu.memref_squeeze %dma_wait3A_645 : memref<1x16x128xf32, #tpu.memory_space<vmem>> -> memref<16x128xf32, #tpu.memory_space<vmem>>
        %dma_wait3A_647 = arith.constant 0 : i32
        %dma_wait3A_648 = tpu.memref_slice %arg2[%mul3A_2, %dma_wait3A_647] : memref<320000x128xf32, #tpu.memory_space<hbm>> -> memref<16x128xf32, #tpu.memory_space<hbm>>
        %dma_wait3A_649 = arith.constant 0 : i32
        %dma_wait3A_650 = arith.constant 0 : i32
        %dma_wait3A_651 = tpu.memref_slice %arg6[%dma_wait3A_642, %dma_wait3A_649, %dma_wait3A_650] : memref<3x80x128xf32, #tpu.memory_space<vmem>> -> memref<1x16x128xf32, #tpu.memory_space<vmem>>
        %dma_wait3A_652 = tpu.memref_squeeze %dma_wait3A_651 : memref<1x16x128xf32, #tpu.memory_space<vmem>> -> memref<16x128xf32, #tpu.memory_space<vmem>>
        %dma_wait3A_653 = arith.constant 0 : i32
        %dma_wait3A_654 = tpu.memref_slice %arg2[%mul3A_2, %dma_wait3A_653] : memref<320000x128xf32, #tpu.memory_space<hbm>> -> memref<16x128xf32, #tpu.memory_space<hbm>>
        tpu.wait_dma2 semaphore(%arg11 : memref<!tpu.dma_semaphore, #tpu.memory_space<semaphore_mem>>) src(%dma_wait3A_654 : memref<16x128xf32, #tpu.memory_space<hbm>>) dst(%dma_wait3A_652 : memref<16x128xf32, #tpu.memory_space<vmem>>)
        %dma_wait3A_655 = arith.constant 0 : i32
        %dma_wait3A_656 = arith.constant 0 : i32
        %dma_wait3A_657 = arith.constant 0 : i32
        %dma_wait3A_658 = tpu.memref_slice %arg6[%dma_wait3A_655, %dma_wait3A_656, %dma_wait3A_657] : memref<3x80x128xf32, #tpu.memory_space<vmem>> -> memref<1x16x128xf32, #tpu.memory_space<vmem>>
        %dma_wait3A_659 = tpu.memref_squeeze %dma_wait3A_658 : memref<1x16x128xf32, #tpu.memory_space<vmem>> -> memref<16x128xf32, #tpu.memory_space<vmem>>
        %dma_wait3A_660 = arith.constant 0 : i32
        %dma_wait3A_661 = tpu.memref_slice %arg2[%mul3A_2, %dma_wait3A_660] : memref<320000x128xf32, #tpu.memory_space<hbm>> -> memref<16x128xf32, #tpu.memory_space<hbm>>
        %dma_wait3A_662 = arith.constant 0 : i32
        %dma_wait3A_663 = arith.constant 0 : i32
        %dma_wait3A_664 = tpu.memref_slice %arg6[%dma_wait3A_655, %dma_wait3A_662, %dma_wait3A_663] : memref<3x80x128xf32, #tpu.memory_space<vmem>> -> memref<1x16x128xf32, #tpu.memory_space<vmem>>
        %dma_wait3A_665 = tpu.memref_squeeze %dma_wait3A_664 : memref<1x16x128xf32, #tpu.memory_space<vmem>> -> memref<16x128xf32, #tpu.memory_space<vmem>>
        %dma_wait3A_666 = arith.constant 0 : i32
        %dma_wait3A_667 = tpu.memref_slice %arg2[%mul3A_2, %dma_wait3A_666] : memref<320000x128xf32, #tpu.memory_space<hbm>> -> memref<16x128xf32, #tpu.memory_space<hbm>>
        tpu.wait_dma2 semaphore(%arg11 : memref<!tpu.dma_semaphore, #tpu.memory_space<semaphore_mem>>) src(%dma_wait3A_667 : memref<16x128xf32, #tpu.memory_space<hbm>>) dst(%dma_wait3A_665 : memref<16x128xf32, #tpu.memory_space<vmem>>)
        %dma_wait3A_668 = arith.constant 0 : i32
        %dma_wait3A_669 = arith.constant 0 : i32
        %dma_wait3A_670 = arith.constant 0 : i32
        %dma_wait3A_671 = tpu.memref_slice %arg6[%dma_wait3A_668, %dma_wait3A_669, %dma_wait3A_670] : memref<3x80x128xf32, #tpu.memory_space<vmem>> -> memref<1x16x128xf32, #tpu.memory_space<vmem>>
        %dma_wait3A_672 = tpu.memref_squeeze %dma_wait3A_671 : memref<1x16x128xf32, #tpu.memory_space<vmem>> -> memref<16x128xf32, #tpu.memory_space<vmem>>
        %dma_wait3A_673 = arith.constant 0 : i32
        %dma_wait3A_674 = tpu.memref_slice %arg2[%mul3A_2, %dma_wait3A_673] : memref<320000x128xf32, #tpu.memory_space<hbm>> -> memref<16x128xf32, #tpu.memory_space<hbm>>
        %dma_wait3A_675 = arith.constant 0 : i32
        %dma_wait3A_676 = arith.constant 0 : i32
        %dma_wait3A_677 = tpu.memref_slice %arg6[%dma_wait3A_668, %dma_wait3A_675, %dma_wait3A_676] : memref<3x80x128xf32, #tpu.memory_space<vmem>> -> memref<1x16x128xf32, #tpu.memory_space<vmem>>
        %dma_wait3A_678 = tpu.memref_squeeze %dma_wait3A_677 : memref<1x16x128xf32, #tpu.memory_space<vmem>> -> memref<16x128xf32, #tpu.memory_space<vmem>>
        %dma_wait3A_679 = arith.constant 0 : i32
        %dma_wait3A_680 = tpu.memref_slice %arg2[%mul3A_2, %dma_wait3A_679] : memref<320000x128xf32, #tpu.memory_space<hbm>> -> memref<16x128xf32, #tpu.memory_space<hbm>>
        tpu.wait_dma2 semaphore(%arg11 : memref<!tpu.dma_semaphore, #tpu.memory_space<semaphore_mem>>) src(%dma_wait3A_680 : memref<16x128xf32, #tpu.memory_space<hbm>>) dst(%dma_wait3A_678 : memref<16x128xf32, #tpu.memory_space<vmem>>)
        %dma_wait3A_681 = arith.constant 0 : i32
        %dma_wait3A_682 = arith.constant 0 : i32
        %dma_wait3A_683 = arith.constant 0 : i32
        %dma_wait3A_684 = tpu.memref_slice %arg6[%dma_wait3A_681, %dma_wait3A_682, %dma_wait3A_683] : memref<3x80x128xf32, #tpu.memory_space<vmem>> -> memref<1x16x128xf32, #tpu.memory_space<vmem>>
        %dma_wait3A_685 = tpu.memref_squeeze %dma_wait3A_684 : memref<1x16x128xf32, #tpu.memory_space<vmem>> -> memref<16x128xf32, #tpu.memory_space<vmem>>
        %dma_wait3A_686 = arith.constant 0 : i32
        %dma_wait3A_687 = tpu.memref_slice %arg2[%mul3A_2, %dma_wait3A_686] : memref<320000x128xf32, #tpu.memory_space<hbm>> -> memref<16x128xf32, #tpu.memory_space<hbm>>
        %dma_wait3A_688 = arith.constant 0 : i32
        %dma_wait3A_689 = arith.constant 0 : i32
        %dma_wait3A_690 = tpu.memref_slice %arg6[%dma_wait3A_681, %dma_wait3A_688, %dma_wait3A_689] : memref<3x80x128xf32, #tpu.memory_space<vmem>> -> memref<1x16x128xf32, #tpu.memory_space<vmem>>
        %dma_wait3A_691 = tpu.memref_squeeze %dma_wait3A_690 : memref<1x16x128xf32, #tpu.memory_space<vmem>> -> memref<16x128xf32, #tpu.memory_space<vmem>>
        %dma_wait3A_692 = arith.constant 0 : i32
        %dma_wait3A_693 = tpu.memref_slice %arg2[%mul3A_2, %dma_wait3A_692] : memref<320000x128xf32, #tpu.memory_space<hbm>> -> memref<16x128xf32, #tpu.memory_space<hbm>>
        tpu.wait_dma2 semaphore(%arg11 : memref<!tpu.dma_semaphore, #tpu.memory_space<semaphore_mem>>) src(%dma_wait3A_693 : memref<16x128xf32, #tpu.memory_space<hbm>>) dst(%dma_wait3A_691 : memref<16x128xf32, #tpu.memory_space<vmem>>)
        %dma_wait3A_694 = arith.constant 0 : i32
        %dma_wait3A_695 = arith.constant 0 : i32
        %dma_wait3A_696 = arith.constant 0 : i32
        %dma_wait3A_697 = tpu.memref_slice %arg6[%dma_wait3A_694, %dma_wait3A_695, %dma_wait3A_696] : memref<3x80x128xf32, #tpu.memory_space<vmem>> -> memref<1x16x128xf32, #tpu.memory_space<vmem>>
        %dma_wait3A_698 = tpu.memref_squeeze %dma_wait3A_697 : memref<1x16x128xf32, #tpu.memory_space<vmem>> -> memref<16x128xf32, #tpu.memory_space<vmem>>
        %dma_wait3A_699 = arith.constant 0 : i32
        %dma_wait3A_700 = tpu.memref_slice %arg2[%mul3A_2, %dma_wait3A_699] : memref<320000x128xf32, #tpu.memory_space<hbm>> -> memref<16x128xf32, #tpu.memory_space<hbm>>
        %dma_wait3A_701 = arith.constant 0 : i32
        %dma_wait3A_702 = arith.constant 0 : i32
        %dma_wait3A_703 = tpu.memref_slice %arg6[%dma_wait3A_694, %dma_wait3A_701, %dma_wait3A_702] : memref<3x80x128xf32, #tpu.memory_space<vmem>> -> memref<1x16x128xf32, #tpu.memory_space<vmem>>
        %dma_wait3A_704 = tpu.memref_squeeze %dma_wait3A_703 : memref<1x16x128xf32, #tpu.memory_space<vmem>> -> memref<16x128xf32, #tpu.memory_space<vmem>>
        %dma_wait3A_705 = arith.constant 0 : i32
        %dma_wait3A_706 = tpu.memref_slice %arg2[%mul3A_2, %dma_wait3A_705] : memref<320000x128xf32, #tpu.memory_space<hbm>> -> memref<16x128xf32, #tpu.memory_space<hbm>>
        tpu.wait_dma2 semaphore(%arg11 : memref<!tpu.dma_semaphore, #tpu.memory_space<semaphore_mem>>) src(%dma_wait3A_706 : memref<16x128xf32, #tpu.memory_space<hbm>>) dst(%dma_wait3A_704 : memref<16x128xf32, #tpu.memory_space<vmem>>)
        %dma_wait3A_707 = arith.constant 0 : i32
        %dma_wait3A_708 = arith.constant 0 : i32
        %dma_wait3A_709 = arith.constant 0 : i32
        %dma_wait3A_710 = tpu.memref_slice %arg6[%dma_wait3A_707, %dma_wait3A_708, %dma_wait3A_709] : memref<3x80x128xf32, #tpu.memory_space<vmem>> -> memref<1x16x128xf32, #tpu.memory_space<vmem>>
        %dma_wait3A_711 = tpu.memref_squeeze %dma_wait3A_710 : memref<1x16x128xf32, #tpu.memory_space<vmem>> -> memref<16x128xf32, #tpu.memory_space<vmem>>
        %dma_wait3A_712 = arith.constant 0 : i32
        %dma_wait3A_713 = tpu.memref_slice %arg2[%mul3A_2, %dma_wait3A_712] : memref<320000x128xf32, #tpu.memory_space<hbm>> -> memref<16x128xf32, #tpu.memory_space<hbm>>
        %dma_wait3A_714 = arith.constant 0 : i32
        %dma_wait3A_715 = arith.constant 0 : i32
        %dma_wait3A_716 = tpu.memref_slice %arg6[%dma_wait3A_707, %dma_wait3A_714, %dma_wait3A_715] : memref<3x80x128xf32, #tpu.memory_space<vmem>> -> memref<1x16x128xf32, #tpu.memory_space<vmem>>
        %dma_wait3A_717 = tpu.memref_squeeze %dma_wait3A_716 : memref<1x16x128xf32, #tpu.memory_space<vmem>> -> memref<16x128xf32, #tpu.memory_space<vmem>>
        %dma_wait3A_718 = arith.constant 0 : i32
        %dma_wait3A_719 = tpu.memref_slice %arg2[%mul3A_2, %dma_wait3A_718] : memref<320000x128xf32, #tpu.memory_space<hbm>> -> memref<16x128xf32, #tpu.memory_space<hbm>>
        tpu.wait_dma2 semaphore(%arg11 : memref<!tpu.dma_semaphore, #tpu.memory_space<semaphore_mem>>) src(%dma_wait3A_719 : memref<16x128xf32, #tpu.memory_space<hbm>>) dst(%dma_wait3A_717 : memref<16x128xf32, #tpu.memory_space<vmem>>)
        %dma_wait3A_720 = arith.constant 0 : i32
        %dma_wait3A_721 = arith.constant 0 : i32
        %dma_wait3A_722 = arith.constant 0 : i32
        %dma_wait3A_723 = tpu.memref_slice %arg6[%dma_wait3A_720, %dma_wait3A_721, %dma_wait3A_722] : memref<3x80x128xf32, #tpu.memory_space<vmem>> -> memref<1x16x128xf32, #tpu.memory_space<vmem>>
        %dma_wait3A_724 = tpu.memref_squeeze %dma_wait3A_723 : memref<1x16x128xf32, #tpu.memory_space<vmem>> -> memref<16x128xf32, #tpu.memory_space<vmem>>
        %dma_wait3A_725 = arith.constant 0 : i32
        %dma_wait3A_726 = tpu.memref_slice %arg2[%mul3A_2, %dma_wait3A_725] : memref<320000x128xf32, #tpu.memory_space<hbm>> -> memref<16x128xf32, #tpu.memory_space<hbm>>
        %dma_wait3A_727 = arith.constant 0 : i32
        %dma_wait3A_728 = arith.constant 0 : i32
        %dma_wait3A_729 = tpu.memref_slice %arg6[%dma_wait3A_720, %dma_wait3A_727, %dma_wait3A_728] : memref<3x80x128xf32, #tpu.memory_space<vmem>> -> memref<1x16x128xf32, #tpu.memory_space<vmem>>
        %dma_wait3A_730 = tpu.memref_squeeze %dma_wait3A_729 : memref<1x16x128xf32, #tpu.memory_space<vmem>> -> memref<16x128xf32, #tpu.memory_space<vmem>>
        %dma_wait3A_731 = arith.constant 0 : i32
        %dma_wait3A_732 = tpu.memref_slice %arg2[%mul3A_2, %dma_wait3A_731] : memref<320000x128xf32, #tpu.memory_space<hbm>> -> memref<16x128xf32, #tpu.memory_space<hbm>>
        tpu.wait_dma2 semaphore(%arg11 : memref<!tpu.dma_semaphore, #tpu.memory_space<semaphore_mem>>) src(%dma_wait3A_732 : memref<16x128xf32, #tpu.memory_space<hbm>>) dst(%dma_wait3A_730 : memref<16x128xf32, #tpu.memory_space<vmem>>)
        %dma_wait3A_733 = arith.constant 0 : i32
        %dma_wait3A_734 = arith.constant 0 : i32
        %dma_wait3A_735 = arith.constant 0 : i32
        %dma_wait3A_736 = tpu.memref_slice %arg6[%dma_wait3A_733, %dma_wait3A_734, %dma_wait3A_735] : memref<3x80x128xf32, #tpu.memory_space<vmem>> -> memref<1x16x128xf32, #tpu.memory_space<vmem>>
        %dma_wait3A_737 = tpu.memref_squeeze %dma_wait3A_736 : memref<1x16x128xf32, #tpu.memory_space<vmem>> -> memref<16x128xf32, #tpu.memory_space<vmem>>
        %dma_wait3A_738 = arith.constant 0 : i32
        %dma_wait3A_739 = tpu.memref_slice %arg2[%mul3A_2, %dma_wait3A_738] : memref<320000x128xf32, #tpu.memory_space<hbm>> -> memref<16x128xf32, #tpu.memory_space<hbm>>
        %dma_wait3A_740 = arith.constant 0 : i32
        %dma_wait3A_741 = arith.constant 0 : i32
        %dma_wait3A_742 = tpu.memref_slice %arg6[%dma_wait3A_733, %dma_wait3A_740, %dma_wait3A_741] : memref<3x80x128xf32, #tpu.memory_space<vmem>> -> memref<1x16x128xf32, #tpu.memory_space<vmem>>
        %dma_wait3A_743 = tpu.memref_squeeze %dma_wait3A_742 : memref<1x16x128xf32, #tpu.memory_space<vmem>> -> memref<16x128xf32, #tpu.memory_space<vmem>>
        %dma_wait3A_744 = arith.constant 0 : i32
        %dma_wait3A_745 = tpu.memref_slice %arg2[%mul3A_2, %dma_wait3A_744] : memref<320000x128xf32, #tpu.memory_space<hbm>> -> memref<16x128xf32, #tpu.memory_space<hbm>>
        tpu.wait_dma2 semaphore(%arg11 : memref<!tpu.dma_semaphore, #tpu.memory_space<semaphore_mem>>) src(%dma_wait3A_745 : memref<16x128xf32, #tpu.memory_space<hbm>>) dst(%dma_wait3A_743 : memref<16x128xf32, #tpu.memory_space<vmem>>)
        %dma_wait3A_746 = arith.constant 0 : i32
        %dma_wait3A_747 = arith.constant 0 : i32
        %dma_wait3A_748 = arith.constant 0 : i32
        %dma_wait3A_749 = tpu.memref_slice %arg6[%dma_wait3A_746, %dma_wait3A_747, %dma_wait3A_748] : memref<3x80x128xf32, #tpu.memory_space<vmem>> -> memref<1x16x128xf32, #tpu.memory_space<vmem>>
        %dma_wait3A_750 = tpu.memref_squeeze %dma_wait3A_749 : memref<1x16x128xf32, #tpu.memory_space<vmem>> -> memref<16x128xf32, #tpu.memory_space<vmem>>
        %dma_wait3A_751 = arith.constant 0 : i32
        %dma_wait3A_752 = tpu.memref_slice %arg2[%mul3A_2, %dma_wait3A_751] : memref<320000x128xf32, #tpu.memory_space<hbm>> -> memref<16x128xf32, #tpu.memory_space<hbm>>
        %dma_wait3A_753 = arith.constant 0 : i32
        %dma_wait3A_754 = arith.constant 0 : i32
        %dma_wait3A_755 = tpu.memref_slice %arg6[%dma_wait3A_746, %dma_wait3A_753, %dma_wait3A_754] : memref<3x80x128xf32, #tpu.memory_space<vmem>> -> memref<1x16x128xf32, #tpu.memory_space<vmem>>
        %dma_wait3A_756 = tpu.memref_squeeze %dma_wait3A_755 : memref<1x16x128xf32, #tpu.memory_space<vmem>> -> memref<16x128xf32, #tpu.memory_space<vmem>>
        %dma_wait3A_757 = arith.constant 0 : i32
        %dma_wait3A_758 = tpu.memref_slice %arg2[%mul3A_2, %dma_wait3A_757] : memref<320000x128xf32, #tpu.memory_space<hbm>> -> memref<16x128xf32, #tpu.memory_space<hbm>>
        tpu.wait_dma2 semaphore(%arg11 : memref<!tpu.dma_semaphore, #tpu.memory_space<semaphore_mem>>) src(%dma_wait3A_758 : memref<16x128xf32, #tpu.memory_space<hbm>>) dst(%dma_wait3A_756 : memref<16x128xf32, #tpu.memory_space<vmem>>)
        %dma_wait3A_759 = arith.constant 0 : i32
        %dma_wait3A_760 = arith.constant 0 : i32
        %dma_wait3A_761 = arith.constant 0 : i32
        %dma_wait3A_762 = tpu.memref_slice %arg6[%dma_wait3A_759, %dma_wait3A_760, %dma_wait3A_761] : memref<3x80x128xf32, #tpu.memory_space<vmem>> -> memref<1x16x128xf32, #tpu.memory_space<vmem>>
        %dma_wait3A_763 = tpu.memref_squeeze %dma_wait3A_762 : memref<1x16x128xf32, #tpu.memory_space<vmem>> -> memref<16x128xf32, #tpu.memory_space<vmem>>
        %dma_wait3A_764 = arith.constant 0 : i32
        %dma_wait3A_765 = tpu.memref_slice %arg2[%mul3A_2, %dma_wait3A_764] : memref<320000x128xf32, #tpu.memory_space<hbm>> -> memref<16x128xf32, #tpu.memory_space<hbm>>
        %dma_wait3A_766 = arith.constant 0 : i32
        %dma_wait3A_767 = arith.constant 0 : i32
        %dma_wait3A_768 = tpu.memref_slice %arg6[%dma_wait3A_759, %dma_wait3A_766, %dma_wait3A_767] : memref<3x80x128xf32, #tpu.memory_space<vmem>> -> memref<1x16x128xf32, #tpu.memory_space<vmem>>
        %dma_wait3A_769 = tpu.memref_squeeze %dma_wait3A_768 : memref<1x16x128xf32, #tpu.memory_space<vmem>> -> memref<16x128xf32, #tpu.memory_space<vmem>>
        %dma_wait3A_770 = arith.constant 0 : i32
        %dma_wait3A_771 = tpu.memref_slice %arg2[%mul3A_2, %dma_wait3A_770] : memref<320000x128xf32, #tpu.memory_space<hbm>> -> memref<16x128xf32, #tpu.memory_space<hbm>>
        tpu.wait_dma2 semaphore(%arg11 : memref<!tpu.dma_semaphore, #tpu.memory_space<semaphore_mem>>) src(%dma_wait3A_771 : memref<16x128xf32, #tpu.memory_space<hbm>>) dst(%dma_wait3A_769 : memref<16x128xf32, #tpu.memory_space<vmem>>)
        %dma_wait3A_772 = arith.constant 0 : i32
        %dma_wait3A_773 = arith.constant 0 : i32
        %dma_wait3A_774 = arith.constant 0 : i32
        %dma_wait3A_775 = tpu.memref_slice %arg6[%dma_wait3A_772, %dma_wait3A_773, %dma_wait3A_774] : memref<3x80x128xf32, #tpu.memory_space<vmem>> -> memref<1x16x128xf32, #tpu.memory_space<vmem>>
        %dma_wait3A_776 = tpu.memref_squeeze %dma_wait3A_775 : memref<1x16x128xf32, #tpu.memory_space<vmem>> -> memref<16x128xf32, #tpu.memory_space<vmem>>
        %dma_wait3A_777 = arith.constant 0 : i32
        %dma_wait3A_778 = tpu.memref_slice %arg2[%mul3A_2, %dma_wait3A_777] : memref<320000x128xf32, #tpu.memory_space<hbm>> -> memref<16x128xf32, #tpu.memory_space<hbm>>
        %dma_wait3A_779 = arith.constant 0 : i32
        %dma_wait3A_780 = arith.constant 0 : i32
        %dma_wait3A_781 = tpu.memref_slice %arg6[%dma_wait3A_772, %dma_wait3A_779, %dma_wait3A_780] : memref<3x80x128xf32, #tpu.memory_space<vmem>> -> memref<1x16x128xf32, #tpu.memory_space<vmem>>
        %dma_wait3A_782 = tpu.memref_squeeze %dma_wait3A_781 : memref<1x16x128xf32, #tpu.memory_space<vmem>> -> memref<16x128xf32, #tpu.memory_space<vmem>>
        %dma_wait3A_783 = arith.constant 0 : i32
        %dma_wait3A_784 = tpu.memref_slice %arg2[%mul3A_2, %dma_wait3A_783] : memref<320000x128xf32, #tpu.memory_space<hbm>> -> memref<16x128xf32, #tpu.memory_space<hbm>>
        tpu.wait_dma2 semaphore(%arg11 : memref<!tpu.dma_semaphore, #tpu.memory_space<semaphore_mem>>) src(%dma_wait3A_784 : memref<16x128xf32, #tpu.memory_space<hbm>>) dst(%dma_wait3A_782 : memref<16x128xf32, #tpu.memory_space<vmem>>)
      } else {
      }
      %mul3A_265 = arith.constant 3 : i32
      %mul3A_266 = arith.muli %scan3A_260, %mul3A_265 : i32
      %add3A_267 = arith.constant 0 : i32
      %add3A_268 = arith.addi %mul3A_266, %add3A_267 : i32
      %mul3A_269 = arith.constant 80 : i32
      %mul3A_270 = arith.muli %add3A_268, %mul3A_269 : i32
      %add3A_271 = arith.addi %mul3A_2, %mul3A_270 : i32
      %dma_start3A = arith.constant 0 : i32
      %dma_start3A_272 = arith.constant 0 : i32
      %dma_start3A_273 = arith.constant 0 : i32
      %dma_start3A_274 = tpu.memref_slice %arg6[%dma_start3A, %dma_start3A_272, %dma_start3A_273] : memref<3x80x128xf32, #tpu.memory_space<vmem>> -> memref<1x80x128xf32, #tpu.memory_space<vmem>>
      %dma_start3A_275 = tpu.memref_squeeze %dma_start3A_274 : memref<1x80x128xf32, #tpu.memory_space<vmem>> -> memref<80x128xf32, #tpu.memory_space<vmem>>
      %dma_start3A_276 = arith.constant 0 : i32
      %dma_start3A_277 = tpu.memref_slice %arg2[%add3A_271, %dma_start3A_276] : memref<320000x128xf32, #tpu.memory_space<hbm>> -> memref<80x128xf32, #tpu.memory_space<hbm>>
      %dma_start3A_278 = arith.constant 0 : i32
      %dma_start3A_279 = arith.constant 0 : i32
      %dma_start3A_280 = tpu.memref_slice %arg6[%dma_start3A, %dma_start3A_278, %dma_start3A_279] : memref<3x80x128xf32, #tpu.memory_space<vmem>> -> memref<1x80x128xf32, #tpu.memory_space<vmem>>
      %dma_start3A_281 = tpu.memref_squeeze %dma_start3A_280 : memref<1x80x128xf32, #tpu.memory_space<vmem>> -> memref<80x128xf32, #tpu.memory_space<vmem>>
      %dma_start3A_282 = arith.constant 0 : i32
      %dma_start3A_283 = tpu.memref_slice %arg2[%add3A_271, %dma_start3A_282] : memref<320000x128xf32, #tpu.memory_space<hbm>> -> memref<80x128xf32, #tpu.memory_space<hbm>>
      tpu.enqueue_dma source(%dma_start3A_283 : memref<80x128xf32, #tpu.memory_space<hbm>>) target(%dma_start3A_281 : memref<80x128xf32, #tpu.memory_space<vmem>>) target_semaphore(%arg8 : memref<!tpu.dma_semaphore, #tpu.memory_space<semaphore_mem>>)
      %add3A_284 = arith.constant 1 : i32
      %add3A_285 = arith.addi %mul3A_266, %add3A_284 : i32
      %mul3A_286 = arith.constant 80 : i32
      %mul3A_287 = arith.muli %add3A_285, %mul3A_286 : i32
      %add3A_288 = arith.addi %mul3A_2, %mul3A_287 : i32
      %dma_start3A_289 = arith.constant 1 : i32
      %dma_start3A_290 = arith.constant 0 : i32
      %dma_start3A_291 = arith.constant 0 : i32
      %dma_start3A_292 = tpu.memref_slice %arg6[%dma_start3A_289, %dma_start3A_290, %dma_start3A_291] : memref<3x80x128xf32, #tpu.memory_space<vmem>> -> memref<1x80x128xf32, #tpu.memory_space<vmem>>
      %dma_start3A_293 = tpu.memref_squeeze %dma_start3A_292 : memref<1x80x128xf32, #tpu.memory_space<vmem>> -> memref<80x128xf32, #tpu.memory_space<vmem>>
      %dma_start3A_294 = arith.constant 0 : i32
      %dma_start3A_295 = tpu.memref_slice %arg2[%add3A_288, %dma_start3A_294] : memref<320000x128xf32, #tpu.memory_space<hbm>> -> memref<80x128xf32, #tpu.memory_space<hbm>>
      %dma_start3A_296 = arith.constant 0 : i32
      %dma_start3A_297 = arith.constant 0 : i32
      %dma_start3A_298 = tpu.memref_slice %arg6[%dma_start3A_289, %dma_start3A_296, %dma_start3A_297] : memref<3x80x128xf32, #tpu.memory_space<vmem>> -> memref<1x80x128xf32, #tpu.memory_space<vmem>>
      %dma_start3A_299 = tpu.memref_squeeze %dma_start3A_298 : memref<1x80x128xf32, #tpu.memory_space<vmem>> -> memref<80x128xf32, #tpu.memory_space<vmem>>
      %dma_start3A_300 = arith.constant 0 : i32
      %dma_start3A_301 = tpu.memref_slice %arg2[%add3A_288, %dma_start3A_300] : memref<320000x128xf32, #tpu.memory_space<hbm>> -> memref<80x128xf32, #tpu.memory_space<hbm>>
      tpu.enqueue_dma source(%dma_start3A_301 : memref<80x128xf32, #tpu.memory_space<hbm>>) target(%dma_start3A_299 : memref<80x128xf32, #tpu.memory_space<vmem>>) target_semaphore(%arg9 : memref<!tpu.dma_semaphore, #tpu.memory_space<semaphore_mem>>)
      %add3A_302 = arith.constant 2 : i32
      %add3A_303 = arith.addi %mul3A_266, %add3A_302 : i32
      %mul3A_304 = arith.constant 80 : i32
      %mul3A_305 = arith.muli %add3A_303, %mul3A_304 : i32
      %add3A_306 = arith.addi %mul3A_2, %mul3A_305 : i32
      %dma_start3A_307 = arith.constant 2 : i32
      %dma_start3A_308 = arith.constant 0 : i32
      %dma_start3A_309 = arith.constant 0 : i32
      %dma_start3A_310 = tpu.memref_slice %arg6[%dma_start3A_307, %dma_start3A_308, %dma_start3A_309] : memref<3x80x128xf32, #tpu.memory_space<vmem>> -> memref<1x80x128xf32, #tpu.memory_space<vmem>>
      %dma_start3A_311 = tpu.memref_squeeze %dma_start3A_310 : memref<1x80x128xf32, #tpu.memory_space<vmem>> -> memref<80x128xf32, #tpu.memory_space<vmem>>
      %dma_start3A_312 = arith.constant 0 : i32
      %dma_start3A_313 = tpu.memref_slice %arg2[%add3A_306, %dma_start3A_312] : memref<320000x128xf32, #tpu.memory_space<hbm>> -> memref<80x128xf32, #tpu.memory_space<hbm>>
      %dma_start3A_314 = arith.constant 0 : i32
      %dma_start3A_315 = arith.constant 0 : i32
      %dma_start3A_316 = tpu.memref_slice %arg6[%dma_start3A_307, %dma_start3A_314, %dma_start3A_315] : memref<3x80x128xf32, #tpu.memory_space<vmem>> -> memref<1x80x128xf32, #tpu.memory_space<vmem>>
      %dma_start3A_317 = tpu.memref_squeeze %dma_start3A_316 : memref<1x80x128xf32, #tpu.memory_space<vmem>> -> memref<80x128xf32, #tpu.memory_space<vmem>>
      %dma_start3A_318 = arith.constant 0 : i32
      %dma_start3A_319 = tpu.memref_slice %arg2[%add3A_306, %dma_start3A_318] : memref<320000x128xf32, #tpu.memory_space<hbm>> -> memref<80x128xf32, #tpu.memory_space<hbm>>
      tpu.enqueue_dma source(%dma_start3A_319 : memref<80x128xf32, #tpu.memory_space<hbm>>) target(%dma_start3A_317 : memref<80x128xf32, #tpu.memory_space<vmem>>) target_semaphore(%arg10 : memref<!tpu.dma_semaphore, #tpu.memory_space<semaphore_mem>>)
      %dma_wait3A_320 = arith.constant 0 : i32
      %dma_wait3A_321 = arith.constant 0 : i32
      %dma_wait3A_322 = arith.constant 0 : i32
      %dma_wait3A_323 = tpu.memref_slice %arg6[%dma_wait3A_320, %dma_wait3A_321, %dma_wait3A_322] : memref<3x80x128xf32, #tpu.memory_space<vmem>> -> memref<1x80x128xf32, #tpu.memory_space<vmem>>
      %dma_wait3A_324 = tpu.memref_squeeze %dma_wait3A_323 : memref<1x80x128xf32, #tpu.memory_space<vmem>> -> memref<80x128xf32, #tpu.memory_space<vmem>>
      %dma_wait3A_325 = arith.constant 0 : i32
      %dma_wait3A_326 = tpu.memref_slice %arg2[%add3A_271, %dma_wait3A_325] : memref<320000x128xf32, #tpu.memory_space<hbm>> -> memref<80x128xf32, #tpu.memory_space<hbm>>
      %dma_wait3A_327 = arith.constant 0 : i32
      %dma_wait3A_328 = arith.constant 0 : i32
      %dma_wait3A_329 = tpu.memref_slice %arg6[%dma_wait3A_320, %dma_wait3A_327, %dma_wait3A_328] : memref<3x80x128xf32, #tpu.memory_space<vmem>> -> memref<1x80x128xf32, #tpu.memory_space<vmem>>
      %dma_wait3A_330 = tpu.memref_squeeze %dma_wait3A_329 : memref<1x80x128xf32, #tpu.memory_space<vmem>> -> memref<80x128xf32, #tpu.memory_space<vmem>>
      %dma_wait3A_331 = arith.constant 0 : i32
      %dma_wait3A_332 = tpu.memref_slice %arg2[%add3A_271, %dma_wait3A_331] : memref<320000x128xf32, #tpu.memory_space<hbm>> -> memref<80x128xf32, #tpu.memory_space<hbm>>
      tpu.wait_dma2 semaphore(%arg8 : memref<!tpu.dma_semaphore, #tpu.memory_space<semaphore_mem>>) src(%dma_wait3A_332 : memref<80x128xf32, #tpu.memory_space<hbm>>) dst(%dma_wait3A_330 : memref<80x128xf32, #tpu.memory_space<vmem>>)
      %add3A_333 = arith.constant 0 : i32
      %add3A_334 = arith.addi %mul3A_266, %add3A_333 : i32
      %mul3A_335 = arith.constant 80 : i32
      %mul3A_336 = arith.muli %add3A_334, %mul3A_335 : i32
      %add3A_337 = arith.constant 0 : i32
      %add3A_338 = arith.addi %mul3A_336, %add3A_337 : i32
      %get3A_339 = arith.index_cast %add3A_338 : i32 to index
      %get3A_340 = tpu.vector_load %arg5[%get3A_339] {strides = array<i32>} : memref<10000xi32, #tpu.memory_space<vmem>>, vector<16xi32>,
      %get3A_341 = vector.shape_cast %get3A_340 : vector<16xi32> to vector<16xi32>
      %dma_start3A_342 = arith.constant 0 : i32
      %dma_start3A_343 = arith.constant 0 : i32
      %dma_start3A_344 = arith.constant 0 : i32
      %dma_start3A_345 = tpu.memref_slice %arg6[%dma_start3A_342, %dma_start3A_343, %dma_start3A_344] : memref<3x80x128xf32, #tpu.memory_space<vmem>> -> memref<1x16x128xf32, #tpu.memory_space<vmem>>
      %dma_start3A_346 = tpu.memref_squeeze %dma_start3A_345 : memref<1x16x128xf32, #tpu.memory_space<vmem>> -> memref<16x128xf32, #tpu.memory_space<vmem>>
      %dma_start3A_347 = arith.constant 0 : i32
      %dma_start3A_348 = arith.constant 0 : i32
      %dma_start3A_349 = tpu.memref_slice %arg7[%dma_start3A_347, %dma_start3A_348] : memref<10000x128xf32, #tpu.memory_space<vmem_shared>> -> memref<10000x128xf32, #tpu.memory_space<vmem_shared>>
      tpu.enqueue_indirect_dma source(%dma_start3A_346 : memref<16x128xf32, #tpu.memory_space<vmem>>) target(%dma_start3A_349 : memref<10000x128xf32, #tpu.memory_space<vmem_shared>>) offsets(%get3A_341 : vector<16xi32>) semaphore(%arg11 : memref<!tpu.dma_semaphore, #tpu.memory_space<semaphore_mem>>) {add = true}
      %mul3A_350 = arith.constant 80 : i32
      %mul3A_351 = arith.muli %add3A_334, %mul3A_350 : i32
      %add3A_352 = arith.constant 16 : i32
      %add3A_353 = arith.addi %mul3A_351, %add3A_352 : i32
      %get3A_354 = arith.index_cast %add3A_353 : i32 to index
      %get3A_355 = tpu.vector_load %arg5[%get3A_354] {strides = array<i32>} : memref<10000xi32, #tpu.memory_space<vmem>>, vector<16xi32>,
      %get3A_356 = vector.shape_cast %get3A_355 : vector<16xi32> to vector<16xi32>
      %dma_start3A_357 = arith.constant 0 : i32
      %dma_start3A_358 = arith.constant 16 : i32
      %dma_start3A_359 = arith.constant 0 : i32
      %dma_start3A_360 = tpu.memref_slice %arg6[%dma_start3A_357, %dma_start3A_358, %dma_start3A_359] : memref<3x80x128xf32, #tpu.memory_space<vmem>> -> memref<1x16x128xf32, #tpu.memory_space<vmem>>
      %dma_start3A_361 = tpu.memref_squeeze %dma_start3A_360 : memref<1x16x128xf32, #tpu.memory_space<vmem>> -> memref<16x128xf32, #tpu.memory_space<vmem>>
      %dma_start3A_362 = arith.constant 0 : i32
      %dma_start3A_363 = arith.constant 0 : i32
      %dma_start3A_364 = tpu.memref_slice %arg7[%dma_start3A_362, %dma_start3A_363] : memref<10000x128xf32, #tpu.memory_space<vmem_shared>> -> memref<10000x128xf32, #tpu.memory_space<vmem_shared>>
      tpu.enqueue_indirect_dma source(%dma_start3A_361 : memref<16x128xf32, #tpu.memory_space<vmem>>) target(%dma_start3A_364 : memref<10000x128xf32, #tpu.memory_space<vmem_shared>>) offsets(%get3A_356 : vector<16xi32>) semaphore(%arg11 : memref<!tpu.dma_semaphore, #tpu.memory_space<semaphore_mem>>) {add = true}
      %mul3A_365 = arith.constant 80 : i32
      %mul3A_366 = arith.muli %add3A_334, %mul3A_365 : i32
      %add3A_367 = arith.constant 32 : i32
      %add3A_368 = arith.addi %mul3A_366, %add3A_367 : i32
      %get3A_369 = arith.index_cast %add3A_368 : i32 to index
      %get3A_370 = tpu.vector_load %arg5[%get3A_369] {strides = array<i32>} : memref<10000xi32, #tpu.memory_space<vmem>>, vector<16xi32>,
      %get3A_371 = vector.shape_cast %get3A_370 : vector<16xi32> to vector<16xi32>
      %dma_start3A_372 = arith.constant 0 : i32
      %dma_start3A_373 = arith.constant 32 : i32
      %dma_start3A_374 = arith.constant 0 : i32
      %dma_start3A_375 = tpu.memref_slice %arg6[%dma_start3A_372, %dma_start3A_373, %dma_start3A_374] : memref<3x80x128xf32, #tpu.memory_space<vmem>> -> memref<1x16x128xf32, #tpu.memory_space<vmem>>
      %dma_start3A_376 = tpu.memref_squeeze %dma_start3A_375 : memref<1x16x128xf32, #tpu.memory_space<vmem>> -> memref<16x128xf32, #tpu.memory_space<vmem>>
      %dma_start3A_377 = arith.constant 0 : i32
      %dma_start3A_378 = arith.constant 0 : i32
      %dma_start3A_379 = tpu.memref_slice %arg7[%dma_start3A_377, %dma_start3A_378] : memref<10000x128xf32, #tpu.memory_space<vmem_shared>> -> memref<10000x128xf32, #tpu.memory_space<vmem_shared>>
      tpu.enqueue_indirect_dma source(%dma_start3A_376 : memref<16x128xf32, #tpu.memory_space<vmem>>) target(%dma_start3A_379 : memref<10000x128xf32, #tpu.memory_space<vmem_shared>>) offsets(%get3A_371 : vector<16xi32>) semaphore(%arg11 : memref<!tpu.dma_semaphore, #tpu.memory_space<semaphore_mem>>) {add = true}
      %mul3A_380 = arith.constant 80 : i32
      %mul3A_381 = arith.muli %add3A_334, %mul3A_380 : i32
      %add3A_382 = arith.constant 48 : i32
      %add3A_383 = arith.addi %mul3A_381, %add3A_382 : i32
      %get3A_384 = arith.index_cast %add3A_383 : i32 to index
      %get3A_385 = tpu.vector_load %arg5[%get3A_384] {strides = array<i32>} : memref<10000xi32, #tpu.memory_space<vmem>>, vector<16xi32>,
      %get3A_386 = vector.shape_cast %get3A_385 : vector<16xi32> to vector<16xi32>
      %dma_start3A_387 = arith.constant 0 : i32
      %dma_start3A_388 = arith.constant 48 : i32
      %dma_start3A_389 = arith.constant 0 : i32
      %dma_start3A_390 = tpu.memref_slice %arg6[%dma_start3A_387, %dma_start3A_388, %dma_start3A_389] : memref<3x80x128xf32, #tpu.memory_space<vmem>> -> memref<1x16x128xf32, #tpu.memory_space<vmem>>
      %dma_start3A_391 = tpu.memref_squeeze %dma_start3A_390 : memref<1x16x128xf32, #tpu.memory_space<vmem>> -> memref<16x128xf32, #tpu.memory_space<vmem>>
      %dma_start3A_392 = arith.constant 0 : i32
      %dma_start3A_393 = arith.constant 0 : i32
      %dma_start3A_394 = tpu.memref_slice %arg7[%dma_start3A_392, %dma_start3A_393] : memref<10000x128xf32, #tpu.memory_space<vmem_shared>> -> memref<10000x128xf32, #tpu.memory_space<vmem_shared>>
      tpu.enqueue_indirect_dma source(%dma_start3A_391 : memref<16x128xf32, #tpu.memory_space<vmem>>) target(%dma_start3A_394 : memref<10000x128xf32, #tpu.memory_space<vmem_shared>>) offsets(%get3A_386 : vector<16xi32>) semaphore(%arg11 : memref<!tpu.dma_semaphore, #tpu.memory_space<semaphore_mem>>) {add = true}
      %mul3A_395 = arith.constant 80 : i32
      %mul3A_396 = arith.muli %add3A_334, %mul3A_395 : i32
      %add3A_397 = arith.constant 64 : i32
      %add3A_398 = arith.addi %mul3A_396, %add3A_397 : i32
      %get3A_399 = arith.index_cast %add3A_398 : i32 to index
      %get3A_400 = tpu.vector_load %arg5[%get3A_399] {strides = array<i32>} : memref<10000xi32, #tpu.memory_space<vmem>>, vector<16xi32>,
      %get3A_401 = vector.shape_cast %get3A_400 : vector<16xi32> to vector<16xi32>
      %dma_start3A_402 = arith.constant 0 : i32
      %dma_start3A_403 = arith.constant 64 : i32
      %dma_start3A_404 = arith.constant 0 : i32
      %dma_start3A_405 = tpu.memref_slice %arg6[%dma_start3A_402, %dma_start3A_403, %dma_start3A_404] : memref<3x80x128xf32, #tpu.memory_space<vmem>> -> memref<1x16x128xf32, #tpu.memory_space<vmem>>
      %dma_start3A_406 = tpu.memref_squeeze %dma_start3A_405 : memref<1x16x128xf32, #tpu.memory_space<vmem>> -> memref<16x128xf32, #tpu.memory_space<vmem>>
      %dma_start3A_407 = arith.constant 0 : i32
      %dma_start3A_408 = arith.constant 0 : i32
      %dma_start3A_409 = tpu.memref_slice %arg7[%dma_start3A_407, %dma_start3A_408] : memref<10000x128xf32, #tpu.memory_space<vmem_shared>> -> memref<10000x128xf32, #tpu.memory_space<vmem_shared>>
      tpu.enqueue_indirect_dma source(%dma_start3A_406 : memref<16x128xf32, #tpu.memory_space<vmem>>) target(%dma_start3A_409 : memref<10000x128xf32, #tpu.memory_space<vmem_shared>>) offsets(%get3A_401 : vector<16xi32>) semaphore(%arg11 : memref<!tpu.dma_semaphore, #tpu.memory_space<semaphore_mem>>) {add = true}
      %dma_wait3A_410 = arith.constant 1 : i32
      %dma_wait3A_411 = arith.constant 0 : i32
      %dma_wait3A_412 = arith.constant 0 : i32
      %dma_wait3A_413 = tpu.memref_slice %arg6[%dma_wait3A_410, %dma_wait3A_411, %dma_wait3A_412] : memref<3x80x128xf32, #tpu.memory_space<vmem>> -> memref<1x80x128xf32, #tpu.memory_space<vmem>>
      %dma_wait3A_414 = tpu.memref_squeeze %dma_wait3A_413 : memref<1x80x128xf32, #tpu.memory_space<vmem>> -> memref<80x128xf32, #tpu.memory_space<vmem>>
      %dma_wait3A_415 = arith.constant 0 : i32
      %dma_wait3A_416 = tpu.memref_slice %arg2[%add3A_288, %dma_wait3A_415] : memref<320000x128xf32, #tpu.memory_space<hbm>> -> memref<80x128xf32, #tpu.memory_space<hbm>>
      %dma_wait3A_417 = arith.constant 0 : i32
      %dma_wait3A_418 = arith.constant 0 : i32
      %dma_wait3A_419 = tpu.memref_slice %arg6[%dma_wait3A_410, %dma_wait3A_417, %dma_wait3A_418] : memref<3x80x128xf32, #tpu.memory_space<vmem>> -> memref<1x80x128xf32, #tpu.memory_space<vmem>>
      %dma_wait3A_420 = tpu.memref_squeeze %dma_wait3A_419 : memref<1x80x128xf32, #tpu.memory_space<vmem>> -> memref<80x128xf32, #tpu.memory_space<vmem>>
      %dma_wait3A_421 = arith.constant 0 : i32
      %dma_wait3A_422 = tpu.memref_slice %arg2[%add3A_288, %dma_wait3A_421] : memref<320000x128xf32, #tpu.memory_space<hbm>> -> memref<80x128xf32, #tpu.memory_space<hbm>>
      tpu.wait_dma2 semaphore(%arg9 : memref<!tpu.dma_semaphore, #tpu.memory_space<semaphore_mem>>) src(%dma_wait3A_422 : memref<80x128xf32, #tpu.memory_space<hbm>>) dst(%dma_wait3A_420 : memref<80x128xf32, #tpu.memory_space<vmem>>)
      %add3A_423 = arith.constant 1 : i32
      %add3A_424 = arith.addi %mul3A_266, %add3A_423 : i32
      %mul3A_425 = arith.constant 80 : i32
      %mul3A_426 = arith.muli %add3A_424, %mul3A_425 : i32
      %add3A_427 = arith.constant 0 : i32
      %add3A_428 = arith.addi %mul3A_426, %add3A_427 : i32
      %get3A_429 = arith.index_cast %add3A_428 : i32 to index
      %get3A_430 = tpu.vector_load %arg5[%get3A_429] {strides = array<i32>} : memref<10000xi32, #tpu.memory_space<vmem>>, vector<16xi32>,
      %get3A_431 = vector.shape_cast %get3A_430 : vector<16xi32> to vector<16xi32>
      %dma_start3A_432 = arith.constant 1 : i32
      %dma_start3A_433 = arith.constant 0 : i32
      %dma_start3A_434 = arith.constant 0 : i32
      %dma_start3A_435 = tpu.memref_slice %arg6[%dma_start3A_432, %dma_start3A_433, %dma_start3A_434] : memref<3x80x128xf32, #tpu.memory_space<vmem>> -> memref<1x16x128xf32, #tpu.memory_space<vmem>>
      %dma_start3A_436 = tpu.memref_squeeze %dma_start3A_435 : memref<1x16x128xf32, #tpu.memory_space<vmem>> -> memref<16x128xf32, #tpu.memory_space<vmem>>
      %dma_start3A_437 = arith.constant 0 : i32
      %dma_start3A_438 = arith.constant 0 : i32
      %dma_start3A_439 = tpu.memref_slice %arg7[%dma_start3A_437, %dma_start3A_438] : memref<10000x128xf32, #tpu.memory_space<vmem_shared>> -> memref<10000x128xf32, #tpu.memory_space<vmem_shared>>
      tpu.enqueue_indirect_dma source(%dma_start3A_436 : memref<16x128xf32, #tpu.memory_space<vmem>>) target(%dma_start3A_439 : memref<10000x128xf32, #tpu.memory_space<vmem_shared>>) offsets(%get3A_431 : vector<16xi32>) semaphore(%arg11 : memref<!tpu.dma_semaphore, #tpu.memory_space<semaphore_mem>>) {add = true}
      %mul3A_440 = arith.constant 80 : i32
      %mul3A_441 = arith.muli %add3A_424, %mul3A_440 : i32
      %add3A_442 = arith.constant 16 : i32
      %add3A_443 = arith.addi %mul3A_441, %add3A_442 : i32
      %get3A_444 = arith.index_cast %add3A_443 : i32 to index
      %get3A_445 = tpu.vector_load %arg5[%get3A_444] {strides = array<i32>} : memref<10000xi32, #tpu.memory_space<vmem>>, vector<16xi32>,
      %get3A_446 = vector.shape_cast %get3A_445 : vector<16xi32> to vector<16xi32>
      %dma_start3A_447 = arith.constant 1 : i32
      %dma_start3A_448 = arith.constant 16 : i32
      %dma_start3A_449 = arith.constant 0 : i32
      %dma_start3A_450 = tpu.memref_slice %arg6[%dma_start3A_447, %dma_start3A_448, %dma_start3A_449] : memref<3x80x128xf32, #tpu.memory_space<vmem>> -> memref<1x16x128xf32, #tpu.memory_space<vmem>>
      %dma_start3A_451 = tpu.memref_squeeze %dma_start3A_450 : memref<1x16x128xf32, #tpu.memory_space<vmem>> -> memref<16x128xf32, #tpu.memory_space<vmem>>
      %dma_start3A_452 = arith.constant 0 : i32
      %dma_start3A_453 = arith.constant 0 : i32
      %dma_start3A_454 = tpu.memref_slice %arg7[%dma_start3A_452, %dma_start3A_453] : memref<10000x128xf32, #tpu.memory_space<vmem_shared>> -> memref<10000x128xf32, #tpu.memory_space<vmem_shared>>
      tpu.enqueue_indirect_dma source(%dma_start3A_451 : memref<16x128xf32, #tpu.memory_space<vmem>>) target(%dma_start3A_454 : memref<10000x128xf32, #tpu.memory_space<vmem_shared>>) offsets(%get3A_446 : vector<16xi32>) semaphore(%arg11 : memref<!tpu.dma_semaphore, #tpu.memory_space<semaphore_mem>>) {add = true}
      %mul3A_455 = arith.constant 80 : i32
      %mul3A_456 = arith.muli %add3A_424, %mul3A_455 : i32
      %add3A_457 = arith.constant 32 : i32
      %add3A_458 = arith.addi %mul3A_456, %add3A_457 : i32
      %get3A_459 = arith.index_cast %add3A_458 : i32 to index
      %get3A_460 = tpu.vector_load %arg5[%get3A_459] {strides = array<i32>} : memref<10000xi32, #tpu.memory_space<vmem>>, vector<16xi32>,
      %get3A_461 = vector.shape_cast %get3A_460 : vector<16xi32> to vector<16xi32>
      %dma_start3A_462 = arith.constant 1 : i32
      %dma_start3A_463 = arith.constant 32 : i32
      %dma_start3A_464 = arith.constant 0 : i32
      %dma_start3A_465 = tpu.memref_slice %arg6[%dma_start3A_462, %dma_start3A_463, %dma_start3A_464] : memref<3x80x128xf32, #tpu.memory_space<vmem>> -> memref<1x16x128xf32, #tpu.memory_space<vmem>>
      %dma_start3A_466 = tpu.memref_squeeze %dma_start3A_465 : memref<1x16x128xf32, #tpu.memory_space<vmem>> -> memref<16x128xf32, #tpu.memory_space<vmem>>
      %dma_start3A_467 = arith.constant 0 : i32
      %dma_start3A_468 = arith.constant 0 : i32
      %dma_start3A_469 = tpu.memref_slice %arg7[%dma_start3A_467, %dma_start3A_468] : memref<10000x128xf32, #tpu.memory_space<vmem_shared>> -> memref<10000x128xf32, #tpu.memory_space<vmem_shared>>
      tpu.enqueue_indirect_dma source(%dma_start3A_466 : memref<16x128xf32, #tpu.memory_space<vmem>>) target(%dma_start3A_469 : memref<10000x128xf32, #tpu.memory_space<vmem_shared>>) offsets(%get3A_461 : vector<16xi32>) semaphore(%arg11 : memref<!tpu.dma_semaphore, #tpu.memory_space<semaphore_mem>>) {add = true}
      %mul3A_470 = arith.constant 80 : i32
      %mul3A_471 = arith.muli %add3A_424, %mul3A_470 : i32
      %add3A_472 = arith.constant 48 : i32
      %add3A_473 = arith.addi %mul3A_471, %add3A_472 : i32
      %get3A_474 = arith.index_cast %add3A_473 : i32 to index
      %get3A_475 = tpu.vector_load %arg5[%get3A_474] {strides = array<i32>} : memref<10000xi32, #tpu.memory_space<vmem>>, vector<16xi32>,
      %get3A_476 = vector.shape_cast %get3A_475 : vector<16xi32> to vector<16xi32>
      %dma_start3A_477 = arith.constant 1 : i32
      %dma_start3A_478 = arith.constant 48 : i32
      %dma_start3A_479 = arith.constant 0 : i32
      %dma_start3A_480 = tpu.memref_slice %arg6[%dma_start3A_477, %dma_start3A_478, %dma_start3A_479] : memref<3x80x128xf32, #tpu.memory_space<vmem>> -> memref<1x16x128xf32, #tpu.memory_space<vmem>>
      %dma_start3A_481 = tpu.memref_squeeze %dma_start3A_480 : memref<1x16x128xf32, #tpu.memory_space<vmem>> -> memref<16x128xf32, #tpu.memory_space<vmem>>
      %dma_start3A_482 = arith.constant 0 : i32
      %dma_start3A_483 = arith.constant 0 : i32
      %dma_start3A_484 = tpu.memref_slice %arg7[%dma_start3A_482, %dma_start3A_483] : memref<10000x128xf32, #tpu.memory_space<vmem_shared>> -> memref<10000x128xf32, #tpu.memory_space<vmem_shared>>
      tpu.enqueue_indirect_dma source(%dma_start3A_481 : memref<16x128xf32, #tpu.memory_space<vmem>>) target(%dma_start3A_484 : memref<10000x128xf32, #tpu.memory_space<vmem_shared>>) offsets(%get3A_476 : vector<16xi32>) semaphore(%arg11 : memref<!tpu.dma_semaphore, #tpu.memory_space<semaphore_mem>>) {add = true}
      %mul3A_485 = arith.constant 80 : i32
      %mul3A_486 = arith.muli %add3A_424, %mul3A_485 : i32
      %add3A_487 = arith.constant 64 : i32
      %add3A_488 = arith.addi %mul3A_486, %add3A_487 : i32
      %get3A_489 = arith.index_cast %add3A_488 : i32 to index
      %get3A_490 = tpu.vector_load %arg5[%get3A_489] {strides = array<i32>} : memref<10000xi32, #tpu.memory_space<vmem>>, vector<16xi32>,
      %get3A_491 = vector.shape_cast %get3A_490 : vector<16xi32> to vector<16xi32>
      %dma_start3A_492 = arith.constant 1 : i32
      %dma_start3A_493 = arith.constant 64 : i32
      %dma_start3A_494 = arith.constant 0 : i32
      %dma_start3A_495 = tpu.memref_slice %arg6[%dma_start3A_492, %dma_start3A_493, %dma_start3A_494] : memref<3x80x128xf32, #tpu.memory_space<vmem>> -> memref<1x16x128xf32, #tpu.memory_space<vmem>>
      %dma_start3A_496 = tpu.memref_squeeze %dma_start3A_495 : memref<1x16x128xf32, #tpu.memory_space<vmem>> -> memref<16x128xf32, #tpu.memory_space<vmem>>
      %dma_start3A_497 = arith.constant 0 : i32
      %dma_start3A_498 = arith.constant 0 : i32
      %dma_start3A_499 = tpu.memref_slice %arg7[%dma_start3A_497, %dma_start3A_498] : memref<10000x128xf32, #tpu.memory_space<vmem_shared>> -> memref<10000x128xf32, #tpu.memory_space<vmem_shared>>
      tpu.enqueue_indirect_dma source(%dma_start3A_496 : memref<16x128xf32, #tpu.memory_space<vmem>>) target(%dma_start3A_499 : memref<10000x128xf32, #tpu.memory_space<vmem_shared>>) offsets(%get3A_491 : vector<16xi32>) semaphore(%arg11 : memref<!tpu.dma_semaphore, #tpu.memory_space<semaphore_mem>>) {add = true}
      %dma_wait3A_500 = arith.constant 2 : i32
      %dma_wait3A_501 = arith.constant 0 : i32
      %dma_wait3A_502 = arith.constant 0 : i32
      %dma_wait3A_503 = tpu.memref_slice %arg6[%dma_wait3A_500, %dma_wait3A_501, %dma_wait3A_502] : memref<3x80x128xf32, #tpu.memory_space<vmem>> -> memref<1x80x128xf32, #tpu.memory_space<vmem>>
      %dma_wait3A_504 = tpu.memref_squeeze %dma_wait3A_503 : memref<1x80x128xf32, #tpu.memory_space<vmem>> -> memref<80x128xf32, #tpu.memory_space<vmem>>
      %dma_wait3A_505 = arith.constant 0 : i32
      %dma_wait3A_506 = tpu.memref_slice %arg2[%add3A_306, %dma_wait3A_505] : memref<320000x128xf32, #tpu.memory_space<hbm>> -> memref<80x128xf32, #tpu.memory_space<hbm>>
      %dma_wait3A_507 = arith.constant 0 : i32
      %dma_wait3A_508 = arith.constant 0 : i32
      %dma_wait3A_509 = tpu.memref_slice %arg6[%dma_wait3A_500, %dma_wait3A_507, %dma_wait3A_508] : memref<3x80x128xf32, #tpu.memory_space<vmem>> -> memref<1x80x128xf32, #tpu.memory_space<vmem>>
      %dma_wait3A_510 = tpu.memref_squeeze %dma_wait3A_509 : memref<1x80x128xf32, #tpu.memory_space<vmem>> -> memref<80x128xf32, #tpu.memory_space<vmem>>
      %dma_wait3A_511 = arith.constant 0 : i32
      %dma_wait3A_512 = tpu.memref_slice %arg2[%add3A_306, %dma_wait3A_511] : memref<320000x128xf32, #tpu.memory_space<hbm>> -> memref<80x128xf32, #tpu.memory_space<hbm>>
      tpu.wait_dma2 semaphore(%arg10 : memref<!tpu.dma_semaphore, #tpu.memory_space<semaphore_mem>>) src(%dma_wait3A_512 : memref<80x128xf32, #tpu.memory_space<hbm>>) dst(%dma_wait3A_510 : memref<80x128xf32, #tpu.memory_space<vmem>>)
      %add3A_513 = arith.constant 2 : i32
      %add3A_514 = arith.addi %mul3A_266, %add3A_513 : i32
      %mul3A_515 = arith.constant 80 : i32
      %mul3A_516 = arith.muli %add3A_514, %mul3A_515 : i32
      %add3A_517 = arith.constant 0 : i32
      %add3A_518 = arith.addi %mul3A_516, %add3A_517 : i32
      %get3A_519 = arith.index_cast %add3A_518 : i32 to index
      %get3A_520 = tpu.vector_load %arg5[%get3A_519] {strides = array<i32>} : memref<10000xi32, #tpu.memory_space<vmem>>, vector<16xi32>,
      %get3A_521 = vector.shape_cast %get3A_520 : vector<16xi32> to vector<16xi32>
      %dma_start3A_522 = arith.constant 2 : i32
      %dma_start3A_523 = arith.constant 0 : i32
      %dma_start3A_524 = arith.constant 0 : i32
      %dma_start3A_525 = tpu.memref_slice %arg6[%dma_start3A_522, %dma_start3A_523, %dma_start3A_524] : memref<3x80x128xf32, #tpu.memory_space<vmem>> -> memref<1x16x128xf32, #tpu.memory_space<vmem>>
      %dma_start3A_526 = tpu.memref_squeeze %dma_start3A_525 : memref<1x16x128xf32, #tpu.memory_space<vmem>> -> memref<16x128xf32, #tpu.memory_space<vmem>>
      %dma_start3A_527 = arith.constant 0 : i32
      %dma_start3A_528 = arith.constant 0 : i32
      %dma_start3A_529 = tpu.memref_slice %arg7[%dma_start3A_527, %dma_start3A_528] : memref<10000x128xf32, #tpu.memory_space<vmem_shared>> -> memref<10000x128xf32, #tpu.memory_space<vmem_shared>>
      tpu.enqueue_indirect_dma source(%dma_start3A_526 : memref<16x128xf32, #tpu.memory_space<vmem>>) target(%dma_start3A_529 : memref<10000x128xf32, #tpu.memory_space<vmem_shared>>) offsets(%get3A_521 : vector<16xi32>) semaphore(%arg11 : memref<!tpu.dma_semaphore, #tpu.memory_space<semaphore_mem>>) {add = true}
      %mul3A_530 = arith.constant 80 : i32
      %mul3A_531 = arith.muli %add3A_514, %mul3A_530 : i32
      %add3A_532 = arith.constant 16 : i32
      %add3A_533 = arith.addi %mul3A_531, %add3A_532 : i32
      %get3A_534 = arith.index_cast %add3A_533 : i32 to index
      %get3A_535 = tpu.vector_load %arg5[%get3A_534] {strides = array<i32>} : memref<10000xi32, #tpu.memory_space<vmem>>, vector<16xi32>,
      %get3A_536 = vector.shape_cast %get3A_535 : vector<16xi32> to vector<16xi32>
      %dma_start3A_537 = arith.constant 2 : i32
      %dma_start3A_538 = arith.constant 16 : i32
      %dma_start3A_539 = arith.constant 0 : i32
      %dma_start3A_540 = tpu.memref_slice %arg6[%dma_start3A_537, %dma_start3A_538, %dma_start3A_539] : memref<3x80x128xf32, #tpu.memory_space<vmem>> -> memref<1x16x128xf32, #tpu.memory_space<vmem>>
      %dma_start3A_541 = tpu.memref_squeeze %dma_start3A_540 : memref<1x16x128xf32, #tpu.memory_space<vmem>> -> memref<16x128xf32, #tpu.memory_space<vmem>>
      %dma_start3A_542 = arith.constant 0 : i32
      %dma_start3A_543 = arith.constant 0 : i32
      %dma_start3A_544 = tpu.memref_slice %arg7[%dma_start3A_542, %dma_start3A_543] : memref<10000x128xf32, #tpu.memory_space<vmem_shared>> -> memref<10000x128xf32, #tpu.memory_space<vmem_shared>>
      tpu.enqueue_indirect_dma source(%dma_start3A_541 : memref<16x128xf32, #tpu.memory_space<vmem>>) target(%dma_start3A_544 : memref<10000x128xf32, #tpu.memory_space<vmem_shared>>) offsets(%get3A_536 : vector<16xi32>) semaphore(%arg11 : memref<!tpu.dma_semaphore, #tpu.memory_space<semaphore_mem>>) {add = true}
      %mul3A_545 = arith.constant 80 : i32
      %mul3A_546 = arith.muli %add3A_514, %mul3A_545 : i32
      %add3A_547 = arith.constant 32 : i32
      %add3A_548 = arith.addi %mul3A_546, %add3A_547 : i32
      %get3A_549 = arith.index_cast %add3A_548 : i32 to index
      %get3A_550 = tpu.vector_load %arg5[%get3A_549] {strides = array<i32>} : memref<10000xi32, #tpu.memory_space<vmem>>, vector<16xi32>,
      %get3A_551 = vector.shape_cast %get3A_550 : vector<16xi32> to vector<16xi32>
      %dma_start3A_552 = arith.constant 2 : i32
      %dma_start3A_553 = arith.constant 32 : i32
      %dma_start3A_554 = arith.constant 0 : i32
      %dma_start3A_555 = tpu.memref_slice %arg6[%dma_start3A_552, %dma_start3A_553, %dma_start3A_554] : memref<3x80x128xf32, #tpu.memory_space<vmem>> -> memref<1x16x128xf32, #tpu.memory_space<vmem>>
      %dma_start3A_556 = tpu.memref_squeeze %dma_start3A_555 : memref<1x16x128xf32, #tpu.memory_space<vmem>> -> memref<16x128xf32, #tpu.memory_space<vmem>>
      %dma_start3A_557 = arith.constant 0 : i32
      %dma_start3A_558 = arith.constant 0 : i32
      %dma_start3A_559 = tpu.memref_slice %arg7[%dma_start3A_557, %dma_start3A_558] : memref<10000x128xf32, #tpu.memory_space<vmem_shared>> -> memref<10000x128xf32, #tpu.memory_space<vmem_shared>>
      tpu.enqueue_indirect_dma source(%dma_start3A_556 : memref<16x128xf32, #tpu.memory_space<vmem>>) target(%dma_start3A_559 : memref<10000x128xf32, #tpu.memory_space<vmem_shared>>) offsets(%get3A_551 : vector<16xi32>) semaphore(%arg11 : memref<!tpu.dma_semaphore, #tpu.memory_space<semaphore_mem>>) {add = true}
      %mul3A_560 = arith.constant 80 : i32
      %mul3A_561 = arith.muli %add3A_514, %mul3A_560 : i32
      %add3A_562 = arith.constant 48 : i32
      %add3A_563 = arith.addi %mul3A_561, %add3A_562 : i32
      %get3A_564 = arith.index_cast %add3A_563 : i32 to index
      %get3A_565 = tpu.vector_load %arg5[%get3A_564] {strides = array<i32>} : memref<10000xi32, #tpu.memory_space<vmem>>, vector<16xi32>,
      %get3A_566 = vector.shape_cast %get3A_565 : vector<16xi32> to vector<16xi32>
      %dma_start3A_567 = arith.constant 2 : i32
      %dma_start3A_568 = arith.constant 48 : i32
      %dma_start3A_569 = arith.constant 0 : i32
      %dma_start3A_570 = tpu.memref_slice %arg6[%dma_start3A_567, %dma_start3A_568, %dma_start3A_569] : memref<3x80x128xf32, #tpu.memory_space<vmem>> -> memref<1x16x128xf32, #tpu.memory_space<vmem>>
      %dma_start3A_571 = tpu.memref_squeeze %dma_start3A_570 : memref<1x16x128xf32, #tpu.memory_space<vmem>> -> memref<16x128xf32, #tpu.memory_space<vmem>>
      %dma_start3A_572 = arith.constant 0 : i32
      %dma_start3A_573 = arith.constant 0 : i32
      %dma_start3A_574 = tpu.memref_slice %arg7[%dma_start3A_572, %dma_start3A_573] : memref<10000x128xf32, #tpu.memory_space<vmem_shared>> -> memref<10000x128xf32, #tpu.memory_space<vmem_shared>>
      tpu.enqueue_indirect_dma source(%dma_start3A_571 : memref<16x128xf32, #tpu.memory_space<vmem>>) target(%dma_start3A_574 : memref<10000x128xf32, #tpu.memory_space<vmem_shared>>) offsets(%get3A_566 : vector<16xi32>) semaphore(%arg11 : memref<!tpu.dma_semaphore, #tpu.memory_space<semaphore_mem>>) {add = true}
      %mul3A_575 = arith.constant 80 : i32
      %mul3A_576 = arith.muli %add3A_514, %mul3A_575 : i32
      %add3A_577 = arith.constant 64 : i32
      %add3A_578 = arith.addi %mul3A_576, %add3A_577 : i32
      %get3A_579 = arith.index_cast %add3A_578 : i32 to index
      %get3A_580 = tpu.vector_load %arg5[%get3A_579] {strides = array<i32>} : memref<10000xi32, #tpu.memory_space<vmem>>, vector<16xi32>,
      %get3A_581 = vector.shape_cast %get3A_580 : vector<16xi32> to vector<16xi32>
      %dma_start3A_582 = arith.constant 2 : i32
      %dma_start3A_583 = arith.constant 64 : i32
      %dma_start3A_584 = arith.constant 0 : i32
      %dma_start3A_585 = tpu.memref_slice %arg6[%dma_start3A_582, %dma_start3A_583, %dma_start3A_584] : memref<3x80x128xf32, #tpu.memory_space<vmem>> -> memref<1x16x128xf32, #tpu.memory_space<vmem>>
      %dma_start3A_586 = tpu.memref_squeeze %dma_start3A_585 : memref<1x16x128xf32, #tpu.memory_space<vmem>> -> memref<16x128xf32, #tpu.memory_space<vmem>>
      %dma_start3A_587 = arith.constant 0 : i32
      %dma_start3A_588 = arith.constant 0 : i32
      %dma_start3A_589 = tpu.memref_slice %arg7[%dma_start3A_587, %dma_start3A_588] : memref<10000x128xf32, #tpu.memory_space<vmem_shared>> -> memref<10000x128xf32, #tpu.memory_space<vmem_shared>>
      tpu.enqueue_indirect_dma source(%dma_start3A_586 : memref<16x128xf32, #tpu.memory_space<vmem>>) target(%dma_start3A_589 : memref<10000x128xf32, #tpu.memory_space<vmem_shared>>) offsets(%get3A_581 : vector<16xi32>) semaphore(%arg11 : memref<!tpu.dma_semaphore, #tpu.memory_space<semaphore_mem>>) {add = true}
    }
    %scan3A_15 = arith.constant 41 : i32
    %dma_wait3A = arith.constant 0 : i32
    %dma_wait3A_16 = arith.constant 0 : i32
    %dma_wait3A_17 = arith.constant 0 : i32
    %dma_wait3A_18 = tpu.memref_slice %arg6[%dma_wait3A, %dma_wait3A_16, %dma_wait3A_17] : memref<3x80x128xf32, #tpu.memory_space<vmem>> -> memref<1x16x128xf32, #tpu.memory_space<vmem>>
    %dma_wait3A_19 = tpu.memref_squeeze %dma_wait3A_18 : memref<1x16x128xf32, #tpu.memory_space<vmem>> -> memref<16x128xf32, #tpu.memory_space<vmem>>
    %dma_wait3A_20 = arith.constant 0 : i32
    %dma_wait3A_21 = tpu.memref_slice %arg2[%mul3A_2, %dma_wait3A_20] : memref<320000x128xf32, #tpu.memory_space<hbm>> -> memref<16x128xf32, #tpu.memory_space<hbm>>
    %dma_wait3A_22 = arith.constant 0 : i32
    %dma_wait3A_23 = arith.constant 0 : i32
    %dma_wait3A_24 = tpu.memref_slice %arg6[%dma_wait3A, %dma_wait3A_22, %dma_wait3A_23] : memref<3x80x128xf32, #tpu.memory_space<vmem>> -> memref<1x16x128xf32, #tpu.memory_space<vmem>>
    %dma_wait3A_25 = tpu.memref_squeeze %dma_wait3A_24 : memref<1x16x128xf32, #tpu.memory_space<vmem>> -> memref<16x128xf32, #tpu.memory_space<vmem>>
    %dma_wait3A_26 = arith.constant 0 : i32
    %dma_wait3A_27 = tpu.memref_slice %arg2[%mul3A_2, %dma_wait3A_26] : memref<320000x128xf32, #tpu.memory_space<hbm>> -> memref<16x128xf32, #tpu.memory_space<hbm>>
    tpu.wait_dma2 semaphore(%arg11 : memref<!tpu.dma_semaphore, #tpu.memory_space<semaphore_mem>>) src(%dma_wait3A_27 : memref<16x128xf32, #tpu.memory_space<hbm>>) dst(%dma_wait3A_25 : memref<16x128xf32, #tpu.memory_space<vmem>>)
    %dma_wait3A_28 = arith.constant 0 : i32
    %dma_wait3A_29 = arith.constant 0 : i32
    %dma_wait3A_30 = arith.constant 0 : i32
    %dma_wait3A_31 = tpu.memref_slice %arg6[%dma_wait3A_28, %dma_wait3A_29, %dma_wait3A_30] : memref<3x80x128xf32, #tpu.memory_space<vmem>> -> memref<1x16x128xf32, #tpu.memory_space<vmem>>
    %dma_wait3A_32 = tpu.memref_squeeze %dma_wait3A_31 : memref<1x16x128xf32, #tpu.memory_space<vmem>> -> memref<16x128xf32, #tpu.memory_space<vmem>>
    %dma_wait3A_33 = arith.constant 0 : i32
    %dma_wait3A_34 = tpu.memref_slice %arg2[%mul3A_2, %dma_wait3A_33] : memref<320000x128xf32, #tpu.memory_space<hbm>> -> memref<16x128xf32, #tpu.memory_space<hbm>>
    %dma_wait3A_35 = arith.constant 0 : i32
    %dma_wait3A_36 = arith.constant 0 : i32
    %dma_wait3A_37 = tpu.memref_slice %arg6[%dma_wait3A_28, %dma_wait3A_35, %dma_wait3A_36] : memref<3x80x128xf32, #tpu.memory_space<vmem>> -> memref<1x16x128xf32, #tpu.memory_space<vmem>>
    %dma_wait3A_38 = tpu.memref_squeeze %dma_wait3A_37 : memref<1x16x128xf32, #tpu.memory_space<vmem>> -> memref<16x128xf32, #tpu.memory_space<vmem>>
    %dma_wait3A_39 = arith.constant 0 : i32
    %dma_wait3A_40 = tpu.memref_slice %arg2[%mul3A_2, %dma_wait3A_39] : memref<320000x128xf32, #tpu.memory_space<hbm>> -> memref<16x128xf32, #tpu.memory_space<hbm>>
    tpu.wait_dma2 semaphore(%arg11 : memref<!tpu.dma_semaphore, #tpu.memory_space<semaphore_mem>>) src(%dma_wait3A_40 : memref<16x128xf32, #tpu.memory_space<hbm>>) dst(%dma_wait3A_38 : memref<16x128xf32, #tpu.memory_space<vmem>>)
    %dma_wait3A_41 = arith.constant 0 : i32
    %dma_wait3A_42 = arith.constant 0 : i32
    %dma_wait3A_43 = arith.constant 0 : i32
    %dma_wait3A_44 = tpu.memref_slice %arg6[%dma_wait3A_41, %dma_wait3A_42, %dma_wait3A_43] : memref<3x80x128xf32, #tpu.memory_space<vmem>> -> memref<1x16x128xf32, #tpu.memory_space<vmem>>
    %dma_wait3A_45 = tpu.memref_squeeze %dma_wait3A_44 : memref<1x16x128xf32, #tpu.memory_space<vmem>> -> memref<16x128xf32, #tpu.memory_space<vmem>>
    %dma_wait3A_46 = arith.constant 0 : i32
    %dma_wait3A_47 = tpu.memref_slice %arg2[%mul3A_2, %dma_wait3A_46] : memref<320000x128xf32, #tpu.memory_space<hbm>> -> memref<16x128xf32, #tpu.memory_space<hbm>>
    %dma_wait3A_48 = arith.constant 0 : i32
    %dma_wait3A_49 = arith.constant 0 : i32
    %dma_wait3A_50 = tpu.memref_slice %arg6[%dma_wait3A_41, %dma_wait3A_48, %dma_wait3A_49] : memref<3x80x128xf32, #tpu.memory_space<vmem>> -> memref<1x16x128xf32, #tpu.memory_space<vmem>>
    %dma_wait3A_51 = tpu.memref_squeeze %dma_wait3A_50 : memref<1x16x128xf32, #tpu.memory_space<vmem>> -> memref<16x128xf32, #tpu.memory_space<vmem>>
    %dma_wait3A_52 = arith.constant 0 : i32
    %dma_wait3A_53 = tpu.memref_slice %arg2[%mul3A_2, %dma_wait3A_52] : memref<320000x128xf32, #tpu.memory_space<hbm>> -> memref<16x128xf32, #tpu.memory_space<hbm>>
    tpu.wait_dma2 semaphore(%arg11 : memref<!tpu.dma_semaphore, #tpu.memory_space<semaphore_mem>>) src(%dma_wait3A_53 : memref<16x128xf32, #tpu.memory_space<hbm>>) dst(%dma_wait3A_51 : memref<16x128xf32, #tpu.memory_space<vmem>>)
    %dma_wait3A_54 = arith.constant 0 : i32
    %dma_wait3A_55 = arith.constant 0 : i32
    %dma_wait3A_56 = arith.constant 0 : i32
    %dma_wait3A_57 = tpu.memref_slice %arg6[%dma_wait3A_54, %dma_wait3A_55, %dma_wait3A_56] : memref<3x80x128xf32, #tpu.memory_space<vmem>> -> memref<1x16x128xf32, #tpu.memory_space<vmem>>
    %dma_wait3A_58 = tpu.memref_squeeze %dma_wait3A_57 : memref<1x16x128xf32, #tpu.memory_space<vmem>> -> memref<16x128xf32, #tpu.memory_space<vmem>>
    %dma_wait3A_59 = arith.constant 0 : i32
    %dma_wait3A_60 = tpu.memref_slice %arg2[%mul3A_2, %dma_wait3A_59] : memref<320000x128xf32, #tpu.memory_space<hbm>> -> memref<16x128xf32, #tpu.memory_space<hbm>>
    %dma_wait3A_61 = arith.constant 0 : i32
    %dma_wait3A_62 = arith.constant 0 : i32
    %dma_wait3A_63 = tpu.memref_slice %arg6[%dma_wait3A_54, %dma_wait3A_61, %dma_wait3A_62] : memref<3x80x128xf32, #tpu.memory_space<vmem>> -> memref<1x16x128xf32, #tpu.memory_space<vmem>>
    %dma_wait3A_64 = tpu.memref_squeeze %dma_wait3A_63 : memref<1x16x128xf32, #tpu.memory_space<vmem>> -> memref<16x128xf32, #tpu.memory_space<vmem>>
    %dma_wait3A_65 = arith.constant 0 : i32
    %dma_wait3A_66 = tpu.memref_slice %arg2[%mul3A_2, %dma_wait3A_65] : memref<320000x128xf32, #tpu.memory_space<hbm>> -> memref<16x128xf32, #tpu.memory_space<hbm>>
    tpu.wait_dma2 semaphore(%arg11 : memref<!tpu.dma_semaphore, #tpu.memory_space<semaphore_mem>>) src(%dma_wait3A_66 : memref<16x128xf32, #tpu.memory_space<hbm>>) dst(%dma_wait3A_64 : memref<16x128xf32, #tpu.memory_space<vmem>>)
    %dma_wait3A_67 = arith.constant 0 : i32
    %dma_wait3A_68 = arith.constant 0 : i32
    %dma_wait3A_69 = arith.constant 0 : i32
    %dma_wait3A_70 = tpu.memref_slice %arg6[%dma_wait3A_67, %dma_wait3A_68, %dma_wait3A_69] : memref<3x80x128xf32, #tpu.memory_space<vmem>> -> memref<1x16x128xf32, #tpu.memory_space<vmem>>
    %dma_wait3A_71 = tpu.memref_squeeze %dma_wait3A_70 : memref<1x16x128xf32, #tpu.memory_space<vmem>> -> memref<16x128xf32, #tpu.memory_space<vmem>>
    %dma_wait3A_72 = arith.constant 0 : i32
    %dma_wait3A_73 = tpu.memref_slice %arg2[%mul3A_2, %dma_wait3A_72] : memref<320000x128xf32, #tpu.memory_space<hbm>> -> memref<16x128xf32, #tpu.memory_space<hbm>>
    %dma_wait3A_74 = arith.constant 0 : i32
    %dma_wait3A_75 = arith.constant 0 : i32
    %dma_wait3A_76 = tpu.memref_slice %arg6[%dma_wait3A_67, %dma_wait3A_74, %dma_wait3A_75] : memref<3x80x128xf32, #tpu.memory_space<vmem>> -> memref<1x16x128xf32, #tpu.memory_space<vmem>>
    %dma_wait3A_77 = tpu.memref_squeeze %dma_wait3A_76 : memref<1x16x128xf32, #tpu.memory_space<vmem>> -> memref<16x128xf32, #tpu.memory_space<vmem>>
    %dma_wait3A_78 = arith.constant 0 : i32
    %dma_wait3A_79 = tpu.memref_slice %arg2[%mul3A_2, %dma_wait3A_78] : memref<320000x128xf32, #tpu.memory_space<hbm>> -> memref<16x128xf32, #tpu.memory_space<hbm>>
    tpu.wait_dma2 semaphore(%arg11 : memref<!tpu.dma_semaphore, #tpu.memory_space<semaphore_mem>>) src(%dma_wait3A_79 : memref<16x128xf32, #tpu.memory_space<hbm>>) dst(%dma_wait3A_77 : memref<16x128xf32, #tpu.memory_space<vmem>>)
    %dma_wait3A_80 = arith.constant 0 : i32
    %dma_wait3A_81 = arith.constant 0 : i32
    %dma_wait3A_82 = arith.constant 0 : i32
    %dma_wait3A_83 = tpu.memref_slice %arg6[%dma_wait3A_80, %dma_wait3A_81, %dma_wait3A_82] : memref<3x80x128xf32, #tpu.memory_space<vmem>> -> memref<1x16x128xf32, #tpu.memory_space<vmem>>
    %dma_wait3A_84 = tpu.memref_squeeze %dma_wait3A_83 : memref<1x16x128xf32, #tpu.memory_space<vmem>> -> memref<16x128xf32, #tpu.memory_space<vmem>>
    %dma_wait3A_85 = arith.constant 0 : i32
    %dma_wait3A_86 = tpu.memref_slice %arg2[%mul3A_2, %dma_wait3A_85] : memref<320000x128xf32, #tpu.memory_space<hbm>> -> memref<16x128xf32, #tpu.memory_space<hbm>>
    %dma_wait3A_87 = arith.constant 0 : i32
    %dma_wait3A_88 = arith.constant 0 : i32
    %dma_wait3A_89 = tpu.memref_slice %arg6[%dma_wait3A_80, %dma_wait3A_87, %dma_wait3A_88] : memref<3x80x128xf32, #tpu.memory_space<vmem>> -> memref<1x16x128xf32, #tpu.memory_space<vmem>>
    %dma_wait3A_90 = tpu.memref_squeeze %dma_wait3A_89 : memref<1x16x128xf32, #tpu.memory_space<vmem>> -> memref<16x128xf32, #tpu.memory_space<vmem>>
    %dma_wait3A_91 = arith.constant 0 : i32
    %dma_wait3A_92 = tpu.memref_slice %arg2[%mul3A_2, %dma_wait3A_91] : memref<320000x128xf32, #tpu.memory_space<hbm>> -> memref<16x128xf32, #tpu.memory_space<hbm>>
    tpu.wait_dma2 semaphore(%arg11 : memref<!tpu.dma_semaphore, #tpu.memory_space<semaphore_mem>>) src(%dma_wait3A_92 : memref<16x128xf32, #tpu.memory_space<hbm>>) dst(%dma_wait3A_90 : memref<16x128xf32, #tpu.memory_space<vmem>>)
    %dma_wait3A_93 = arith.constant 0 : i32
    %dma_wait3A_94 = arith.constant 0 : i32
    %dma_wait3A_95 = arith.constant 0 : i32
    %dma_wait3A_96 = tpu.memref_slice %arg6[%dma_wait3A_93, %dma_wait3A_94, %dma_wait3A_95] : memref<3x80x128xf32, #tpu.memory_space<vmem>> -> memref<1x16x128xf32, #tpu.memory_space<vmem>>
    %dma_wait3A_97 = tpu.memref_squeeze %dma_wait3A_96 : memref<1x16x128xf32, #tpu.memory_space<vmem>> -> memref<16x128xf32, #tpu.memory_space<vmem>>
    %dma_wait3A_98 = arith.constant 0 : i32
    %dma_wait3A_99 = tpu.memref_slice %arg2[%mul3A_2, %dma_wait3A_98] : memref<320000x128xf32, #tpu.memory_space<hbm>> -> memref<16x128xf32, #tpu.memory_space<hbm>>
    %dma_wait3A_100 = arith.constant 0 : i32
    %dma_wait3A_101 = arith.constant 0 : i32
    %dma_wait3A_102 = tpu.memref_slice %arg6[%dma_wait3A_93, %dma_wait3A_100, %dma_wait3A_101] : memref<3x80x128xf32, #tpu.memory_space<vmem>> -> memref<1x16x128xf32, #tpu.memory_space<vmem>>
    %dma_wait3A_103 = tpu.memref_squeeze %dma_wait3A_102 : memref<1x16x128xf32, #tpu.memory_space<vmem>> -> memref<16x128xf32, #tpu.memory_space<vmem>>
    %dma_wait3A_104 = arith.constant 0 : i32
    %dma_wait3A_105 = tpu.memref_slice %arg2[%mul3A_2, %dma_wait3A_104] : memref<320000x128xf32, #tpu.memory_space<hbm>> -> memref<16x128xf32, #tpu.memory_space<hbm>>
    tpu.wait_dma2 semaphore(%arg11 : memref<!tpu.dma_semaphore, #tpu.memory_space<semaphore_mem>>) src(%dma_wait3A_105 : memref<16x128xf32, #tpu.memory_space<hbm>>) dst(%dma_wait3A_103 : memref<16x128xf32, #tpu.memory_space<vmem>>)
    %dma_wait3A_106 = arith.constant 0 : i32
    %dma_wait3A_107 = arith.constant 0 : i32
    %dma_wait3A_108 = arith.constant 0 : i32
    %dma_wait3A_109 = tpu.memref_slice %arg6[%dma_wait3A_106, %dma_wait3A_107, %dma_wait3A_108] : memref<3x80x128xf32, #tpu.memory_space<vmem>> -> memref<1x16x128xf32, #tpu.memory_space<vmem>>
    %dma_wait3A_110 = tpu.memref_squeeze %dma_wait3A_109 : memref<1x16x128xf32, #tpu.memory_space<vmem>> -> memref<16x128xf32, #tpu.memory_space<vmem>>
    %dma_wait3A_111 = arith.constant 0 : i32
    %dma_wait3A_112 = tpu.memref_slice %arg2[%mul3A_2, %dma_wait3A_111] : memref<320000x128xf32, #tpu.memory_space<hbm>> -> memref<16x128xf32, #tpu.memory_space<hbm>>
    %dma_wait3A_113 = arith.constant 0 : i32
    %dma_wait3A_114 = arith.constant 0 : i32
    %dma_wait3A_115 = tpu.memref_slice %arg6[%dma_wait3A_106, %dma_wait3A_113, %dma_wait3A_114] : memref<3x80x128xf32, #tpu.memory_space<vmem>> -> memref<1x16x128xf32, #tpu.memory_space<vmem>>
    %dma_wait3A_116 = tpu.memref_squeeze %dma_wait3A_115 : memref<1x16x128xf32, #tpu.memory_space<vmem>> -> memref<16x128xf32, #tpu.memory_space<vmem>>
    %dma_wait3A_117 = arith.constant 0 : i32
    %dma_wait3A_118 = tpu.memref_slice %arg2[%mul3A_2, %dma_wait3A_117] : memref<320000x128xf32, #tpu.memory_space<hbm>> -> memref<16x128xf32, #tpu.memory_space<hbm>>
    tpu.wait_dma2 semaphore(%arg11 : memref<!tpu.dma_semaphore, #tpu.memory_space<semaphore_mem>>) src(%dma_wait3A_118 : memref<16x128xf32, #tpu.memory_space<hbm>>) dst(%dma_wait3A_116 : memref<16x128xf32, #tpu.memory_space<vmem>>)
    %dma_wait3A_119 = arith.constant 0 : i32
    %dma_wait3A_120 = arith.constant 0 : i32
    %dma_wait3A_121 = arith.constant 0 : i32
    %dma_wait3A_122 = tpu.memref_slice %arg6[%dma_wait3A_119, %dma_wait3A_120, %dma_wait3A_121] : memref<3x80x128xf32, #tpu.memory_space<vmem>> -> memref<1x16x128xf32, #tpu.memory_space<vmem>>
    %dma_wait3A_123 = tpu.memref_squeeze %dma_wait3A_122 : memref<1x16x128xf32, #tpu.memory_space<vmem>> -> memref<16x128xf32, #tpu.memory_space<vmem>>
    %dma_wait3A_124 = arith.constant 0 : i32
    %dma_wait3A_125 = tpu.memref_slice %arg2[%mul3A_2, %dma_wait3A_124] : memref<320000x128xf32, #tpu.memory_space<hbm>> -> memref<16x128xf32, #tpu.memory_space<hbm>>
    %dma_wait3A_126 = arith.constant 0 : i32
    %dma_wait3A_127 = arith.constant 0 : i32
    %dma_wait3A_128 = tpu.memref_slice %arg6[%dma_wait3A_119, %dma_wait3A_126, %dma_wait3A_127] : memref<3x80x128xf32, #tpu.memory_space<vmem>> -> memref<1x16x128xf32, #tpu.memory_space<vmem>>
    %dma_wait3A_129 = tpu.memref_squeeze %dma_wait3A_128 : memref<1x16x128xf32, #tpu.memory_space<vmem>> -> memref<16x128xf32, #tpu.memory_space<vmem>>
    %dma_wait3A_130 = arith.constant 0 : i32
    %dma_wait3A_131 = tpu.memref_slice %arg2[%mul3A_2, %dma_wait3A_130] : memref<320000x128xf32, #tpu.memory_space<hbm>> -> memref<16x128xf32, #tpu.memory_space<hbm>>
    tpu.wait_dma2 semaphore(%arg11 : memref<!tpu.dma_semaphore, #tpu.memory_space<semaphore_mem>>) src(%dma_wait3A_131 : memref<16x128xf32, #tpu.memory_space<hbm>>) dst(%dma_wait3A_129 : memref<16x128xf32, #tpu.memory_space<vmem>>)
    %dma_wait3A_132 = arith.constant 0 : i32
    %dma_wait3A_133 = arith.constant 0 : i32
    %dma_wait3A_134 = arith.constant 0 : i32
    %dma_wait3A_135 = tpu.memref_slice %arg6[%dma_wait3A_132, %dma_wait3A_133, %dma_wait3A_134] : memref<3x80x128xf32, #tpu.memory_space<vmem>> -> memref<1x16x128xf32, #tpu.memory_space<vmem>>
    %dma_wait3A_136 = tpu.memref_squeeze %dma_wait3A_135 : memref<1x16x128xf32, #tpu.memory_space<vmem>> -> memref<16x128xf32, #tpu.memory_space<vmem>>
    %dma_wait3A_137 = arith.constant 0 : i32
    %dma_wait3A_138 = tpu.memref_slice %arg2[%mul3A_2, %dma_wait3A_137] : memref<320000x128xf32, #tpu.memory_space<hbm>> -> memref<16x128xf32, #tpu.memory_space<hbm>>
    %dma_wait3A_139 = arith.constant 0 : i32
    %dma_wait3A_140 = arith.constant 0 : i32
    %dma_wait3A_141 = tpu.memref_slice %arg6[%dma_wait3A_132, %dma_wait3A_139, %dma_wait3A_140] : memref<3x80x128xf32, #tpu.memory_space<vmem>> -> memref<1x16x128xf32, #tpu.memory_space<vmem>>
    %dma_wait3A_142 = tpu.memref_squeeze %dma_wait3A_141 : memref<1x16x128xf32, #tpu.memory_space<vmem>> -> memref<16x128xf32, #tpu.memory_space<vmem>>
    %dma_wait3A_143 = arith.constant 0 : i32
    %dma_wait3A_144 = tpu.memref_slice %arg2[%mul3A_2, %dma_wait3A_143] : memref<320000x128xf32, #tpu.memory_space<hbm>> -> memref<16x128xf32, #tpu.memory_space<hbm>>
    tpu.wait_dma2 semaphore(%arg11 : memref<!tpu.dma_semaphore, #tpu.memory_space<semaphore_mem>>) src(%dma_wait3A_144 : memref<16x128xf32, #tpu.memory_space<hbm>>) dst(%dma_wait3A_142 : memref<16x128xf32, #tpu.memory_space<vmem>>)
    %dma_wait3A_145 = arith.constant 0 : i32
    %dma_wait3A_146 = arith.constant 0 : i32
    %dma_wait3A_147 = arith.constant 0 : i32
    %dma_wait3A_148 = tpu.memref_slice %arg6[%dma_wait3A_145, %dma_wait3A_146, %dma_wait3A_147] : memref<3x80x128xf32, #tpu.memory_space<vmem>> -> memref<1x16x128xf32, #tpu.memory_space<vmem>>
    %dma_wait3A_149 = tpu.memref_squeeze %dma_wait3A_148 : memref<1x16x128xf32, #tpu.memory_space<vmem>> -> memref<16x128xf32, #tpu.memory_space<vmem>>
    %dma_wait3A_150 = arith.constant 0 : i32
    %dma_wait3A_151 = tpu.memref_slice %arg2[%mul3A_2, %dma_wait3A_150] : memref<320000x128xf32, #tpu.memory_space<hbm>> -> memref<16x128xf32, #tpu.memory_space<hbm>>
    %dma_wait3A_152 = arith.constant 0 : i32
    %dma_wait3A_153 = arith.constant 0 : i32
    %dma_wait3A_154 = tpu.memref_slice %arg6[%dma_wait3A_145, %dma_wait3A_152, %dma_wait3A_153] : memref<3x80x128xf32, #tpu.memory_space<vmem>> -> memref<1x16x128xf32, #tpu.memory_space<vmem>>
    %dma_wait3A_155 = tpu.memref_squeeze %dma_wait3A_154 : memref<1x16x128xf32, #tpu.memory_space<vmem>> -> memref<16x128xf32, #tpu.memory_space<vmem>>
    %dma_wait3A_156 = arith.constant 0 : i32
    %dma_wait3A_157 = tpu.memref_slice %arg2[%mul3A_2, %dma_wait3A_156] : memref<320000x128xf32, #tpu.memory_space<hbm>> -> memref<16x128xf32, #tpu.memory_space<hbm>>
    tpu.wait_dma2 semaphore(%arg11 : memref<!tpu.dma_semaphore, #tpu.memory_space<semaphore_mem>>) src(%dma_wait3A_157 : memref<16x128xf32, #tpu.memory_space<hbm>>) dst(%dma_wait3A_155 : memref<16x128xf32, #tpu.memory_space<vmem>>)
    %dma_wait3A_158 = arith.constant 0 : i32
    %dma_wait3A_159 = arith.constant 0 : i32
    %dma_wait3A_160 = arith.constant 0 : i32
    %dma_wait3A_161 = tpu.memref_slice %arg6[%dma_wait3A_158, %dma_wait3A_159, %dma_wait3A_160] : memref<3x80x128xf32, #tpu.memory_space<vmem>> -> memref<1x16x128xf32, #tpu.memory_space<vmem>>
    %dma_wait3A_162 = tpu.memref_squeeze %dma_wait3A_161 : memref<1x16x128xf32, #tpu.memory_space<vmem>> -> memref<16x128xf32, #tpu.memory_space<vmem>>
    %dma_wait3A_163 = arith.constant 0 : i32
    %dma_wait3A_164 = tpu.memref_slice %arg2[%mul3A_2, %dma_wait3A_163] : memref<320000x128xf32, #tpu.memory_space<hbm>> -> memref<16x128xf32, #tpu.memory_space<hbm>>
    %dma_wait3A_165 = arith.constant 0 : i32
    %dma_wait3A_166 = arith.constant 0 : i32
    %dma_wait3A_167 = tpu.memref_slice %arg6[%dma_wait3A_158, %dma_wait3A_165, %dma_wait3A_166] : memref<3x80x128xf32, #tpu.memory_space<vmem>> -> memref<1x16x128xf32, #tpu.memory_space<vmem>>
    %dma_wait3A_168 = tpu.memref_squeeze %dma_wait3A_167 : memref<1x16x128xf32, #tpu.memory_space<vmem>> -> memref<16x128xf32, #tpu.memory_space<vmem>>
    %dma_wait3A_169 = arith.constant 0 : i32
    %dma_wait3A_170 = tpu.memref_slice %arg2[%mul3A_2, %dma_wait3A_169] : memref<320000x128xf32, #tpu.memory_space<hbm>> -> memref<16x128xf32, #tpu.memory_space<hbm>>
    tpu.wait_dma2 semaphore(%arg11 : memref<!tpu.dma_semaphore, #tpu.memory_space<semaphore_mem>>) src(%dma_wait3A_170 : memref<16x128xf32, #tpu.memory_space<hbm>>) dst(%dma_wait3A_168 : memref<16x128xf32, #tpu.memory_space<vmem>>)
    %dma_wait3A_171 = arith.constant 0 : i32
    %dma_wait3A_172 = arith.constant 0 : i32
    %dma_wait3A_173 = arith.constant 0 : i32
    %dma_wait3A_174 = tpu.memref_slice %arg6[%dma_wait3A_171, %dma_wait3A_172, %dma_wait3A_173] : memref<3x80x128xf32, #tpu.memory_space<vmem>> -> memref<1x16x128xf32, #tpu.memory_space<vmem>>
    %dma_wait3A_175 = tpu.memref_squeeze %dma_wait3A_174 : memref<1x16x128xf32, #tpu.memory_space<vmem>> -> memref<16x128xf32, #tpu.memory_space<vmem>>
    %dma_wait3A_176 = arith.constant 0 : i32
    %dma_wait3A_177 = tpu.memref_slice %arg2[%mul3A_2, %dma_wait3A_176] : memref<320000x128xf32, #tpu.memory_space<hbm>> -> memref<16x128xf32, #tpu.memory_space<hbm>>
    %dma_wait3A_178 = arith.constant 0 : i32
    %dma_wait3A_179 = arith.constant 0 : i32
    %dma_wait3A_180 = tpu.memref_slice %arg6[%dma_wait3A_171, %dma_wait3A_178, %dma_wait3A_179] : memref<3x80x128xf32, #tpu.memory_space<vmem>> -> memref<1x16x128xf32, #tpu.memory_space<vmem>>
    %dma_wait3A_181 = tpu.memref_squeeze %dma_wait3A_180 : memref<1x16x128xf32, #tpu.memory_space<vmem>> -> memref<16x128xf32, #tpu.memory_space<vmem>>
    %dma_wait3A_182 = arith.constant 0 : i32
    %dma_wait3A_183 = tpu.memref_slice %arg2[%mul3A_2, %dma_wait3A_182] : memref<320000x128xf32, #tpu.memory_space<hbm>> -> memref<16x128xf32, #tpu.memory_space<hbm>>
    tpu.wait_dma2 semaphore(%arg11 : memref<!tpu.dma_semaphore, #tpu.memory_space<semaphore_mem>>) src(%dma_wait3A_183 : memref<16x128xf32, #tpu.memory_space<hbm>>) dst(%dma_wait3A_181 : memref<16x128xf32, #tpu.memory_space<vmem>>)
    %dma_wait3A_184 = arith.constant 0 : i32
    %dma_wait3A_185 = arith.constant 0 : i32
    %dma_wait3A_186 = arith.constant 0 : i32
    %dma_wait3A_187 = tpu.memref_slice %arg6[%dma_wait3A_184, %dma_wait3A_185, %dma_wait3A_186] : memref<3x80x128xf32, #tpu.memory_space<vmem>> -> memref<1x16x128xf32, #tpu.memory_space<vmem>>
    %dma_wait3A_188 = tpu.memref_squeeze %dma_wait3A_187 : memref<1x16x128xf32, #tpu.memory_space<vmem>> -> memref<16x128xf32, #tpu.memory_space<vmem>>
    %dma_wait3A_189 = arith.constant 0 : i32
    %dma_wait3A_190 = tpu.memref_slice %arg2[%mul3A_2, %dma_wait3A_189] : memref<320000x128xf32, #tpu.memory_space<hbm>> -> memref<16x128xf32, #tpu.memory_space<hbm>>
    %dma_wait3A_191 = arith.constant 0 : i32
    %dma_wait3A_192 = arith.constant 0 : i32
    %dma_wait3A_193 = tpu.memref_slice %arg6[%dma_wait3A_184, %dma_wait3A_191, %dma_wait3A_192] : memref<3x80x128xf32, #tpu.memory_space<vmem>> -> memref<1x16x128xf32, #tpu.memory_space<vmem>>
    %dma_wait3A_194 = tpu.memref_squeeze %dma_wait3A_193 : memref<1x16x128xf32, #tpu.memory_space<vmem>> -> memref<16x128xf32, #tpu.memory_space<vmem>>
    %dma_wait3A_195 = arith.constant 0 : i32
    %dma_wait3A_196 = tpu.memref_slice %arg2[%mul3A_2, %dma_wait3A_195] : memref<320000x128xf32, #tpu.memory_space<hbm>> -> memref<16x128xf32, #tpu.memory_space<hbm>>
    tpu.wait_dma2 semaphore(%arg11 : memref<!tpu.dma_semaphore, #tpu.memory_space<semaphore_mem>>) src(%dma_wait3A_196 : memref<16x128xf32, #tpu.memory_space<hbm>>) dst(%dma_wait3A_194 : memref<16x128xf32, #tpu.memory_space<vmem>>)
    %dma_wait3A_197 = arith.constant 0 : i32
    %dma_wait3A_198 = arith.constant 0 : i32
    %dma_wait3A_199 = arith.constant 0 : i32
    %dma_wait3A_200 = tpu.memref_slice %arg6[%dma_wait3A_197, %dma_wait3A_198, %dma_wait3A_199] : memref<3x80x128xf32, #tpu.memory_space<vmem>> -> memref<1x16x128xf32, #tpu.memory_space<vmem>>
    %dma_wait3A_201 = tpu.memref_squeeze %dma_wait3A_200 : memref<1x16x128xf32, #tpu.memory_space<vmem>> -> memref<16x128xf32, #tpu.memory_space<vmem>>
    %dma_wait3A_202 = arith.constant 0 : i32
    %dma_wait3A_203 = tpu.memref_slice %arg2[%mul3A_2, %dma_wait3A_202] : memref<320000x128xf32, #tpu.memory_space<hbm>> -> memref<16x128xf32, #tpu.memory_space<hbm>>
    %dma_wait3A_204 = arith.constant 0 : i32
    %dma_wait3A_205 = arith.constant 0 : i32
    %dma_wait3A_206 = tpu.memref_slice %arg6[%dma_wait3A_197, %dma_wait3A_204, %dma_wait3A_205] : memref<3x80x128xf32, #tpu.memory_space<vmem>> -> memref<1x16x128xf32, #tpu.memory_space<vmem>>
    %dma_wait3A_207 = tpu.memref_squeeze %dma_wait3A_206 : memref<1x16x128xf32, #tpu.memory_space<vmem>> -> memref<16x128xf32, #tpu.memory_space<vmem>>
    %dma_wait3A_208 = arith.constant 0 : i32
    %dma_wait3A_209 = tpu.memref_slice %arg2[%mul3A_2, %dma_wait3A_208] : memref<320000x128xf32, #tpu.memory_space<hbm>> -> memref<16x128xf32, #tpu.memory_space<hbm>>
    tpu.wait_dma2 semaphore(%arg11 : memref<!tpu.dma_semaphore, #tpu.memory_space<semaphore_mem>>) src(%dma_wait3A_209 : memref<16x128xf32, #tpu.memory_space<hbm>>) dst(%dma_wait3A_207 : memref<16x128xf32, #tpu.memory_space<vmem>>)
    %add3A_210 = arith.constant 9840 : i32
    %add3A_211 = arith.addi %mul3A_2, %add3A_210 : i32
    %run_scoped3A = arith.constant 0 : i32
    "tpu.region"() ({
      %run_scoped3A_260 = tpu.sem_alloc : memref<!tpu.dma_semaphore, #tpu.memory_space<semaphore_mem>>
      %dma_start3A = arith.constant 0 : i32
      %dma_start3A_261 = arith.constant 0 : i32
      %dma_start3A_262 = tpu.memref_slice %arg6[%run_scoped3A, %dma_start3A, %dma_start3A_261] : memref<3x80x128xf32, #tpu.memory_space<vmem>> -> memref<1x80x128xf32, #tpu.memory_space<vmem>>
      %dma_start3A_263 = tpu.memref_squeeze %dma_start3A_262 : memref<1x80x128xf32, #tpu.memory_space<vmem>> -> memref<80x128xf32, #tpu.memory_space<vmem>>
      %dma_start3A_264 = arith.constant 0 : i32
      %dma_start3A_265 = tpu.memref_slice %arg2[%add3A_211, %dma_start3A_264] : memref<320000x128xf32, #tpu.memory_space<hbm>> -> memref<80x128xf32, #tpu.memory_space<hbm>>
      %dma_start3A_266 = arith.constant 0 : i32
      %dma_start3A_267 = arith.constant 0 : i32
      %dma_start3A_268 = tpu.memref_slice %arg6[%run_scoped3A, %dma_start3A_266, %dma_start3A_267] : memref<3x80x128xf32, #tpu.memory_space<vmem>> -> memref<1x80x128xf32, #tpu.memory_space<vmem>>
      %dma_start3A_269 = tpu.memref_squeeze %dma_start3A_268 : memref<1x80x128xf32, #tpu.memory_space<vmem>> -> memref<80x128xf32, #tpu.memory_space<vmem>>
      %dma_start3A_270 = arith.constant 0 : i32
      %dma_start3A_271 = tpu.memref_slice %arg2[%add3A_211, %dma_start3A_270] : memref<320000x128xf32, #tpu.memory_space<hbm>> -> memref<80x128xf32, #tpu.memory_space<hbm>>
      tpu.enqueue_dma source(%dma_start3A_271 : memref<80x128xf32, #tpu.memory_space<hbm>>) target(%dma_start3A_269 : memref<80x128xf32, #tpu.memory_space<vmem>>) target_semaphore(%run_scoped3A_260 : memref<!tpu.dma_semaphore, #tpu.memory_space<semaphore_mem>>)
      %dma_wait3A_272 = arith.constant 0 : i32
      %dma_wait3A_273 = arith.constant 0 : i32
      %dma_wait3A_274 = tpu.memref_slice %arg6[%run_scoped3A, %dma_wait3A_272, %dma_wait3A_273] : memref<3x80x128xf32, #tpu.memory_space<vmem>> -> memref<1x80x128xf32, #tpu.memory_space<vmem>>
      %dma_wait3A_275 = tpu.memref_squeeze %dma_wait3A_274 : memref<1x80x128xf32, #tpu.memory_space<vmem>> -> memref<80x128xf32, #tpu.memory_space<vmem>>
      %dma_wait3A_276 = arith.constant 0 : i32
      %dma_wait3A_277 = tpu.memref_slice %arg2[%add3A_211, %dma_wait3A_276] : memref<320000x128xf32, #tpu.memory_space<hbm>> -> memref<80x128xf32, #tpu.memory_space<hbm>>
      %dma_wait3A_278 = arith.constant 0 : i32
      %dma_wait3A_279 = arith.constant 0 : i32
      %dma_wait3A_280 = tpu.memref_slice %arg6[%run_scoped3A, %dma_wait3A_278, %dma_wait3A_279] : memref<3x80x128xf32, #tpu.memory_space<vmem>> -> memref<1x80x128xf32, #tpu.memory_space<vmem>>
      %dma_wait3A_281 = tpu.memref_squeeze %dma_wait3A_280 : memref<1x80x128xf32, #tpu.memory_space<vmem>> -> memref<80x128xf32, #tpu.memory_space<vmem>>
      %dma_wait3A_282 = arith.constant 0 : i32
      %dma_wait3A_283 = tpu.memref_slice %arg2[%add3A_211, %dma_wait3A_282] : memref<320000x128xf32, #tpu.memory_space<hbm>> -> memref<80x128xf32, #tpu.memory_space<hbm>>
      tpu.wait_dma2 semaphore(%run_scoped3A_260 : memref<!tpu.dma_semaphore, #tpu.memory_space<semaphore_mem>>) src(%dma_wait3A_283 : memref<80x128xf32, #tpu.memory_space<hbm>>) dst(%dma_wait3A_281 : memref<80x128xf32, #tpu.memory_space<vmem>>)
      tpu.yield
    }) : () -> ()
    %get3A = arith.constant 9840 : index
    %get3A_212 = tpu.vector_load %arg5[%get3A] {strides = array<i32>} : memref<10000xi32, #tpu.memory_space<vmem>>, vector<16xi32>,
    %get3A_213 = vector.shape_cast %get3A_212 : vector<16xi32> to vector<16xi32>
    %run_scoped3A_214 = arith.constant 0 : i32
    "tpu.region"() ({
      %run_scoped3A_260 = tpu.sem_alloc : memref<!tpu.dma_semaphore, #tpu.memory_space<semaphore_mem>>
      %dma_start3A = arith.constant 0 : i32
      %dma_start3A_261 = arith.constant 0 : i32
      %dma_start3A_262 = tpu.memref_slice %arg6[%run_scoped3A_214, %dma_start3A, %dma_start3A_261] : memref<3x80x128xf32, #tpu.memory_space<vmem>> -> memref<1x16x128xf32, #tpu.memory_space<vmem>>
      %dma_start3A_263 = tpu.memref_squeeze %dma_start3A_262 : memref<1x16x128xf32, #tpu.memory_space<vmem>> -> memref<16x128xf32, #tpu.memory_space<vmem>>
      %dma_start3A_264 = arith.constant 0 : i32
      %dma_start3A_265 = arith.constant 0 : i32
      %dma_start3A_266 = tpu.memref_slice %arg7[%dma_start3A_264, %dma_start3A_265] : memref<10000x128xf32, #tpu.memory_space<vmem_shared>> -> memref<10000x128xf32, #tpu.memory_space<vmem_shared>>
      tpu.enqueue_indirect_dma source(%dma_start3A_263 : memref<16x128xf32, #tpu.memory_space<vmem>>) target(%dma_start3A_266 : memref<10000x128xf32, #tpu.memory_space<vmem_shared>>) offsets(%get3A_213 : vector<16xi32>) semaphore(%run_scoped3A_260 : memref<!tpu.dma_semaphore, #tpu.memory_space<semaphore_mem>>) {add = true}
      %dma_wait3A_267 = arith.constant 0 : i32
      %dma_wait3A_268 = arith.constant 0 : i32
      %dma_wait3A_269 = tpu.memref_slice %arg6[%run_scoped3A_214, %dma_wait3A_267, %dma_wait3A_268] : memref<3x80x128xf32, #tpu.memory_space<vmem>> -> memref<1x16x128xf32, #tpu.memory_space<vmem>>
      %dma_wait3A_270 = tpu.memref_squeeze %dma_wait3A_269 : memref<1x16x128xf32, #tpu.memory_space<vmem>> -> memref<16x128xf32, #tpu.memory_space<vmem>>
      %dma_wait3A_271 = arith.constant 0 : i32
      %dma_wait3A_272 = arith.constant 0 : i32
      %dma_wait3A_273 = tpu.memref_slice %arg7[%dma_wait3A_271, %dma_wait3A_272] : memref<10000x128xf32, #tpu.memory_space<vmem_shared>> -> memref<10000x128xf32, #tpu.memory_space<vmem_shared>>
      tpu.wait_indirect_dma semaphore(%run_scoped3A_260 : memref<!tpu.dma_semaphore, #tpu.memory_space<semaphore_mem>>) src(%dma_wait3A_270 : memref<16x128xf32, #tpu.memory_space<vmem>>) dst(%dma_wait3A_273 : memref<10000x128xf32, #tpu.memory_space<vmem_shared>>)
      tpu.yield
    }) : () -> ()
    %get3A_215 = arith.constant 9856 : index
    %get3A_216 = tpu.vector_load %arg5[%get3A_215] {strides = array<i32>} : memref<10000xi32, #tpu.memory_space<vmem>>, vector<16xi32>,
    %get3A_217 = vector.shape_cast %get3A_216 : vector<16xi32> to vector<16xi32>
    %run_scoped3A_218 = arith.constant 0 : i32
    "tpu.region"() ({
      %run_scoped3A_260 = tpu.sem_alloc : memref<!tpu.dma_semaphore, #tpu.memory_space<semaphore_mem>>
      %dma_start3A = arith.constant 16 : i32
      %dma_start3A_261 = arith.constant 0 : i32
      %dma_start3A_262 = tpu.memref_slice %arg6[%run_scoped3A_218, %dma_start3A, %dma_start3A_261] : memref<3x80x128xf32, #tpu.memory_space<vmem>> -> memref<1x16x128xf32, #tpu.memory_space<vmem>>
      %dma_start3A_263 = tpu.memref_squeeze %dma_start3A_262 : memref<1x16x128xf32, #tpu.memory_space<vmem>> -> memref<16x128xf32, #tpu.memory_space<vmem>>
      %dma_start3A_264 = arith.constant 0 : i32
      %dma_start3A_265 = arith.constant 0 : i32
      %dma_start3A_266 = tpu.memref_slice %arg7[%dma_start3A_264, %dma_start3A_265] : memref<10000x128xf32, #tpu.memory_space<vmem_shared>> -> memref<10000x128xf32, #tpu.memory_space<vmem_shared>>
      tpu.enqueue_indirect_dma source(%dma_start3A_263 : memref<16x128xf32, #tpu.memory_space<vmem>>) target(%dma_start3A_266 : memref<10000x128xf32, #tpu.memory_space<vmem_shared>>) offsets(%get3A_217 : vector<16xi32>) semaphore(%run_scoped3A_260 : memref<!tpu.dma_semaphore, #tpu.memory_space<semaphore_mem>>) {add = true}
      %dma_wait3A_267 = arith.constant 16 : i32
      %dma_wait3A_268 = arith.constant 0 : i32
      %dma_wait3A_269 = tpu.memref_slice %arg6[%run_scoped3A_218, %dma_wait3A_267, %dma_wait3A_268] : memref<3x80x128xf32, #tpu.memory_space<vmem>> -> memref<1x16x128xf32, #tpu.memory_space<vmem>>
      %dma_wait3A_270 = tpu.memref_squeeze %dma_wait3A_269 : memref<1x16x128xf32, #tpu.memory_space<vmem>> -> memref<16x128xf32, #tpu.memory_space<vmem>>
      %dma_wait3A_271 = arith.constant 0 : i32
      %dma_wait3A_272 = arith.constant 0 : i32
      %dma_wait3A_273 = tpu.memref_slice %arg7[%dma_wait3A_271, %dma_wait3A_272] : memref<10000x128xf32, #tpu.memory_space<vmem_shared>> -> memref<10000x128xf32, #tpu.memory_space<vmem_shared>>
      tpu.wait_indirect_dma semaphore(%run_scoped3A_260 : memref<!tpu.dma_semaphore, #tpu.memory_space<semaphore_mem>>) src(%dma_wait3A_270 : memref<16x128xf32, #tpu.memory_space<vmem>>) dst(%dma_wait3A_273 : memref<10000x128xf32, #tpu.memory_space<vmem_shared>>)
      tpu.yield
    }) : () -> ()
    %get3A_219 = arith.constant 9872 : index
    %get3A_220 = tpu.vector_load %arg5[%get3A_219] {strides = array<i32>} : memref<10000xi32, #tpu.memory_space<vmem>>, vector<16xi32>,
    %get3A_221 = vector.shape_cast %get3A_220 : vector<16xi32> to vector<16xi32>
    %run_scoped3A_222 = arith.constant 0 : i32
    "tpu.region"() ({
      %run_scoped3A_260 = tpu.sem_alloc : memref<!tpu.dma_semaphore, #tpu.memory_space<semaphore_mem>>
      %dma_start3A = arith.constant 32 : i32
      %dma_start3A_261 = arith.constant 0 : i32
      %dma_start3A_262 = tpu.memref_slice %arg6[%run_scoped3A_222, %dma_start3A, %dma_start3A_261] : memref<3x80x128xf32, #tpu.memory_space<vmem>> -> memref<1x16x128xf32, #tpu.memory_space<vmem>>
      %dma_start3A_263 = tpu.memref_squeeze %dma_start3A_262 : memref<1x16x128xf32, #tpu.memory_space<vmem>> -> memref<16x128xf32, #tpu.memory_space<vmem>>
      %dma_start3A_264 = arith.constant 0 : i32
      %dma_start3A_265 = arith.constant 0 : i32
      %dma_start3A_266 = tpu.memref_slice %arg7[%dma_start3A_264, %dma_start3A_265] : memref<10000x128xf32, #tpu.memory_space<vmem_shared>> -> memref<10000x128xf32, #tpu.memory_space<vmem_shared>>
      tpu.enqueue_indirect_dma source(%dma_start3A_263 : memref<16x128xf32, #tpu.memory_space<vmem>>) target(%dma_start3A_266 : memref<10000x128xf32, #tpu.memory_space<vmem_shared>>) offsets(%get3A_221 : vector<16xi32>) semaphore(%run_scoped3A_260 : memref<!tpu.dma_semaphore, #tpu.memory_space<semaphore_mem>>) {add = true}
      %dma_wait3A_267 = arith.constant 32 : i32
      %dma_wait3A_268 = arith.constant 0 : i32
      %dma_wait3A_269 = tpu.memref_slice %arg6[%run_scoped3A_222, %dma_wait3A_267, %dma_wait3A_268] : memref<3x80x128xf32, #tpu.memory_space<vmem>> -> memref<1x16x128xf32, #tpu.memory_space<vmem>>
      %dma_wait3A_270 = tpu.memref_squeeze %dma_wait3A_269 : memref<1x16x128xf32, #tpu.memory_space<vmem>> -> memref<16x128xf32, #tpu.memory_space<vmem>>
      %dma_wait3A_271 = arith.constant 0 : i32
      %dma_wait3A_272 = arith.constant 0 : i32
      %dma_wait3A_273 = tpu.memref_slice %arg7[%dma_wait3A_271, %dma_wait3A_272] : memref<10000x128xf32, #tpu.memory_space<vmem_shared>> -> memref<10000x128xf32, #tpu.memory_space<vmem_shared>>
      tpu.wait_indirect_dma semaphore(%run_scoped3A_260 : memref<!tpu.dma_semaphore, #tpu.memory_space<semaphore_mem>>) src(%dma_wait3A_270 : memref<16x128xf32, #tpu.memory_space<vmem>>) dst(%dma_wait3A_273 : memref<10000x128xf32, #tpu.memory_space<vmem_shared>>)
      tpu.yield
    }) : () -> ()
    %get3A_223 = arith.constant 9888 : index
    %get3A_224 = tpu.vector_load %arg5[%get3A_223] {strides = array<i32>} : memref<10000xi32, #tpu.memory_space<vmem>>, vector<16xi32>,
    %get3A_225 = vector.shape_cast %get3A_224 : vector<16xi32> to vector<16xi32>
    %run_scoped3A_226 = arith.constant 0 : i32
    "tpu.region"() ({
      %run_scoped3A_260 = tpu.sem_alloc : memref<!tpu.dma_semaphore, #tpu.memory_space<semaphore_mem>>
      %dma_start3A = arith.constant 48 : i32
      %dma_start3A_261 = arith.constant 0 : i32
      %dma_start3A_262 = tpu.memref_slice %arg6[%run_scoped3A_226, %dma_start3A, %dma_start3A_261] : memref<3x80x128xf32, #tpu.memory_space<vmem>> -> memref<1x16x128xf32, #tpu.memory_space<vmem>>
      %dma_start3A_263 = tpu.memref_squeeze %dma_start3A_262 : memref<1x16x128xf32, #tpu.memory_space<vmem>> -> memref<16x128xf32, #tpu.memory_space<vmem>>
      %dma_start3A_264 = arith.constant 0 : i32
      %dma_start3A_265 = arith.constant 0 : i32
      %dma_start3A_266 = tpu.memref_slice %arg7[%dma_start3A_264, %dma_start3A_265] : memref<10000x128xf32, #tpu.memory_space<vmem_shared>> -> memref<10000x128xf32, #tpu.memory_space<vmem_shared>>
      tpu.enqueue_indirect_dma source(%dma_start3A_263 : memref<16x128xf32, #tpu.memory_space<vmem>>) target(%dma_start3A_266 : memref<10000x128xf32, #tpu.memory_space<vmem_shared>>) offsets(%get3A_225 : vector<16xi32>) semaphore(%run_scoped3A_260 : memref<!tpu.dma_semaphore, #tpu.memory_space<semaphore_mem>>) {add = true}
      %dma_wait3A_267 = arith.constant 48 : i32
      %dma_wait3A_268 = arith.constant 0 : i32
      %dma_wait3A_269 = tpu.memref_slice %arg6[%run_scoped3A_226, %dma_wait3A_267, %dma_wait3A_268] : memref<3x80x128xf32, #tpu.memory_space<vmem>> -> memref<1x16x128xf32, #tpu.memory_space<vmem>>
      %dma_wait3A_270 = tpu.memref_squeeze %dma_wait3A_269 : memref<1x16x128xf32, #tpu.memory_space<vmem>> -> memref<16x128xf32, #tpu.memory_space<vmem>>
      %dma_wait3A_271 = arith.constant 0 : i32
      %dma_wait3A_272 = arith.constant 0 : i32
      %dma_wait3A_273 = tpu.memref_slice %arg7[%dma_wait3A_271, %dma_wait3A_272] : memref<10000x128xf32, #tpu.memory_space<vmem_shared>> -> memref<10000x128xf32, #tpu.memory_space<vmem_shared>>
      tpu.wait_indirect_dma semaphore(%run_scoped3A_260 : memref<!tpu.dma_semaphore, #tpu.memory_space<semaphore_mem>>) src(%dma_wait3A_270 : memref<16x128xf32, #tpu.memory_space<vmem>>) dst(%dma_wait3A_273 : memref<10000x128xf32, #tpu.memory_space<vmem_shared>>)
      tpu.yield
    }) : () -> ()
    %get3A_227 = arith.constant 9904 : index
    %get3A_228 = tpu.vector_load %arg5[%get3A_227] {strides = array<i32>} : memref<10000xi32, #tpu.memory_space<vmem>>, vector<16xi32>,
    %get3A_229 = vector.shape_cast %get3A_228 : vector<16xi32> to vector<16xi32>
    %run_scoped3A_230 = arith.constant 0 : i32
    "tpu.region"() ({
      %run_scoped3A_260 = tpu.sem_alloc : memref<!tpu.dma_semaphore, #tpu.memory_space<semaphore_mem>>
      %dma_start3A = arith.constant 64 : i32
      %dma_start3A_261 = arith.constant 0 : i32
      %dma_start3A_262 = tpu.memref_slice %arg6[%run_scoped3A_230, %dma_start3A, %dma_start3A_261] : memref<3x80x128xf32, #tpu.memory_space<vmem>> -> memref<1x16x128xf32, #tpu.memory_space<vmem>>
      %dma_start3A_263 = tpu.memref_squeeze %dma_start3A_262 : memref<1x16x128xf32, #tpu.memory_space<vmem>> -> memref<16x128xf32, #tpu.memory_space<vmem>>
      %dma_start3A_264 = arith.constant 0 : i32
      %dma_start3A_265 = arith.constant 0 : i32
      %dma_start3A_266 = tpu.memref_slice %arg7[%dma_start3A_264, %dma_start3A_265] : memref<10000x128xf32, #tpu.memory_space<vmem_shared>> -> memref<10000x128xf32, #tpu.memory_space<vmem_shared>>
      tpu.enqueue_indirect_dma source(%dma_start3A_263 : memref<16x128xf32, #tpu.memory_space<vmem>>) target(%dma_start3A_266 : memref<10000x128xf32, #tpu.memory_space<vmem_shared>>) offsets(%get3A_229 : vector<16xi32>) semaphore(%run_scoped3A_260 : memref<!tpu.dma_semaphore, #tpu.memory_space<semaphore_mem>>) {add = true}
      %dma_wait3A_267 = arith.constant 64 : i32
      %dma_wait3A_268 = arith.constant 0 : i32
      %dma_wait3A_269 = tpu.memref_slice %arg6[%run_scoped3A_230, %dma_wait3A_267, %dma_wait3A_268] : memref<3x80x128xf32, #tpu.memory_space<vmem>> -> memref<1x16x128xf32, #tpu.memory_space<vmem>>
      %dma_wait3A_270 = tpu.memref_squeeze %dma_wait3A_269 : memref<1x16x128xf32, #tpu.memory_space<vmem>> -> memref<16x128xf32, #tpu.memory_space<vmem>>
      %dma_wait3A_271 = arith.constant 0 : i32
      %dma_wait3A_272 = arith.constant 0 : i32
      %dma_wait3A_273 = tpu.memref_slice %arg7[%dma_wait3A_271, %dma_wait3A_272] : memref<10000x128xf32, #tpu.memory_space<vmem_shared>> -> memref<10000x128xf32, #tpu.memory_space<vmem_shared>>
      tpu.wait_indirect_dma semaphore(%run_scoped3A_260 : memref<!tpu.dma_semaphore, #tpu.memory_space<semaphore_mem>>) src(%dma_wait3A_270 : memref<16x128xf32, #tpu.memory_space<vmem>>) dst(%dma_wait3A_273 : memref<10000x128xf32, #tpu.memory_space<vmem_shared>>)
      tpu.yield
    }) : () -> ()
    %add3A_231 = arith.constant 9920 : i32
    %add3A_232 = arith.addi %mul3A_2, %add3A_231 : i32
    %run_scoped3A_233 = arith.constant 1 : i32
    "tpu.region"() ({
      %run_scoped3A_260 = tpu.sem_alloc : memref<!tpu.dma_semaphore, #tpu.memory_space<semaphore_mem>>
      %dma_start3A = arith.constant 0 : i32
      %dma_start3A_261 = arith.constant 0 : i32
      %dma_start3A_262 = tpu.memref_slice %arg6[%run_scoped3A_233, %dma_start3A, %dma_start3A_261] : memref<3x80x128xf32, #tpu.memory_space<vmem>> -> memref<1x80x128xf32, #tpu.memory_space<vmem>>
      %dma_start3A_263 = tpu.memref_squeeze %dma_start3A_262 : memref<1x80x128xf32, #tpu.memory_space<vmem>> -> memref<80x128xf32, #tpu.memory_space<vmem>>
      %dma_start3A_264 = arith.constant 0 : i32
      %dma_start3A_265 = tpu.memref_slice %arg2[%add3A_232, %dma_start3A_264] : memref<320000x128xf32, #tpu.memory_space<hbm>> -> memref<80x128xf32, #tpu.memory_space<hbm>>
      %dma_start3A_266 = arith.constant 0 : i32
      %dma_start3A_267 = arith.constant 0 : i32
      %dma_start3A_268 = tpu.memref_slice %arg6[%run_scoped3A_233, %dma_start3A_266, %dma_start3A_267] : memref<3x80x128xf32, #tpu.memory_space<vmem>> -> memref<1x80x128xf32, #tpu.memory_space<vmem>>
      %dma_start3A_269 = tpu.memref_squeeze %dma_start3A_268 : memref<1x80x128xf32, #tpu.memory_space<vmem>> -> memref<80x128xf32, #tpu.memory_space<vmem>>
      %dma_start3A_270 = arith.constant 0 : i32
      %dma_start3A_271 = tpu.memref_slice %arg2[%add3A_232, %dma_start3A_270] : memref<320000x128xf32, #tpu.memory_space<hbm>> -> memref<80x128xf32, #tpu.memory_space<hbm>>
      tpu.enqueue_dma source(%dma_start3A_271 : memref<80x128xf32, #tpu.memory_space<hbm>>) target(%dma_start3A_269 : memref<80x128xf32, #tpu.memory_space<vmem>>) target_semaphore(%run_scoped3A_260 : memref<!tpu.dma_semaphore, #tpu.memory_space<semaphore_mem>>)
      %dma_wait3A_272 = arith.constant 0 : i32
      %dma_wait3A_273 = arith.constant 0 : i32
      %dma_wait3A_274 = tpu.memref_slice %arg6[%run_scoped3A_233, %dma_wait3A_272, %dma_wait3A_273] : memref<3x80x128xf32, #tpu.memory_space<vmem>> -> memref<1x80x128xf32, #tpu.memory_space<vmem>>
      %dma_wait3A_275 = tpu.memref_squeeze %dma_wait3A_274 : memref<1x80x128xf32, #tpu.memory_space<vmem>> -> memref<80x128xf32, #tpu.memory_space<vmem>>
      %dma_wait3A_276 = arith.constant 0 : i32
      %dma_wait3A_277 = tpu.memref_slice %arg2[%add3A_232, %dma_wait3A_276] : memref<320000x128xf32, #tpu.memory_space<hbm>> -> memref<80x128xf32, #tpu.memory_space<hbm>>
      %dma_wait3A_278 = arith.constant 0 : i32
      %dma_wait3A_279 = arith.constant 0 : i32
      %dma_wait3A_280 = tpu.memref_slice %arg6[%run_scoped3A_233, %dma_wait3A_278, %dma_wait3A_279] : memref<3x80x128xf32, #tpu.memory_space<vmem>> -> memref<1x80x128xf32, #tpu.memory_space<vmem>>
      %dma_wait3A_281 = tpu.memref_squeeze %dma_wait3A_280 : memref<1x80x128xf32, #tpu.memory_space<vmem>> -> memref<80x128xf32, #tpu.memory_space<vmem>>
      %dma_wait3A_282 = arith.constant 0 : i32
      %dma_wait3A_283 = tpu.memref_slice %arg2[%add3A_232, %dma_wait3A_282] : memref<320000x128xf32, #tpu.memory_space<hbm>> -> memref<80x128xf32, #tpu.memory_space<hbm>>
      tpu.wait_dma2 semaphore(%run_scoped3A_260 : memref<!tpu.dma_semaphore, #tpu.memory_space<semaphore_mem>>) src(%dma_wait3A_283 : memref<80x128xf32, #tpu.memory_space<hbm>>) dst(%dma_wait3A_281 : memref<80x128xf32, #tpu.memory_space<vmem>>)
      tpu.yield
    }) : () -> ()
    %get3A_234 = arith.constant 9920 : index
    %get3A_235 = tpu.vector_load %arg5[%get3A_234] {strides = array<i32>} : memref<10000xi32, #tpu.memory_space<vmem>>, vector<16xi32>,
    %get3A_236 = vector.shape_cast %get3A_235 : vector<16xi32> to vector<16xi32>
    %run_scoped3A_237 = arith.constant 1 : i32
    "tpu.region"() ({
      %run_scoped3A_260 = tpu.sem_alloc : memref<!tpu.dma_semaphore, #tpu.memory_space<semaphore_mem>>
      %dma_start3A = arith.constant 0 : i32
      %dma_start3A_261 = arith.constant 0 : i32
      %dma_start3A_262 = tpu.memref_slice %arg6[%run_scoped3A_237, %dma_start3A, %dma_start3A_261] : memref<3x80x128xf32, #tpu.memory_space<vmem>> -> memref<1x16x128xf32, #tpu.memory_space<vmem>>
      %dma_start3A_263 = tpu.memref_squeeze %dma_start3A_262 : memref<1x16x128xf32, #tpu.memory_space<vmem>> -> memref<16x128xf32, #tpu.memory_space<vmem>>
      %dma_start3A_264 = arith.constant 0 : i32
      %dma_start3A_265 = arith.constant 0 : i32
      %dma_start3A_266 = tpu.memref_slice %arg7[%dma_start3A_264, %dma_start3A_265] : memref<10000x128xf32, #tpu.memory_space<vmem_shared>> -> memref<10000x128xf32, #tpu.memory_space<vmem_shared>>
      tpu.enqueue_indirect_dma source(%dma_start3A_263 : memref<16x128xf32, #tpu.memory_space<vmem>>) target(%dma_start3A_266 : memref<10000x128xf32, #tpu.memory_space<vmem_shared>>) offsets(%get3A_236 : vector<16xi32>) semaphore(%run_scoped3A_260 : memref<!tpu.dma_semaphore, #tpu.memory_space<semaphore_mem>>) {add = true}
      %dma_wait3A_267 = arith.constant 0 : i32
      %dma_wait3A_268 = arith.constant 0 : i32
      %dma_wait3A_269 = tpu.memref_slice %arg6[%run_scoped3A_237, %dma_wait3A_267, %dma_wait3A_268] : memref<3x80x128xf32, #tpu.memory_space<vmem>> -> memref<1x16x128xf32, #tpu.memory_space<vmem>>
      %dma_wait3A_270 = tpu.memref_squeeze %dma_wait3A_269 : memref<1x16x128xf32, #tpu.memory_space<vmem>> -> memref<16x128xf32, #tpu.memory_space<vmem>>
      %dma_wait3A_271 = arith.constant 0 : i32
      %dma_wait3A_272 = arith.constant 0 : i32
      %dma_wait3A_273 = tpu.memref_slice %arg7[%dma_wait3A_271, %dma_wait3A_272] : memref<10000x128xf32, #tpu.memory_space<vmem_shared>> -> memref<10000x128xf32, #tpu.memory_space<vmem_shared>>
      tpu.wait_indirect_dma semaphore(%run_scoped3A_260 : memref<!tpu.dma_semaphore, #tpu.memory_space<semaphore_mem>>) src(%dma_wait3A_270 : memref<16x128xf32, #tpu.memory_space<vmem>>) dst(%dma_wait3A_273 : memref<10000x128xf32, #tpu.memory_space<vmem_shared>>)
      tpu.yield
    }) : () -> ()
    %get3A_238 = arith.constant 9936 : index
    %get3A_239 = tpu.vector_load %arg5[%get3A_238] {strides = array<i32>} : memref<10000xi32, #tpu.memory_space<vmem>>, vector<16xi32>,
    %get3A_240 = vector.shape_cast %get3A_239 : vector<16xi32> to vector<16xi32>
    %run_scoped3A_241 = arith.constant 1 : i32
    "tpu.region"() ({
      %run_scoped3A_260 = tpu.sem_alloc : memref<!tpu.dma_semaphore, #tpu.memory_space<semaphore_mem>>
      %dma_start3A = arith.constant 16 : i32
      %dma_start3A_261 = arith.constant 0 : i32
      %dma_start3A_262 = tpu.memref_slice %arg6[%run_scoped3A_241, %dma_start3A, %dma_start3A_261] : memref<3x80x128xf32, #tpu.memory_space<vmem>> -> memref<1x16x128xf32, #tpu.memory_space<vmem>>
      %dma_start3A_263 = tpu.memref_squeeze %dma_start3A_262 : memref<1x16x128xf32, #tpu.memory_space<vmem>> -> memref<16x128xf32, #tpu.memory_space<vmem>>
      %dma_start3A_264 = arith.constant 0 : i32
      %dma_start3A_265 = arith.constant 0 : i32
      %dma_start3A_266 = tpu.memref_slice %arg7[%dma_start3A_264, %dma_start3A_265] : memref<10000x128xf32, #tpu.memory_space<vmem_shared>> -> memref<10000x128xf32, #tpu.memory_space<vmem_shared>>
      tpu.enqueue_indirect_dma source(%dma_start3A_263 : memref<16x128xf32, #tpu.memory_space<vmem>>) target(%dma_start3A_266 : memref<10000x128xf32, #tpu.memory_space<vmem_shared>>) offsets(%get3A_240 : vector<16xi32>) semaphore(%run_scoped3A_260 : memref<!tpu.dma_semaphore, #tpu.memory_space<semaphore_mem>>) {add = true}
      %dma_wait3A_267 = arith.constant 16 : i32
      %dma_wait3A_268 = arith.constant 0 : i32
      %dma_wait3A_269 = tpu.memref_slice %arg6[%run_scoped3A_241, %dma_wait3A_267, %dma_wait3A_268] : memref<3x80x128xf32, #tpu.memory_space<vmem>> -> memref<1x16x128xf32, #tpu.memory_space<vmem>>
      %dma_wait3A_270 = tpu.memref_squeeze %dma_wait3A_269 : memref<1x16x128xf32, #tpu.memory_space<vmem>> -> memref<16x128xf32, #tpu.memory_space<vmem>>
      %dma_wait3A_271 = arith.constant 0 : i32
      %dma_wait3A_272 = arith.constant 0 : i32
      %dma_wait3A_273 = tpu.memref_slice %arg7[%dma_wait3A_271, %dma_wait3A_272] : memref<10000x128xf32, #tpu.memory_space<vmem_shared>> -> memref<10000x128xf32, #tpu.memory_space<vmem_shared>>
      tpu.wait_indirect_dma semaphore(%run_scoped3A_260 : memref<!tpu.dma_semaphore, #tpu.memory_space<semaphore_mem>>) src(%dma_wait3A_270 : memref<16x128xf32, #tpu.memory_space<vmem>>) dst(%dma_wait3A_273 : memref<10000x128xf32, #tpu.memory_space<vmem_shared>>)
      tpu.yield
    }) : () -> ()
    %get3A_242 = arith.constant 9952 : index
    %get3A_243 = tpu.vector_load %arg5[%get3A_242] {strides = array<i32>} : memref<10000xi32, #tpu.memory_space<vmem>>, vector<16xi32>,
    %get3A_244 = vector.shape_cast %get3A_243 : vector<16xi32> to vector<16xi32>
    %run_scoped3A_245 = arith.constant 1 : i32
    "tpu.region"() ({
      %run_scoped3A_260 = tpu.sem_alloc : memref<!tpu.dma_semaphore, #tpu.memory_space<semaphore_mem>>
      %dma_start3A = arith.constant 32 : i32
      %dma_start3A_261 = arith.constant 0 : i32
      %dma_start3A_262 = tpu.memref_slice %arg6[%run_scoped3A_245, %dma_start3A, %dma_start3A_261] : memref<3x80x128xf32, #tpu.memory_space<vmem>> -> memref<1x16x128xf32, #tpu.memory_space<vmem>>
      %dma_start3A_263 = tpu.memref_squeeze %dma_start3A_262 : memref<1x16x128xf32, #tpu.memory_space<vmem>> -> memref<16x128xf32, #tpu.memory_space<vmem>>
      %dma_start3A_264 = arith.constant 0 : i32
      %dma_start3A_265 = arith.constant 0 : i32
      %dma_start3A_266 = tpu.memref_slice %arg7[%dma_start3A_264, %dma_start3A_265] : memref<10000x128xf32, #tpu.memory_space<vmem_shared>> -> memref<10000x128xf32, #tpu.memory_space<vmem_shared>>
      tpu.enqueue_indirect_dma source(%dma_start3A_263 : memref<16x128xf32, #tpu.memory_space<vmem>>) target(%dma_start3A_266 : memref<10000x128xf32, #tpu.memory_space<vmem_shared>>) offsets(%get3A_244 : vector<16xi32>) semaphore(%run_scoped3A_260 : memref<!tpu.dma_semaphore, #tpu.memory_space<semaphore_mem>>) {add = true}
      %dma_wait3A_267 = arith.constant 32 : i32
      %dma_wait3A_268 = arith.constant 0 : i32
      %dma_wait3A_269 = tpu.memref_slice %arg6[%run_scoped3A_245, %dma_wait3A_267, %dma_wait3A_268] : memref<3x80x128xf32, #tpu.memory_space<vmem>> -> memref<1x16x128xf32, #tpu.memory_space<vmem>>
      %dma_wait3A_270 = tpu.memref_squeeze %dma_wait3A_269 : memref<1x16x128xf32, #tpu.memory_space<vmem>> -> memref<16x128xf32, #tpu.memory_space<vmem>>
      %dma_wait3A_271 = arith.constant 0 : i32
      %dma_wait3A_272 = arith.constant 0 : i32
      %dma_wait3A_273 = tpu.memref_slice %arg7[%dma_wait3A_271, %dma_wait3A_272] : memref<10000x128xf32, #tpu.memory_space<vmem_shared>> -> memref<10000x128xf32, #tpu.memory_space<vmem_shared>>
      tpu.wait_indirect_dma semaphore(%run_scoped3A_260 : memref<!tpu.dma_semaphore, #tpu.memory_space<semaphore_mem>>) src(%dma_wait3A_270 : memref<16x128xf32, #tpu.memory_space<vmem>>) dst(%dma_wait3A_273 : memref<10000x128xf32, #tpu.memory_space<vmem_shared>>)
      tpu.yield
    }) : () -> ()
    %get3A_246 = arith.constant 9968 : index
    %get3A_247 = tpu.vector_load %arg5[%get3A_246] {strides = array<i32>} : memref<10000xi32, #tpu.memory_space<vmem>>, vector<16xi32>,
    %get3A_248 = vector.shape_cast %get3A_247 : vector<16xi32> to vector<16xi32>
    %run_scoped3A_249 = arith.constant 1 : i32
    "tpu.region"() ({
      %run_scoped3A_260 = tpu.sem_alloc : memref<!tpu.dma_semaphore, #tpu.memory_space<semaphore_mem>>
      %dma_start3A = arith.constant 48 : i32
      %dma_start3A_261 = arith.constant 0 : i32
      %dma_start3A_262 = tpu.memref_slice %arg6[%run_scoped3A_249, %dma_start3A, %dma_start3A_261] : memref<3x80x128xf32, #tpu.memory_space<vmem>> -> memref<1x16x128xf32, #tpu.memory_space<vmem>>
      %dma_start3A_263 = tpu.memref_squeeze %dma_start3A_262 : memref<1x16x128xf32, #tpu.memory_space<vmem>> -> memref<16x128xf32, #tpu.memory_space<vmem>>
      %dma_start3A_264 = arith.constant 0 : i32
      %dma_start3A_265 = arith.constant 0 : i32
      %dma_start3A_266 = tpu.memref_slice %arg7[%dma_start3A_264, %dma_start3A_265] : memref<10000x128xf32, #tpu.memory_space<vmem_shared>> -> memref<10000x128xf32, #tpu.memory_space<vmem_shared>>
      tpu.enqueue_indirect_dma source(%dma_start3A_263 : memref<16x128xf32, #tpu.memory_space<vmem>>) target(%dma_start3A_266 : memref<10000x128xf32, #tpu.memory_space<vmem_shared>>) offsets(%get3A_248 : vector<16xi32>) semaphore(%run_scoped3A_260 : memref<!tpu.dma_semaphore, #tpu.memory_space<semaphore_mem>>) {add = true}
      %dma_wait3A_267 = arith.constant 48 : i32
      %dma_wait3A_268 = arith.constant 0 : i32
      %dma_wait3A_269 = tpu.memref_slice %arg6[%run_scoped3A_249, %dma_wait3A_267, %dma_wait3A_268] : memref<3x80x128xf32, #tpu.memory_space<vmem>> -> memref<1x16x128xf32, #tpu.memory_space<vmem>>
      %dma_wait3A_270 = tpu.memref_squeeze %dma_wait3A_269 : memref<1x16x128xf32, #tpu.memory_space<vmem>> -> memref<16x128xf32, #tpu.memory_space<vmem>>
      %dma_wait3A_271 = arith.constant 0 : i32
      %dma_wait3A_272 = arith.constant 0 : i32
      %dma_wait3A_273 = tpu.memref_slice %arg7[%dma_wait3A_271, %dma_wait3A_272] : memref<10000x128xf32, #tpu.memory_space<vmem_shared>> -> memref<10000x128xf32, #tpu.memory_space<vmem_shared>>
      tpu.wait_indirect_dma semaphore(%run_scoped3A_260 : memref<!tpu.dma_semaphore, #tpu.memory_space<semaphore_mem>>) src(%dma_wait3A_270 : memref<16x128xf32, #tpu.memory_space<vmem>>) dst(%dma_wait3A_273 : memref<10000x128xf32, #tpu.memory_space<vmem_shared>>)
      tpu.yield
    }) : () -> ()
    %get3A_250 = arith.constant 9984 : index
    %get3A_251 = tpu.vector_load %arg5[%get3A_250] {strides = array<i32>} : memref<10000xi32, #tpu.memory_space<vmem>>, vector<16xi32>,
    %get3A_252 = vector.shape_cast %get3A_251 : vector<16xi32> to vector<16xi32>
    %run_scoped3A_253 = arith.constant 1 : i32
    "tpu.region"() ({
      %run_scoped3A_260 = tpu.sem_alloc : memref<!tpu.dma_semaphore, #tpu.memory_space<semaphore_mem>>
      %dma_start3A = arith.constant 64 : i32
      %dma_start3A_261 = arith.constant 0 : i32
      %dma_start3A_262 = tpu.memref_slice %arg6[%run_scoped3A_253, %dma_start3A, %dma_start3A_261] : memref<3x80x128xf32, #tpu.memory_space<vmem>> -> memref<1x16x128xf32, #tpu.memory_space<vmem>>
      %dma_start3A_263 = tpu.memref_squeeze %dma_start3A_262 : memref<1x16x128xf32, #tpu.memory_space<vmem>> -> memref<16x128xf32, #tpu.memory_space<vmem>>
      %dma_start3A_264 = arith.constant 0 : i32
      %dma_start3A_265 = arith.constant 0 : i32
      %dma_start3A_266 = tpu.memref_slice %arg7[%dma_start3A_264, %dma_start3A_265] : memref<10000x128xf32, #tpu.memory_space<vmem_shared>> -> memref<10000x128xf32, #tpu.memory_space<vmem_shared>>
      tpu.enqueue_indirect_dma source(%dma_start3A_263 : memref<16x128xf32, #tpu.memory_space<vmem>>) target(%dma_start3A_266 : memref<10000x128xf32, #tpu.memory_space<vmem_shared>>) offsets(%get3A_252 : vector<16xi32>) semaphore(%run_scoped3A_260 : memref<!tpu.dma_semaphore, #tpu.memory_space<semaphore_mem>>) {add = true}
      %dma_wait3A_267 = arith.constant 64 : i32
      %dma_wait3A_268 = arith.constant 0 : i32
      %dma_wait3A_269 = tpu.memref_slice %arg6[%run_scoped3A_253, %dma_wait3A_267, %dma_wait3A_268] : memref<3x80x128xf32, #tpu.memory_space<vmem>> -> memref<1x16x128xf32, #tpu.memory_space<vmem>>
      %dma_wait3A_270 = tpu.memref_squeeze %dma_wait3A_269 : memref<1x16x128xf32, #tpu.memory_space<vmem>> -> memref<16x128xf32, #tpu.memory_space<vmem>>
      %dma_wait3A_271 = arith.constant 0 : i32
      %dma_wait3A_272 = arith.constant 0 : i32
      %dma_wait3A_273 = tpu.memref_slice %arg7[%dma_wait3A_271, %dma_wait3A_272] : memref<10000x128xf32, #tpu.memory_space<vmem_shared>> -> memref<10000x128xf32, #tpu.memory_space<vmem_shared>>
      tpu.wait_indirect_dma semaphore(%run_scoped3A_260 : memref<!tpu.dma_semaphore, #tpu.memory_space<semaphore_mem>>) src(%dma_wait3A_270 : memref<16x128xf32, #tpu.memory_space<vmem>>) dst(%dma_wait3A_273 : memref<10000x128xf32, #tpu.memory_space<vmem_shared>>)
      tpu.yield
    }) : () -> ()
    %barrier3A_254 = arith.constant 0 : index
    tpu.barrier barrier_id(%barrier3A_254)
    %lt3A_255 = arith.constant 10 : i32
    %lt3A_256 = arith.cmpi slt, %arg1, %lt3A_255 : i32
    %convert_element_type3A_257 = arith.extui %lt3A_256 : i1 to i32
    %cond3A_258 = arith.constant 0 : i32
    %cond3A_259 = arith.cmpi ne, %convert_element_type3A_257, %cond3A_258 : i32
    scf.if %cond3A_259 {
      %mul3A_260 = arith.constant 1000 : i32
      %mul3A_261 = arith.muli %arg1, %mul3A_260 : i32
      %mul3A_262 = arith.constant 1000 : i32
      %mul3A_263 = arith.muli %arg1, %mul3A_262 : i32
      "tpu.region"() ({
        %run_scoped3A_264 = tpu.sem_alloc : memref<!tpu.dma_semaphore, #tpu.memory_space<semaphore_mem>>
        %dma_start3A = arith.constant 0 : i32
        %dma_start3A_265 = tpu.memref_slice %arg4[%arg0, %mul3A_263, %dma_start3A] : memref<2x10000x128xf32, #tpu.memory_space<hbm>> -> memref<1x1000x128xf32, #tpu.memory_space<hbm>>
        %dma_start3A_266 = tpu.memref_squeeze %dma_start3A_265 : memref<1x1000x128xf32, #tpu.memory_space<hbm>> -> memref<1000x128xf32, #tpu.memory_space<hbm>>
        %dma_start3A_267 = arith.constant 0 : i32
        %dma_start3A_268 = tpu.memref_slice %arg7[%mul3A_261, %dma_start3A_267] : memref<10000x128xf32, #tpu.memory_space<vmem_shared>> -> memref<1000x128xf32, #tpu.memory_space<vmem_shared>>
        tpu.enqueue_dma source(%dma_start3A_268 : memref<1000x128xf32, #tpu.memory_space<vmem_shared>>) target(%dma_start3A_266 : memref<1000x128xf32, #tpu.memory_space<hbm>>) target_semaphore(%run_scoped3A_264 : memref<!tpu.dma_semaphore, #tpu.memory_space<semaphore_mem>>)
        %dma_wait3A_269 = arith.constant 0 : i32
        %dma_wait3A_270 = tpu.memref_slice %arg4[%arg0, %mul3A_263, %dma_wait3A_269] : memref<2x10000x128xf32, #tpu.memory_space<hbm>> -> memref<1x1000x128xf32, #tpu.memory_space<hbm>>
        %dma_wait3A_271 = tpu.memref_squeeze %dma_wait3A_270 : memref<1x1000x128xf32, #tpu.memory_space<hbm>> -> memref<1000x128xf32, #tpu.memory_space<hbm>>
        %dma_wait3A_272 = arith.constant 0 : i32
        %dma_wait3A_273 = tpu.memref_slice %arg7[%mul3A_261, %dma_wait3A_272] : memref<10000x128xf32, #tpu.memory_space<vmem_shared>> -> memref<1000x128xf32, #tpu.memory_space<vmem_shared>>
        tpu.wait_dma2 semaphore(%run_scoped3A_264 : memref<!tpu.dma_semaphore, #tpu.memory_space<semaphore_mem>>) src(%dma_wait3A_273 : memref<1000x128xf32, #tpu.memory_space<vmem_shared>>) dst(%dma_wait3A_271 : memref<1000x128xf32, #tpu.memory_space<hbm>>)
        tpu.yield
      }) : () -> ()
    } else {
    }
    return
  }
}

#map = affine_map<(d0, d1) -> (0, 0)>
#map1 = affine_map<(d0, d1) -> (0)>
module attributes {stable_mosaic.version = 14 : i64} {
  func.func @_gather_body(%arg0: i32, %arg1: i32, %arg2: memref<10000x128xf32, #tpu.memory_space<hbm>>, %arg3: memref<10000x128xf32, #tpu.memory_space<hbm>>, %arg4: memref<320000xi32, #tpu.memory_space<hbm>>, %arg5: memref<320000xi32, #tpu.memory_space<hbm>>, %arg6: memref<320000x128xf32, #tpu.memory_space<hbm>>, %arg7: memref<10000xi32, #tpu.memory_space<vmem>>, %arg8: memref<10000xi32, #tpu.memory_space<vmem>>, %arg9: memref<5x40x128xf32, #tpu.memory_space<vmem>>, %arg10: memref<5x40x128xf32, #tpu.memory_space<vmem>>, %arg11: memref<!tpu.dma_semaphore, #tpu.memory_space<semaphore_mem>>, %arg12: memref<!tpu.dma_semaphore, #tpu.memory_space<semaphore_mem>>, %arg13: memref<!tpu.dma_semaphore, #tpu.memory_space<semaphore_mem>>, %arg14: memref<!tpu.dma_semaphore, #tpu.memory_space<semaphore_mem>>, %arg15: memref<!tpu.dma_semaphore, #tpu.memory_space<semaphore_mem>>, %arg16: memref<!tpu.dma_semaphore, #tpu.memory_space<semaphore_mem>>) attributes {dimension_semantics = [#tpu.dimension_semantics<core_parallel>, #tpu.dimension_semantics<subcore_parallel>], iteration_bounds = array<i64: 2, 16>, scalar_prefetch = 0 : i64, scratch_operands = 10 : i64, tpu.core_type = #tpu.core_type<sc_vector_subcore>, window_params = [{transform_indices = #map}, {transform_indices = #map}, {transform_indices = #map1}, {transform_indices = #map1}, {transform_indices = #map}]} {
    %mul3A = arith.constant 2 : i32
    %mul3A_0 = arith.muli %arg1, %mul3A : i32
    %add3A = arith.addi %mul3A_0, %arg0 : i32
    %mul3A_1 = arith.constant 10000 : i32
    %mul3A_2 = arith.muli %add3A, %mul3A_1 : i32
    "tpu.region"() ({
      %run_scoped3A = tpu.sem_alloc : memref<!tpu.dma_semaphore, #tpu.memory_space<semaphore_mem>>
      %dma_start3A = tpu.memref_slice %arg4[%mul3A_2] : memref<320000xi32, #tpu.memory_space<hbm>> -> memref<10000xi32, #tpu.memory_space<hbm>>
      %dma_start3A_8 = tpu.memref_slice %arg4[%mul3A_2] : memref<320000xi32, #tpu.memory_space<hbm>> -> memref<10000xi32, #tpu.memory_space<hbm>>
      tpu.enqueue_dma source(%dma_start3A_8 : memref<10000xi32, #tpu.memory_space<hbm>>) target(%arg7 : memref<10000xi32, #tpu.memory_space<vmem>>) target_semaphore(%run_scoped3A : memref<!tpu.dma_semaphore, #tpu.memory_space<semaphore_mem>>)
      %dma_wait3A = tpu.memref_slice %arg4[%mul3A_2] : memref<320000xi32, #tpu.memory_space<hbm>> -> memref<10000xi32, #tpu.memory_space<hbm>>
      %dma_wait3A_9 = tpu.memref_slice %arg4[%mul3A_2] : memref<320000xi32, #tpu.memory_space<hbm>> -> memref<10000xi32, #tpu.memory_space<hbm>>
      tpu.wait_dma2 semaphore(%run_scoped3A : memref<!tpu.dma_semaphore, #tpu.memory_space<semaphore_mem>>) src(%dma_wait3A_9 : memref<10000xi32, #tpu.memory_space<hbm>>) dst(%arg7 : memref<10000xi32, #tpu.memory_space<vmem>>)
      tpu.yield
    }) : () -> ()
    "tpu.region"() ({
      %run_scoped3A = tpu.sem_alloc : memref<!tpu.dma_semaphore, #tpu.memory_space<semaphore_mem>>
      %dma_start3A = tpu.memref_slice %arg5[%mul3A_2] : memref<320000xi32, #tpu.memory_space<hbm>> -> memref<10000xi32, #tpu.memory_space<hbm>>
      %dma_start3A_8 = tpu.memref_slice %arg5[%mul3A_2] : memref<320000xi32, #tpu.memory_space<hbm>> -> memref<10000xi32, #tpu.memory_space<hbm>>
      tpu.enqueue_dma source(%dma_start3A_8 : memref<10000xi32, #tpu.memory_space<hbm>>) target(%arg8 : memref<10000xi32, #tpu.memory_space<vmem>>) target_semaphore(%run_scoped3A : memref<!tpu.dma_semaphore, #tpu.memory_space<semaphore_mem>>)
      %dma_wait3A = tpu.memref_slice %arg5[%mul3A_2] : memref<320000xi32, #tpu.memory_space<hbm>> -> memref<10000xi32, #tpu.memory_space<hbm>>
      %dma_wait3A_9 = tpu.memref_slice %arg5[%mul3A_2] : memref<320000xi32, #tpu.memory_space<hbm>> -> memref<10000xi32, #tpu.memory_space<hbm>>
      tpu.wait_dma2 semaphore(%run_scoped3A : memref<!tpu.dma_semaphore, #tpu.memory_space<semaphore_mem>>) src(%dma_wait3A_9 : memref<10000xi32, #tpu.memory_space<hbm>>) dst(%arg8 : memref<10000xi32, #tpu.memory_space<vmem>>)
      tpu.yield
    }) : () -> ()
    %scan3A = arith.constant 0 : i32
    %scan3A_3 = arith.constant 0 : i32
    %scan3A_4 = arith.constant 50 : i32
    %scan3A_5 = arith.addi %scan3A_3, %scan3A_4 : i32
    %scan3A_6 = arith.constant 1 : i32
    scf.for %scan3A_8 = %scan3A_3 to %scan3A_5 step %scan3A_6  : i32 {
      %mul3A_9 = arith.constant 5 : i32
      %mul3A_10 = arith.muli %scan3A_8, %mul3A_9 : i32
      %add3A_11 = arith.constant 0 : i32
      %add3A_12 = arith.addi %mul3A_10, %add3A_11 : i32
      %mul3A_13 = arith.constant 40 : i32
      %mul3A_14 = arith.muli %add3A_12, %mul3A_13 : i32
      %dma_start3A = arith.constant 0 : i32
      %dma_start3A_15 = arith.constant 0 : i32
      %dma_start3A_16 = arith.constant 0 : i32
      %dma_start3A_17 = tpu.memref_slice %arg9[%dma_start3A, %dma_start3A_15, %dma_start3A_16] : memref<5x40x128xf32, #tpu.memory_space<vmem>> -> memref<1x40x128xf32, #tpu.memory_space<vmem>>
      %dma_start3A_18 = tpu.memref_squeeze %dma_start3A_17 : memref<1x40x128xf32, #tpu.memory_space<vmem>> -> memref<40x128xf32, #tpu.memory_space<vmem>>
      %dma_start3A_19 = tpu.memref_slice %arg7[%mul3A_14] : memref<10000xi32, #tpu.memory_space<vmem>> -> memref<40xi32, #tpu.memory_space<vmem>>
      %dma_start3A_20 = arith.constant 0 : i32
      %dma_start3A_21 = arith.constant 0 : i32
      %dma_start3A_22 = tpu.memref_slice %arg2[%dma_start3A_20, %dma_start3A_21] : memref<10000x128xf32, #tpu.memory_space<hbm>> -> memref<10000x128xf32, #tpu.memory_space<hbm>>
      tpu.enqueue_indirect_dma source(%dma_start3A_22 : memref<10000x128xf32, #tpu.memory_space<hbm>>) target(%dma_start3A_18 : memref<40x128xf32, #tpu.memory_space<vmem>>) offsets(%dma_start3A_19 : memref<40xi32, #tpu.memory_space<vmem>>) semaphore(%arg11 : memref<!tpu.dma_semaphore, #tpu.memory_space<semaphore_mem>>)
      %dma_start3A_23 = arith.constant 0 : i32
      %dma_start3A_24 = arith.constant 0 : i32
      %dma_start3A_25 = arith.constant 0 : i32
      %dma_start3A_26 = tpu.memref_slice %arg10[%dma_start3A_23, %dma_start3A_24, %dma_start3A_25] : memref<5x40x128xf32, #tpu.memory_space<vmem>> -> memref<1x40x128xf32, #tpu.memory_space<vmem>>
      %dma_start3A_27 = tpu.memref_squeeze %dma_start3A_26 : memref<1x40x128xf32, #tpu.memory_space<vmem>> -> memref<40x128xf32, #tpu.memory_space<vmem>>
      %dma_start3A_28 = tpu.memref_slice %arg8[%mul3A_14] : memref<10000xi32, #tpu.memory_space<vmem>> -> memref<40xi32, #tpu.memory_space<vmem>>
      %dma_start3A_29 = arith.constant 0 : i32
      %dma_start3A_30 = arith.constant 0 : i32
      %dma_start3A_31 = tpu.memref_slice %arg3[%dma_start3A_29, %dma_start3A_30] : memref<10000x128xf32, #tpu.memory_space<hbm>> -> memref<10000x128xf32, #tpu.memory_space<hbm>>
      tpu.enqueue_indirect_dma source(%dma_start3A_31 : memref<10000x128xf32, #tpu.memory_space<hbm>>) target(%dma_start3A_27 : memref<40x128xf32, #tpu.memory_space<vmem>>) offsets(%dma_start3A_28 : memref<40xi32, #tpu.memory_space<vmem>>) semaphore(%arg11 : memref<!tpu.dma_semaphore, #tpu.memory_space<semaphore_mem>>)
      %add3A_32 = arith.constant 1 : i32
      %add3A_33 = arith.addi %mul3A_10, %add3A_32 : i32
      %mul3A_34 = arith.constant 40 : i32
      %mul3A_35 = arith.muli %add3A_33, %mul3A_34 : i32
      %dma_start3A_36 = arith.constant 1 : i32
      %dma_start3A_37 = arith.constant 0 : i32
      %dma_start3A_38 = arith.constant 0 : i32
      %dma_start3A_39 = tpu.memref_slice %arg9[%dma_start3A_36, %dma_start3A_37, %dma_start3A_38] : memref<5x40x128xf32, #tpu.memory_space<vmem>> -> memref<1x40x128xf32, #tpu.memory_space<vmem>>
      %dma_start3A_40 = tpu.memref_squeeze %dma_start3A_39 : memref<1x40x128xf32, #tpu.memory_space<vmem>> -> memref<40x128xf32, #tpu.memory_space<vmem>>
      %dma_start3A_41 = tpu.memref_slice %arg7[%mul3A_35] : memref<10000xi32, #tpu.memory_space<vmem>> -> memref<40xi32, #tpu.memory_space<vmem>>
      %dma_start3A_42 = arith.constant 0 : i32
      %dma_start3A_43 = arith.constant 0 : i32
      %dma_start3A_44 = tpu.memref_slice %arg2[%dma_start3A_42, %dma_start3A_43] : memref<10000x128xf32, #tpu.memory_space<hbm>> -> memref<10000x128xf32, #tpu.memory_space<hbm>>
      tpu.enqueue_indirect_dma source(%dma_start3A_44 : memref<10000x128xf32, #tpu.memory_space<hbm>>) target(%dma_start3A_40 : memref<40x128xf32, #tpu.memory_space<vmem>>) offsets(%dma_start3A_41 : memref<40xi32, #tpu.memory_space<vmem>>) semaphore(%arg12 : memref<!tpu.dma_semaphore, #tpu.memory_space<semaphore_mem>>)
      %dma_start3A_45 = arith.constant 1 : i32
      %dma_start3A_46 = arith.constant 0 : i32
      %dma_start3A_47 = arith.constant 0 : i32
      %dma_start3A_48 = tpu.memref_slice %arg10[%dma_start3A_45, %dma_start3A_46, %dma_start3A_47] : memref<5x40x128xf32, #tpu.memory_space<vmem>> -> memref<1x40x128xf32, #tpu.memory_space<vmem>>
      %dma_start3A_49 = tpu.memref_squeeze %dma_start3A_48 : memref<1x40x128xf32, #tpu.memory_space<vmem>> -> memref<40x128xf32, #tpu.memory_space<vmem>>
      %dma_start3A_50 = tpu.memref_slice %arg8[%mul3A_35] : memref<10000xi32, #tpu.memory_space<vmem>> -> memref<40xi32, #tpu.memory_space<vmem>>
      %dma_start3A_51 = arith.constant 0 : i32
      %dma_start3A_52 = arith.constant 0 : i32
      %dma_start3A_53 = tpu.memref_slice %arg3[%dma_start3A_51, %dma_start3A_52] : memref<10000x128xf32, #tpu.memory_space<hbm>> -> memref<10000x128xf32, #tpu.memory_space<hbm>>
      tpu.enqueue_indirect_dma source(%dma_start3A_53 : memref<10000x128xf32, #tpu.memory_space<hbm>>) target(%dma_start3A_49 : memref<40x128xf32, #tpu.memory_space<vmem>>) offsets(%dma_start3A_50 : memref<40xi32, #tpu.memory_space<vmem>>) semaphore(%arg12 : memref<!tpu.dma_semaphore, #tpu.memory_space<semaphore_mem>>)
      %add3A_54 = arith.constant 2 : i32
      %add3A_55 = arith.addi %mul3A_10, %add3A_54 : i32
      %mul3A_56 = arith.constant 40 : i32
      %mul3A_57 = arith.muli %add3A_55, %mul3A_56 : i32
      %dma_start3A_58 = arith.constant 2 : i32
      %dma_start3A_59 = arith.constant 0 : i32
      %dma_start3A_60 = arith.constant 0 : i32
      %dma_start3A_61 = tpu.memref_slice %arg9[%dma_start3A_58, %dma_start3A_59, %dma_start3A_60] : memref<5x40x128xf32, #tpu.memory_space<vmem>> -> memref<1x40x128xf32, #tpu.memory_space<vmem>>
      %dma_start3A_62 = tpu.memref_squeeze %dma_start3A_61 : memref<1x40x128xf32, #tpu.memory_space<vmem>> -> memref<40x128xf32, #tpu.memory_space<vmem>>
      %dma_start3A_63 = tpu.memref_slice %arg7[%mul3A_57] : memref<10000xi32, #tpu.memory_space<vmem>> -> memref<40xi32, #tpu.memory_space<vmem>>
      %dma_start3A_64 = arith.constant 0 : i32
      %dma_start3A_65 = arith.constant 0 : i32
      %dma_start3A_66 = tpu.memref_slice %arg2[%dma_start3A_64, %dma_start3A_65] : memref<10000x128xf32, #tpu.memory_space<hbm>> -> memref<10000x128xf32, #tpu.memory_space<hbm>>
      tpu.enqueue_indirect_dma source(%dma_start3A_66 : memref<10000x128xf32, #tpu.memory_space<hbm>>) target(%dma_start3A_62 : memref<40x128xf32, #tpu.memory_space<vmem>>) offsets(%dma_start3A_63 : memref<40xi32, #tpu.memory_space<vmem>>) semaphore(%arg13 : memref<!tpu.dma_semaphore, #tpu.memory_space<semaphore_mem>>)
      %dma_start3A_67 = arith.constant 2 : i32
      %dma_start3A_68 = arith.constant 0 : i32
      %dma_start3A_69 = arith.constant 0 : i32
      %dma_start3A_70 = tpu.memref_slice %arg10[%dma_start3A_67, %dma_start3A_68, %dma_start3A_69] : memref<5x40x128xf32, #tpu.memory_space<vmem>> -> memref<1x40x128xf32, #tpu.memory_space<vmem>>
      %dma_start3A_71 = tpu.memref_squeeze %dma_start3A_70 : memref<1x40x128xf32, #tpu.memory_space<vmem>> -> memref<40x128xf32, #tpu.memory_space<vmem>>
      %dma_start3A_72 = tpu.memref_slice %arg8[%mul3A_57] : memref<10000xi32, #tpu.memory_space<vmem>> -> memref<40xi32, #tpu.memory_space<vmem>>
      %dma_start3A_73 = arith.constant 0 : i32
      %dma_start3A_74 = arith.constant 0 : i32
      %dma_start3A_75 = tpu.memref_slice %arg3[%dma_start3A_73, %dma_start3A_74] : memref<10000x128xf32, #tpu.memory_space<hbm>> -> memref<10000x128xf32, #tpu.memory_space<hbm>>
      tpu.enqueue_indirect_dma source(%dma_start3A_75 : memref<10000x128xf32, #tpu.memory_space<hbm>>) target(%dma_start3A_71 : memref<40x128xf32, #tpu.memory_space<vmem>>) offsets(%dma_start3A_72 : memref<40xi32, #tpu.memory_space<vmem>>) semaphore(%arg13 : memref<!tpu.dma_semaphore, #tpu.memory_space<semaphore_mem>>)
      %add3A_76 = arith.constant 3 : i32
      %add3A_77 = arith.addi %mul3A_10, %add3A_76 : i32
      %mul3A_78 = arith.constant 40 : i32
      %mul3A_79 = arith.muli %add3A_77, %mul3A_78 : i32
      %dma_start3A_80 = arith.constant 3 : i32
      %dma_start3A_81 = arith.constant 0 : i32
      %dma_start3A_82 = arith.constant 0 : i32
      %dma_start3A_83 = tpu.memref_slice %arg9[%dma_start3A_80, %dma_start3A_81, %dma_start3A_82] : memref<5x40x128xf32, #tpu.memory_space<vmem>> -> memref<1x40x128xf32, #tpu.memory_space<vmem>>
      %dma_start3A_84 = tpu.memref_squeeze %dma_start3A_83 : memref<1x40x128xf32, #tpu.memory_space<vmem>> -> memref<40x128xf32, #tpu.memory_space<vmem>>
      %dma_start3A_85 = tpu.memref_slice %arg7[%mul3A_79] : memref<10000xi32, #tpu.memory_space<vmem>> -> memref<40xi32, #tpu.memory_space<vmem>>
      %dma_start3A_86 = arith.constant 0 : i32
      %dma_start3A_87 = arith.constant 0 : i32
      %dma_start3A_88 = tpu.memref_slice %arg2[%dma_start3A_86, %dma_start3A_87] : memref<10000x128xf32, #tpu.memory_space<hbm>> -> memref<10000x128xf32, #tpu.memory_space<hbm>>
      tpu.enqueue_indirect_dma source(%dma_start3A_88 : memref<10000x128xf32, #tpu.memory_space<hbm>>) target(%dma_start3A_84 : memref<40x128xf32, #tpu.memory_space<vmem>>) offsets(%dma_start3A_85 : memref<40xi32, #tpu.memory_space<vmem>>) semaphore(%arg14 : memref<!tpu.dma_semaphore, #tpu.memory_space<semaphore_mem>>)
      %dma_start3A_89 = arith.constant 3 : i32
      %dma_start3A_90 = arith.constant 0 : i32
      %dma_start3A_91 = arith.constant 0 : i32
      %dma_start3A_92 = tpu.memref_slice %arg10[%dma_start3A_89, %dma_start3A_90, %dma_start3A_91] : memref<5x40x128xf32, #tpu.memory_space<vmem>> -> memref<1x40x128xf32, #tpu.memory_space<vmem>>
      %dma_start3A_93 = tpu.memref_squeeze %dma_start3A_92 : memref<1x40x128xf32, #tpu.memory_space<vmem>> -> memref<40x128xf32, #tpu.memory_space<vmem>>
      %dma_start3A_94 = tpu.memref_slice %arg8[%mul3A_79] : memref<10000xi32, #tpu.memory_space<vmem>> -> memref<40xi32, #tpu.memory_space<vmem>>
      %dma_start3A_95 = arith.constant 0 : i32
      %dma_start3A_96 = arith.constant 0 : i32
      %dma_start3A_97 = tpu.memref_slice %arg3[%dma_start3A_95, %dma_start3A_96] : memref<10000x128xf32, #tpu.memory_space<hbm>> -> memref<10000x128xf32, #tpu.memory_space<hbm>>
      tpu.enqueue_indirect_dma source(%dma_start3A_97 : memref<10000x128xf32, #tpu.memory_space<hbm>>) target(%dma_start3A_93 : memref<40x128xf32, #tpu.memory_space<vmem>>) offsets(%dma_start3A_94 : memref<40xi32, #tpu.memory_space<vmem>>) semaphore(%arg14 : memref<!tpu.dma_semaphore, #tpu.memory_space<semaphore_mem>>)
      %add3A_98 = arith.constant 4 : i32
      %add3A_99 = arith.addi %mul3A_10, %add3A_98 : i32
      %mul3A_100 = arith.constant 40 : i32
      %mul3A_101 = arith.muli %add3A_99, %mul3A_100 : i32
      %dma_start3A_102 = arith.constant 4 : i32
      %dma_start3A_103 = arith.constant 0 : i32
      %dma_start3A_104 = arith.constant 0 : i32
      %dma_start3A_105 = tpu.memref_slice %arg9[%dma_start3A_102, %dma_start3A_103, %dma_start3A_104] : memref<5x40x128xf32, #tpu.memory_space<vmem>> -> memref<1x40x128xf32, #tpu.memory_space<vmem>>
      %dma_start3A_106 = tpu.memref_squeeze %dma_start3A_105 : memref<1x40x128xf32, #tpu.memory_space<vmem>> -> memref<40x128xf32, #tpu.memory_space<vmem>>
      %dma_start3A_107 = tpu.memref_slice %arg7[%mul3A_101] : memref<10000xi32, #tpu.memory_space<vmem>> -> memref<40xi32, #tpu.memory_space<vmem>>
      %dma_start3A_108 = arith.constant 0 : i32
      %dma_start3A_109 = arith.constant 0 : i32
      %dma_start3A_110 = tpu.memref_slice %arg2[%dma_start3A_108, %dma_start3A_109] : memref<10000x128xf32, #tpu.memory_space<hbm>> -> memref<10000x128xf32, #tpu.memory_space<hbm>>
      tpu.enqueue_indirect_dma source(%dma_start3A_110 : memref<10000x128xf32, #tpu.memory_space<hbm>>) target(%dma_start3A_106 : memref<40x128xf32, #tpu.memory_space<vmem>>) offsets(%dma_start3A_107 : memref<40xi32, #tpu.memory_space<vmem>>) semaphore(%arg15 : memref<!tpu.dma_semaphore, #tpu.memory_space<semaphore_mem>>)
      %dma_start3A_111 = arith.constant 4 : i32
      %dma_start3A_112 = arith.constant 0 : i32
      %dma_start3A_113 = arith.constant 0 : i32
      %dma_start3A_114 = tpu.memref_slice %arg10[%dma_start3A_111, %dma_start3A_112, %dma_start3A_113] : memref<5x40x128xf32, #tpu.memory_space<vmem>> -> memref<1x40x128xf32, #tpu.memory_space<vmem>>
      %dma_start3A_115 = tpu.memref_squeeze %dma_start3A_114 : memref<1x40x128xf32, #tpu.memory_space<vmem>> -> memref<40x128xf32, #tpu.memory_space<vmem>>
      %dma_start3A_116 = tpu.memref_slice %arg8[%mul3A_101] : memref<10000xi32, #tpu.memory_space<vmem>> -> memref<40xi32, #tpu.memory_space<vmem>>
      %dma_start3A_117 = arith.constant 0 : i32
      %dma_start3A_118 = arith.constant 0 : i32
      %dma_start3A_119 = tpu.memref_slice %arg3[%dma_start3A_117, %dma_start3A_118] : memref<10000x128xf32, #tpu.memory_space<hbm>> -> memref<10000x128xf32, #tpu.memory_space<hbm>>
      tpu.enqueue_indirect_dma source(%dma_start3A_119 : memref<10000x128xf32, #tpu.memory_space<hbm>>) target(%dma_start3A_115 : memref<40x128xf32, #tpu.memory_space<vmem>>) offsets(%dma_start3A_116 : memref<40xi32, #tpu.memory_space<vmem>>) semaphore(%arg15 : memref<!tpu.dma_semaphore, #tpu.memory_space<semaphore_mem>>)
      %dma_wait3A = arith.constant 0 : i32
      %dma_wait3A_120 = arith.constant 0 : i32
      %dma_wait3A_121 = arith.constant 0 : i32
      %dma_wait3A_122 = tpu.memref_slice %arg9[%dma_wait3A, %dma_wait3A_120, %dma_wait3A_121] : memref<5x40x128xf32, #tpu.memory_space<vmem>> -> memref<1x40x128xf32, #tpu.memory_space<vmem>>
      %dma_wait3A_123 = tpu.memref_squeeze %dma_wait3A_122 : memref<1x40x128xf32, #tpu.memory_space<vmem>> -> memref<40x128xf32, #tpu.memory_space<vmem>>
      %dma_wait3A_124 = tpu.memref_slice %arg7[%mul3A_14] : memref<10000xi32, #tpu.memory_space<vmem>> -> memref<40xi32, #tpu.memory_space<vmem>>
      %dma_wait3A_125 = arith.constant 0 : i32
      %dma_wait3A_126 = arith.constant 0 : i32
      %dma_wait3A_127 = tpu.memref_slice %arg2[%dma_wait3A_125, %dma_wait3A_126] : memref<10000x128xf32, #tpu.memory_space<hbm>> -> memref<10000x128xf32, #tpu.memory_space<hbm>>
      tpu.wait_indirect_dma semaphore(%arg11 : memref<!tpu.dma_semaphore, #tpu.memory_space<semaphore_mem>>) src(%dma_wait3A_127 : memref<10000x128xf32, #tpu.memory_space<hbm>>) dst(%dma_wait3A_123 : memref<40x128xf32, #tpu.memory_space<vmem>>)
      %dma_wait3A_128 = arith.constant 0 : i32
      %dma_wait3A_129 = arith.constant 0 : i32
      %dma_wait3A_130 = arith.constant 0 : i32
      %dma_wait3A_131 = tpu.memref_slice %arg10[%dma_wait3A_128, %dma_wait3A_129, %dma_wait3A_130] : memref<5x40x128xf32, #tpu.memory_space<vmem>> -> memref<1x40x128xf32, #tpu.memory_space<vmem>>
      %dma_wait3A_132 = tpu.memref_squeeze %dma_wait3A_131 : memref<1x40x128xf32, #tpu.memory_space<vmem>> -> memref<40x128xf32, #tpu.memory_space<vmem>>
      %dma_wait3A_133 = tpu.memref_slice %arg8[%mul3A_14] : memref<10000xi32, #tpu.memory_space<vmem>> -> memref<40xi32, #tpu.memory_space<vmem>>
      %dma_wait3A_134 = arith.constant 0 : i32
      %dma_wait3A_135 = arith.constant 0 : i32
      %dma_wait3A_136 = tpu.memref_slice %arg3[%dma_wait3A_134, %dma_wait3A_135] : memref<10000x128xf32, #tpu.memory_space<hbm>> -> memref<10000x128xf32, #tpu.memory_space<hbm>>
      tpu.wait_indirect_dma semaphore(%arg11 : memref<!tpu.dma_semaphore, #tpu.memory_space<semaphore_mem>>) src(%dma_wait3A_136 : memref<10000x128xf32, #tpu.memory_space<hbm>>) dst(%dma_wait3A_132 : memref<40x128xf32, #tpu.memory_space<vmem>>)
      %scan3A_137 = arith.constant 0 : i32
      %scan3A_138 = arith.constant 0 : i32
      %scan3A_139 = arith.constant 40 : i32
      %scan3A_140 = arith.addi %scan3A_138, %scan3A_139 : i32
      %scan3A_141 = arith.constant 1 : i32
      scf.for %scan3A_268 = %scan3A_138 to %scan3A_140 step %scan3A_141  : i32 {
        %get3A = arith.constant 0 : i32
        %get3A_269 = arith.index_cast %get3A : i32 to index
        %get3A_270 = arith.index_cast %scan3A_268 : i32 to index
        %get3A_271 = arith.constant 0 : index
        %get3A_272 = tpu.vector_load %arg10[%get3A_269, %get3A_270, %get3A_271] {strides = array<i32>} : memref<5x40x128xf32, #tpu.memory_space<vmem>>, vector<1x1x16xf32>,
        %get3A_273 = vector.shape_cast %get3A_272 : vector<1x1x16xf32> to vector<16xf32>
        %swap3A = arith.constant 0 : i32
        %swap3A_274 = arith.index_cast %swap3A : i32 to index
        %swap3A_275 = arith.index_cast %scan3A_268 : i32 to index
        %swap3A_276 = arith.constant 0 : index
        %swap3A_277 = tpu.vector_load %arg9[%swap3A_274, %swap3A_275, %swap3A_276] {strides = array<i32>} : memref<5x40x128xf32, #tpu.memory_space<vmem>>, vector<1x1x16xf32>,
        %swap3A_278 = vector.shape_cast %swap3A_277 : vector<1x1x16xf32> to vector<16xf32>
        %swap3A_279 = vector.shape_cast %get3A_273 : vector<16xf32> to vector<1x1x16xf32>
        tpu.vector_store %arg9[%swap3A_274, %swap3A_275, %swap3A_276], %swap3A_279 {add = true, strides = array<i32>} : memref<5x40x128xf32, #tpu.memory_space<vmem>>, vector<1x1x16xf32>,
        %get3A_280 = arith.constant 0 : i32
        %get3A_281 = arith.index_cast %get3A_280 : i32 to index
        %get3A_282 = arith.index_cast %scan3A_268 : i32 to index
        %get3A_283 = arith.constant 16 : index
        %get3A_284 = tpu.vector_load %arg10[%get3A_281, %get3A_282, %get3A_283] {strides = array<i32>} : memref<5x40x128xf32, #tpu.memory_space<vmem>>, vector<1x1x16xf32>,
        %get3A_285 = vector.shape_cast %get3A_284 : vector<1x1x16xf32> to vector<16xf32>
        %swap3A_286 = arith.constant 0 : i32
        %swap3A_287 = arith.index_cast %swap3A_286 : i32 to index
        %swap3A_288 = arith.index_cast %scan3A_268 : i32 to index
        %swap3A_289 = arith.constant 16 : index
        %swap3A_290 = tpu.vector_load %arg9[%swap3A_287, %swap3A_288, %swap3A_289] {strides = array<i32>} : memref<5x40x128xf32, #tpu.memory_space<vmem>>, vector<1x1x16xf32>,
        %swap3A_291 = vector.shape_cast %swap3A_290 : vector<1x1x16xf32> to vector<16xf32>
        %swap3A_292 = vector.shape_cast %get3A_285 : vector<16xf32> to vector<1x1x16xf32>
        tpu.vector_store %arg9[%swap3A_287, %swap3A_288, %swap3A_289], %swap3A_292 {add = true, strides = array<i32>} : memref<5x40x128xf32, #tpu.memory_space<vmem>>, vector<1x1x16xf32>,
        %get3A_293 = arith.constant 0 : i32
        %get3A_294 = arith.index_cast %get3A_293 : i32 to index
        %get3A_295 = arith.index_cast %scan3A_268 : i32 to index
        %get3A_296 = arith.constant 32 : index
        %get3A_297 = tpu.vector_load %arg10[%get3A_294, %get3A_295, %get3A_296] {strides = array<i32>} : memref<5x40x128xf32, #tpu.memory_space<vmem>>, vector<1x1x16xf32>,
        %get3A_298 = vector.shape_cast %get3A_297 : vector<1x1x16xf32> to vector<16xf32>
        %swap3A_299 = arith.constant 0 : i32
        %swap3A_300 = arith.index_cast %swap3A_299 : i32 to index
        %swap3A_301 = arith.index_cast %scan3A_268 : i32 to index
        %swap3A_302 = arith.constant 32 : index
        %swap3A_303 = tpu.vector_load %arg9[%swap3A_300, %swap3A_301, %swap3A_302] {strides = array<i32>} : memref<5x40x128xf32, #tpu.memory_space<vmem>>, vector<1x1x16xf32>,
        %swap3A_304 = vector.shape_cast %swap3A_303 : vector<1x1x16xf32> to vector<16xf32>
        %swap3A_305 = vector.shape_cast %get3A_298 : vector<16xf32> to vector<1x1x16xf32>
        tpu.vector_store %arg9[%swap3A_300, %swap3A_301, %swap3A_302], %swap3A_305 {add = true, strides = array<i32>} : memref<5x40x128xf32, #tpu.memory_space<vmem>>, vector<1x1x16xf32>,
        %get3A_306 = arith.constant 0 : i32
        %get3A_307 = arith.index_cast %get3A_306 : i32 to index
        %get3A_308 = arith.index_cast %scan3A_268 : i32 to index
        %get3A_309 = arith.constant 48 : index
        %get3A_310 = tpu.vector_load %arg10[%get3A_307, %get3A_308, %get3A_309] {strides = array<i32>} : memref<5x40x128xf32, #tpu.memory_space<vmem>>, vector<1x1x16xf32>,
        %get3A_311 = vector.shape_cast %get3A_310 : vector<1x1x16xf32> to vector<16xf32>
        %swap3A_312 = arith.constant 0 : i32
        %swap3A_313 = arith.index_cast %swap3A_312 : i32 to index
        %swap3A_314 = arith.index_cast %scan3A_268 : i32 to index
        %swap3A_315 = arith.constant 48 : index
        %swap3A_316 = tpu.vector_load %arg9[%swap3A_313, %swap3A_314, %swap3A_315] {strides = array<i32>} : memref<5x40x128xf32, #tpu.memory_space<vmem>>, vector<1x1x16xf32>,
        %swap3A_317 = vector.shape_cast %swap3A_316 : vector<1x1x16xf32> to vector<16xf32>
        %swap3A_318 = vector.shape_cast %get3A_311 : vector<16xf32> to vector<1x1x16xf32>
        tpu.vector_store %arg9[%swap3A_313, %swap3A_314, %swap3A_315], %swap3A_318 {add = true, strides = array<i32>} : memref<5x40x128xf32, #tpu.memory_space<vmem>>, vector<1x1x16xf32>,
        %get3A_319 = arith.constant 0 : i32
        %get3A_320 = arith.index_cast %get3A_319 : i32 to index
        %get3A_321 = arith.index_cast %scan3A_268 : i32 to index
        %get3A_322 = arith.constant 64 : index
        %get3A_323 = tpu.vector_load %arg10[%get3A_320, %get3A_321, %get3A_322] {strides = array<i32>} : memref<5x40x128xf32, #tpu.memory_space<vmem>>, vector<1x1x16xf32>,
        %get3A_324 = vector.shape_cast %get3A_323 : vector<1x1x16xf32> to vector<16xf32>
        %swap3A_325 = arith.constant 0 : i32
        %swap3A_326 = arith.index_cast %swap3A_325 : i32 to index
        %swap3A_327 = arith.index_cast %scan3A_268 : i32 to index
        %swap3A_328 = arith.constant 64 : index
        %swap3A_329 = tpu.vector_load %arg9[%swap3A_326, %swap3A_327, %swap3A_328] {strides = array<i32>} : memref<5x40x128xf32, #tpu.memory_space<vmem>>, vector<1x1x16xf32>,
        %swap3A_330 = vector.shape_cast %swap3A_329 : vector<1x1x16xf32> to vector<16xf32>
        %swap3A_331 = vector.shape_cast %get3A_324 : vector<16xf32> to vector<1x1x16xf32>
        tpu.vector_store %arg9[%swap3A_326, %swap3A_327, %swap3A_328], %swap3A_331 {add = true, strides = array<i32>} : memref<5x40x128xf32, #tpu.memory_space<vmem>>, vector<1x1x16xf32>,
        %get3A_332 = arith.constant 0 : i32
        %get3A_333 = arith.index_cast %get3A_332 : i32 to index
        %get3A_334 = arith.index_cast %scan3A_268 : i32 to index
        %get3A_335 = arith.constant 80 : index
        %get3A_336 = tpu.vector_load %arg10[%get3A_333, %get3A_334, %get3A_335] {strides = array<i32>} : memref<5x40x128xf32, #tpu.memory_space<vmem>>, vector<1x1x16xf32>,
        %get3A_337 = vector.shape_cast %get3A_336 : vector<1x1x16xf32> to vector<16xf32>
        %swap3A_338 = arith.constant 0 : i32
        %swap3A_339 = arith.index_cast %swap3A_338 : i32 to index
        %swap3A_340 = arith.index_cast %scan3A_268 : i32 to index
        %swap3A_341 = arith.constant 80 : index
        %swap3A_342 = tpu.vector_load %arg9[%swap3A_339, %swap3A_340, %swap3A_341] {strides = array<i32>} : memref<5x40x128xf32, #tpu.memory_space<vmem>>, vector<1x1x16xf32>,
        %swap3A_343 = vector.shape_cast %swap3A_342 : vector<1x1x16xf32> to vector<16xf32>
        %swap3A_344 = vector.shape_cast %get3A_337 : vector<16xf32> to vector<1x1x16xf32>
        tpu.vector_store %arg9[%swap3A_339, %swap3A_340, %swap3A_341], %swap3A_344 {add = true, strides = array<i32>} : memref<5x40x128xf32, #tpu.memory_space<vmem>>, vector<1x1x16xf32>,
        %get3A_345 = arith.constant 0 : i32
        %get3A_346 = arith.index_cast %get3A_345 : i32 to index
        %get3A_347 = arith.index_cast %scan3A_268 : i32 to index
        %get3A_348 = arith.constant 96 : index
        %get3A_349 = tpu.vector_load %arg10[%get3A_346, %get3A_347, %get3A_348] {strides = array<i32>} : memref<5x40x128xf32, #tpu.memory_space<vmem>>, vector<1x1x16xf32>,
        %get3A_350 = vector.shape_cast %get3A_349 : vector<1x1x16xf32> to vector<16xf32>
        %swap3A_351 = arith.constant 0 : i32
        %swap3A_352 = arith.index_cast %swap3A_351 : i32 to index
        %swap3A_353 = arith.index_cast %scan3A_268 : i32 to index
        %swap3A_354 = arith.constant 96 : index
        %swap3A_355 = tpu.vector_load %arg9[%swap3A_352, %swap3A_353, %swap3A_354] {strides = array<i32>} : memref<5x40x128xf32, #tpu.memory_space<vmem>>, vector<1x1x16xf32>,
        %swap3A_356 = vector.shape_cast %swap3A_355 : vector<1x1x16xf32> to vector<16xf32>
        %swap3A_357 = vector.shape_cast %get3A_350 : vector<16xf32> to vector<1x1x16xf32>
        tpu.vector_store %arg9[%swap3A_352, %swap3A_353, %swap3A_354], %swap3A_357 {add = true, strides = array<i32>} : memref<5x40x128xf32, #tpu.memory_space<vmem>>, vector<1x1x16xf32>,
        %get3A_358 = arith.constant 0 : i32
        %get3A_359 = arith.index_cast %get3A_358 : i32 to index
        %get3A_360 = arith.index_cast %scan3A_268 : i32 to index
        %get3A_361 = arith.constant 112 : index
        %get3A_362 = tpu.vector_load %arg10[%get3A_359, %get3A_360, %get3A_361] {strides = array<i32>} : memref<5x40x128xf32, #tpu.memory_space<vmem>>, vector<1x1x16xf32>,
        %get3A_363 = vector.shape_cast %get3A_362 : vector<1x1x16xf32> to vector<16xf32>
        %swap3A_364 = arith.constant 0 : i32
        %swap3A_365 = arith.index_cast %swap3A_364 : i32 to index
        %swap3A_366 = arith.index_cast %scan3A_268 : i32 to index
        %swap3A_367 = arith.constant 112 : index
        %swap3A_368 = tpu.vector_load %arg9[%swap3A_365, %swap3A_366, %swap3A_367] {strides = array<i32>} : memref<5x40x128xf32, #tpu.memory_space<vmem>>, vector<1x1x16xf32>,
        %swap3A_369 = vector.shape_cast %swap3A_368 : vector<1x1x16xf32> to vector<16xf32>
        %swap3A_370 = vector.shape_cast %get3A_363 : vector<16xf32> to vector<1x1x16xf32>
        tpu.vector_store %arg9[%swap3A_365, %swap3A_366, %swap3A_367], %swap3A_370 {add = true, strides = array<i32>} : memref<5x40x128xf32, #tpu.memory_space<vmem>>, vector<1x1x16xf32>,
      }
      %scan3A_142 = arith.constant 40 : i32
      %add3A_143 = arith.constant 0 : i32
      %add3A_144 = arith.addi %mul3A_10, %add3A_143 : i32
      %mul3A_145 = arith.constant 40 : i32
      %mul3A_146 = arith.muli %add3A_144, %mul3A_145 : i32
      %add3A_147 = arith.addi %mul3A_2, %mul3A_146 : i32
      %run_scoped3A = arith.constant 0 : i32
      "tpu.region"() ({
        %run_scoped3A_268 = tpu.sem_alloc : memref<!tpu.dma_semaphore, #tpu.memory_space<semaphore_mem>>
        %dma_start3A_269 = arith.constant 0 : i32
        %dma_start3A_270 = arith.constant 0 : i32
        %dma_start3A_271 = tpu.memref_slice %arg9[%run_scoped3A, %dma_start3A_269, %dma_start3A_270] : memref<5x40x128xf32, #tpu.memory_space<vmem>> -> memref<1x40x128xf32, #tpu.memory_space<vmem>>
        %dma_start3A_272 = tpu.memref_squeeze %dma_start3A_271 : memref<1x40x128xf32, #tpu.memory_space<vmem>> -> memref<40x128xf32, #tpu.memory_space<vmem>>
        %dma_start3A_273 = arith.constant 0 : i32
        %dma_start3A_274 = tpu.memref_slice %arg6[%add3A_147, %dma_start3A_273] : memref<320000x128xf32, #tpu.memory_space<hbm>> -> memref<40x128xf32, #tpu.memory_space<hbm>>
        %dma_start3A_275 = arith.constant 0 : i32
        %dma_start3A_276 = tpu.memref_slice %arg6[%add3A_147, %dma_start3A_275] : memref<320000x128xf32, #tpu.memory_space<hbm>> -> memref<40x128xf32, #tpu.memory_space<hbm>>
        %dma_start3A_277 = arith.constant 0 : i32
        %dma_start3A_278 = arith.constant 0 : i32
        %dma_start3A_279 = tpu.memref_slice %arg9[%run_scoped3A, %dma_start3A_277, %dma_start3A_278] : memref<5x40x128xf32, #tpu.memory_space<vmem>> -> memref<1x40x128xf32, #tpu.memory_space<vmem>>
        %dma_start3A_280 = tpu.memref_squeeze %dma_start3A_279 : memref<1x40x128xf32, #tpu.memory_space<vmem>> -> memref<40x128xf32, #tpu.memory_space<vmem>>
        tpu.enqueue_dma source(%dma_start3A_280 : memref<40x128xf32, #tpu.memory_space<vmem>>) target(%dma_start3A_276 : memref<40x128xf32, #tpu.memory_space<hbm>>) target_semaphore(%run_scoped3A_268 : memref<!tpu.dma_semaphore, #tpu.memory_space<semaphore_mem>>)
        %dma_wait3A_281 = arith.constant 0 : i32
        %dma_wait3A_282 = arith.constant 0 : i32
        %dma_wait3A_283 = tpu.memref_slice %arg9[%run_scoped3A, %dma_wait3A_281, %dma_wait3A_282] : memref<5x40x128xf32, #tpu.memory_space<vmem>> -> memref<1x40x128xf32, #tpu.memory_space<vmem>>
        %dma_wait3A_284 = tpu.memref_squeeze %dma_wait3A_283 : memref<1x40x128xf32, #tpu.memory_space<vmem>> -> memref<40x128xf32, #tpu.memory_space<vmem>>
        %dma_wait3A_285 = arith.constant 0 : i32
        %dma_wait3A_286 = tpu.memref_slice %arg6[%add3A_147, %dma_wait3A_285] : memref<320000x128xf32, #tpu.memory_space<hbm>> -> memref<40x128xf32, #tpu.memory_space<hbm>>
        %dma_wait3A_287 = arith.constant 0 : i32
        %dma_wait3A_288 = tpu.memref_slice %arg6[%add3A_147, %dma_wait3A_287] : memref<320000x128xf32, #tpu.memory_space<hbm>> -> memref<40x128xf32, #tpu.memory_space<hbm>>
        %dma_wait3A_289 = arith.constant 0 : i32
        %dma_wait3A_290 = arith.constant 0 : i32
        %dma_wait3A_291 = tpu.memref_slice %arg9[%run_scoped3A, %dma_wait3A_289, %dma_wait3A_290] : memref<5x40x128xf32, #tpu.memory_space<vmem>> -> memref<1x40x128xf32, #tpu.memory_space<vmem>>
        %dma_wait3A_292 = tpu.memref_squeeze %dma_wait3A_291 : memref<1x40x128xf32, #tpu.memory_space<vmem>> -> memref<40x128xf32, #tpu.memory_space<vmem>>
        tpu.wait_dma2 semaphore(%run_scoped3A_268 : memref<!tpu.dma_semaphore, #tpu.memory_space<semaphore_mem>>) src(%dma_wait3A_292 : memref<40x128xf32, #tpu.memory_space<vmem>>) dst(%dma_wait3A_288 : memref<40x128xf32, #tpu.memory_space<hbm>>)
        tpu.yield
      }) : () -> ()
      %dma_wait3A_148 = arith.constant 1 : i32
      %dma_wait3A_149 = arith.constant 0 : i32
      %dma_wait3A_150 = arith.constant 0 : i32
      %dma_wait3A_151 = tpu.memref_slice %arg9[%dma_wait3A_148, %dma_wait3A_149, %dma_wait3A_150] : memref<5x40x128xf32, #tpu.memory_space<vmem>> -> memref<1x40x128xf32, #tpu.memory_space<vmem>>
      %dma_wait3A_152 = tpu.memref_squeeze %dma_wait3A_151 : memref<1x40x128xf32, #tpu.memory_space<vmem>> -> memref<40x128xf32, #tpu.memory_space<vmem>>
      %dma_wait3A_153 = tpu.memref_slice %arg7[%mul3A_35] : memref<10000xi32, #tpu.memory_space<vmem>> -> memref<40xi32, #tpu.memory_space<vmem>>
      %dma_wait3A_154 = arith.constant 0 : i32
      %dma_wait3A_155 = arith.constant 0 : i32
      %dma_wait3A_156 = tpu.memref_slice %arg2[%dma_wait3A_154, %dma_wait3A_155] : memref<10000x128xf32, #tpu.memory_space<hbm>> -> memref<10000x128xf32, #tpu.memory_space<hbm>>
      tpu.wait_indirect_dma semaphore(%arg12 : memref<!tpu.dma_semaphore, #tpu.memory_space<semaphore_mem>>) src(%dma_wait3A_156 : memref<10000x128xf32, #tpu.memory_space<hbm>>) dst(%dma_wait3A_152 : memref<40x128xf32, #tpu.memory_space<vmem>>)
      %dma_wait3A_157 = arith.constant 1 : i32
      %dma_wait3A_158 = arith.constant 0 : i32
      %dma_wait3A_159 = arith.constant 0 : i32
      %dma_wait3A_160 = tpu.memref_slice %arg10[%dma_wait3A_157, %dma_wait3A_158, %dma_wait3A_159] : memref<5x40x128xf32, #tpu.memory_space<vmem>> -> memref<1x40x128xf32, #tpu.memory_space<vmem>>
      %dma_wait3A_161 = tpu.memref_squeeze %dma_wait3A_160 : memref<1x40x128xf32, #tpu.memory_space<vmem>> -> memref<40x128xf32, #tpu.memory_space<vmem>>
      %dma_wait3A_162 = tpu.memref_slice %arg8[%mul3A_35] : memref<10000xi32, #tpu.memory_space<vmem>> -> memref<40xi32, #tpu.memory_space<vmem>>
      %dma_wait3A_163 = arith.constant 0 : i32
      %dma_wait3A_164 = arith.constant 0 : i32
      %dma_wait3A_165 = tpu.memref_slice %arg3[%dma_wait3A_163, %dma_wait3A_164] : memref<10000x128xf32, #tpu.memory_space<hbm>> -> memref<10000x128xf32, #tpu.memory_space<hbm>>
      tpu.wait_indirect_dma semaphore(%arg12 : memref<!tpu.dma_semaphore, #tpu.memory_space<semaphore_mem>>) src(%dma_wait3A_165 : memref<10000x128xf32, #tpu.memory_space<hbm>>) dst(%dma_wait3A_161 : memref<40x128xf32, #tpu.memory_space<vmem>>)
      %scan3A_166 = arith.constant 0 : i32
      %scan3A_167 = arith.constant 0 : i32
      %scan3A_168 = arith.constant 40 : i32
      %scan3A_169 = arith.addi %scan3A_167, %scan3A_168 : i32
      %scan3A_170 = arith.constant 1 : i32
      scf.for %scan3A_268 = %scan3A_167 to %scan3A_169 step %scan3A_170  : i32 {
        %get3A = arith.constant 1 : i32
        %get3A_269 = arith.index_cast %get3A : i32 to index
        %get3A_270 = arith.index_cast %scan3A_268 : i32 to index
        %get3A_271 = arith.constant 0 : index
        %get3A_272 = tpu.vector_load %arg10[%get3A_269, %get3A_270, %get3A_271] {strides = array<i32>} : memref<5x40x128xf32, #tpu.memory_space<vmem>>, vector<1x1x16xf32>,
        %get3A_273 = vector.shape_cast %get3A_272 : vector<1x1x16xf32> to vector<16xf32>
        %swap3A = arith.constant 1 : i32
        %swap3A_274 = arith.index_cast %swap3A : i32 to index
        %swap3A_275 = arith.index_cast %scan3A_268 : i32 to index
        %swap3A_276 = arith.constant 0 : index
        %swap3A_277 = tpu.vector_load %arg9[%swap3A_274, %swap3A_275, %swap3A_276] {strides = array<i32>} : memref<5x40x128xf32, #tpu.memory_space<vmem>>, vector<1x1x16xf32>,
        %swap3A_278 = vector.shape_cast %swap3A_277 : vector<1x1x16xf32> to vector<16xf32>
        %swap3A_279 = vector.shape_cast %get3A_273 : vector<16xf32> to vector<1x1x16xf32>
        tpu.vector_store %arg9[%swap3A_274, %swap3A_275, %swap3A_276], %swap3A_279 {add = true, strides = array<i32>} : memref<5x40x128xf32, #tpu.memory_space<vmem>>, vector<1x1x16xf32>,
        %get3A_280 = arith.constant 1 : i32
        %get3A_281 = arith.index_cast %get3A_280 : i32 to index
        %get3A_282 = arith.index_cast %scan3A_268 : i32 to index
        %get3A_283 = arith.constant 16 : index
        %get3A_284 = tpu.vector_load %arg10[%get3A_281, %get3A_282, %get3A_283] {strides = array<i32>} : memref<5x40x128xf32, #tpu.memory_space<vmem>>, vector<1x1x16xf32>,
        %get3A_285 = vector.shape_cast %get3A_284 : vector<1x1x16xf32> to vector<16xf32>
        %swap3A_286 = arith.constant 1 : i32
        %swap3A_287 = arith.index_cast %swap3A_286 : i32 to index
        %swap3A_288 = arith.index_cast %scan3A_268 : i32 to index
        %swap3A_289 = arith.constant 16 : index
        %swap3A_290 = tpu.vector_load %arg9[%swap3A_287, %swap3A_288, %swap3A_289] {strides = array<i32>} : memref<5x40x128xf32, #tpu.memory_space<vmem>>, vector<1x1x16xf32>,
        %swap3A_291 = vector.shape_cast %swap3A_290 : vector<1x1x16xf32> to vector<16xf32>
        %swap3A_292 = vector.shape_cast %get3A_285 : vector<16xf32> to vector<1x1x16xf32>
        tpu.vector_store %arg9[%swap3A_287, %swap3A_288, %swap3A_289], %swap3A_292 {add = true, strides = array<i32>} : memref<5x40x128xf32, #tpu.memory_space<vmem>>, vector<1x1x16xf32>,
        %get3A_293 = arith.constant 1 : i32
        %get3A_294 = arith.index_cast %get3A_293 : i32 to index
        %get3A_295 = arith.index_cast %scan3A_268 : i32 to index
        %get3A_296 = arith.constant 32 : index
        %get3A_297 = tpu.vector_load %arg10[%get3A_294, %get3A_295, %get3A_296] {strides = array<i32>} : memref<5x40x128xf32, #tpu.memory_space<vmem>>, vector<1x1x16xf32>,
        %get3A_298 = vector.shape_cast %get3A_297 : vector<1x1x16xf32> to vector<16xf32>
        %swap3A_299 = arith.constant 1 : i32
        %swap3A_300 = arith.index_cast %swap3A_299 : i32 to index
        %swap3A_301 = arith.index_cast %scan3A_268 : i32 to index
        %swap3A_302 = arith.constant 32 : index
        %swap3A_303 = tpu.vector_load %arg9[%swap3A_300, %swap3A_301, %swap3A_302] {strides = array<i32>} : memref<5x40x128xf32, #tpu.memory_space<vmem>>, vector<1x1x16xf32>,
        %swap3A_304 = vector.shape_cast %swap3A_303 : vector<1x1x16xf32> to vector<16xf32>
        %swap3A_305 = vector.shape_cast %get3A_298 : vector<16xf32> to vector<1x1x16xf32>
        tpu.vector_store %arg9[%swap3A_300, %swap3A_301, %swap3A_302], %swap3A_305 {add = true, strides = array<i32>} : memref<5x40x128xf32, #tpu.memory_space<vmem>>, vector<1x1x16xf32>,
        %get3A_306 = arith.constant 1 : i32
        %get3A_307 = arith.index_cast %get3A_306 : i32 to index
        %get3A_308 = arith.index_cast %scan3A_268 : i32 to index
        %get3A_309 = arith.constant 48 : index
        %get3A_310 = tpu.vector_load %arg10[%get3A_307, %get3A_308, %get3A_309] {strides = array<i32>} : memref<5x40x128xf32, #tpu.memory_space<vmem>>, vector<1x1x16xf32>,
        %get3A_311 = vector.shape_cast %get3A_310 : vector<1x1x16xf32> to vector<16xf32>
        %swap3A_312 = arith.constant 1 : i32
        %swap3A_313 = arith.index_cast %swap3A_312 : i32 to index
        %swap3A_314 = arith.index_cast %scan3A_268 : i32 to index
        %swap3A_315 = arith.constant 48 : index
        %swap3A_316 = tpu.vector_load %arg9[%swap3A_313, %swap3A_314, %swap3A_315] {strides = array<i32>} : memref<5x40x128xf32, #tpu.memory_space<vmem>>, vector<1x1x16xf32>,
        %swap3A_317 = vector.shape_cast %swap3A_316 : vector<1x1x16xf32> to vector<16xf32>
        %swap3A_318 = vector.shape_cast %get3A_311 : vector<16xf32> to vector<1x1x16xf32>
        tpu.vector_store %arg9[%swap3A_313, %swap3A_314, %swap3A_315], %swap3A_318 {add = true, strides = array<i32>} : memref<5x40x128xf32, #tpu.memory_space<vmem>>, vector<1x1x16xf32>,
        %get3A_319 = arith.constant 1 : i32
        %get3A_320 = arith.index_cast %get3A_319 : i32 to index
        %get3A_321 = arith.index_cast %scan3A_268 : i32 to index
        %get3A_322 = arith.constant 64 : index
        %get3A_323 = tpu.vector_load %arg10[%get3A_320, %get3A_321, %get3A_322] {strides = array<i32>} : memref<5x40x128xf32, #tpu.memory_space<vmem>>, vector<1x1x16xf32>,
        %get3A_324 = vector.shape_cast %get3A_323 : vector<1x1x16xf32> to vector<16xf32>
        %swap3A_325 = arith.constant 1 : i32
        %swap3A_326 = arith.index_cast %swap3A_325 : i32 to index
        %swap3A_327 = arith.index_cast %scan3A_268 : i32 to index
        %swap3A_328 = arith.constant 64 : index
        %swap3A_329 = tpu.vector_load %arg9[%swap3A_326, %swap3A_327, %swap3A_328] {strides = array<i32>} : memref<5x40x128xf32, #tpu.memory_space<vmem>>, vector<1x1x16xf32>,
        %swap3A_330 = vector.shape_cast %swap3A_329 : vector<1x1x16xf32> to vector<16xf32>
        %swap3A_331 = vector.shape_cast %get3A_324 : vector<16xf32> to vector<1x1x16xf32>
        tpu.vector_store %arg9[%swap3A_326, %swap3A_327, %swap3A_328], %swap3A_331 {add = true, strides = array<i32>} : memref<5x40x128xf32, #tpu.memory_space<vmem>>, vector<1x1x16xf32>,
        %get3A_332 = arith.constant 1 : i32
        %get3A_333 = arith.index_cast %get3A_332 : i32 to index
        %get3A_334 = arith.index_cast %scan3A_268 : i32 to index
        %get3A_335 = arith.constant 80 : index
        %get3A_336 = tpu.vector_load %arg10[%get3A_333, %get3A_334, %get3A_335] {strides = array<i32>} : memref<5x40x128xf32, #tpu.memory_space<vmem>>, vector<1x1x16xf32>,
        %get3A_337 = vector.shape_cast %get3A_336 : vector<1x1x16xf32> to vector<16xf32>
        %swap3A_338 = arith.constant 1 : i32
        %swap3A_339 = arith.index_cast %swap3A_338 : i32 to index
        %swap3A_340 = arith.index_cast %scan3A_268 : i32 to index
        %swap3A_341 = arith.constant 80 : index
        %swap3A_342 = tpu.vector_load %arg9[%swap3A_339, %swap3A_340, %swap3A_341] {strides = array<i32>} : memref<5x40x128xf32, #tpu.memory_space<vmem>>, vector<1x1x16xf32>,
        %swap3A_343 = vector.shape_cast %swap3A_342 : vector<1x1x16xf32> to vector<16xf32>
        %swap3A_344 = vector.shape_cast %get3A_337 : vector<16xf32> to vector<1x1x16xf32>
        tpu.vector_store %arg9[%swap3A_339, %swap3A_340, %swap3A_341], %swap3A_344 {add = true, strides = array<i32>} : memref<5x40x128xf32, #tpu.memory_space<vmem>>, vector<1x1x16xf32>,
        %get3A_345 = arith.constant 1 : i32
        %get3A_346 = arith.index_cast %get3A_345 : i32 to index
        %get3A_347 = arith.index_cast %scan3A_268 : i32 to index
        %get3A_348 = arith.constant 96 : index
        %get3A_349 = tpu.vector_load %arg10[%get3A_346, %get3A_347, %get3A_348] {strides = array<i32>} : memref<5x40x128xf32, #tpu.memory_space<vmem>>, vector<1x1x16xf32>,
        %get3A_350 = vector.shape_cast %get3A_349 : vector<1x1x16xf32> to vector<16xf32>
        %swap3A_351 = arith.constant 1 : i32
        %swap3A_352 = arith.index_cast %swap3A_351 : i32 to index
        %swap3A_353 = arith.index_cast %scan3A_268 : i32 to index
        %swap3A_354 = arith.constant 96 : index
        %swap3A_355 = tpu.vector_load %arg9[%swap3A_352, %swap3A_353, %swap3A_354] {strides = array<i32>} : memref<5x40x128xf32, #tpu.memory_space<vmem>>, vector<1x1x16xf32>,
        %swap3A_356 = vector.shape_cast %swap3A_355 : vector<1x1x16xf32> to vector<16xf32>
        %swap3A_357 = vector.shape_cast %get3A_350 : vector<16xf32> to vector<1x1x16xf32>
        tpu.vector_store %arg9[%swap3A_352, %swap3A_353, %swap3A_354], %swap3A_357 {add = true, strides = array<i32>} : memref<5x40x128xf32, #tpu.memory_space<vmem>>, vector<1x1x16xf32>,
        %get3A_358 = arith.constant 1 : i32
        %get3A_359 = arith.index_cast %get3A_358 : i32 to index
        %get3A_360 = arith.index_cast %scan3A_268 : i32 to index
        %get3A_361 = arith.constant 112 : index
        %get3A_362 = tpu.vector_load %arg10[%get3A_359, %get3A_360, %get3A_361] {strides = array<i32>} : memref<5x40x128xf32, #tpu.memory_space<vmem>>, vector<1x1x16xf32>,
        %get3A_363 = vector.shape_cast %get3A_362 : vector<1x1x16xf32> to vector<16xf32>
        %swap3A_364 = arith.constant 1 : i32
        %swap3A_365 = arith.index_cast %swap3A_364 : i32 to index
        %swap3A_366 = arith.index_cast %scan3A_268 : i32 to index
        %swap3A_367 = arith.constant 112 : index
        %swap3A_368 = tpu.vector_load %arg9[%swap3A_365, %swap3A_366, %swap3A_367] {strides = array<i32>} : memref<5x40x128xf32, #tpu.memory_space<vmem>>, vector<1x1x16xf32>,
        %swap3A_369 = vector.shape_cast %swap3A_368 : vector<1x1x16xf32> to vector<16xf32>
        %swap3A_370 = vector.shape_cast %get3A_363 : vector<16xf32> to vector<1x1x16xf32>
        tpu.vector_store %arg9[%swap3A_365, %swap3A_366, %swap3A_367], %swap3A_370 {add = true, strides = array<i32>} : memref<5x40x128xf32, #tpu.memory_space<vmem>>, vector<1x1x16xf32>,
      }
      %scan3A_171 = arith.constant 40 : i32
      %add3A_172 = arith.constant 1 : i32
      %add3A_173 = arith.addi %mul3A_10, %add3A_172 : i32
      %mul3A_174 = arith.constant 40 : i32
      %mul3A_175 = arith.muli %add3A_173, %mul3A_174 : i32
      %add3A_176 = arith.addi %mul3A_2, %mul3A_175 : i32
      %run_scoped3A_177 = arith.constant 1 : i32
      "tpu.region"() ({
        %run_scoped3A_268 = tpu.sem_alloc : memref<!tpu.dma_semaphore, #tpu.memory_space<semaphore_mem>>
        %dma_start3A_269 = arith.constant 0 : i32
        %dma_start3A_270 = arith.constant 0 : i32
        %dma_start3A_271 = tpu.memref_slice %arg9[%run_scoped3A_177, %dma_start3A_269, %dma_start3A_270] : memref<5x40x128xf32, #tpu.memory_space<vmem>> -> memref<1x40x128xf32, #tpu.memory_space<vmem>>
        %dma_start3A_272 = tpu.memref_squeeze %dma_start3A_271 : memref<1x40x128xf32, #tpu.memory_space<vmem>> -> memref<40x128xf32, #tpu.memory_space<vmem>>
        %dma_start3A_273 = arith.constant 0 : i32
        %dma_start3A_274 = tpu.memref_slice %arg6[%add3A_176, %dma_start3A_273] : memref<320000x128xf32, #tpu.memory_space<hbm>> -> memref<40x128xf32, #tpu.memory_space<hbm>>
        %dma_start3A_275 = arith.constant 0 : i32
        %dma_start3A_276 = tpu.memref_slice %arg6[%add3A_176, %dma_start3A_275] : memref<320000x128xf32, #tpu.memory_space<hbm>> -> memref<40x128xf32, #tpu.memory_space<hbm>>
        %dma_start3A_277 = arith.constant 0 : i32
        %dma_start3A_278 = arith.constant 0 : i32
        %dma_start3A_279 = tpu.memref_slice %arg9[%run_scoped3A_177, %dma_start3A_277, %dma_start3A_278] : memref<5x40x128xf32, #tpu.memory_space<vmem>> -> memref<1x40x128xf32, #tpu.memory_space<vmem>>
        %dma_start3A_280 = tpu.memref_squeeze %dma_start3A_279 : memref<1x40x128xf32, #tpu.memory_space<vmem>> -> memref<40x128xf32, #tpu.memory_space<vmem>>
        tpu.enqueue_dma source(%dma_start3A_280 : memref<40x128xf32, #tpu.memory_space<vmem>>) target(%dma_start3A_276 : memref<40x128xf32, #tpu.memory_space<hbm>>) target_semaphore(%run_scoped3A_268 : memref<!tpu.dma_semaphore, #tpu.memory_space<semaphore_mem>>)
        %dma_wait3A_281 = arith.constant 0 : i32
        %dma_wait3A_282 = arith.constant 0 : i32
        %dma_wait3A_283 = tpu.memref_slice %arg9[%run_scoped3A_177, %dma_wait3A_281, %dma_wait3A_282] : memref<5x40x128xf32, #tpu.memory_space<vmem>> -> memref<1x40x128xf32, #tpu.memory_space<vmem>>
        %dma_wait3A_284 = tpu.memref_squeeze %dma_wait3A_283 : memref<1x40x128xf32, #tpu.memory_space<vmem>> -> memref<40x128xf32, #tpu.memory_space<vmem>>
        %dma_wait3A_285 = arith.constant 0 : i32
        %dma_wait3A_286 = tpu.memref_slice %arg6[%add3A_176, %dma_wait3A_285] : memref<320000x128xf32, #tpu.memory_space<hbm>> -> memref<40x128xf32, #tpu.memory_space<hbm>>
        %dma_wait3A_287 = arith.constant 0 : i32
        %dma_wait3A_288 = tpu.memref_slice %arg6[%add3A_176, %dma_wait3A_287] : memref<320000x128xf32, #tpu.memory_space<hbm>> -> memref<40x128xf32, #tpu.memory_space<hbm>>
        %dma_wait3A_289 = arith.constant 0 : i32
        %dma_wait3A_290 = arith.constant 0 : i32
        %dma_wait3A_291 = tpu.memref_slice %arg9[%run_scoped3A_177, %dma_wait3A_289, %dma_wait3A_290] : memref<5x40x128xf32, #tpu.memory_space<vmem>> -> memref<1x40x128xf32, #tpu.memory_space<vmem>>
        %dma_wait3A_292 = tpu.memref_squeeze %dma_wait3A_291 : memref<1x40x128xf32, #tpu.memory_space<vmem>> -> memref<40x128xf32, #tpu.memory_space<vmem>>
        tpu.wait_dma2 semaphore(%run_scoped3A_268 : memref<!tpu.dma_semaphore, #tpu.memory_space<semaphore_mem>>) src(%dma_wait3A_292 : memref<40x128xf32, #tpu.memory_space<vmem>>) dst(%dma_wait3A_288 : memref<40x128xf32, #tpu.memory_space<hbm>>)
        tpu.yield
      }) : () -> ()
      %dma_wait3A_178 = arith.constant 2 : i32
      %dma_wait3A_179 = arith.constant 0 : i32
      %dma_wait3A_180 = arith.constant 0 : i32
      %dma_wait3A_181 = tpu.memref_slice %arg9[%dma_wait3A_178, %dma_wait3A_179, %dma_wait3A_180] : memref<5x40x128xf32, #tpu.memory_space<vmem>> -> memref<1x40x128xf32, #tpu.memory_space<vmem>>
      %dma_wait3A_182 = tpu.memref_squeeze %dma_wait3A_181 : memref<1x40x128xf32, #tpu.memory_space<vmem>> -> memref<40x128xf32, #tpu.memory_space<vmem>>
      %dma_wait3A_183 = tpu.memref_slice %arg7[%mul3A_57] : memref<10000xi32, #tpu.memory_space<vmem>> -> memref<40xi32, #tpu.memory_space<vmem>>
      %dma_wait3A_184 = arith.constant 0 : i32
      %dma_wait3A_185 = arith.constant 0 : i32
      %dma_wait3A_186 = tpu.memref_slice %arg2[%dma_wait3A_184, %dma_wait3A_185] : memref<10000x128xf32, #tpu.memory_space<hbm>> -> memref<10000x128xf32, #tpu.memory_space<hbm>>
      tpu.wait_indirect_dma semaphore(%arg13 : memref<!tpu.dma_semaphore, #tpu.memory_space<semaphore_mem>>) src(%dma_wait3A_186 : memref<10000x128xf32, #tpu.memory_space<hbm>>) dst(%dma_wait3A_182 : memref<40x128xf32, #tpu.memory_space<vmem>>)
      %dma_wait3A_187 = arith.constant 2 : i32
      %dma_wait3A_188 = arith.constant 0 : i32
      %dma_wait3A_189 = arith.constant 0 : i32
      %dma_wait3A_190 = tpu.memref_slice %arg10[%dma_wait3A_187, %dma_wait3A_188, %dma_wait3A_189] : memref<5x40x128xf32, #tpu.memory_space<vmem>> -> memref<1x40x128xf32, #tpu.memory_space<vmem>>
      %dma_wait3A_191 = tpu.memref_squeeze %dma_wait3A_190 : memref<1x40x128xf32, #tpu.memory_space<vmem>> -> memref<40x128xf32, #tpu.memory_space<vmem>>
      %dma_wait3A_192 = tpu.memref_slice %arg8[%mul3A_57] : memref<10000xi32, #tpu.memory_space<vmem>> -> memref<40xi32, #tpu.memory_space<vmem>>
      %dma_wait3A_193 = arith.constant 0 : i32
      %dma_wait3A_194 = arith.constant 0 : i32
      %dma_wait3A_195 = tpu.memref_slice %arg3[%dma_wait3A_193, %dma_wait3A_194] : memref<10000x128xf32, #tpu.memory_space<hbm>> -> memref<10000x128xf32, #tpu.memory_space<hbm>>
      tpu.wait_indirect_dma semaphore(%arg13 : memref<!tpu.dma_semaphore, #tpu.memory_space<semaphore_mem>>) src(%dma_wait3A_195 : memref<10000x128xf32, #tpu.memory_space<hbm>>) dst(%dma_wait3A_191 : memref<40x128xf32, #tpu.memory_space<vmem>>)
      %scan3A_196 = arith.constant 0 : i32
      %scan3A_197 = arith.constant 0 : i32
      %scan3A_198 = arith.constant 40 : i32
      %scan3A_199 = arith.addi %scan3A_197, %scan3A_198 : i32
      %scan3A_200 = arith.constant 1 : i32
      scf.for %scan3A_268 = %scan3A_197 to %scan3A_199 step %scan3A_200  : i32 {
        %get3A = arith.constant 2 : i32
        %get3A_269 = arith.index_cast %get3A : i32 to index
        %get3A_270 = arith.index_cast %scan3A_268 : i32 to index
        %get3A_271 = arith.constant 0 : index
        %get3A_272 = tpu.vector_load %arg10[%get3A_269, %get3A_270, %get3A_271] {strides = array<i32>} : memref<5x40x128xf32, #tpu.memory_space<vmem>>, vector<1x1x16xf32>,
        %get3A_273 = vector.shape_cast %get3A_272 : vector<1x1x16xf32> to vector<16xf32>
        %swap3A = arith.constant 2 : i32
        %swap3A_274 = arith.index_cast %swap3A : i32 to index
        %swap3A_275 = arith.index_cast %scan3A_268 : i32 to index
        %swap3A_276 = arith.constant 0 : index
        %swap3A_277 = tpu.vector_load %arg9[%swap3A_274, %swap3A_275, %swap3A_276] {strides = array<i32>} : memref<5x40x128xf32, #tpu.memory_space<vmem>>, vector<1x1x16xf32>,
        %swap3A_278 = vector.shape_cast %swap3A_277 : vector<1x1x16xf32> to vector<16xf32>
        %swap3A_279 = vector.shape_cast %get3A_273 : vector<16xf32> to vector<1x1x16xf32>
        tpu.vector_store %arg9[%swap3A_274, %swap3A_275, %swap3A_276], %swap3A_279 {add = true, strides = array<i32>} : memref<5x40x128xf32, #tpu.memory_space<vmem>>, vector<1x1x16xf32>,
        %get3A_280 = arith.constant 2 : i32
        %get3A_281 = arith.index_cast %get3A_280 : i32 to index
        %get3A_282 = arith.index_cast %scan3A_268 : i32 to index
        %get3A_283 = arith.constant 16 : index
        %get3A_284 = tpu.vector_load %arg10[%get3A_281, %get3A_282, %get3A_283] {strides = array<i32>} : memref<5x40x128xf32, #tpu.memory_space<vmem>>, vector<1x1x16xf32>,
        %get3A_285 = vector.shape_cast %get3A_284 : vector<1x1x16xf32> to vector<16xf32>
        %swap3A_286 = arith.constant 2 : i32
        %swap3A_287 = arith.index_cast %swap3A_286 : i32 to index
        %swap3A_288 = arith.index_cast %scan3A_268 : i32 to index
        %swap3A_289 = arith.constant 16 : index
        %swap3A_290 = tpu.vector_load %arg9[%swap3A_287, %swap3A_288, %swap3A_289] {strides = array<i32>} : memref<5x40x128xf32, #tpu.memory_space<vmem>>, vector<1x1x16xf32>,
        %swap3A_291 = vector.shape_cast %swap3A_290 : vector<1x1x16xf32> to vector<16xf32>
        %swap3A_292 = vector.shape_cast %get3A_285 : vector<16xf32> to vector<1x1x16xf32>
        tpu.vector_store %arg9[%swap3A_287, %swap3A_288, %swap3A_289], %swap3A_292 {add = true, strides = array<i32>} : memref<5x40x128xf32, #tpu.memory_space<vmem>>, vector<1x1x16xf32>,
        %get3A_293 = arith.constant 2 : i32
        %get3A_294 = arith.index_cast %get3A_293 : i32 to index
        %get3A_295 = arith.index_cast %scan3A_268 : i32 to index
        %get3A_296 = arith.constant 32 : index
        %get3A_297 = tpu.vector_load %arg10[%get3A_294, %get3A_295, %get3A_296] {strides = array<i32>} : memref<5x40x128xf32, #tpu.memory_space<vmem>>, vector<1x1x16xf32>,
        %get3A_298 = vector.shape_cast %get3A_297 : vector<1x1x16xf32> to vector<16xf32>
        %swap3A_299 = arith.constant 2 : i32
        %swap3A_300 = arith.index_cast %swap3A_299 : i32 to index
        %swap3A_301 = arith.index_cast %scan3A_268 : i32 to index
        %swap3A_302 = arith.constant 32 : index
        %swap3A_303 = tpu.vector_load %arg9[%swap3A_300, %swap3A_301, %swap3A_302] {strides = array<i32>} : memref<5x40x128xf32, #tpu.memory_space<vmem>>, vector<1x1x16xf32>,
        %swap3A_304 = vector.shape_cast %swap3A_303 : vector<1x1x16xf32> to vector<16xf32>
        %swap3A_305 = vector.shape_cast %get3A_298 : vector<16xf32> to vector<1x1x16xf32>
        tpu.vector_store %arg9[%swap3A_300, %swap3A_301, %swap3A_302], %swap3A_305 {add = true, strides = array<i32>} : memref<5x40x128xf32, #tpu.memory_space<vmem>>, vector<1x1x16xf32>,
        %get3A_306 = arith.constant 2 : i32
        %get3A_307 = arith.index_cast %get3A_306 : i32 to index
        %get3A_308 = arith.index_cast %scan3A_268 : i32 to index
        %get3A_309 = arith.constant 48 : index
        %get3A_310 = tpu.vector_load %arg10[%get3A_307, %get3A_308, %get3A_309] {strides = array<i32>} : memref<5x40x128xf32, #tpu.memory_space<vmem>>, vector<1x1x16xf32>,
        %get3A_311 = vector.shape_cast %get3A_310 : vector<1x1x16xf32> to vector<16xf32>
        %swap3A_312 = arith.constant 2 : i32
        %swap3A_313 = arith.index_cast %swap3A_312 : i32 to index
        %swap3A_314 = arith.index_cast %scan3A_268 : i32 to index
        %swap3A_315 = arith.constant 48 : index
        %swap3A_316 = tpu.vector_load %arg9[%swap3A_313, %swap3A_314, %swap3A_315] {strides = array<i32>} : memref<5x40x128xf32, #tpu.memory_space<vmem>>, vector<1x1x16xf32>,
        %swap3A_317 = vector.shape_cast %swap3A_316 : vector<1x1x16xf32> to vector<16xf32>
        %swap3A_318 = vector.shape_cast %get3A_311 : vector<16xf32> to vector<1x1x16xf32>
        tpu.vector_store %arg9[%swap3A_313, %swap3A_314, %swap3A_315], %swap3A_318 {add = true, strides = array<i32>} : memref<5x40x128xf32, #tpu.memory_space<vmem>>, vector<1x1x16xf32>,
        %get3A_319 = arith.constant 2 : i32
        %get3A_320 = arith.index_cast %get3A_319 : i32 to index
        %get3A_321 = arith.index_cast %scan3A_268 : i32 to index
        %get3A_322 = arith.constant 64 : index
        %get3A_323 = tpu.vector_load %arg10[%get3A_320, %get3A_321, %get3A_322] {strides = array<i32>} : memref<5x40x128xf32, #tpu.memory_space<vmem>>, vector<1x1x16xf32>,
        %get3A_324 = vector.shape_cast %get3A_323 : vector<1x1x16xf32> to vector<16xf32>
        %swap3A_325 = arith.constant 2 : i32
        %swap3A_326 = arith.index_cast %swap3A_325 : i32 to index
        %swap3A_327 = arith.index_cast %scan3A_268 : i32 to index
        %swap3A_328 = arith.constant 64 : index
        %swap3A_329 = tpu.vector_load %arg9[%swap3A_326, %swap3A_327, %swap3A_328] {strides = array<i32>} : memref<5x40x128xf32, #tpu.memory_space<vmem>>, vector<1x1x16xf32>,
        %swap3A_330 = vector.shape_cast %swap3A_329 : vector<1x1x16xf32> to vector<16xf32>
        %swap3A_331 = vector.shape_cast %get3A_324 : vector<16xf32> to vector<1x1x16xf32>
        tpu.vector_store %arg9[%swap3A_326, %swap3A_327, %swap3A_328], %swap3A_331 {add = true, strides = array<i32>} : memref<5x40x128xf32, #tpu.memory_space<vmem>>, vector<1x1x16xf32>,
        %get3A_332 = arith.constant 2 : i32
        %get3A_333 = arith.index_cast %get3A_332 : i32 to index
        %get3A_334 = arith.index_cast %scan3A_268 : i32 to index
        %get3A_335 = arith.constant 80 : index
        %get3A_336 = tpu.vector_load %arg10[%get3A_333, %get3A_334, %get3A_335] {strides = array<i32>} : memref<5x40x128xf32, #tpu.memory_space<vmem>>, vector<1x1x16xf32>,
        %get3A_337 = vector.shape_cast %get3A_336 : vector<1x1x16xf32> to vector<16xf32>
        %swap3A_338 = arith.constant 2 : i32
        %swap3A_339 = arith.index_cast %swap3A_338 : i32 to index
        %swap3A_340 = arith.index_cast %scan3A_268 : i32 to index
        %swap3A_341 = arith.constant 80 : index
        %swap3A_342 = tpu.vector_load %arg9[%swap3A_339, %swap3A_340, %swap3A_341] {strides = array<i32>} : memref<5x40x128xf32, #tpu.memory_space<vmem>>, vector<1x1x16xf32>,
        %swap3A_343 = vector.shape_cast %swap3A_342 : vector<1x1x16xf32> to vector<16xf32>
        %swap3A_344 = vector.shape_cast %get3A_337 : vector<16xf32> to vector<1x1x16xf32>
        tpu.vector_store %arg9[%swap3A_339, %swap3A_340, %swap3A_341], %swap3A_344 {add = true, strides = array<i32>} : memref<5x40x128xf32, #tpu.memory_space<vmem>>, vector<1x1x16xf32>,
        %get3A_345 = arith.constant 2 : i32
        %get3A_346 = arith.index_cast %get3A_345 : i32 to index
        %get3A_347 = arith.index_cast %scan3A_268 : i32 to index
        %get3A_348 = arith.constant 96 : index
        %get3A_349 = tpu.vector_load %arg10[%get3A_346, %get3A_347, %get3A_348] {strides = array<i32>} : memref<5x40x128xf32, #tpu.memory_space<vmem>>, vector<1x1x16xf32>,
        %get3A_350 = vector.shape_cast %get3A_349 : vector<1x1x16xf32> to vector<16xf32>
        %swap3A_351 = arith.constant 2 : i32
        %swap3A_352 = arith.index_cast %swap3A_351 : i32 to index
        %swap3A_353 = arith.index_cast %scan3A_268 : i32 to index
        %swap3A_354 = arith.constant 96 : index
        %swap3A_355 = tpu.vector_load %arg9[%swap3A_352, %swap3A_353, %swap3A_354] {strides = array<i32>} : memref<5x40x128xf32, #tpu.memory_space<vmem>>, vector<1x1x16xf32>,
        %swap3A_356 = vector.shape_cast %swap3A_355 : vector<1x1x16xf32> to vector<16xf32>
        %swap3A_357 = vector.shape_cast %get3A_350 : vector<16xf32> to vector<1x1x16xf32>
        tpu.vector_store %arg9[%swap3A_352, %swap3A_353, %swap3A_354], %swap3A_357 {add = true, strides = array<i32>} : memref<5x40x128xf32, #tpu.memory_space<vmem>>, vector<1x1x16xf32>,
        %get3A_358 = arith.constant 2 : i32
        %get3A_359 = arith.index_cast %get3A_358 : i32 to index
        %get3A_360 = arith.index_cast %scan3A_268 : i32 to index
        %get3A_361 = arith.constant 112 : index
        %get3A_362 = tpu.vector_load %arg10[%get3A_359, %get3A_360, %get3A_361] {strides = array<i32>} : memref<5x40x128xf32, #tpu.memory_space<vmem>>, vector<1x1x16xf32>,
        %get3A_363 = vector.shape_cast %get3A_362 : vector<1x1x16xf32> to vector<16xf32>
        %swap3A_364 = arith.constant 2 : i32
        %swap3A_365 = arith.index_cast %swap3A_364 : i32 to index
        %swap3A_366 = arith.index_cast %scan3A_268 : i32 to index
        %swap3A_367 = arith.constant 112 : index
        %swap3A_368 = tpu.vector_load %arg9[%swap3A_365, %swap3A_366, %swap3A_367] {strides = array<i32>} : memref<5x40x128xf32, #tpu.memory_space<vmem>>, vector<1x1x16xf32>,
        %swap3A_369 = vector.shape_cast %swap3A_368 : vector<1x1x16xf32> to vector<16xf32>
        %swap3A_370 = vector.shape_cast %get3A_363 : vector<16xf32> to vector<1x1x16xf32>
        tpu.vector_store %arg9[%swap3A_365, %swap3A_366, %swap3A_367], %swap3A_370 {add = true, strides = array<i32>} : memref<5x40x128xf32, #tpu.memory_space<vmem>>, vector<1x1x16xf32>,
      }
      %scan3A_201 = arith.constant 40 : i32
      %add3A_202 = arith.constant 2 : i32
      %add3A_203 = arith.addi %mul3A_10, %add3A_202 : i32
      %mul3A_204 = arith.constant 40 : i32
      %mul3A_205 = arith.muli %add3A_203, %mul3A_204 : i32
      %add3A_206 = arith.addi %mul3A_2, %mul3A_205 : i32
      %run_scoped3A_207 = arith.constant 2 : i32
      "tpu.region"() ({
        %run_scoped3A_268 = tpu.sem_alloc : memref<!tpu.dma_semaphore, #tpu.memory_space<semaphore_mem>>
        %dma_start3A_269 = arith.constant 0 : i32
        %dma_start3A_270 = arith.constant 0 : i32
        %dma_start3A_271 = tpu.memref_slice %arg9[%run_scoped3A_207, %dma_start3A_269, %dma_start3A_270] : memref<5x40x128xf32, #tpu.memory_space<vmem>> -> memref<1x40x128xf32, #tpu.memory_space<vmem>>
        %dma_start3A_272 = tpu.memref_squeeze %dma_start3A_271 : memref<1x40x128xf32, #tpu.memory_space<vmem>> -> memref<40x128xf32, #tpu.memory_space<vmem>>
        %dma_start3A_273 = arith.constant 0 : i32
        %dma_start3A_274 = tpu.memref_slice %arg6[%add3A_206, %dma_start3A_273] : memref<320000x128xf32, #tpu.memory_space<hbm>> -> memref<40x128xf32, #tpu.memory_space<hbm>>
        %dma_start3A_275 = arith.constant 0 : i32
        %dma_start3A_276 = tpu.memref_slice %arg6[%add3A_206, %dma_start3A_275] : memref<320000x128xf32, #tpu.memory_space<hbm>> -> memref<40x128xf32, #tpu.memory_space<hbm>>
        %dma_start3A_277 = arith.constant 0 : i32
        %dma_start3A_278 = arith.constant 0 : i32
        %dma_start3A_279 = tpu.memref_slice %arg9[%run_scoped3A_207, %dma_start3A_277, %dma_start3A_278] : memref<5x40x128xf32, #tpu.memory_space<vmem>> -> memref<1x40x128xf32, #tpu.memory_space<vmem>>
        %dma_start3A_280 = tpu.memref_squeeze %dma_start3A_279 : memref<1x40x128xf32, #tpu.memory_space<vmem>> -> memref<40x128xf32, #tpu.memory_space<vmem>>
        tpu.enqueue_dma source(%dma_start3A_280 : memref<40x128xf32, #tpu.memory_space<vmem>>) target(%dma_start3A_276 : memref<40x128xf32, #tpu.memory_space<hbm>>) target_semaphore(%run_scoped3A_268 : memref<!tpu.dma_semaphore, #tpu.memory_space<semaphore_mem>>)
        %dma_wait3A_281 = arith.constant 0 : i32
        %dma_wait3A_282 = arith.constant 0 : i32
        %dma_wait3A_283 = tpu.memref_slice %arg9[%run_scoped3A_207, %dma_wait3A_281, %dma_wait3A_282] : memref<5x40x128xf32, #tpu.memory_space<vmem>> -> memref<1x40x128xf32, #tpu.memory_space<vmem>>
        %dma_wait3A_284 = tpu.memref_squeeze %dma_wait3A_283 : memref<1x40x128xf32, #tpu.memory_space<vmem>> -> memref<40x128xf32, #tpu.memory_space<vmem>>
        %dma_wait3A_285 = arith.constant 0 : i32
        %dma_wait3A_286 = tpu.memref_slice %arg6[%add3A_206, %dma_wait3A_285] : memref<320000x128xf32, #tpu.memory_space<hbm>> -> memref<40x128xf32, #tpu.memory_space<hbm>>
        %dma_wait3A_287 = arith.constant 0 : i32
        %dma_wait3A_288 = tpu.memref_slice %arg6[%add3A_206, %dma_wait3A_287] : memref<320000x128xf32, #tpu.memory_space<hbm>> -> memref<40x128xf32, #tpu.memory_space<hbm>>
        %dma_wait3A_289 = arith.constant 0 : i32
        %dma_wait3A_290 = arith.constant 0 : i32
        %dma_wait3A_291 = tpu.memref_slice %arg9[%run_scoped3A_207, %dma_wait3A_289, %dma_wait3A_290] : memref<5x40x128xf32, #tpu.memory_space<vmem>> -> memref<1x40x128xf32, #tpu.memory_space<vmem>>
        %dma_wait3A_292 = tpu.memref_squeeze %dma_wait3A_291 : memref<1x40x128xf32, #tpu.memory_space<vmem>> -> memref<40x128xf32, #tpu.memory_space<vmem>>
        tpu.wait_dma2 semaphore(%run_scoped3A_268 : memref<!tpu.dma_semaphore, #tpu.memory_space<semaphore_mem>>) src(%dma_wait3A_292 : memref<40x128xf32, #tpu.memory_space<vmem>>) dst(%dma_wait3A_288 : memref<40x128xf32, #tpu.memory_space<hbm>>)
        tpu.yield
      }) : () -> ()
      %dma_wait3A_208 = arith.constant 3 : i32
      %dma_wait3A_209 = arith.constant 0 : i32
      %dma_wait3A_210 = arith.constant 0 : i32
      %dma_wait3A_211 = tpu.memref_slice %arg9[%dma_wait3A_208, %dma_wait3A_209, %dma_wait3A_210] : memref<5x40x128xf32, #tpu.memory_space<vmem>> -> memref<1x40x128xf32, #tpu.memory_space<vmem>>
      %dma_wait3A_212 = tpu.memref_squeeze %dma_wait3A_211 : memref<1x40x128xf32, #tpu.memory_space<vmem>> -> memref<40x128xf32, #tpu.memory_space<vmem>>
      %dma_wait3A_213 = tpu.memref_slice %arg7[%mul3A_79] : memref<10000xi32, #tpu.memory_space<vmem>> -> memref<40xi32, #tpu.memory_space<vmem>>
      %dma_wait3A_214 = arith.constant 0 : i32
      %dma_wait3A_215 = arith.constant 0 : i32
      %dma_wait3A_216 = tpu.memref_slice %arg2[%dma_wait3A_214, %dma_wait3A_215] : memref<10000x128xf32, #tpu.memory_space<hbm>> -> memref<10000x128xf32, #tpu.memory_space<hbm>>
      tpu.wait_indirect_dma semaphore(%arg14 : memref<!tpu.dma_semaphore, #tpu.memory_space<semaphore_mem>>) src(%dma_wait3A_216 : memref<10000x128xf32, #tpu.memory_space<hbm>>) dst(%dma_wait3A_212 : memref<40x128xf32, #tpu.memory_space<vmem>>)
      %dma_wait3A_217 = arith.constant 3 : i32
      %dma_wait3A_218 = arith.constant 0 : i32
      %dma_wait3A_219 = arith.constant 0 : i32
      %dma_wait3A_220 = tpu.memref_slice %arg10[%dma_wait3A_217, %dma_wait3A_218, %dma_wait3A_219] : memref<5x40x128xf32, #tpu.memory_space<vmem>> -> memref<1x40x128xf32, #tpu.memory_space<vmem>>
      %dma_wait3A_221 = tpu.memref_squeeze %dma_wait3A_220 : memref<1x40x128xf32, #tpu.memory_space<vmem>> -> memref<40x128xf32, #tpu.memory_space<vmem>>
      %dma_wait3A_222 = tpu.memref_slice %arg8[%mul3A_79] : memref<10000xi32, #tpu.memory_space<vmem>> -> memref<40xi32, #tpu.memory_space<vmem>>
      %dma_wait3A_223 = arith.constant 0 : i32
      %dma_wait3A_224 = arith.constant 0 : i32
      %dma_wait3A_225 = tpu.memref_slice %arg3[%dma_wait3A_223, %dma_wait3A_224] : memref<10000x128xf32, #tpu.memory_space<hbm>> -> memref<10000x128xf32, #tpu.memory_space<hbm>>
      tpu.wait_indirect_dma semaphore(%arg14 : memref<!tpu.dma_semaphore, #tpu.memory_space<semaphore_mem>>) src(%dma_wait3A_225 : memref<10000x128xf32, #tpu.memory_space<hbm>>) dst(%dma_wait3A_221 : memref<40x128xf32, #tpu.memory_space<vmem>>)
      %scan3A_226 = arith.constant 0 : i32
      %scan3A_227 = arith.constant 0 : i32
      %scan3A_228 = arith.constant 40 : i32
      %scan3A_229 = arith.addi %scan3A_227, %scan3A_228 : i32
      %scan3A_230 = arith.constant 1 : i32
      scf.for %scan3A_268 = %scan3A_227 to %scan3A_229 step %scan3A_230  : i32 {
        %get3A = arith.constant 3 : i32
        %get3A_269 = arith.index_cast %get3A : i32 to index
        %get3A_270 = arith.index_cast %scan3A_268 : i32 to index
        %get3A_271 = arith.constant 0 : index
        %get3A_272 = tpu.vector_load %arg10[%get3A_269, %get3A_270, %get3A_271] {strides = array<i32>} : memref<5x40x128xf32, #tpu.memory_space<vmem>>, vector<1x1x16xf32>,
        %get3A_273 = vector.shape_cast %get3A_272 : vector<1x1x16xf32> to vector<16xf32>
        %swap3A = arith.constant 3 : i32
        %swap3A_274 = arith.index_cast %swap3A : i32 to index
        %swap3A_275 = arith.index_cast %scan3A_268 : i32 to index
        %swap3A_276 = arith.constant 0 : index
        %swap3A_277 = tpu.vector_load %arg9[%swap3A_274, %swap3A_275, %swap3A_276] {strides = array<i32>} : memref<5x40x128xf32, #tpu.memory_space<vmem>>, vector<1x1x16xf32>,
        %swap3A_278 = vector.shape_cast %swap3A_277 : vector<1x1x16xf32> to vector<16xf32>
        %swap3A_279 = vector.shape_cast %get3A_273 : vector<16xf32> to vector<1x1x16xf32>
        tpu.vector_store %arg9[%swap3A_274, %swap3A_275, %swap3A_276], %swap3A_279 {add = true, strides = array<i32>} : memref<5x40x128xf32, #tpu.memory_space<vmem>>, vector<1x1x16xf32>,
        %get3A_280 = arith.constant 3 : i32
        %get3A_281 = arith.index_cast %get3A_280 : i32 to index
        %get3A_282 = arith.index_cast %scan3A_268 : i32 to index
        %get3A_283 = arith.constant 16 : index
        %get3A_284 = tpu.vector_load %arg10[%get3A_281, %get3A_282, %get3A_283] {strides = array<i32>} : memref<5x40x128xf32, #tpu.memory_space<vmem>>, vector<1x1x16xf32>,
        %get3A_285 = vector.shape_cast %get3A_284 : vector<1x1x16xf32> to vector<16xf32>
        %swap3A_286 = arith.constant 3 : i32
        %swap3A_287 = arith.index_cast %swap3A_286 : i32 to index
        %swap3A_288 = arith.index_cast %scan3A_268 : i32 to index
        %swap3A_289 = arith.constant 16 : index
        %swap3A_290 = tpu.vector_load %arg9[%swap3A_287, %swap3A_288, %swap3A_289] {strides = array<i32>} : memref<5x40x128xf32, #tpu.memory_space<vmem>>, vector<1x1x16xf32>,
        %swap3A_291 = vector.shape_cast %swap3A_290 : vector<1x1x16xf32> to vector<16xf32>
        %swap3A_292 = vector.shape_cast %get3A_285 : vector<16xf32> to vector<1x1x16xf32>
        tpu.vector_store %arg9[%swap3A_287, %swap3A_288, %swap3A_289], %swap3A_292 {add = true, strides = array<i32>} : memref<5x40x128xf32, #tpu.memory_space<vmem>>, vector<1x1x16xf32>,
        %get3A_293 = arith.constant 3 : i32
        %get3A_294 = arith.index_cast %get3A_293 : i32 to index
        %get3A_295 = arith.index_cast %scan3A_268 : i32 to index
        %get3A_296 = arith.constant 32 : index
        %get3A_297 = tpu.vector_load %arg10[%get3A_294, %get3A_295, %get3A_296] {strides = array<i32>} : memref<5x40x128xf32, #tpu.memory_space<vmem>>, vector<1x1x16xf32>,
        %get3A_298 = vector.shape_cast %get3A_297 : vector<1x1x16xf32> to vector<16xf32>
        %swap3A_299 = arith.constant 3 : i32
        %swap3A_300 = arith.index_cast %swap3A_299 : i32 to index
        %swap3A_301 = arith.index_cast %scan3A_268 : i32 to index
        %swap3A_302 = arith.constant 32 : index
        %swap3A_303 = tpu.vector_load %arg9[%swap3A_300, %swap3A_301, %swap3A_302] {strides = array<i32>} : memref<5x40x128xf32, #tpu.memory_space<vmem>>, vector<1x1x16xf32>,
        %swap3A_304 = vector.shape_cast %swap3A_303 : vector<1x1x16xf32> to vector<16xf32>
        %swap3A_305 = vector.shape_cast %get3A_298 : vector<16xf32> to vector<1x1x16xf32>
        tpu.vector_store %arg9[%swap3A_300, %swap3A_301, %swap3A_302], %swap3A_305 {add = true, strides = array<i32>} : memref<5x40x128xf32, #tpu.memory_space<vmem>>, vector<1x1x16xf32>,
        %get3A_306 = arith.constant 3 : i32
        %get3A_307 = arith.index_cast %get3A_306 : i32 to index
        %get3A_308 = arith.index_cast %scan3A_268 : i32 to index
        %get3A_309 = arith.constant 48 : index
        %get3A_310 = tpu.vector_load %arg10[%get3A_307, %get3A_308, %get3A_309] {strides = array<i32>} : memref<5x40x128xf32, #tpu.memory_space<vmem>>, vector<1x1x16xf32>,
        %get3A_311 = vector.shape_cast %get3A_310 : vector<1x1x16xf32> to vector<16xf32>
        %swap3A_312 = arith.constant 3 : i32
        %swap3A_313 = arith.index_cast %swap3A_312 : i32 to index
        %swap3A_314 = arith.index_cast %scan3A_268 : i32 to index
        %swap3A_315 = arith.constant 48 : index
        %swap3A_316 = tpu.vector_load %arg9[%swap3A_313, %swap3A_314, %swap3A_315] {strides = array<i32>} : memref<5x40x128xf32, #tpu.memory_space<vmem>>, vector<1x1x16xf32>,
        %swap3A_317 = vector.shape_cast %swap3A_316 : vector<1x1x16xf32> to vector<16xf32>
        %swap3A_318 = vector.shape_cast %get3A_311 : vector<16xf32> to vector<1x1x16xf32>
        tpu.vector_store %arg9[%swap3A_313, %swap3A_314, %swap3A_315], %swap3A_318 {add = true, strides = array<i32>} : memref<5x40x128xf32, #tpu.memory_space<vmem>>, vector<1x1x16xf32>,
        %get3A_319 = arith.constant 3 : i32
        %get3A_320 = arith.index_cast %get3A_319 : i32 to index
        %get3A_321 = arith.index_cast %scan3A_268 : i32 to index
        %get3A_322 = arith.constant 64 : index
        %get3A_323 = tpu.vector_load %arg10[%get3A_320, %get3A_321, %get3A_322] {strides = array<i32>} : memref<5x40x128xf32, #tpu.memory_space<vmem>>, vector<1x1x16xf32>,
        %get3A_324 = vector.shape_cast %get3A_323 : vector<1x1x16xf32> to vector<16xf32>
        %swap3A_325 = arith.constant 3 : i32
        %swap3A_326 = arith.index_cast %swap3A_325 : i32 to index
        %swap3A_327 = arith.index_cast %scan3A_268 : i32 to index
        %swap3A_328 = arith.constant 64 : index
        %swap3A_329 = tpu.vector_load %arg9[%swap3A_326, %swap3A_327, %swap3A_328] {strides = array<i32>} : memref<5x40x128xf32, #tpu.memory_space<vmem>>, vector<1x1x16xf32>,
        %swap3A_330 = vector.shape_cast %swap3A_329 : vector<1x1x16xf32> to vector<16xf32>
        %swap3A_331 = vector.shape_cast %get3A_324 : vector<16xf32> to vector<1x1x16xf32>
        tpu.vector_store %arg9[%swap3A_326, %swap3A_327, %swap3A_328], %swap3A_331 {add = true, strides = array<i32>} : memref<5x40x128xf32, #tpu.memory_space<vmem>>, vector<1x1x16xf32>,
        %get3A_332 = arith.constant 3 : i32
        %get3A_333 = arith.index_cast %get3A_332 : i32 to index
        %get3A_334 = arith.index_cast %scan3A_268 : i32 to index
        %get3A_335 = arith.constant 80 : index
        %get3A_336 = tpu.vector_load %arg10[%get3A_333, %get3A_334, %get3A_335] {strides = array<i32>} : memref<5x40x128xf32, #tpu.memory_space<vmem>>, vector<1x1x16xf32>,
        %get3A_337 = vector.shape_cast %get3A_336 : vector<1x1x16xf32> to vector<16xf32>
        %swap3A_338 = arith.constant 3 : i32
        %swap3A_339 = arith.index_cast %swap3A_338 : i32 to index
        %swap3A_340 = arith.index_cast %scan3A_268 : i32 to index
        %swap3A_341 = arith.constant 80 : index
        %swap3A_342 = tpu.vector_load %arg9[%swap3A_339, %swap3A_340, %swap3A_341] {strides = array<i32>} : memref<5x40x128xf32, #tpu.memory_space<vmem>>, vector<1x1x16xf32>,
        %swap3A_343 = vector.shape_cast %swap3A_342 : vector<1x1x16xf32> to vector<16xf32>
        %swap3A_344 = vector.shape_cast %get3A_337 : vector<16xf32> to vector<1x1x16xf32>
        tpu.vector_store %arg9[%swap3A_339, %swap3A_340, %swap3A_341], %swap3A_344 {add = true, strides = array<i32>} : memref<5x40x128xf32, #tpu.memory_space<vmem>>, vector<1x1x16xf32>,
        %get3A_345 = arith.constant 3 : i32
        %get3A_346 = arith.index_cast %get3A_345 : i32 to index
        %get3A_347 = arith.index_cast %scan3A_268 : i32 to index
        %get3A_348 = arith.constant 96 : index
        %get3A_349 = tpu.vector_load %arg10[%get3A_346, %get3A_347, %get3A_348] {strides = array<i32>} : memref<5x40x128xf32, #tpu.memory_space<vmem>>, vector<1x1x16xf32>,
        %get3A_350 = vector.shape_cast %get3A_349 : vector<1x1x16xf32> to vector<16xf32>
        %swap3A_351 = arith.constant 3 : i32
        %swap3A_352 = arith.index_cast %swap3A_351 : i32 to index
        %swap3A_353 = arith.index_cast %scan3A_268 : i32 to index
        %swap3A_354 = arith.constant 96 : index
        %swap3A_355 = tpu.vector_load %arg9[%swap3A_352, %swap3A_353, %swap3A_354] {strides = array<i32>} : memref<5x40x128xf32, #tpu.memory_space<vmem>>, vector<1x1x16xf32>,
        %swap3A_356 = vector.shape_cast %swap3A_355 : vector<1x1x16xf32> to vector<16xf32>
        %swap3A_357 = vector.shape_cast %get3A_350 : vector<16xf32> to vector<1x1x16xf32>
        tpu.vector_store %arg9[%swap3A_352, %swap3A_353, %swap3A_354], %swap3A_357 {add = true, strides = array<i32>} : memref<5x40x128xf32, #tpu.memory_space<vmem>>, vector<1x1x16xf32>,
        %get3A_358 = arith.constant 3 : i32
        %get3A_359 = arith.index_cast %get3A_358 : i32 to index
        %get3A_360 = arith.index_cast %scan3A_268 : i32 to index
        %get3A_361 = arith.constant 112 : index
        %get3A_362 = tpu.vector_load %arg10[%get3A_359, %get3A_360, %get3A_361] {strides = array<i32>} : memref<5x40x128xf32, #tpu.memory_space<vmem>>, vector<1x1x16xf32>,
        %get3A_363 = vector.shape_cast %get3A_362 : vector<1x1x16xf32> to vector<16xf32>
        %swap3A_364 = arith.constant 3 : i32
        %swap3A_365 = arith.index_cast %swap3A_364 : i32 to index
        %swap3A_366 = arith.index_cast %scan3A_268 : i32 to index
        %swap3A_367 = arith.constant 112 : index
        %swap3A_368 = tpu.vector_load %arg9[%swap3A_365, %swap3A_366, %swap3A_367] {strides = array<i32>} : memref<5x40x128xf32, #tpu.memory_space<vmem>>, vector<1x1x16xf32>,
        %swap3A_369 = vector.shape_cast %swap3A_368 : vector<1x1x16xf32> to vector<16xf32>
        %swap3A_370 = vector.shape_cast %get3A_363 : vector<16xf32> to vector<1x1x16xf32>
        tpu.vector_store %arg9[%swap3A_365, %swap3A_366, %swap3A_367], %swap3A_370 {add = true, strides = array<i32>} : memref<5x40x128xf32, #tpu.memory_space<vmem>>, vector<1x1x16xf32>,
      }
      %scan3A_231 = arith.constant 40 : i32
      %add3A_232 = arith.constant 3 : i32
      %add3A_233 = arith.addi %mul3A_10, %add3A_232 : i32
      %mul3A_234 = arith.constant 40 : i32
      %mul3A_235 = arith.muli %add3A_233, %mul3A_234 : i32
      %add3A_236 = arith.addi %mul3A_2, %mul3A_235 : i32
      %run_scoped3A_237 = arith.constant 3 : i32
      "tpu.region"() ({
        %run_scoped3A_268 = tpu.sem_alloc : memref<!tpu.dma_semaphore, #tpu.memory_space<semaphore_mem>>
        %dma_start3A_269 = arith.constant 0 : i32
        %dma_start3A_270 = arith.constant 0 : i32
        %dma_start3A_271 = tpu.memref_slice %arg9[%run_scoped3A_237, %dma_start3A_269, %dma_start3A_270] : memref<5x40x128xf32, #tpu.memory_space<vmem>> -> memref<1x40x128xf32, #tpu.memory_space<vmem>>
        %dma_start3A_272 = tpu.memref_squeeze %dma_start3A_271 : memref<1x40x128xf32, #tpu.memory_space<vmem>> -> memref<40x128xf32, #tpu.memory_space<vmem>>
        %dma_start3A_273 = arith.constant 0 : i32
        %dma_start3A_274 = tpu.memref_slice %arg6[%add3A_236, %dma_start3A_273] : memref<320000x128xf32, #tpu.memory_space<hbm>> -> memref<40x128xf32, #tpu.memory_space<hbm>>
        %dma_start3A_275 = arith.constant 0 : i32
        %dma_start3A_276 = tpu.memref_slice %arg6[%add3A_236, %dma_start3A_275] : memref<320000x128xf32, #tpu.memory_space<hbm>> -> memref<40x128xf32, #tpu.memory_space<hbm>>
        %dma_start3A_277 = arith.constant 0 : i32
        %dma_start3A_278 = arith.constant 0 : i32
        %dma_start3A_279 = tpu.memref_slice %arg9[%run_scoped3A_237, %dma_start3A_277, %dma_start3A_278] : memref<5x40x128xf32, #tpu.memory_space<vmem>> -> memref<1x40x128xf32, #tpu.memory_space<vmem>>
        %dma_start3A_280 = tpu.memref_squeeze %dma_start3A_279 : memref<1x40x128xf32, #tpu.memory_space<vmem>> -> memref<40x128xf32, #tpu.memory_space<vmem>>
        tpu.enqueue_dma source(%dma_start3A_280 : memref<40x128xf32, #tpu.memory_space<vmem>>) target(%dma_start3A_276 : memref<40x128xf32, #tpu.memory_space<hbm>>) target_semaphore(%run_scoped3A_268 : memref<!tpu.dma_semaphore, #tpu.memory_space<semaphore_mem>>)
        %dma_wait3A_281 = arith.constant 0 : i32
        %dma_wait3A_282 = arith.constant 0 : i32
        %dma_wait3A_283 = tpu.memref_slice %arg9[%run_scoped3A_237, %dma_wait3A_281, %dma_wait3A_282] : memref<5x40x128xf32, #tpu.memory_space<vmem>> -> memref<1x40x128xf32, #tpu.memory_space<vmem>>
        %dma_wait3A_284 = tpu.memref_squeeze %dma_wait3A_283 : memref<1x40x128xf32, #tpu.memory_space<vmem>> -> memref<40x128xf32, #tpu.memory_space<vmem>>
        %dma_wait3A_285 = arith.constant 0 : i32
        %dma_wait3A_286 = tpu.memref_slice %arg6[%add3A_236, %dma_wait3A_285] : memref<320000x128xf32, #tpu.memory_space<hbm>> -> memref<40x128xf32, #tpu.memory_space<hbm>>
        %dma_wait3A_287 = arith.constant 0 : i32
        %dma_wait3A_288 = tpu.memref_slice %arg6[%add3A_236, %dma_wait3A_287] : memref<320000x128xf32, #tpu.memory_space<hbm>> -> memref<40x128xf32, #tpu.memory_space<hbm>>
        %dma_wait3A_289 = arith.constant 0 : i32
        %dma_wait3A_290 = arith.constant 0 : i32
        %dma_wait3A_291 = tpu.memref_slice %arg9[%run_scoped3A_237, %dma_wait3A_289, %dma_wait3A_290] : memref<5x40x128xf32, #tpu.memory_space<vmem>> -> memref<1x40x128xf32, #tpu.memory_space<vmem>>
        %dma_wait3A_292 = tpu.memref_squeeze %dma_wait3A_291 : memref<1x40x128xf32, #tpu.memory_space<vmem>> -> memref<40x128xf32, #tpu.memory_space<vmem>>
        tpu.wait_dma2 semaphore(%run_scoped3A_268 : memref<!tpu.dma_semaphore, #tpu.memory_space<semaphore_mem>>) src(%dma_wait3A_292 : memref<40x128xf32, #tpu.memory_space<vmem>>) dst(%dma_wait3A_288 : memref<40x128xf32, #tpu.memory_space<hbm>>)
        tpu.yield
      }) : () -> ()
      %dma_wait3A_238 = arith.constant 4 : i32
      %dma_wait3A_239 = arith.constant 0 : i32
      %dma_wait3A_240 = arith.constant 0 : i32
      %dma_wait3A_241 = tpu.memref_slice %arg9[%dma_wait3A_238, %dma_wait3A_239, %dma_wait3A_240] : memref<5x40x128xf32, #tpu.memory_space<vmem>> -> memref<1x40x128xf32, #tpu.memory_space<vmem>>
      %dma_wait3A_242 = tpu.memref_squeeze %dma_wait3A_241 : memref<1x40x128xf32, #tpu.memory_space<vmem>> -> memref<40x128xf32, #tpu.memory_space<vmem>>
      %dma_wait3A_243 = tpu.memref_slice %arg7[%mul3A_101] : memref<10000xi32, #tpu.memory_space<vmem>> -> memref<40xi32, #tpu.memory_space<vmem>>
      %dma_wait3A_244 = arith.constant 0 : i32
      %dma_wait3A_245 = arith.constant 0 : i32
      %dma_wait3A_246 = tpu.memref_slice %arg2[%dma_wait3A_244, %dma_wait3A_245] : memref<10000x128xf32, #tpu.memory_space<hbm>> -> memref<10000x128xf32, #tpu.memory_space<hbm>>
      tpu.wait_indirect_dma semaphore(%arg15 : memref<!tpu.dma_semaphore, #tpu.memory_space<semaphore_mem>>) src(%dma_wait3A_246 : memref<10000x128xf32, #tpu.memory_space<hbm>>) dst(%dma_wait3A_242 : memref<40x128xf32, #tpu.memory_space<vmem>>)
      %dma_wait3A_247 = arith.constant 4 : i32
      %dma_wait3A_248 = arith.constant 0 : i32
      %dma_wait3A_249 = arith.constant 0 : i32
      %dma_wait3A_250 = tpu.memref_slice %arg10[%dma_wait3A_247, %dma_wait3A_248, %dma_wait3A_249] : memref<5x40x128xf32, #tpu.memory_space<vmem>> -> memref<1x40x128xf32, #tpu.memory_space<vmem>>
      %dma_wait3A_251 = tpu.memref_squeeze %dma_wait3A_250 : memref<1x40x128xf32, #tpu.memory_space<vmem>> -> memref<40x128xf32, #tpu.memory_space<vmem>>
      %dma_wait3A_252 = tpu.memref_slice %arg8[%mul3A_101] : memref<10000xi32, #tpu.memory_space<vmem>> -> memref<40xi32, #tpu.memory_space<vmem>>
      %dma_wait3A_253 = arith.constant 0 : i32
      %dma_wait3A_254 = arith.constant 0 : i32
      %dma_wait3A_255 = tpu.memref_slice %arg3[%dma_wait3A_253, %dma_wait3A_254] : memref<10000x128xf32, #tpu.memory_space<hbm>> -> memref<10000x128xf32, #tpu.memory_space<hbm>>
      tpu.wait_indirect_dma semaphore(%arg15 : memref<!tpu.dma_semaphore, #tpu.memory_space<semaphore_mem>>) src(%dma_wait3A_255 : memref<10000x128xf32, #tpu.memory_space<hbm>>) dst(%dma_wait3A_251 : memref<40x128xf32, #tpu.memory_space<vmem>>)
      %scan3A_256 = arith.constant 0 : i32
      %scan3A_257 = arith.constant 0 : i32
      %scan3A_258 = arith.constant 40 : i32
      %scan3A_259 = arith.addi %scan3A_257, %scan3A_258 : i32
      %scan3A_260 = arith.constant 1 : i32
      scf.for %scan3A_268 = %scan3A_257 to %scan3A_259 step %scan3A_260  : i32 {
        %get3A = arith.constant 4 : i32
        %get3A_269 = arith.index_cast %get3A : i32 to index
        %get3A_270 = arith.index_cast %scan3A_268 : i32 to index
        %get3A_271 = arith.constant 0 : index
        %get3A_272 = tpu.vector_load %arg10[%get3A_269, %get3A_270, %get3A_271] {strides = array<i32>} : memref<5x40x128xf32, #tpu.memory_space<vmem>>, vector<1x1x16xf32>,
        %get3A_273 = vector.shape_cast %get3A_272 : vector<1x1x16xf32> to vector<16xf32>
        %swap3A = arith.constant 4 : i32
        %swap3A_274 = arith.index_cast %swap3A : i32 to index
        %swap3A_275 = arith.index_cast %scan3A_268 : i32 to index
        %swap3A_276 = arith.constant 0 : index
        %swap3A_277 = tpu.vector_load %arg9[%swap3A_274, %swap3A_275, %swap3A_276] {strides = array<i32>} : memref<5x40x128xf32, #tpu.memory_space<vmem>>, vector<1x1x16xf32>,
        %swap3A_278 = vector.shape_cast %swap3A_277 : vector<1x1x16xf32> to vector<16xf32>
        %swap3A_279 = vector.shape_cast %get3A_273 : vector<16xf32> to vector<1x1x16xf32>
        tpu.vector_store %arg9[%swap3A_274, %swap3A_275, %swap3A_276], %swap3A_279 {add = true, strides = array<i32>} : memref<5x40x128xf32, #tpu.memory_space<vmem>>, vector<1x1x16xf32>,
        %get3A_280 = arith.constant 4 : i32
        %get3A_281 = arith.index_cast %get3A_280 : i32 to index
        %get3A_282 = arith.index_cast %scan3A_268 : i32 to index
        %get3A_283 = arith.constant 16 : index
        %get3A_284 = tpu.vector_load %arg10[%get3A_281, %get3A_282, %get3A_283] {strides = array<i32>} : memref<5x40x128xf32, #tpu.memory_space<vmem>>, vector<1x1x16xf32>,
        %get3A_285 = vector.shape_cast %get3A_284 : vector<1x1x16xf32> to vector<16xf32>
        %swap3A_286 = arith.constant 4 : i32
        %swap3A_287 = arith.index_cast %swap3A_286 : i32 to index
        %swap3A_288 = arith.index_cast %scan3A_268 : i32 to index
        %swap3A_289 = arith.constant 16 : index
        %swap3A_290 = tpu.vector_load %arg9[%swap3A_287, %swap3A_288, %swap3A_289] {strides = array<i32>} : memref<5x40x128xf32, #tpu.memory_space<vmem>>, vector<1x1x16xf32>,
        %swap3A_291 = vector.shape_cast %swap3A_290 : vector<1x1x16xf32> to vector<16xf32>
        %swap3A_292 = vector.shape_cast %get3A_285 : vector<16xf32> to vector<1x1x16xf32>
        tpu.vector_store %arg9[%swap3A_287, %swap3A_288, %swap3A_289], %swap3A_292 {add = true, strides = array<i32>} : memref<5x40x128xf32, #tpu.memory_space<vmem>>, vector<1x1x16xf32>,
        %get3A_293 = arith.constant 4 : i32
        %get3A_294 = arith.index_cast %get3A_293 : i32 to index
        %get3A_295 = arith.index_cast %scan3A_268 : i32 to index
        %get3A_296 = arith.constant 32 : index
        %get3A_297 = tpu.vector_load %arg10[%get3A_294, %get3A_295, %get3A_296] {strides = array<i32>} : memref<5x40x128xf32, #tpu.memory_space<vmem>>, vector<1x1x16xf32>,
        %get3A_298 = vector.shape_cast %get3A_297 : vector<1x1x16xf32> to vector<16xf32>
        %swap3A_299 = arith.constant 4 : i32
        %swap3A_300 = arith.index_cast %swap3A_299 : i32 to index
        %swap3A_301 = arith.index_cast %scan3A_268 : i32 to index
        %swap3A_302 = arith.constant 32 : index
        %swap3A_303 = tpu.vector_load %arg9[%swap3A_300, %swap3A_301, %swap3A_302] {strides = array<i32>} : memref<5x40x128xf32, #tpu.memory_space<vmem>>, vector<1x1x16xf32>,
        %swap3A_304 = vector.shape_cast %swap3A_303 : vector<1x1x16xf32> to vector<16xf32>
        %swap3A_305 = vector.shape_cast %get3A_298 : vector<16xf32> to vector<1x1x16xf32>
        tpu.vector_store %arg9[%swap3A_300, %swap3A_301, %swap3A_302], %swap3A_305 {add = true, strides = array<i32>} : memref<5x40x128xf32, #tpu.memory_space<vmem>>, vector<1x1x16xf32>,
        %get3A_306 = arith.constant 4 : i32
        %get3A_307 = arith.index_cast %get3A_306 : i32 to index
        %get3A_308 = arith.index_cast %scan3A_268 : i32 to index
        %get3A_309 = arith.constant 48 : index
        %get3A_310 = tpu.vector_load %arg10[%get3A_307, %get3A_308, %get3A_309] {strides = array<i32>} : memref<5x40x128xf32, #tpu.memory_space<vmem>>, vector<1x1x16xf32>,
        %get3A_311 = vector.shape_cast %get3A_310 : vector<1x1x16xf32> to vector<16xf32>
        %swap3A_312 = arith.constant 4 : i32
        %swap3A_313 = arith.index_cast %swap3A_312 : i32 to index
        %swap3A_314 = arith.index_cast %scan3A_268 : i32 to index
        %swap3A_315 = arith.constant 48 : index
        %swap3A_316 = tpu.vector_load %arg9[%swap3A_313, %swap3A_314, %swap3A_315] {strides = array<i32>} : memref<5x40x128xf32, #tpu.memory_space<vmem>>, vector<1x1x16xf32>,
        %swap3A_317 = vector.shape_cast %swap3A_316 : vector<1x1x16xf32> to vector<16xf32>
        %swap3A_318 = vector.shape_cast %get3A_311 : vector<16xf32> to vector<1x1x16xf32>
        tpu.vector_store %arg9[%swap3A_313, %swap3A_314, %swap3A_315], %swap3A_318 {add = true, strides = array<i32>} : memref<5x40x128xf32, #tpu.memory_space<vmem>>, vector<1x1x16xf32>,
        %get3A_319 = arith.constant 4 : i32
        %get3A_320 = arith.index_cast %get3A_319 : i32 to index
        %get3A_321 = arith.index_cast %scan3A_268 : i32 to index
        %get3A_322 = arith.constant 64 : index
        %get3A_323 = tpu.vector_load %arg10[%get3A_320, %get3A_321, %get3A_322] {strides = array<i32>} : memref<5x40x128xf32, #tpu.memory_space<vmem>>, vector<1x1x16xf32>,
        %get3A_324 = vector.shape_cast %get3A_323 : vector<1x1x16xf32> to vector<16xf32>
        %swap3A_325 = arith.constant 4 : i32
        %swap3A_326 = arith.index_cast %swap3A_325 : i32 to index
        %swap3A_327 = arith.index_cast %scan3A_268 : i32 to index
        %swap3A_328 = arith.constant 64 : index
        %swap3A_329 = tpu.vector_load %arg9[%swap3A_326, %swap3A_327, %swap3A_328] {strides = array<i32>} : memref<5x40x128xf32, #tpu.memory_space<vmem>>, vector<1x1x16xf32>,
        %swap3A_330 = vector.shape_cast %swap3A_329 : vector<1x1x16xf32> to vector<16xf32>
        %swap3A_331 = vector.shape_cast %get3A_324 : vector<16xf32> to vector<1x1x16xf32>
        tpu.vector_store %arg9[%swap3A_326, %swap3A_327, %swap3A_328], %swap3A_331 {add = true, strides = array<i32>} : memref<5x40x128xf32, #tpu.memory_space<vmem>>, vector<1x1x16xf32>,
        %get3A_332 = arith.constant 4 : i32
        %get3A_333 = arith.index_cast %get3A_332 : i32 to index
        %get3A_334 = arith.index_cast %scan3A_268 : i32 to index
        %get3A_335 = arith.constant 80 : index
        %get3A_336 = tpu.vector_load %arg10[%get3A_333, %get3A_334, %get3A_335] {strides = array<i32>} : memref<5x40x128xf32, #tpu.memory_space<vmem>>, vector<1x1x16xf32>,
        %get3A_337 = vector.shape_cast %get3A_336 : vector<1x1x16xf32> to vector<16xf32>
        %swap3A_338 = arith.constant 4 : i32
        %swap3A_339 = arith.index_cast %swap3A_338 : i32 to index
        %swap3A_340 = arith.index_cast %scan3A_268 : i32 to index
        %swap3A_341 = arith.constant 80 : index
        %swap3A_342 = tpu.vector_load %arg9[%swap3A_339, %swap3A_340, %swap3A_341] {strides = array<i32>} : memref<5x40x128xf32, #tpu.memory_space<vmem>>, vector<1x1x16xf32>,
        %swap3A_343 = vector.shape_cast %swap3A_342 : vector<1x1x16xf32> to vector<16xf32>
        %swap3A_344 = vector.shape_cast %get3A_337 : vector<16xf32> to vector<1x1x16xf32>
        tpu.vector_store %arg9[%swap3A_339, %swap3A_340, %swap3A_341], %swap3A_344 {add = true, strides = array<i32>} : memref<5x40x128xf32, #tpu.memory_space<vmem>>, vector<1x1x16xf32>,
        %get3A_345 = arith.constant 4 : i32
        %get3A_346 = arith.index_cast %get3A_345 : i32 to index
        %get3A_347 = arith.index_cast %scan3A_268 : i32 to index
        %get3A_348 = arith.constant 96 : index
        %get3A_349 = tpu.vector_load %arg10[%get3A_346, %get3A_347, %get3A_348] {strides = array<i32>} : memref<5x40x128xf32, #tpu.memory_space<vmem>>, vector<1x1x16xf32>,
        %get3A_350 = vector.shape_cast %get3A_349 : vector<1x1x16xf32> to vector<16xf32>
        %swap3A_351 = arith.constant 4 : i32
        %swap3A_352 = arith.index_cast %swap3A_351 : i32 to index
        %swap3A_353 = arith.index_cast %scan3A_268 : i32 to index
        %swap3A_354 = arith.constant 96 : index
        %swap3A_355 = tpu.vector_load %arg9[%swap3A_352, %swap3A_353, %swap3A_354] {strides = array<i32>} : memref<5x40x128xf32, #tpu.memory_space<vmem>>, vector<1x1x16xf32>,
        %swap3A_356 = vector.shape_cast %swap3A_355 : vector<1x1x16xf32> to vector<16xf32>
        %swap3A_357 = vector.shape_cast %get3A_350 : vector<16xf32> to vector<1x1x16xf32>
        tpu.vector_store %arg9[%swap3A_352, %swap3A_353, %swap3A_354], %swap3A_357 {add = true, strides = array<i32>} : memref<5x40x128xf32, #tpu.memory_space<vmem>>, vector<1x1x16xf32>,
        %get3A_358 = arith.constant 4 : i32
        %get3A_359 = arith.index_cast %get3A_358 : i32 to index
        %get3A_360 = arith.index_cast %scan3A_268 : i32 to index
        %get3A_361 = arith.constant 112 : index
        %get3A_362 = tpu.vector_load %arg10[%get3A_359, %get3A_360, %get3A_361] {strides = array<i32>} : memref<5x40x128xf32, #tpu.memory_space<vmem>>, vector<1x1x16xf32>,
        %get3A_363 = vector.shape_cast %get3A_362 : vector<1x1x16xf32> to vector<16xf32>
        %swap3A_364 = arith.constant 4 : i32
        %swap3A_365 = arith.index_cast %swap3A_364 : i32 to index
        %swap3A_366 = arith.index_cast %scan3A_268 : i32 to index
        %swap3A_367 = arith.constant 112 : index
        %swap3A_368 = tpu.vector_load %arg9[%swap3A_365, %swap3A_366, %swap3A_367] {strides = array<i32>} : memref<5x40x128xf32, #tpu.memory_space<vmem>>, vector<1x1x16xf32>,
        %swap3A_369 = vector.shape_cast %swap3A_368 : vector<1x1x16xf32> to vector<16xf32>
        %swap3A_370 = vector.shape_cast %get3A_363 : vector<16xf32> to vector<1x1x16xf32>
        tpu.vector_store %arg9[%swap3A_365, %swap3A_366, %swap3A_367], %swap3A_370 {add = true, strides = array<i32>} : memref<5x40x128xf32, #tpu.memory_space<vmem>>, vector<1x1x16xf32>,
      }
      %scan3A_261 = arith.constant 40 : i32
      %add3A_262 = arith.constant 4 : i32
      %add3A_263 = arith.addi %mul3A_10, %add3A_262 : i32
      %mul3A_264 = arith.constant 40 : i32
      %mul3A_265 = arith.muli %add3A_263, %mul3A_264 : i32
      %add3A_266 = arith.addi %mul3A_2, %mul3A_265 : i32
      %run_scoped3A_267 = arith.constant 4 : i32
      "tpu.region"() ({
        %run_scoped3A_268 = tpu.sem_alloc : memref<!tpu.dma_semaphore, #tpu.memory_space<semaphore_mem>>
        %dma_start3A_269 = arith.constant 0 : i32
        %dma_start3A_270 = arith.constant 0 : i32
        %dma_start3A_271 = tpu.memref_slice %arg9[%run_scoped3A_267, %dma_start3A_269, %dma_start3A_270] : memref<5x40x128xf32, #tpu.memory_space<vmem>> -> memref<1x40x128xf32, #tpu.memory_space<vmem>>
        %dma_start3A_272 = tpu.memref_squeeze %dma_start3A_271 : memref<1x40x128xf32, #tpu.memory_space<vmem>> -> memref<40x128xf32, #tpu.memory_space<vmem>>
        %dma_start3A_273 = arith.constant 0 : i32
        %dma_start3A_274 = tpu.memref_slice %arg6[%add3A_266, %dma_start3A_273] : memref<320000x128xf32, #tpu.memory_space<hbm>> -> memref<40x128xf32, #tpu.memory_space<hbm>>
        %dma_start3A_275 = arith.constant 0 : i32
        %dma_start3A_276 = tpu.memref_slice %arg6[%add3A_266, %dma_start3A_275] : memref<320000x128xf32, #tpu.memory_space<hbm>> -> memref<40x128xf32, #tpu.memory_space<hbm>>
        %dma_start3A_277 = arith.constant 0 : i32
        %dma_start3A_278 = arith.constant 0 : i32
        %dma_start3A_279 = tpu.memref_slice %arg9[%run_scoped3A_267, %dma_start3A_277, %dma_start3A_278] : memref<5x40x128xf32, #tpu.memory_space<vmem>> -> memref<1x40x128xf32, #tpu.memory_space<vmem>>
        %dma_start3A_280 = tpu.memref_squeeze %dma_start3A_279 : memref<1x40x128xf32, #tpu.memory_space<vmem>> -> memref<40x128xf32, #tpu.memory_space<vmem>>
        tpu.enqueue_dma source(%dma_start3A_280 : memref<40x128xf32, #tpu.memory_space<vmem>>) target(%dma_start3A_276 : memref<40x128xf32, #tpu.memory_space<hbm>>) target_semaphore(%run_scoped3A_268 : memref<!tpu.dma_semaphore, #tpu.memory_space<semaphore_mem>>)
        %dma_wait3A_281 = arith.constant 0 : i32
        %dma_wait3A_282 = arith.constant 0 : i32
        %dma_wait3A_283 = tpu.memref_slice %arg9[%run_scoped3A_267, %dma_wait3A_281, %dma_wait3A_282] : memref<5x40x128xf32, #tpu.memory_space<vmem>> -> memref<1x40x128xf32, #tpu.memory_space<vmem>>
        %dma_wait3A_284 = tpu.memref_squeeze %dma_wait3A_283 : memref<1x40x128xf32, #tpu.memory_space<vmem>> -> memref<40x128xf32, #tpu.memory_space<vmem>>
        %dma_wait3A_285 = arith.constant 0 : i32
        %dma_wait3A_286 = tpu.memref_slice %arg6[%add3A_266, %dma_wait3A_285] : memref<320000x128xf32, #tpu.memory_space<hbm>> -> memref<40x128xf32, #tpu.memory_space<hbm>>
        %dma_wait3A_287 = arith.constant 0 : i32
        %dma_wait3A_288 = tpu.memref_slice %arg6[%add3A_266, %dma_wait3A_287] : memref<320000x128xf32, #tpu.memory_space<hbm>> -> memref<40x128xf32, #tpu.memory_space<hbm>>
        %dma_wait3A_289 = arith.constant 0 : i32
        %dma_wait3A_290 = arith.constant 0 : i32
        %dma_wait3A_291 = tpu.memref_slice %arg9[%run_scoped3A_267, %dma_wait3A_289, %dma_wait3A_290] : memref<5x40x128xf32, #tpu.memory_space<vmem>> -> memref<1x40x128xf32, #tpu.memory_space<vmem>>
        %dma_wait3A_292 = tpu.memref_squeeze %dma_wait3A_291 : memref<1x40x128xf32, #tpu.memory_space<vmem>> -> memref<40x128xf32, #tpu.memory_space<vmem>>
        tpu.wait_dma2 semaphore(%run_scoped3A_268 : memref<!tpu.dma_semaphore, #tpu.memory_space<semaphore_mem>>) src(%dma_wait3A_292 : memref<40x128xf32, #tpu.memory_space<vmem>>) dst(%dma_wait3A_288 : memref<40x128xf32, #tpu.memory_space<hbm>>)
        tpu.yield
      }) : () -> ()
    }
    %scan3A_7 = arith.constant 50 : i32
    return
  }
}

module attributes {stable_mosaic.version = 14 : i64} {
  func.func @_edge_body(%arg0: i32, %arg1: memref<1600x128xf32, #tpu.memory_space<vmem>>, %arg2: memref<1600x128xf32, #tpu.memory_space<vmem>>, %arg3: memref<128x128xf32, #tpu.memory_space<vmem>>, %arg4: memref<128x128xf32, #tpu.memory_space<vmem>>, %arg5: memref<1x128xf32, #tpu.memory_space<vmem>>, %arg6: memref<128x128xf32, #tpu.memory_space<vmem>>, %arg7: memref<1x128xf32, #tpu.memory_space<vmem>>, %arg8: memref<1x128xf32, #tpu.memory_space<vmem>>, %arg9: memref<1x128xf32, #tpu.memory_space<vmem>>, %arg10: memref<1600x128xf32, #tpu.memory_space<vmem>>, %arg11: memref<1600x128xf32, #tpu.memory_space<vmem>>) attributes {dimension_semantics = [#tpu.dimension_semantics<arbitrary>], iteration_bounds = array<i64: 200>, scalar_prefetch = 0 : i64, scratch_operands = 0 : i64, tpu.core_type = #tpu.core_type<tc>, window_params = [{transform_indices = @transform_0, window_bounds = array<i64: 1600, 128>}, {transform_indices = @transform_1, window_bounds = array<i64: 1600, 128>}, {pipeline_mode = #tpu.pipeline_mode<synchronous>, transform_indices = @transform_2, window_bounds = array<i64: 128, 128>}, {pipeline_mode = #tpu.pipeline_mode<synchronous>, transform_indices = @transform_3, window_bounds = array<i64: 128, 128>}, {pipeline_mode = #tpu.pipeline_mode<synchronous>, transform_indices = @transform_4, window_bounds = array<i64: 1, 128>}, {pipeline_mode = #tpu.pipeline_mode<synchronous>, transform_indices = @transform_5, window_bounds = array<i64: 128, 128>}, {pipeline_mode = #tpu.pipeline_mode<synchronous>, transform_indices = @transform_6, window_bounds = array<i64: 1, 128>}, {pipeline_mode = #tpu.pipeline_mode<synchronous>, transform_indices = @transform_7, window_bounds = array<i64: 1, 128>}, {pipeline_mode = #tpu.pipeline_mode<synchronous>, transform_indices = @transform_8, window_bounds = array<i64: 1, 128>}, {transform_indices = @transform_9, window_bounds = array<i64: 1600, 128>}, {transform_indices = @transform_10, window_bounds = array<i64: 1600, 128>}]} {
    %get3A = arith.constant 0 : index
    %get3A_0 = arith.constant 0 : index
    %get3A_1 = vector.load %arg2[%get3A, %get3A_0] : memref<1600x128xf32, #tpu.memory_space<vmem>>, vector<1600x128xf32>
    %get3A_2 = arith.constant 0 : index
    %get3A_3 = arith.constant 0 : index
    %get3A_4 = vector.load %arg1[%get3A_2, %get3A_3] : memref<1600x128xf32, #tpu.memory_space<vmem>>, vector<1600x128xf32>
    %get3A_5 = arith.constant 0 : index
    %get3A_6 = arith.constant 0 : index
    %get3A_7 = vector.load %arg3[%get3A_5, %get3A_6] : memref<128x128xf32, #tpu.memory_space<vmem>>, vector<128x128xf32>
    %dot_general3A = arith.constant dense<0.000000e+00> : vector<1600x128xf32>
    %dot_general3A_8 = tpu.matmul %get3A_1, %get3A_7, %dot_general3A {dimension_numbers = #tpu.dot_dimension_numbers<[1], [0], [0], [1], [0, 0, 1, 1], [], []>, transpose_lhs_hint = false} : vector<1600x128xf32>, vector<128x128xf32>, vector<1600x128xf32> -> vector<1600x128xf32>
    %add3A = arith.addf %get3A_4, %dot_general3A_8 : vector<1600x128xf32>
    %max3A = arith.constant 0.000000e+00 : f32
    %max3A_9 = vector.broadcast %max3A : f32 to vector<1600x128xf32>
    %max3A_10 = arith.maximumf %add3A, %max3A_9 : vector<1600x128xf32>
    %get3A_11 = arith.constant 0 : index
    %get3A_12 = arith.constant 0 : index
    %get3A_13 = vector.load %arg4[%get3A_11, %get3A_12] : memref<128x128xf32, #tpu.memory_space<vmem>>, vector<128x128xf32>
    %dot_general3A_14 = arith.constant dense<0.000000e+00> : vector<1600x128xf32>
    %dot_general3A_15 = tpu.matmul %max3A_10, %get3A_13, %dot_general3A_14 {dimension_numbers = #tpu.dot_dimension_numbers<[1], [0], [0], [1], [0, 0, 1, 1], [], []>, transpose_lhs_hint = false} : vector<1600x128xf32>, vector<128x128xf32>, vector<1600x128xf32> -> vector<1600x128xf32>
    %get3A_16 = arith.constant 0 : index
    %get3A_17 = arith.constant 0 : index
    %get3A_18 = vector.load %arg5[%get3A_16, %get3A_17] : memref<1x128xf32, #tpu.memory_space<vmem>>, vector<1x128xf32>
    %add3A_19 = vector.broadcast %get3A_18 : vector<1x128xf32> to vector<1600x128xf32>
    %add3A_20 = arith.addf %dot_general3A_15, %add3A_19 : vector<1600x128xf32>
    %max3A_21 = arith.constant 0.000000e+00 : f32
    %max3A_22 = vector.broadcast %max3A_21 : f32 to vector<1600x128xf32>
    %max3A_23 = arith.maximumf %add3A_20, %max3A_22 : vector<1600x128xf32>
    %get3A_24 = arith.constant 0 : index
    %get3A_25 = arith.constant 0 : index
    %get3A_26 = vector.load %arg6[%get3A_24, %get3A_25] : memref<128x128xf32, #tpu.memory_space<vmem>>, vector<128x128xf32>
    %dot_general3A_27 = arith.constant dense<0.000000e+00> : vector<1600x128xf32>
    %dot_general3A_28 = tpu.matmul %max3A_23, %get3A_26, %dot_general3A_27 {dimension_numbers = #tpu.dot_dimension_numbers<[1], [0], [0], [1], [0, 0, 1, 1], [], []>, transpose_lhs_hint = false} : vector<1600x128xf32>, vector<128x128xf32>, vector<1600x128xf32> -> vector<1600x128xf32>
    %get3A_29 = arith.constant 0 : index
    %get3A_30 = arith.constant 0 : index
    %get3A_31 = vector.load %arg7[%get3A_29, %get3A_30] : memref<1x128xf32, #tpu.memory_space<vmem>>, vector<1x128xf32>
    %add3A_32 = vector.broadcast %get3A_31 : vector<1x128xf32> to vector<1600x128xf32>
    %add3A_33 = arith.addf %dot_general3A_28, %add3A_32 : vector<1600x128xf32>
    %reduce_sum3A = arith.constant dense<0.000000e+00> : vector<1600xf32>
    %reduce_sum3A_34 = vector.multi_reduction <add>, %add3A_33, %reduce_sum3A [1] : vector<1600x128xf32> to vector<1600xf32>
    %broadcast_in_dim3A = vector.shape_cast %reduce_sum3A_34 : vector<1600xf32> to vector<1600x1xf32>
    %div3A = arith.constant 1.280000e+02 : f32
    %div3A_35 = vector.broadcast %div3A : f32 to vector<1600x1xf32>
    %div3A_36 = arith.divf %broadcast_in_dim3A, %div3A_35 : vector<1600x1xf32>
    %sub3A = vector.broadcast %div3A_36 : vector<1600x1xf32> to vector<1600x128xf32>
    %sub3A_37 = arith.subf %add3A_33, %sub3A : vector<1600x128xf32>
    %mul3A = arith.mulf %sub3A_37, %sub3A_37 : vector<1600x128xf32>
    %reduce_sum3A_38 = arith.constant dense<0.000000e+00> : vector<1600xf32>
    %reduce_sum3A_39 = vector.multi_reduction <add>, %mul3A, %reduce_sum3A_38 [1] : vector<1600x128xf32> to vector<1600xf32>
    %broadcast_in_dim3A_40 = vector.shape_cast %reduce_sum3A_39 : vector<1600xf32> to vector<1600x1xf32>
    %div3A_41 = arith.constant 1.280000e+02 : f32
    %div3A_42 = vector.broadcast %div3A_41 : f32 to vector<1600x1xf32>
    %div3A_43 = arith.divf %broadcast_in_dim3A_40, %div3A_42 : vector<1600x1xf32>
    %add3A_44 = arith.constant 9.99999974E-6 : f32
    %add3A_45 = vector.broadcast %add3A_44 : f32 to vector<1600x1xf32>
    %add3A_46 = arith.addf %div3A_43, %add3A_45 : vector<1600x1xf32>
    %rsqrt3A = math.rsqrt %add3A_46 : vector<1600x1xf32>
    %mul3A_47 = vector.broadcast %rsqrt3A : vector<1600x1xf32> to vector<1600x128xf32>
    %mul3A_48 = arith.mulf %sub3A_37, %mul3A_47 : vector<1600x128xf32>
    %get3A_49 = arith.constant 0 : index
    %get3A_50 = arith.constant 0 : index
    %get3A_51 = vector.load %arg8[%get3A_49, %get3A_50] : memref<1x128xf32, #tpu.memory_space<vmem>>, vector<1x128xf32>
    %mul3A_52 = vector.broadcast %get3A_51 : vector<1x128xf32> to vector<1600x128xf32>
    %mul3A_53 = arith.mulf %mul3A_48, %mul3A_52 : vector<1600x128xf32>
    %get3A_54 = arith.constant 0 : index
    %get3A_55 = arith.constant 0 : index
    %get3A_56 = vector.load %arg9[%get3A_54, %get3A_55] : memref<1x128xf32, #tpu.memory_space<vmem>>, vector<1x128xf32>
    %add3A_57 = vector.broadcast %get3A_56 : vector<1x128xf32> to vector<1600x128xf32>
    %add3A_58 = arith.addf %mul3A_53, %add3A_57 : vector<1600x128xf32>
    %swap3A = arith.constant 0 : index
    %swap3A_59 = arith.constant 0 : index
    %swap3A_60 = vector.load %arg11[%swap3A, %swap3A_59] : memref<1600x128xf32, #tpu.memory_space<vmem>>, vector<1600x128xf32>
    tpu.vector_store %arg11[%swap3A, %swap3A_59], %add3A_58 {strides = array<i32>} : memref<1600x128xf32, #tpu.memory_space<vmem>>, vector<1600x128xf32>,
    %add3A_61 = arith.addf %add3A_58, %get3A_1 : vector<1600x128xf32>
    %swap3A_62 = arith.constant 0 : index
    %swap3A_63 = arith.constant 0 : index
    %swap3A_64 = vector.load %arg10[%swap3A_62, %swap3A_63] : memref<1600x128xf32, #tpu.memory_space<vmem>>, vector<1600x128xf32>
    tpu.vector_store %arg10[%swap3A_62, %swap3A_63], %add3A_61 {strides = array<i32>} : memref<1600x128xf32, #tpu.memory_space<vmem>>, vector<1600x128xf32>,
    return
  }
  func.func @transform_0(%arg0: i32) -> (i32, i32) {
    %c0_i32 = arith.constant 0 : i32
    %c0_i32_0 = arith.constant 0 : i32
    return %arg0, %c0_i32 : i32, i32
  }
  func.func @transform_1(%arg0: i32) -> (i32, i32) {
    %c0_i32 = arith.constant 0 : i32
    %c0_i32_0 = arith.constant 0 : i32
    return %arg0, %c0_i32 : i32, i32
  }
  func.func @transform_2(%arg0: i32) -> (i32, i32) {
    %c0_i32 = arith.constant 0 : i32
    %c0_i32_0 = arith.constant 0 : i32
    %c0_i32_1 = arith.constant 0 : i32
    return %c0_i32, %c0_i32_0 : i32, i32
  }
  func.func @transform_3(%arg0: i32) -> (i32, i32) {
    %c0_i32 = arith.constant 0 : i32
    %c0_i32_0 = arith.constant 0 : i32
    %c0_i32_1 = arith.constant 0 : i32
    return %c0_i32, %c0_i32_0 : i32, i32
  }
  func.func @transform_4(%arg0: i32) -> (i32, i32) {
    %c0_i32 = arith.constant 0 : i32
    %c0_i32_0 = arith.constant 0 : i32
    %c0_i32_1 = arith.constant 0 : i32
    return %c0_i32, %c0_i32_0 : i32, i32
  }
  func.func @transform_5(%arg0: i32) -> (i32, i32) {
    %c0_i32 = arith.constant 0 : i32
    %c0_i32_0 = arith.constant 0 : i32
    %c0_i32_1 = arith.constant 0 : i32
    return %c0_i32, %c0_i32_0 : i32, i32
  }
  func.func @transform_6(%arg0: i32) -> (i32, i32) {
    %c0_i32 = arith.constant 0 : i32
    %c0_i32_0 = arith.constant 0 : i32
    %c0_i32_1 = arith.constant 0 : i32
    return %c0_i32, %c0_i32_0 : i32, i32
  }
  func.func @transform_7(%arg0: i32) -> (i32, i32) {
    %c0_i32 = arith.constant 0 : i32
    %c0_i32_0 = arith.constant 0 : i32
    %c0_i32_1 = arith.constant 0 : i32
    return %c0_i32, %c0_i32_0 : i32, i32
  }
  func.func @transform_8(%arg0: i32) -> (i32, i32) {
    %c0_i32 = arith.constant 0 : i32
    %c0_i32_0 = arith.constant 0 : i32
    %c0_i32_1 = arith.constant 0 : i32
    return %c0_i32, %c0_i32_0 : i32, i32
  }
  func.func @transform_9(%arg0: i32) -> (i32, i32) {
    %c0_i32 = arith.constant 0 : i32
    %c0_i32_0 = arith.constant 0 : i32
    return %arg0, %c0_i32 : i32, i32
  }
  func.func @transform_10(%arg0: i32) -> (i32, i32) {
    %c0_i32 = arith.constant 0 : i32
    %c0_i32_0 = arith.constant 0 : i32
    return %arg0, %c0_i32 : i32, i32
  }
}

module attributes {stable_mosaic.version = 14 : i64} {
  func.func @_proj_body(%arg0: i32, %arg1: memref<2000x128xf32, #tpu.memory_space<vmem>>, %arg2: memref<128x128xf32, #tpu.memory_space<vmem>>, %arg3: memref<128x128xf32, #tpu.memory_space<vmem>>, %arg4: memref<1x128xf32, #tpu.memory_space<vmem>>, %arg5: memref<128x128xf32, #tpu.memory_space<vmem>>, %arg6: memref<1x128xf32, #tpu.memory_space<vmem>>, %arg7: memref<2000x128xf32, #tpu.memory_space<vmem>>, %arg8: memref<2000x128xf32, #tpu.memory_space<vmem>>, %arg9: memref<2000x128xf32, #tpu.memory_space<vmem>>) attributes {dimension_semantics = [#tpu.dimension_semantics<arbitrary>], iteration_bounds = array<i64: 5>, scalar_prefetch = 0 : i64, scratch_operands = 0 : i64, tpu.core_type = #tpu.core_type<tc>, window_params = [{transform_indices = @transform_0, window_bounds = array<i64: 2000, 128>}, {pipeline_mode = #tpu.pipeline_mode<synchronous>, transform_indices = @transform_1, window_bounds = array<i64: 128, 128>}, {pipeline_mode = #tpu.pipeline_mode<synchronous>, transform_indices = @transform_2, window_bounds = array<i64: 128, 128>}, {pipeline_mode = #tpu.pipeline_mode<synchronous>, transform_indices = @transform_3, window_bounds = array<i64: 1, 128>}, {pipeline_mode = #tpu.pipeline_mode<synchronous>, transform_indices = @transform_4, window_bounds = array<i64: 128, 128>}, {pipeline_mode = #tpu.pipeline_mode<synchronous>, transform_indices = @transform_5, window_bounds = array<i64: 1, 128>}, {transform_indices = @transform_6, window_bounds = array<i64: 2000, 128>}, {transform_indices = @transform_7, window_bounds = array<i64: 2000, 128>}, {transform_indices = @transform_8, window_bounds = array<i64: 2000, 128>}]} {
    %get3A = arith.constant 0 : index
    %get3A_0 = arith.constant 0 : index
    %get3A_1 = vector.load %arg1[%get3A, %get3A_0] : memref<2000x128xf32, #tpu.memory_space<vmem>>, vector<2000x128xf32>
    %get3A_2 = arith.constant 0 : index
    %get3A_3 = arith.constant 0 : index
    %get3A_4 = vector.load %arg2[%get3A_2, %get3A_3] : memref<128x128xf32, #tpu.memory_space<vmem>>, vector<128x128xf32>
    %dot_general3A = arith.constant dense<0.000000e+00> : vector<2000x128xf32>
    %dot_general3A_5 = tpu.matmul %get3A_1, %get3A_4, %dot_general3A {dimension_numbers = #tpu.dot_dimension_numbers<[1], [0], [0], [1], [0, 0, 1, 1], [], []>, transpose_lhs_hint = false} : vector<2000x128xf32>, vector<128x128xf32>, vector<2000x128xf32> -> vector<2000x128xf32>
    %swap3A = arith.constant 0 : index
    %swap3A_6 = arith.constant 0 : index
    %swap3A_7 = vector.load %arg7[%swap3A, %swap3A_6] : memref<2000x128xf32, #tpu.memory_space<vmem>>, vector<2000x128xf32>
    tpu.vector_store %arg7[%swap3A, %swap3A_6], %dot_general3A_5 {strides = array<i32>} : memref<2000x128xf32, #tpu.memory_space<vmem>>, vector<2000x128xf32>,
    %get3A_8 = arith.constant 0 : index
    %get3A_9 = arith.constant 0 : index
    %get3A_10 = vector.load %arg3[%get3A_8, %get3A_9] : memref<128x128xf32, #tpu.memory_space<vmem>>, vector<128x128xf32>
    %dot_general3A_11 = arith.constant dense<0.000000e+00> : vector<2000x128xf32>
    %dot_general3A_12 = tpu.matmul %get3A_1, %get3A_10, %dot_general3A_11 {dimension_numbers = #tpu.dot_dimension_numbers<[1], [0], [0], [1], [0, 0, 1, 1], [], []>, transpose_lhs_hint = false} : vector<2000x128xf32>, vector<128x128xf32>, vector<2000x128xf32> -> vector<2000x128xf32>
    %get3A_13 = arith.constant 0 : index
    %get3A_14 = arith.constant 0 : index
    %get3A_15 = vector.load %arg4[%get3A_13, %get3A_14] : memref<1x128xf32, #tpu.memory_space<vmem>>, vector<1x128xf32>
    %add3A = vector.broadcast %get3A_15 : vector<1x128xf32> to vector<2000x128xf32>
    %add3A_16 = arith.addf %dot_general3A_12, %add3A : vector<2000x128xf32>
    %swap3A_17 = arith.constant 0 : index
    %swap3A_18 = arith.constant 0 : index
    %swap3A_19 = vector.load %arg8[%swap3A_17, %swap3A_18] : memref<2000x128xf32, #tpu.memory_space<vmem>>, vector<2000x128xf32>
    tpu.vector_store %arg8[%swap3A_17, %swap3A_18], %add3A_16 {strides = array<i32>} : memref<2000x128xf32, #tpu.memory_space<vmem>>, vector<2000x128xf32>,
    %get3A_20 = arith.constant 0 : index
    %get3A_21 = arith.constant 0 : index
    %get3A_22 = vector.load %arg5[%get3A_20, %get3A_21] : memref<128x128xf32, #tpu.memory_space<vmem>>, vector<128x128xf32>
    %dot_general3A_23 = arith.constant dense<0.000000e+00> : vector<2000x128xf32>
    %dot_general3A_24 = tpu.matmul %get3A_1, %get3A_22, %dot_general3A_23 {dimension_numbers = #tpu.dot_dimension_numbers<[1], [0], [0], [1], [0, 0, 1, 1], [], []>, transpose_lhs_hint = false} : vector<2000x128xf32>, vector<128x128xf32>, vector<2000x128xf32> -> vector<2000x128xf32>
    %get3A_25 = arith.constant 0 : index
    %get3A_26 = arith.constant 0 : index
    %get3A_27 = vector.load %arg6[%get3A_25, %get3A_26] : memref<1x128xf32, #tpu.memory_space<vmem>>, vector<1x128xf32>
    %add3A_28 = vector.broadcast %get3A_27 : vector<1x128xf32> to vector<2000x128xf32>
    %add3A_29 = arith.addf %dot_general3A_24, %add3A_28 : vector<2000x128xf32>
    %swap3A_30 = arith.constant 0 : index
    %swap3A_31 = arith.constant 0 : index
    %swap3A_32 = vector.load %arg9[%swap3A_30, %swap3A_31] : memref<2000x128xf32, #tpu.memory_space<vmem>>, vector<2000x128xf32>
    tpu.vector_store %arg9[%swap3A_30, %swap3A_31], %add3A_29 {strides = array<i32>} : memref<2000x128xf32, #tpu.memory_space<vmem>>, vector<2000x128xf32>,
    return
  }
  func.func @transform_0(%arg0: i32) -> (i32, i32) {
    %c0_i32 = arith.constant 0 : i32
    %c0_i32_0 = arith.constant 0 : i32
    return %arg0, %c0_i32 : i32, i32
  }
  func.func @transform_1(%arg0: i32) -> (i32, i32) {
    %c0_i32 = arith.constant 0 : i32
    %c0_i32_0 = arith.constant 0 : i32
    %c0_i32_1 = arith.constant 0 : i32
    return %c0_i32, %c0_i32_0 : i32, i32
  }
  func.func @transform_2(%arg0: i32) -> (i32, i32) {
    %c0_i32 = arith.constant 0 : i32
    %c0_i32_0 = arith.constant 0 : i32
    %c0_i32_1 = arith.constant 0 : i32
    return %c0_i32, %c0_i32_0 : i32, i32
  }
  func.func @transform_3(%arg0: i32) -> (i32, i32) {
    %c0_i32 = arith.constant 0 : i32
    %c0_i32_0 = arith.constant 0 : i32
    %c0_i32_1 = arith.constant 0 : i32
    return %c0_i32, %c0_i32_0 : i32, i32
  }
  func.func @transform_4(%arg0: i32) -> (i32, i32) {
    %c0_i32 = arith.constant 0 : i32
    %c0_i32_0 = arith.constant 0 : i32
    %c0_i32_1 = arith.constant 0 : i32
    return %c0_i32, %c0_i32_0 : i32, i32
  }
  func.func @transform_5(%arg0: i32) -> (i32, i32) {
    %c0_i32 = arith.constant 0 : i32
    %c0_i32_0 = arith.constant 0 : i32
    %c0_i32_1 = arith.constant 0 : i32
    return %c0_i32, %c0_i32_0 : i32, i32
  }
  func.func @transform_6(%arg0: i32) -> (i32, i32) {
    %c0_i32 = arith.constant 0 : i32
    %c0_i32_0 = arith.constant 0 : i32
    return %arg0, %c0_i32 : i32, i32
  }
  func.func @transform_7(%arg0: i32) -> (i32, i32) {
    %c0_i32 = arith.constant 0 : i32
    %c0_i32_0 = arith.constant 0 : i32
    return %arg0, %c0_i32 : i32, i32
  }
  func.func @transform_8(%arg0: i32) -> (i32, i32) {
    %c0_i32 = arith.constant 0 : i32
    %c0_i32_0 = arith.constant 0 : i32
    return %arg0, %c0_i32 : i32, i32
  }
}

module attributes {stable_mosaic.version = 14 : i64} {
  func.func @_node_body(%arg0: i32, %arg1: memref<2000x128xf32, #tpu.memory_space<vmem>>, %arg2: memref<1x2000x128xf32, #tpu.memory_space<vmem>>, %arg3: memref<1x2000x128xf32, #tpu.memory_space<vmem>>, %arg4: memref<2000x128xf32, #tpu.memory_space<vmem>>, %arg5: memref<128x128xf32, #tpu.memory_space<vmem>>, %arg6: memref<128x128xf32, #tpu.memory_space<vmem>>, %arg7: memref<1x128xf32, #tpu.memory_space<vmem>>, %arg8: memref<128x128xf32, #tpu.memory_space<vmem>>, %arg9: memref<1x128xf32, #tpu.memory_space<vmem>>, %arg10: memref<1x128xf32, #tpu.memory_space<vmem>>, %arg11: memref<1x128xf32, #tpu.memory_space<vmem>>, %arg12: memref<2000x128xf32, #tpu.memory_space<vmem>>) attributes {dimension_semantics = [#tpu.dimension_semantics<arbitrary>], iteration_bounds = array<i64: 5>, scalar_prefetch = 0 : i64, scratch_operands = 0 : i64, tpu.core_type = #tpu.core_type<tc>, window_params = [{transform_indices = @transform_0, window_bounds = array<i64: 2000, 128>}, {transform_indices = @transform_1, window_bounds = array<i64: 1, 2000, 128>}, {transform_indices = @transform_2, window_bounds = array<i64: 1, 2000, 128>}, {transform_indices = @transform_3, window_bounds = array<i64: 2000, 128>}, {pipeline_mode = #tpu.pipeline_mode<synchronous>, transform_indices = @transform_4, window_bounds = array<i64: 128, 128>}, {pipeline_mode = #tpu.pipeline_mode<synchronous>, transform_indices = @transform_5, window_bounds = array<i64: 128, 128>}, {pipeline_mode = #tpu.pipeline_mode<synchronous>, transform_indices = @transform_6, window_bounds = array<i64: 1, 128>}, {pipeline_mode = #tpu.pipeline_mode<synchronous>, transform_indices = @transform_7, window_bounds = array<i64: 128, 128>}, {pipeline_mode = #tpu.pipeline_mode<synchronous>, transform_indices = @transform_8, window_bounds = array<i64: 1, 128>}, {pipeline_mode = #tpu.pipeline_mode<synchronous>, transform_indices = @transform_9, window_bounds = array<i64: 1, 128>}, {pipeline_mode = #tpu.pipeline_mode<synchronous>, transform_indices = @transform_10, window_bounds = array<i64: 1, 128>}, {transform_indices = @transform_11, window_bounds = array<i64: 2000, 128>}]} {
    %get3A = arith.constant 0 : index
    %get3A_0 = arith.constant 0 : index
    %get3A_1 = arith.constant 0 : index
    %get3A_2 = vector.load %arg2[%get3A, %get3A_0, %get3A_1] : memref<1x2000x128xf32, #tpu.memory_space<vmem>>, vector<1x2000x128xf32>
    %get3A_3 = vector.shape_cast %get3A_2 : vector<1x2000x128xf32> to vector<2000x128xf32>
    %get3A_4 = arith.constant 0 : index
    %get3A_5 = arith.constant 0 : index
    %get3A_6 = arith.constant 0 : index
    %get3A_7 = vector.load %arg3[%get3A_4, %get3A_5, %get3A_6] : memref<1x2000x128xf32, #tpu.memory_space<vmem>>, vector<1x2000x128xf32>
    %get3A_8 = vector.shape_cast %get3A_7 : vector<1x2000x128xf32> to vector<2000x128xf32>
    %add3A = arith.addf %get3A_3, %get3A_8 : vector<2000x128xf32>
    %get3A_9 = arith.constant 0 : index
    %get3A_10 = arith.constant 0 : index
    %get3A_11 = vector.load %arg1[%get3A_9, %get3A_10] : memref<2000x128xf32, #tpu.memory_space<vmem>>, vector<2000x128xf32>
    %get3A_12 = arith.constant 0 : index
    %get3A_13 = arith.constant 0 : index
    %get3A_14 = vector.load %arg5[%get3A_12, %get3A_13] : memref<128x128xf32, #tpu.memory_space<vmem>>, vector<128x128xf32>
    %dot_general3A = arith.constant dense<0.000000e+00> : vector<2000x128xf32>
    %dot_general3A_15 = tpu.matmul %add3A, %get3A_14, %dot_general3A {dimension_numbers = #tpu.dot_dimension_numbers<[1], [0], [0], [1], [0, 0, 1, 1], [], []>, transpose_lhs_hint = false} : vector<2000x128xf32>, vector<128x128xf32>, vector<2000x128xf32> -> vector<2000x128xf32>
    %add3A_16 = arith.addf %get3A_11, %dot_general3A_15 : vector<2000x128xf32>
    %max3A = arith.constant 0.000000e+00 : f32
    %max3A_17 = vector.broadcast %max3A : f32 to vector<2000x128xf32>
    %max3A_18 = arith.maximumf %add3A_16, %max3A_17 : vector<2000x128xf32>
    %get3A_19 = arith.constant 0 : index
    %get3A_20 = arith.constant 0 : index
    %get3A_21 = vector.load %arg6[%get3A_19, %get3A_20] : memref<128x128xf32, #tpu.memory_space<vmem>>, vector<128x128xf32>
    %dot_general3A_22 = arith.constant dense<0.000000e+00> : vector<2000x128xf32>
    %dot_general3A_23 = tpu.matmul %max3A_18, %get3A_21, %dot_general3A_22 {dimension_numbers = #tpu.dot_dimension_numbers<[1], [0], [0], [1], [0, 0, 1, 1], [], []>, transpose_lhs_hint = false} : vector<2000x128xf32>, vector<128x128xf32>, vector<2000x128xf32> -> vector<2000x128xf32>
    %get3A_24 = arith.constant 0 : index
    %get3A_25 = arith.constant 0 : index
    %get3A_26 = vector.load %arg7[%get3A_24, %get3A_25] : memref<1x128xf32, #tpu.memory_space<vmem>>, vector<1x128xf32>
    %add3A_27 = vector.broadcast %get3A_26 : vector<1x128xf32> to vector<2000x128xf32>
    %add3A_28 = arith.addf %dot_general3A_23, %add3A_27 : vector<2000x128xf32>
    %max3A_29 = arith.constant 0.000000e+00 : f32
    %max3A_30 = vector.broadcast %max3A_29 : f32 to vector<2000x128xf32>
    %max3A_31 = arith.maximumf %add3A_28, %max3A_30 : vector<2000x128xf32>
    %get3A_32 = arith.constant 0 : index
    %get3A_33 = arith.constant 0 : index
    %get3A_34 = vector.load %arg8[%get3A_32, %get3A_33] : memref<128x128xf32, #tpu.memory_space<vmem>>, vector<128x128xf32>
    %dot_general3A_35 = arith.constant dense<0.000000e+00> : vector<2000x128xf32>
    %dot_general3A_36 = tpu.matmul %max3A_31, %get3A_34, %dot_general3A_35 {dimension_numbers = #tpu.dot_dimension_numbers<[1], [0], [0], [1], [0, 0, 1, 1], [], []>, transpose_lhs_hint = false} : vector<2000x128xf32>, vector<128x128xf32>, vector<2000x128xf32> -> vector<2000x128xf32>
    %get3A_37 = arith.constant 0 : index
    %get3A_38 = arith.constant 0 : index
    %get3A_39 = vector.load %arg9[%get3A_37, %get3A_38] : memref<1x128xf32, #tpu.memory_space<vmem>>, vector<1x128xf32>
    %add3A_40 = vector.broadcast %get3A_39 : vector<1x128xf32> to vector<2000x128xf32>
    %add3A_41 = arith.addf %dot_general3A_36, %add3A_40 : vector<2000x128xf32>
    %reduce_sum3A = arith.constant dense<0.000000e+00> : vector<2000xf32>
    %reduce_sum3A_42 = vector.multi_reduction <add>, %add3A_41, %reduce_sum3A [1] : vector<2000x128xf32> to vector<2000xf32>
    %broadcast_in_dim3A = vector.shape_cast %reduce_sum3A_42 : vector<2000xf32> to vector<2000x1xf32>
    %div3A = arith.constant 1.280000e+02 : f32
    %div3A_43 = vector.broadcast %div3A : f32 to vector<2000x1xf32>
    %div3A_44 = arith.divf %broadcast_in_dim3A, %div3A_43 : vector<2000x1xf32>
    %sub3A = vector.broadcast %div3A_44 : vector<2000x1xf32> to vector<2000x128xf32>
    %sub3A_45 = arith.subf %add3A_41, %sub3A : vector<2000x128xf32>
    %mul3A = arith.mulf %sub3A_45, %sub3A_45 : vector<2000x128xf32>
    %reduce_sum3A_46 = arith.constant dense<0.000000e+00> : vector<2000xf32>
    %reduce_sum3A_47 = vector.multi_reduction <add>, %mul3A, %reduce_sum3A_46 [1] : vector<2000x128xf32> to vector<2000xf32>
    %broadcast_in_dim3A_48 = vector.shape_cast %reduce_sum3A_47 : vector<2000xf32> to vector<2000x1xf32>
    %div3A_49 = arith.constant 1.280000e+02 : f32
    %div3A_50 = vector.broadcast %div3A_49 : f32 to vector<2000x1xf32>
    %div3A_51 = arith.divf %broadcast_in_dim3A_48, %div3A_50 : vector<2000x1xf32>
    %add3A_52 = arith.constant 9.99999974E-6 : f32
    %add3A_53 = vector.broadcast %add3A_52 : f32 to vector<2000x1xf32>
    %add3A_54 = arith.addf %div3A_51, %add3A_53 : vector<2000x1xf32>
    %rsqrt3A = math.rsqrt %add3A_54 : vector<2000x1xf32>
    %mul3A_55 = vector.broadcast %rsqrt3A : vector<2000x1xf32> to vector<2000x128xf32>
    %mul3A_56 = arith.mulf %sub3A_45, %mul3A_55 : vector<2000x128xf32>
    %get3A_57 = arith.constant 0 : index
    %get3A_58 = arith.constant 0 : index
    %get3A_59 = vector.load %arg10[%get3A_57, %get3A_58] : memref<1x128xf32, #tpu.memory_space<vmem>>, vector<1x128xf32>
    %mul3A_60 = vector.broadcast %get3A_59 : vector<1x128xf32> to vector<2000x128xf32>
    %mul3A_61 = arith.mulf %mul3A_56, %mul3A_60 : vector<2000x128xf32>
    %get3A_62 = arith.constant 0 : index
    %get3A_63 = arith.constant 0 : index
    %get3A_64 = vector.load %arg11[%get3A_62, %get3A_63] : memref<1x128xf32, #tpu.memory_space<vmem>>, vector<1x128xf32>
    %add3A_65 = vector.broadcast %get3A_64 : vector<1x128xf32> to vector<2000x128xf32>
    %add3A_66 = arith.addf %mul3A_61, %add3A_65 : vector<2000x128xf32>
    %get3A_67 = arith.constant 0 : index
    %get3A_68 = arith.constant 0 : index
    %get3A_69 = vector.load %arg4[%get3A_67, %get3A_68] : memref<2000x128xf32, #tpu.memory_space<vmem>>, vector<2000x128xf32>
    %add3A_70 = arith.addf %add3A_66, %get3A_69 : vector<2000x128xf32>
    %swap3A = arith.constant 0 : index
    %swap3A_71 = arith.constant 0 : index
    %swap3A_72 = vector.load %arg12[%swap3A, %swap3A_71] : memref<2000x128xf32, #tpu.memory_space<vmem>>, vector<2000x128xf32>
    tpu.vector_store %arg12[%swap3A, %swap3A_71], %add3A_70 {strides = array<i32>} : memref<2000x128xf32, #tpu.memory_space<vmem>>, vector<2000x128xf32>,
    return
  }
  func.func @transform_0(%arg0: i32) -> (i32, i32) {
    %c0_i32 = arith.constant 0 : i32
    %c0_i32_0 = arith.constant 0 : i32
    return %arg0, %c0_i32 : i32, i32
  }
  func.func @transform_1(%arg0: i32) -> (i32, i32, i32) {
    %c0_i32 = arith.constant 0 : i32
    %c0_i32_0 = arith.constant 0 : i32
    %c0_i32_1 = arith.constant 0 : i32
    return %c0_i32, %arg0, %c0_i32_0 : i32, i32, i32
  }
  func.func @transform_2(%arg0: i32) -> (i32, i32, i32) {
    %c0_i32 = arith.constant 0 : i32
    %c0_i32_0 = arith.constant 0 : i32
    %c0_i32_1 = arith.constant 0 : i32
    return %c0_i32, %arg0, %c0_i32_0 : i32, i32, i32
  }
  func.func @transform_3(%arg0: i32) -> (i32, i32) {
    %c0_i32 = arith.constant 0 : i32
    %c0_i32_0 = arith.constant 0 : i32
    return %arg0, %c0_i32 : i32, i32
  }
  func.func @transform_4(%arg0: i32) -> (i32, i32) {
    %c0_i32 = arith.constant 0 : i32
    %c0_i32_0 = arith.constant 0 : i32
    %c0_i32_1 = arith.constant 0 : i32
    return %c0_i32, %c0_i32_0 : i32, i32
  }
  func.func @transform_5(%arg0: i32) -> (i32, i32) {
    %c0_i32 = arith.constant 0 : i32
    %c0_i32_0 = arith.constant 0 : i32
    %c0_i32_1 = arith.constant 0 : i32
    return %c0_i32, %c0_i32_0 : i32, i32
  }
  func.func @transform_6(%arg0: i32) -> (i32, i32) {
    %c0_i32 = arith.constant 0 : i32
    %c0_i32_0 = arith.constant 0 : i32
    %c0_i32_1 = arith.constant 0 : i32
    return %c0_i32, %c0_i32_0 : i32, i32
  }
  func.func @transform_7(%arg0: i32) -> (i32, i32) {
    %c0_i32 = arith.constant 0 : i32
    %c0_i32_0 = arith.constant 0 : i32
    %c0_i32_1 = arith.constant 0 : i32
    return %c0_i32, %c0_i32_0 : i32, i32
  }
  func.func @transform_8(%arg0: i32) -> (i32, i32) {
    %c0_i32 = arith.constant 0 : i32
    %c0_i32_0 = arith.constant 0 : i32
    %c0_i32_1 = arith.constant 0 : i32
    return %c0_i32, %c0_i32_0 : i32, i32
  }
  func.func @transform_9(%arg0: i32) -> (i32, i32) {
    %c0_i32 = arith.constant 0 : i32
    %c0_i32_0 = arith.constant 0 : i32
    %c0_i32_1 = arith.constant 0 : i32
    return %c0_i32, %c0_i32_0 : i32, i32
  }
  func.func @transform_10(%arg0: i32) -> (i32, i32) {
    %c0_i32 = arith.constant 0 : i32
    %c0_i32_0 = arith.constant 0 : i32
    %c0_i32_1 = arith.constant 0 : i32
    return %c0_i32, %c0_i32_0 : i32, i32
  }
  func.func @transform_11(%arg0: i32) -> (i32, i32) {
    %c0_i32 = arith.constant 0 : i32
    %c0_i32_0 = arith.constant 0 : i32
    return %arg0, %c0_i32 : i32, i32
  }
}

</mosaic_0001>

<sc_bundles>
// kernel: kernel.10.cloned.1.call-start
scs
__scs_entry_jumppad:
0x0: {  	(pc) =	sbr.rel $0x88, $3  }
0x1: {  	(tag) =	ssettag $0x0;
	lr =	simm.s32 $0x1  }
0x2: {  	[smem:$0x3F8D] =	sst lr;
	_ =	strace $0xD0000000  }
0x3: {  	_ = 	snop  }
0x4: {  	_ = 	snop  }
0x5: {  	_ = 	snop  }
0x6: {  	_ = 	snop  }
0x7: {  	_ = 	snop  }
__scs_overlays_trampoline_lowered:
0x8: {  	[smem:$0x3F9C] =	sst s0  }
0x9: {  	[smem:$0x3F9D] =	sst s1  }
0xa: {  	[smem:$0x3F9E] =	sst s2  }
0xb: {  	[smem:$0x3F9F] =	sst s3  }
0xc: {  	[smem:$0x3FA0] =	sst s4  }
0xd: {  	[smem:$0x3FA1] =	sst s5  }
0xe: {  	[smem:$0x3FA2] =	sst s6  }
0xf: {  	[smem:$0x3FA3] =	sst s7  }
0x10: {  	[smem:$0x3FA4] =	sst s8  }
0x11: {  	[smem:$0x3FA5] =	sst s9;
	s0 =	simm.s32 @!p0 $0x0  }
0x12: {  	s1 =	sld [smem:$0x3F8B];
	s0 =	simm.s32 @p0 $0x1  }
0x13: {  	[smem:$0x3FA6] =	sst s0;
	s0 =	simm.s32 @!p1 $0x0  }
0x14: {  	s2 =	sld [smem:$0x3F8A];
	s0 =	simm.s32 @p1 $0x1  }
0x15: {  	[smem:$0x3FA7] =	sst s0;
	s0 =	simm.s32 @!p2 $0x0  }
0x16: {  	s3 =	sld [smem:$0x3FDB];
	s0 =	simm.s32 @p2 $0x1  }
0x17: {  	s4 =	simm.s32 $0x1BF5;
	[smem:$0x3FA9] =	sst s0  }
0x18: {  	s0 =	sld [smem:$0x3F8C];
	_ =	swait.ge [sflag:s4], $0x0  }
0x19: {  	s7 =	sld [smem:$0x3F8D]  }
0x1a: {  	s8 =	sadd.s32 $0xFFFFE003, lr  }
0x1b: {  	s9 =	sadd.s32 $0xFFFFFEF7, lr;
	s5 =	simm.s32 $0xFFFFFFFF;
	p2 =	slt.u32 s8, $0xFFFFF086  }
0x1c: {  	p1 =	slt.u32 s9, $0xF7A;
	s5 =	simm.s32 @!p2 $0x0  }
0x1d: {  	s5 =	simm.s32 @p1 $0x1;
	p0 =	seq.s32 s7, s2  }
0x1e: {  	s7 =	smul.u32 @!p0 $0xF7A, s2;
	p2 =	seq.s32 @!p0 s5, $0x0  }
0x1f: {  	s9 =	smul.u32 $0xF7A, s1;
	s8 =	simm.s32 @!p0 $0x1BF5;
	p2 =	por !p2, p0  }
0x20: {  	[sflag:s8] =	ssyncset.s32 @!p0 $0xFFFFF086;
	s6 =	sadd.s32 @!p0 s3, s7;
	s7 =	simm.s32 @!p0 $0x108  }
0x21: {  	s3 =	sadd.s32 s3, s9;
	s6 =	sadd.s32 @!p0 $0x88, s6;
	s7 =	simm.s32 @p2 $0x1082  }
0x22: {  	[simem:s7], [sflag:s8] =	dma.local @!p0 [hbm:s6], $0xF7A  }
0x23: {  	s9 =	sor.u32 $0xD0000000, s2;
	s6 =	simm.s32 $0x108;
	_ =	swait.ge @!p0 [sflag:s8], $0x0  }
0x24: {  	s3 =	sadd.s32 $0x88, s3;
	s6 =	simm.s32 @!p1 $0x1082;
	[sflag:s4] =	ssyncset.s32 $0xFFFFF086  }
0x25: {  	[simem:s6], [sflag:s4] =	dma.local [hbm:s3], $0xF7A  }
0x26: {  	[smem:$0x3F8D] =	sst s1;
	(tag) =	ssettag s2;
	_ =	strace s9  }
0x27: {  	s1 =	sld [smem:$0x3F9D]  }
0x28: {  	s2 =	sld [smem:$0x3F9E]  }
0x29: {  	s4 =	sld [smem:$0x3FA0]  }
0x2a: {  	p0 =	seq.s32 s5, $0x0;
	s5 =	sld [smem:$0x3FA1]  }
0x2b: {  	s6 =	sld [smem:$0x3FA2]  }
0x2c: {  	s7 =	sld [smem:$0x3FA3]  }
0x2d: {  	s3 =	simm.s32 $0x108;
	s8 =	sld [smem:$0x3FA4]  }
0x2e: {  	s3 =	simm.s32 @!p0 $0x1082;
	s9 =	sld [smem:$0x3FA5]  }
0x2f: {  	lr =	sadd.s32 s0, s3;
	s0 =	sld [smem:$0x3F9C]  }
0x30: {  	s3 =	sld [smem:$0x3F9F]  }
0x31: {  	[smem:$0x3FA8] =	sst s10  }
0x32: {  	s10 =	sld [smem:$0x3FA6];
	_ =	sdelay $0x3  }
0x33: {  	p0 =	seq.s32 s10, $0x1;
	s10 =	sld [smem:$0x3FA8];
	_ =	sdelay $0x3  }
0x34: {  	[smem:$0x3FA8] =	sst s10  }
0x35: {  	s10 =	sld [smem:$0x3FA7];
	_ =	sdelay $0x3  }
0x36: {  	p1 =	seq.s32 s10, $0x1;
	s10 =	sld [smem:$0x3FA8];
	_ =	sdelay $0x3  }
0x37: {  	[smem:$0x3FA8] =	sst s10  }
0x38: {  	s10 =	sld [smem:$0x3FA9]  }
0x39: {  	_ = 	snop;
	(pc) =	sbr.ind lr, $3  }
0x3a: {  	_ = 	snop  }
0x3b: {  	_ = 	snop  }
0x3c: {  	p2 =	seq.s32 s10, $0x1;
	s10 =	sld [smem:$0x3FA8]  }
0x3d: {  	_ =	shalt  }
0x3e: {  	_ =	shalt  }
0x3f: {  	_ =	shalt  }
0x40: {  	_ =	shalt  }
0x41: {  	_ =	shalt  }
0x42: {  	_ =	shalt  }
0x43: {  	_ =	shalt  }
0x44: {  	_ =	shalt  }
0x45: {  	_ =	shalt  }
0x46: {  	_ =	shalt  }
0x47: {  	_ =	shalt  }
0x48: {  	_ =	shalt  }
0x49: {  	_ =	shalt  }
0x4a: {  	_ =	shalt  }
0x4b: {  	_ =	shalt  }
0x4c: {  	_ =	shalt  }
0x4d: {  	_ =	shalt  }
0x4e: {  	_ =	shalt  }
0x4f: {  	_ =	shalt  }
0x50: {  	_ =	shalt  }
0x51: {  	_ =	shalt  }
0x52: {  	_ =	shalt  }
0x53: {  	_ =	shalt  }
0x54: {  	_ =	shalt  }
0x55: {  	_ =	shalt  }
0x56: {  	_ =	shalt  }
0x57: {  	_ =	shalt  }
0x58: {  	_ =	shalt  }
0x59: {  	_ =	shalt  }
0x5a: {  	_ =	shalt  }
0x5b: {  	_ =	shalt  }
0x5c: {  	_ =	shalt  }
0x5d: {  	_ =	shalt  }
0x5e: {  	_ =	shalt  }
0x5f: {  	_ =	shalt  }
0x60: {  	_ =	shalt  }
0x61: {  	_ =	shalt  }
0x62: {  	_ =	shalt  }
0x63: {  	_ =	shalt  }
0x64: {  	_ =	shalt  }
0x65: {  	_ =	shalt  }
0x66: {  	_ =	shalt  }
0x67: {  	_ =	shalt  }
0x68: {  	_ =	shalt  }
0x69: {  	_ =	shalt  }
0x6a: {  	_ =	shalt  }
0x6b: {  	_ =	shalt  }
0x6c: {  	_ =	shalt  }
0x6d: {  	_ =	shalt  }
0x6e: {  	_ =	shalt  }
0x6f: {  	_ =	shalt  }
0x70: {  	_ =	shalt  }
0x71: {  	_ =	shalt  }
0x72: {  	_ =	shalt  }
0x73: {  	_ =	shalt  }
0x74: {  	_ =	shalt  }
0x75: {  	_ =	shalt  }
0x76: {  	_ =	shalt  }
0x77: {  	_ =	shalt  }
0x78: {  	_ =	shalt  }
0x79: {  	_ =	shalt  }
0x7a: {  	_ =	shalt  }
0x7b: {  	_ =	shalt  }
0x7c: {  	_ =	shalt  }
0x7d: {  	_ =	shalt  }
0x7e: {  	_ =	shalt  }
0x7f: {  	_ =	shalt  }
0x80: {  	_ =	shalt  }
0x81: {  	_ =	shalt  }
0x82: {  	_ =	shalt  }
0x83: {  	_ =	shalt  }
0x84: {  	_ =	shalt  }
0x85: {  	_ =	shalt  }
0x86: {  	_ =	shalt  }
0x87: {  	_ =	shalt  }
.Lfunc_end0:
.L_simem_size_0:
called_computation.1_lowered:
.L_overlay_start_0:
0x88: {  	s2 =	sld [smem:$0x3FD9]  }
0x89: {  	s3 =	sld [smem:$0x3FFE];
	_ =	sdelay $0x1  }
0x8a: {  	s1 =	srdreg.scid  }
0x8b: {  	s0 =	sand.u32 $0x1, s1  }
0x8c: {  	s16 =	sshll.u32 s0, $0xA;
	s2 =	sadd.s32 s3, s2  }
0x8d: {  	s2 =	sadd.s32 s2, s16  }
0x8e: {  	[smem:$0x3FB4] =	sst s2  }
0x8f: {  	_ = 	snop  }
0x90: {  	(tm) =	ssettm $0x1  }
0x91: {  	s17 =	sld [smem:$0x3FFB];
	_ =	sdelay $0x3  }
0x92: {  	_ =	strace s17  }
0x93: {  	s2 =	sld [smem:$0x3FFC];
	_ =	sdelay $0x3  }
0x94: {  	_ =	strace s2  }
0x95: {  	s2 =	sld [smem:$0x3FFD];
	_ =	sdelay $0x3  }
0x96: {  	_ =	strace s2  }
0x97: {  	_ =	strace $0x8FFFFFFF  }
0x98: {  	s18 =	sld [smem:$0x3FDB];
	_ =	sdelay $0x1  }
0x99: {  	s19 =	simm.s32 $_scs_section_size  }
0x9a: {  	s4 =	simm.s32 $_size__tile_overlayer_lowered;
	s5 =	simm.s32 $_tile_overlayer_lowered  }
0x9b: {  	s22 =	simm.s32 $0x1BFF;
	s21 =	sshll.u32 s5, $0x1;
	s2 =	sadd.s32 s19, s18  }
0x9c: {  	s6 =	simm.s32 $0x0;
	s20 =	sshll.u32 s4, $0x1;
	s4 =	sadd.s32 s21, s2  }
0x9d: {  	[timem:s6], [sflag:s22] =	dma.local [hbm:s4], s20  }
0x9e: {  	_ =	swait.ge [sflag:s22], s20  }
0x9f: {  	s3 =	ssub.s32 $0x0, s20;
	[sflag:s22] =	ssyncset.done $0x0  }
0xa0: {  	[sflag:s22] =	ssyncadd.s32 s3;
	_ =	sdelay $0x1  }
0xa1: {  	s23 =	simm.s32 $0x1B8B  }
0xa2: {  	_ =	swait.ge [sflag:s23], $0x1  }
0xa3: {  	[sflag:s23] =	ssyncset.done $0x0  }
0xa4: {  	s25 =	simm.s32 $0x1B8E;
	s24 =	sld [smem:$0x3FFE];
	[sflag:s23] =	ssyncadd.s32 $0xFFFFFFFF  }
0xa5: {  	s26 =	simm.s32 $execute0_lowered;
	[smem:$0x3FD2] =	sst s25  }
0xa6: {  	s4 =	sshll.u32 s26, $0x1;
	_ =	strace $0x80000049;
	[dreg:$0x1] =	wrdreg $0xFFFFFFFF  }
0xa7: {  	s28 =	simm.s32 $_size_execute0_lowered;
	s2 =	sadd.s32 s2, s4;
	[dreg:$0x0] =	wrdreg $0x0  }
0xa8: {  	s4 =	sshll.u32 s28, $0x1;
	[dreg:$0x2] =	wrdreg s2  }
0xa9: {  	[dreg:$0x3] =	wrdreg s4  }
0xaa: {  	[dreg:$0x4] =	wrdreg $0xC0  }
0xab: {  	_ =	task [dreg:s6], $0x5FFFF  }
0xac: {  	[dreg:$0x1] =	wrdreg $0xFFFFFFFF  }
0xad: {  	[dreg:$0x0] =	wrdreg $0x60  }
0xae: {  	[dreg:$0x2] =	wrdreg s24  }
0xaf: {  	[dreg:$0x3] =	wrdreg $0x9F800  }
0xb0: {  	[dreg:$0x4] =	wrdreg $0x9  }
0xb1: {  	_ =	task.clear_ibuf [dreg:s6], $0x5FFFF;
	_ =	strace $0x90000049  }
0xb2: {  	s29 =	simm.s32 $0x9;
	_ =	strace $0x8000004B  }
0xb3: {  	_ =	swait.ge [sflag:s29], $0x1  }
0xb4: {  	[sflag:s29] =	ssyncadd.s32 $0xFFFFFFFF  }
0xb5: {  	_ =	strace $0x9000004B  }
0xb6: {  	_ =	sfence  }
0xb7: {  	s30 =	sld [smem:$0x0];
	_ =	sdelay $0x2  }
0xb8: {  	s31 =	sshll.u32 s1, $0xD;
	s1 =	sshrl.u32 s1, $0x2  }
0xb9: {  	s3 =	sand.u32 $0x4000, s31;
	s1 =	sadd.s32 s1, s30  }
0xba: {  	s0 =	sor.u32 s3, s0;
	s1 =	sshll.u32 s1, $0x11  }
0xbb: {  	s0 =	sor.u32 s1, s0  }
0xbc: {  	s0 =	sadd.s32 $0x8F2B, s0  }
0xbd: {  	[sflag:s0] =	ssyncadd.remote.s32 $0x1  }
0xbe: {  	_ =	sfence.sel $0xFFFF  }
0xbf: {  	[dreg:$0x0] =	wrdreg $0xFFFFFFFF;
	(pc) =	sbr.abs _section_cstart, $3  }
0xc0: {  	[dreg:$0x1] =	wrdreg $0xFFFFFFFF  }
0xc1: {  	_ =	task.clear_ibuf [dreg:s6], $0x2FFFF;
	_ =	strace $0x9FFFFFFF  }
0xc2: {  	(tm) =	ssettm $0x7FFFFFFF  }
0xc3: {  	_ =	shalt  }
tec
execute0_lowered:
.L_overlay_start_1:
0x0: {  	(tag) =	ssettag $0x1  }
0x1: {  	s0 =	srdreg.scid;
	s11 =	stileid.u32  }
0x2: {  	s0 =	sand.u32 $0x1, s0;
	s1 =	sshll.u32 s11, $0x1;
	s7 =	smul.u32 $0x1F400, s11  }
0x3: {  	s4 =	rddreg [dreg:$0x0];
	s1 =	sor.u32 s0, s1;
	s6 =	smul.u32 $0x138800, s0  }
0x4: {  	s2 =	rddreg [dreg:$0x1];
	s3 =	simm.s32 $0x0;
	s5 =	smul.u32 $0x2710, s1  }
0x5: {  	[smem:$0x7FF] =	sst s3;
	s8 =	smul.u32 $0x7D000, s11  }
0x6: {  	s9 =	sadd.s32 $0x521400, s4;
	s6 =	sadd.s32 s7, s6;
	s5 =	sshrl.u32 s5, $0x3  }
0x7: {  	s8 =	sshrl.u32 s8, $0x2;
	s6 =	sshrl.u32 s6, $0x3;
	s5 =	sadd.s32 s5, s4  }
0x8: {  	s6 =	sadd.s32 s6, s4;
	s4 =	sadd.s32 s8, s2;
	s5 =	sadd.s32 $0x3600, s5  }
0x9: {  	_ =	strace $0x8000004A;
	s15 =	sadd.s32 $0x1400, s4;
	[dreg:$0x4] =	wrdreg s5  }
0xa: {  	s16 =	sadd.s32 $0x2800, s4;
	[dreg:$0x5] =	wrdreg s15  }
0xb: {  	s28 =	simm.s32 $0x7F80;
	s17 =	sadd.s32 $0x3C00, s4;
	[dreg:$0x6] =	wrdreg s16  }
0xc: {  	s29 =	simm.s32 $0x8780;
	s18 =	sadd.s32 $0x5000, s4;
	[dreg:$0x7] =	wrdreg s17  }
0xd: {  	s30 =	simm.s32 $0x9780;
	s19 =	sadd.s32 $0x6400, s4;
	[dreg:$0x8] =	wrdreg s18  }
0xe: {  	s31 =	simm.s32 $0x4;
	s20 =	sadd.s32 $0x7800, s4;
	[dreg:$0x9] =	wrdreg s19  }
0xf: {  	s26 =	smul.u32 $0x4E200, s11;
	s21 =	sadd.s32 $0x8C00, s4;
	[dreg:$0xa] =	wrdreg s20  }
0x10: {  	p0 =	sgt.u32 s11, $0x9;
	s22 =	sadd.s32 $0xA000, s4;
	[dreg:$0xb] =	wrdreg s21  }
0x11: {  	s11 =	simm.s32 $0x7780;
	s23 =	sadd.s32 $0xB400, s4;
	[dreg:$0xc] =	wrdreg s22  }
0x12: {  	s14 =	ssub.s32 $0x2, s0;
	s24 =	sadd.s32 $0xC800, s4;
	[dreg:$0xd] =	wrdreg s23  }
0x13: {  	s10 =	sshrl.u32 s14, $0x1;
	s25 =	sadd.s32 $0xDC00, s4;
	[dreg:$0xe] =	wrdreg s24  }
0x14: {  	s1 =	smul.u32 $0x138800, s1;
	s8 =	sadd.s32 $0xF000, s4;
	[dreg:$0xf] =	wrdreg s25  }
0x15: {  	s7 =	ssub.s32 s14, s10;
	s10 =	sadd.s32 $0x10400, s4;
	[dreg:$0x10] =	wrdreg s8  }
0x16: {  	s0 =	smul.u32 $0x27100, s0;
	s12 =	sadd.s32 $0x11800, s4;
	[dreg:$0x11] =	wrdreg s10  }
0x17: {  	s1 =	sshrl.u32 s1, $0x3;
	s13 =	sadd.s32 $0x12C00, s4;
	[dreg:$0x12] =	wrdreg s12  }
0x18: {  	s1 =	sadd.s32 s9, s1;
	s14 =	sadd.s32 $0x14000, s4;
	[dreg:$0x13] =	wrdreg s13  }
0x19: {  	s5 =	sadd.s32 s26, s9;
	[dreg:$0x14] =	wrdreg s14;
	s15 =	sadd.s32 $0x26700, s1  }
0x1a: {  	s16 =	sadd.s32 $0x26C00, s1;
	s24 =	sadd.s32 $0x18200, s6;
	[dreg:$0x15] =	wrdreg s15  }
0x1b: {  	s25 =	smax.u32 s7, $0x1;
	s17 =	sadd.s32 $0x15400, s4;
	[dreg:$0x16] =	wrdreg s16  }
0x1c: {  	s18 =	sadd.s32 $0x16800, s4;
	s19 =	sadd.s32 $0x17C00, s4;
	[dreg:$0x17] =	wrdreg s17  }
0x1d: {  	s20 =	sadd.s32 $0x19000, s4;
	s21 =	sadd.s32 $0x1A400, s4;
	[dreg:$0x18] =	wrdreg s18  }
0x1e: {  	s22 =	sadd.s32 $0x1B800, s4;
	s23 =	sadd.s32 $0x1CC00, s4;
	[dreg:$0x19] =	wrdreg s19  }
0x1f: {  	s26 =	sadd.s32 $0x1E000, s4;
	s8 =	simm.s32 $0x5;
	[dreg:$0x1a] =	wrdreg s20  }
0x20: {  	s9 =	simm.s32 $0x2780;
	s10 =	simm.s32 $0x4F80;
	[dreg:$0x1b] =	wrdreg s21  }
0x21: {  	s12 =	simm.s32 $0x1;
	s13 =	simm.s32 $0x2F80;
	[dreg:$0x1c] =	wrdreg s22  }
0x22: {  	s14 =	simm.s32 $0x3780;
	s1 =	simm.s32 $0x0;
	[dreg:$0x1d] =	wrdreg s23  }
0x23: {  	s0 =	sadd.s32 s0, s5;
	[dreg:$0x1e] =	wrdreg s26;
	s15 =	simm.s32 $0x3F80  }
0x24: {  	s16 =	simm.s32 $0x4780;
	s17 =	simm.s32 $0x2;
	s18 =	simm.s32 $0x5780  }
0x25: {  	s19 =	simm.s32 $0x5F80;
	s20 =	simm.s32 $0x6780;
	s21 =	simm.s32 $0x6F80  }
0x26: {  	v0 =	vimm.f32 $0.0e+00;
	vm0 =	vmmov $0xffff;
	s26 =	simm.s32 $0x3;
	[dreg:$0x3] =	wrdreg s0;
	s0 =	simm.s32 $0x8F80  }
.LBB2_1:
0x27: {  	s5 =	simm.s32 $0x0;
	s6 =	simm.s32 $0x200  }
.LBB2_2:
0x28: {  	p1 =	sne.s32 s6, $0x9E00;
	[tilespmem:s5+$0x27F0] =	vst v0  }
0x29: {  	[tilespmem:s5+$0x2780] =	vst v0  }
0x2a: {  	[tilespmem:s5+$0x2790] =	vst v0  }
.Ltmp0:
0x2b: {  	[tilespmem:s5+$0x27A0] =	vst v0;
	(pc) =	sbr.rel @p1 .LBB2_2-.Ltmp0, $4  }
0x2c: {  	[tilespmem:s5+$0x27B0] =	vst v0  }
0x2d: {  	[tilespmem:s5+$0x27C0] =	vst v0  }
0x2e: {  	[tilespmem:s5+$0x27D0] =	vst v0  }
0x2f: {  	[tilespmem:s5+$0x27E0] =	vst v0;
	s5 =	sshra.s32 s6, $0x2;
	s6 =	sadd.s32 $0x200, s6  }
0x30: {  	[tilespmem:s5+$0x27F0] =	vst v0  }
0x31: {  	[tilespmem:s5+$0x2780] =	vst v0  }
0x32: {  	[tilespmem:s5+$0x2790] =	vst v0  }
0x33: {  	[tilespmem:s5+$0x27A0] =	vst v0  }
0x34: {  	[tilespmem:s5+$0x27B0] =	vst v0  }
0x35: {  	[tilespmem:s5+$0x27C0] =	vst v0  }
0x36: {  	[tilespmem:s5+$0x27D0] =	vst v0  }
.Ltmp1:
0x37: {  	[tilespmem:s5+$0x27E0] =	vst v0;
	s23 =	rddreg [dreg:$0x4];
	(pc) =	sbr.rel @p0 .LBB2_5-.Ltmp1, $4  }
0x38: {  	[tilespmem:s3], [sflag:$0x5] =	stream.linear.gather [hbm4b:s23+s3], $0x2710, $0x38;
	[tilespmem:$0x1D800] =	vst v63  }
0x39: {  	_ =	swait.ge [sflag:s8], $0x2710  }
0x3a: {  	[sflag:s8] =	ssyncset.done $0x0  }
0x3b: {  	[sflag:s8] =	ssyncadd.s32 $0xFFFFD8F0  }
0x3c: {  	[spmem:s4] =	stream.linear.scatter [tilespmem:s9], [sflag:$0x5], $0x1400, $0x38;
	[tilespmem:$0x1D800] =	vst v63  }
0x3d: {  	_ =	swait.ge [sflag:s8], $0x1400  }
0x3e: {  	[sflag:s8] =	ssyncset.done $0x0  }
0x3f: {  	s5 =	rddreg [dreg:$0x5];
	[sflag:s8] =	ssyncadd.s32 $0xFFFFEC00  }
0x40: {  	[spmem:s5] =	stream.linear.scatter [tilespmem:s9], [sflag:$0x5], $0x1400, $0x38;
	[tilespmem:$0x1D800] =	vst v63  }
0x41: {  	_ =	swait.ge [sflag:s8], $0x1400  }
0x42: {  	[sflag:s8] =	ssyncset.done $0x0  }
0x43: {  	s7 =	rddreg [dreg:$0x6];
	[sflag:s8] =	ssyncadd.s32 $0xFFFFEC00  }
0x44: {  	[spmem:s7] =	stream.linear.scatter [tilespmem:s9], [sflag:$0x5], $0x1400, $0x38;
	[tilespmem:$0x1D800] =	vst v63  }
0x45: {  	_ =	swait.ge [sflag:s8], $0x1400  }
0x46: {  	[sflag:s8] =	ssyncset.done $0x0  }
0x47: {  	s22 =	rddreg [dreg:$0x7];
	[sflag:s8] =	ssyncadd.s32 $0xFFFFEC00  }
0x48: {  	[spmem:s22] =	stream.linear.scatter [tilespmem:s9], [sflag:$0x5], $0x1400, $0x38;
	[tilespmem:$0x1D800] =	vst v63  }
0x49: {  	_ =	swait.ge [sflag:s8], $0x1400  }
0x4a: {  	[sflag:s8] =	ssyncset.done $0x0  }
0x4b: {  	s23 =	rddreg [dreg:$0x8];
	[sflag:s8] =	ssyncadd.s32 $0xFFFFEC00  }
0x4c: {  	[spmem:s23] =	stream.linear.scatter [tilespmem:s9], [sflag:$0x5], $0x1400, $0x38;
	[tilespmem:$0x1D800] =	vst v63  }
0x4d: {  	_ =	swait.ge [sflag:s8], $0x1400  }
0x4e: {  	[sflag:s8] =	ssyncset.done $0x0  }
0x4f: {  	s6 =	rddreg [dreg:$0x9];
	[sflag:s8] =	ssyncadd.s32 $0xFFFFEC00  }
0x50: {  	[spmem:s6] =	stream.linear.scatter [tilespmem:s9], [sflag:$0x5], $0x1400, $0x38;
	[tilespmem:$0x1D800] =	vst v63  }
0x51: {  	_ =	swait.ge [sflag:s8], $0x1400  }
0x52: {  	[sflag:s8] =	ssyncset.done $0x0  }
0x53: {  	s7 =	rddreg [dreg:$0xa];
	[sflag:s8] =	ssyncadd.s32 $0xFFFFEC00  }
0x54: {  	[spmem:s7] =	stream.linear.scatter [tilespmem:s9], [sflag:$0x5], $0x1400, $0x38;
	[tilespmem:$0x1D800] =	vst v63  }
0x55: {  	_ =	swait.ge [sflag:s8], $0x1400  }
0x56: {  	[sflag:s8] =	ssyncset.done $0x0  }
0x57: {  	s22 =	rddreg [dreg:$0xb];
	[sflag:s8] =	ssyncadd.s32 $0xFFFFEC00  }
0x58: {  	[spmem:s22] =	stream.linear.scatter [tilespmem:s9], [sflag:$0x5], $0x1400, $0x38;
	[tilespmem:$0x1D800] =	vst v63  }
0x59: {  	_ =	swait.ge [sflag:s8], $0x1400  }
0x5a: {  	[sflag:s8] =	ssyncset.done $0x0  }
0x5b: {  	s23 =	rddreg [dreg:$0xc];
	[sflag:s8] =	ssyncadd.s32 $0xFFFFEC00  }
0x5c: {  	[spmem:s23] =	stream.linear.scatter [tilespmem:s9], [sflag:$0x5], $0x1400, $0x38;
	[tilespmem:$0x1D800] =	vst v63  }
0x5d: {  	_ =	swait.ge [sflag:s8], $0x1400  }
0x5e: {  	[sflag:s8] =	ssyncset.done $0x0  }
0x5f: {  	s6 =	rddreg [dreg:$0xd];
	[sflag:s8] =	ssyncadd.s32 $0xFFFFEC00  }
0x60: {  	[spmem:s6] =	stream.linear.scatter [tilespmem:s9], [sflag:$0x5], $0x1400, $0x38;
	[tilespmem:$0x1D800] =	vst v63  }
0x61: {  	_ =	swait.ge [sflag:s8], $0x1400  }
0x62: {  	[sflag:s8] =	ssyncset.done $0x0  }
0x63: {  	s7 =	rddreg [dreg:$0xe];
	[sflag:s8] =	ssyncadd.s32 $0xFFFFEC00  }
0x64: {  	[spmem:s7] =	stream.linear.scatter [tilespmem:s9], [sflag:$0x5], $0x1400, $0x38;
	[tilespmem:$0x1D800] =	vst v63  }
0x65: {  	_ =	swait.ge [sflag:s8], $0x1400  }
0x66: {  	[sflag:s8] =	ssyncset.done $0x0  }
0x67: {  	s22 =	rddreg [dreg:$0xf];
	[sflag:s8] =	ssyncadd.s32 $0xFFFFEC00  }
0x68: {  	[spmem:s22] =	stream.linear.scatter [tilespmem:s9], [sflag:$0x5], $0x1400, $0x38;
	[tilespmem:$0x1D800] =	vst v63  }
0x69: {  	_ =	swait.ge [sflag:s8], $0x1400  }
0x6a: {  	[sflag:s8] =	ssyncset.done $0x0  }
0x6b: {  	s23 =	rddreg [dreg:$0x10];
	[sflag:s8] =	ssyncadd.s32 $0xFFFFEC00  }
0x6c: {  	[spmem:s23] =	stream.linear.scatter [tilespmem:s9], [sflag:$0x5], $0x1400, $0x38;
	[tilespmem:$0x1D800] =	vst v63  }
0x6d: {  	_ =	swait.ge [sflag:s8], $0x1400  }
0x6e: {  	[sflag:s8] =	ssyncset.done $0x0  }
0x6f: {  	s6 =	rddreg [dreg:$0x11];
	[sflag:s8] =	ssyncadd.s32 $0xFFFFEC00  }
0x70: {  	[spmem:s6] =	stream.linear.scatter [tilespmem:s9], [sflag:$0x5], $0x1400, $0x38;
	[tilespmem:$0x1D800] =	vst v63  }
0x71: {  	_ =	swait.ge [sflag:s8], $0x1400  }
0x72: {  	[sflag:s8] =	ssyncset.done $0x0  }
0x73: {  	s7 =	rddreg [dreg:$0x12];
	[sflag:s8] =	ssyncadd.s32 $0xFFFFEC00  }
0x74: {  	[spmem:s7] =	stream.linear.scatter [tilespmem:s9], [sflag:$0x5], $0x1400, $0x38;
	[tilespmem:$0x1D800] =	vst v63  }
0x75: {  	_ =	swait.ge [sflag:s8], $0x1400  }
0x76: {  	[sflag:s8] =	ssyncset.done $0x0  }
0x77: {  	s22 =	rddreg [dreg:$0x13];
	[sflag:s8] =	ssyncadd.s32 $0xFFFFEC00  }
0x78: {  	[spmem:s22] =	stream.linear.scatter [tilespmem:s9], [sflag:$0x5], $0x1400, $0x38;
	[tilespmem:$0x1D800] =	vst v63  }
0x79: {  	_ =	swait.ge [sflag:s8], $0x1400  }
0x7a: {  	[sflag:s8] =	ssyncset.done $0x0  }
0x7b: {  	s23 =	rddreg [dreg:$0x14];
	[sflag:s8] =	ssyncadd.s32 $0xFFFFEC00  }
0x7c: {  	[spmem:s23] =	stream.linear.scatter [tilespmem:s9], [sflag:$0x5], $0x1400, $0x38;
	[tilespmem:$0x1D800] =	vst v63  }
0x7d: {  	_ =	swait.ge [sflag:s8], $0x1400  }
0x7e: {  	[sflag:s8] =	ssyncset.done $0x0  }
0x7f: {  	s6 =	rddreg [dreg:$0x17];
	[sflag:s8] =	ssyncadd.s32 $0xFFFFEC00  }
0x80: {  	[spmem:s6] =	stream.linear.scatter [tilespmem:s9], [sflag:$0x5], $0x1400, $0x38;
	[tilespmem:$0x1D800] =	vst v63  }
0x81: {  	_ =	swait.ge [sflag:s8], $0x1400  }
0x82: {  	[sflag:s8] =	ssyncset.done $0x0  }
0x83: {  	s7 =	rddreg [dreg:$0x18];
	[sflag:s8] =	ssyncadd.s32 $0xFFFFEC00  }
0x84: {  	[spmem:s7] =	stream.linear.scatter [tilespmem:s9], [sflag:$0x5], $0x1400, $0x38;
	[tilespmem:$0x1D800] =	vst v63  }
0x85: {  	_ =	swait.ge [sflag:s8], $0x1400  }
0x86: {  	[sflag:s8] =	ssyncset.done $0x0  }
0x87: {  	s22 =	rddreg [dreg:$0x19];
	[sflag:s8] =	ssyncadd.s32 $0xFFFFEC00  }
0x88: {  	[spmem:s22] =	stream.linear.scatter [tilespmem:s9], [sflag:$0x5], $0x1400, $0x38;
	[tilespmem:$0x1D800] =	vst v63  }
0x89: {  	_ =	swait.ge [sflag:s8], $0x1400  }
0x8a: {  	[sflag:s8] =	ssyncset.done $0x0  }
0x8b: {  	s23 =	rddreg [dreg:$0x1a];
	[sflag:s8] =	ssyncadd.s32 $0xFFFFEC00  }
0x8c: {  	[spmem:s23] =	stream.linear.scatter [tilespmem:s9], [sflag:$0x5], $0x1400, $0x38;
	[tilespmem:$0x1D800] =	vst v63  }
0x8d: {  	_ =	swait.ge [sflag:s8], $0x1400  }
0x8e: {  	[sflag:s8] =	ssyncset.done $0x0  }
0x8f: {  	s6 =	rddreg [dreg:$0x1b];
	[sflag:s8] =	ssyncadd.s32 $0xFFFFEC00  }
0x90: {  	[spmem:s6] =	stream.linear.scatter [tilespmem:s9], [sflag:$0x5], $0x1400, $0x38;
	[tilespmem:$0x1D800] =	vst v63  }
0x91: {  	_ =	swait.ge [sflag:s8], $0x1400  }
0x92: {  	[sflag:s8] =	ssyncset.done $0x0  }
0x93: {  	s7 =	rddreg [dreg:$0x1c];
	[sflag:s8] =	ssyncadd.s32 $0xFFFFEC00  }
0x94: {  	[spmem:s7] =	stream.linear.scatter [tilespmem:s9], [sflag:$0x5], $0x1400, $0x38;
	[tilespmem:$0x1D800] =	vst v63  }
0x95: {  	_ =	swait.ge [sflag:s8], $0x1400  }
0x96: {  	[sflag:s8] =	ssyncset.done $0x0  }
0x97: {  	s22 =	rddreg [dreg:$0x1d];
	[sflag:s8] =	ssyncadd.s32 $0xFFFFEC00  }
0x98: {  	[spmem:s22] =	stream.linear.scatter [tilespmem:s9], [sflag:$0x5], $0x1400, $0x38;
	[tilespmem:$0x1D800] =	vst v63  }
0x99: {  	_ =	swait.ge [sflag:s8], $0x1400  }
0x9a: {  	[sflag:s8] =	ssyncset.done $0x0  }
0x9b: {  	s23 =	rddreg [dreg:$0x1e];
	[sflag:s8] =	ssyncadd.s32 $0xFFFFEC00  }
0x9c: {  	[spmem:s23] =	stream.linear.scatter [tilespmem:s9], [sflag:$0x5], $0x1400, $0x38;
	[tilespmem:$0x1D800] =	vst v63  }
0x9d: {  	_ =	swait.ge [sflag:s8], $0x1400  }
0x9e: {  	[sflag:s8] =	ssyncset.done $0x0  }
0x9f: {  	[sflag:s8] =	ssyncadd.s32 $0xFFFFEC00  }
.LBB2_5:
0xa0: {  	[bflag:$0x0] =	sbarrier.arrive $0xFFFF  }
0xa1: {  	s6 =	simm.s32 $0x0;
	s7 =	simm.s32 $0x70;
	s5 =	simm.s32 $0x0  }
.LBB2_6:
0xa2: {  	p1 =	seq.s32 s5, $0x0  }
0xa3: {  	s22 =	simm.s32 @!p1 $0x4  }
0xa4: {  	_ =	swait.ge @!p1 [sflag:s22], $0x800  }
0xa5: {  	[sflag:s22] =	ssyncset.done @!p1 $0x0  }
0xa6: {  	[sflag:s22] =	ssyncadd.s32 @!p1 $0xFFFFF800  }
0xa7: {  	_ =	swait.ge @!p1 [sflag:s22], $0x800  }
0xa8: {  	[sflag:s22] =	ssyncset.done @!p1 $0x0  }
0xa9: {  	[sflag:s22] =	ssyncadd.s32 @!p1 $0xFFFFF800  }
0xaa: {  	_ =	swait.ge @!p1 [sflag:s22], $0x800  }
0xab: {  	[sflag:s22] =	ssyncset.done @!p1 $0x0  }
0xac: {  	[sflag:s22] =	ssyncadd.s32 @!p1 $0xFFFFF800  }
0xad: {  	_ =	swait.ge @!p1 [sflag:s22], $0x800  }
0xae: {  	[sflag:s22] =	ssyncset.done @!p1 $0x0  }
0xaf: {  	[sflag:s22] =	ssyncadd.s32 @!p1 $0xFFFFF800  }
0xb0: {  	_ =	swait.ge @!p1 [sflag:s22], $0x800  }
0xb1: {  	[sflag:s22] =	ssyncset.done @!p1 $0x0  }
0xb2: {  	[sflag:s22] =	ssyncadd.s32 @!p1 $0xFFFFF800  }
0xb3: {  	_ =	swait.ge @!p1 [sflag:s22], $0x800  }
0xb4: {  	[sflag:s22] =	ssyncset.done @!p1 $0x0  }
0xb5: {  	[sflag:s22] =	ssyncadd.s32 @!p1 $0xFFFFF800  }
0xb6: {  	_ =	swait.ge @!p1 [sflag:s22], $0x800  }
0xb7: {  	[sflag:s22] =	ssyncset.done @!p1 $0x0  }
0xb8: {  	[sflag:s22] =	ssyncadd.s32 @!p1 $0xFFFFF800  }
0xb9: {  	_ =	swait.ge @!p1 [sflag:s22], $0x800  }
0xba: {  	[sflag:s22] =	ssyncset.done @!p1 $0x0  }
0xbb: {  	[sflag:s22] =	ssyncadd.s32 @!p1 $0xFFFFF800  }
0xbc: {  	_ =	swait.ge @!p1 [sflag:s22], $0x800  }
0xbd: {  	[sflag:s22] =	ssyncset.done @!p1 $0x0  }
0xbe: {  	[sflag:s22] =	ssyncadd.s32 @!p1 $0xFFFFF800  }
0xbf: {  	_ =	swait.ge @!p1 [sflag:s22], $0x800  }
0xc0: {  	[sflag:s22] =	ssyncset.done @!p1 $0x0  }
0xc1: {  	[sflag:s22] =	ssyncadd.s32 @!p1 $0xFFFFF800  }
0xc2: {  	_ =	swait.ge @!p1 [sflag:s22], $0x800  }
0xc3: {  	[sflag:s22] =	ssyncset.done @!p1 $0x0  }
0xc4: {  	[sflag:s22] =	ssyncadd.s32 @!p1 $0xFFFFF800  }
0xc5: {  	_ =	swait.ge @!p1 [sflag:s22], $0x800  }
0xc6: {  	[sflag:s22] =	ssyncset.done @!p1 $0x0  }
0xc7: {  	[sflag:s22] =	ssyncadd.s32 @!p1 $0xFFFFF800  }
0xc8: {  	_ =	swait.ge @!p1 [sflag:s22], $0x800  }
0xc9: {  	[sflag:s22] =	ssyncset.done @!p1 $0x0  }
0xca: {  	[sflag:s22] =	ssyncadd.s32 @!p1 $0xFFFFF800  }
0xcb: {  	_ =	swait.ge @!p1 [sflag:s22], $0x800  }
0xcc: {  	[sflag:s22] =	ssyncset.done @!p1 $0x0  }
0xcd: {  	[sflag:s22] =	ssyncadd.s32 @!p1 $0xFFFFF800  }
0xce: {  	_ =	swait.ge @!p1 [sflag:s22], $0x800  }
0xcf: {  	s23 =	rddreg [dreg:$0x3];
	[sflag:s22] =	ssyncset.done @!p1 $0x0  }
0xd0: {  	[sflag:s22] =	ssyncadd.s32 @!p1 $0xFFFFF800;
	s22 =	sadd.s32 s5, s23  }
0xd1: {  	[tilespmem:s9], [sflag:$0x1] =	stream.linear.gather [hbm4b:s22+s3], $0x2800, $0x38;
	[tilespmem:$0x1D800] =	vst v63  }
0xd2: {  	s23 =	sadd.s32 $0x500, s22  }
0xd3: {  	[tilespmem:s10], [sflag:$0x2] =	stream.linear.gather [hbm4b:s23+s3], $0x2800, $0x38;
	[tilespmem:$0x1D800] =	vst v63  }
0xd4: {  	s22 =	sadd.s32 $0xA00, s22  }
0xd5: {  	[tilespmem:s11], [sflag:$0x3] =	stream.linear.gather [hbm4b:s22+s3], $0x2800, $0x38;
	[tilespmem:$0x1D800] =	vst v63  }
0xd6: {  	_ =	swait.ge [sflag:s12], $0x2800  }
0xd7: {  	[sflag:s12] =	ssyncset.done $0x0  }
0xd8: {  	[sflag:s12] =	ssyncadd.s32 $0xFFFFD800  }
0xd9: {  	v1 =	vld [tilespmem:s7+$0xFFFFFF90];
	_ =	sdelay $0x7  }
0xda: {  	[spmem:s2] =	stream.indirect_vreg.scatter.add.f32 [tilespmem:s9], [sflag:$0x4], $0x80, v1, vm0, $0xb8;
	[tilespmem:$0x1D800] =	vst v63  }
0xdb: {  	v1 =	vld [tilespmem:s7+$0xFFFFFFA0];
	_ =	sdelay $0x7  }
0xdc: {  	[spmem:s2] =	stream.indirect_vreg.scatter.add.f32 [tilespmem:s13], [sflag:$0x4], $0x80, v1, vm0, $0xb8;
	[tilespmem:$0x1D800] =	vst v63  }
0xdd: {  	v1 =	vld [tilespmem:s7+$0xFFFFFFB0];
	_ =	sdelay $0x7  }
0xde: {  	[spmem:s2] =	stream.indirect_vreg.scatter.add.f32 [tilespmem:s14], [sflag:$0x4], $0x80, v1, vm0, $0xb8;
	[tilespmem:$0x1D800] =	vst v63  }
0xdf: {  	v1 =	vld [tilespmem:s7+$0xFFFFFFC0];
	_ =	sdelay $0x7  }
0xe0: {  	[spmem:s2] =	stream.indirect_vreg.scatter.add.f32 [tilespmem:s15], [sflag:$0x4], $0x80, v1, vm0, $0xb8;
	[tilespmem:$0x1D800] =	vst v63  }
0xe1: {  	v1 =	vld [tilespmem:s7+$0xFFFFFFD0];
	_ =	sdelay $0x7  }
0xe2: {  	[spmem:s2] =	stream.indirect_vreg.scatter.add.f32 [tilespmem:s16], [sflag:$0x4], $0x80, v1, vm0, $0xb8;
	[tilespmem:$0x1D800] =	vst v63  }
0xe3: {  	_ =	swait.ge [sflag:s17], $0x2800  }
0xe4: {  	[sflag:s17] =	ssyncset.done $0x0  }
0xe5: {  	[sflag:s17] =	ssyncadd.s32 $0xFFFFD800  }
0xe6: {  	v1 =	vld [tilespmem:s7+$0xFFFFFFE0];
	_ =	sdelay $0x7  }
0xe7: {  	[spmem:s2] =	stream.indirect_vreg.scatter.add.f32 [tilespmem:s10], [sflag:$0x4], $0x80, v1, vm0, $0xb8;
	[tilespmem:$0x1D800] =	vst v63  }
0xe8: {  	v1 =	vld [tilespmem:s7+$0xFFFFFFF0];
	_ =	sdelay $0x7  }
0xe9: {  	[spmem:s2] =	stream.indirect_vreg.scatter.add.f32 [tilespmem:s18], [sflag:$0x4], $0x80, v1, vm0, $0xb8;
	[tilespmem:$0x1D800] =	vst v63  }
0xea: {  	v1 =	vld [tilespmem:s7+$0x0];
	_ =	sdelay $0x6  }
0xeb: {  	s23 =	sand.u32 $0x3FF0, s6  }
0xec: {  	[spmem:s2] =	stream.indirect_vreg.scatter.add.f32 [tilespmem:s19], [sflag:$0x4], $0x80, v1, vm0, $0xb8;
	[tilespmem:$0x1D800] =	vst v63  }
0xed: {  	v1 =	vld [tilespmem:s23+$0x80];
	_ =	sdelay $0x7  }
0xee: {  	[spmem:s2] =	stream.indirect_vreg.scatter.add.f32 [tilespmem:s20], [sflag:$0x4], $0x80, v1, vm0, $0xb8;
	[tilespmem:$0x1D800] =	vst v63  }
0xef: {  	v1 =	vld [tilespmem:s7+$0x20];
	_ =	sdelay $0x7  }
0xf0: {  	[spmem:s2] =	stream.indirect_vreg.scatter.add.f32 [tilespmem:s21], [sflag:$0x4], $0x80, v1, vm0, $0xb8;
	[tilespmem:$0x1D800] =	vst v63  }
0xf1: {  	_ =	swait.ge [sflag:s26], $0x2800  }
0xf2: {  	[sflag:s26] =	ssyncset.done $0x0  }
0xf3: {  	[sflag:s26] =	ssyncadd.s32 $0xFFFFD800  }
0xf4: {  	v1 =	vld [tilespmem:s7+$0x30];
	_ =	sdelay $0x7  }
0xf5: {  	[spmem:s2] =	stream.indirect_vreg.scatter.add.f32 [tilespmem:s11], [sflag:$0x4], $0x80, v1, vm0, $0xb8;
	[tilespmem:$0x1D800] =	vst v63  }
0xf6: {  	v1 =	vld [tilespmem:s7+$0x40];
	_ =	sdelay $0x7  }
0xf7: {  	[spmem:s2] =	stream.indirect_vreg.scatter.add.f32 [tilespmem:s28], [sflag:$0x4], $0x80, v1, vm0, $0xb8;
	[tilespmem:$0x1D800] =	vst v63  }
0xf8: {  	v1 =	vld [tilespmem:s7+$0x50];
	_ =	sdelay $0x7  }
0xf9: {  	[spmem:s2] =	stream.indirect_vreg.scatter.add.f32 [tilespmem:s29], [sflag:$0x4], $0x80, v1, vm0, $0xb8;
	[tilespmem:$0x1D800] =	vst v63  }
0xfa: {  	v1 =	vld [tilespmem:s7+$0x60];
	_ =	sdelay $0x7  }
0xfb: {  	[spmem:s2] =	stream.indirect_vreg.scatter.add.f32 [tilespmem:s0], [sflag:$0x4], $0x80, v1, vm0, $0xb8;
	[tilespmem:$0x1D800] =	vst v63  }
0xfc: {  	v1 =	vld [tilespmem:s7+$0x70];
	_ =	sdelay $0x1  }
0xfd: {  	s5 =	sadd.s32 $0xF00, s5  }
0xfe: {  	p1 =	sne.s32 s5, $0x26700  }
.Ltmp2:
0xff: {  	_ = 	snop;
	(pc) =	sbr.rel @p1 .LBB2_6-.Ltmp2, $3  }
0x100: {  	_ =	sdelay $0x1  }
0x101: {  	s6 =	sadd.s32 $0xF0, s6;
	s7 =	sadd.s32 $0xF0, s7  }
0x102: {  	[spmem:s2] =	stream.indirect_vreg.scatter.add.f32 [tilespmem:s30], [sflag:$0x4], $0x80, v1, vm0, $0xb8;
	[tilespmem:$0x1D800] =	vst v63  }
0x103: {  	_ =	swait.ge [sflag:s31], $0x800  }
0x104: {  	[sflag:s31] =	ssyncset.done $0x0  }
0x105: {  	[sflag:s31] =	ssyncadd.s32 $0xFFFFF800  }
0x106: {  	_ =	swait.ge [sflag:s31], $0x800  }
0x107: {  	[sflag:s31] =	ssyncset.done $0x0  }
0x108: {  	[sflag:s31] =	ssyncadd.s32 $0xFFFFF800  }
0x109: {  	_ =	swait.ge [sflag:s31], $0x800  }
0x10a: {  	[sflag:s31] =	ssyncset.done $0x0  }
0x10b: {  	[sflag:s31] =	ssyncadd.s32 $0xFFFFF800  }
0x10c: {  	_ =	swait.ge [sflag:s31], $0x800  }
0x10d: {  	[sflag:s31] =	ssyncset.done $0x0  }
0x10e: {  	[sflag:s31] =	ssyncadd.s32 $0xFFFFF800  }
0x10f: {  	_ =	swait.ge [sflag:s31], $0x800  }
0x110: {  	[sflag:s31] =	ssyncset.done $0x0  }
0x111: {  	[sflag:s31] =	ssyncadd.s32 $0xFFFFF800  }
0x112: {  	_ =	swait.ge [sflag:s31], $0x800  }
0x113: {  	[sflag:s31] =	ssyncset.done $0x0  }
0x114: {  	[sflag:s31] =	ssyncadd.s32 $0xFFFFF800  }
0x115: {  	_ =	swait.ge [sflag:s31], $0x800  }
0x116: {  	[sflag:s31] =	ssyncset.done $0x0  }
0x117: {  	[sflag:s31] =	ssyncadd.s32 $0xFFFFF800  }
0x118: {  	_ =	swait.ge [sflag:s31], $0x800  }
0x119: {  	[sflag:s31] =	ssyncset.done $0x0  }
0x11a: {  	[sflag:s31] =	ssyncadd.s32 $0xFFFFF800  }
0x11b: {  	_ =	swait.ge [sflag:s31], $0x800  }
0x11c: {  	[sflag:s31] =	ssyncset.done $0x0  }
0x11d: {  	[sflag:s31] =	ssyncadd.s32 $0xFFFFF800  }
0x11e: {  	_ =	swait.ge [sflag:s31], $0x800  }
0x11f: {  	[sflag:s31] =	ssyncset.done $0x0  }
0x120: {  	[sflag:s31] =	ssyncadd.s32 $0xFFFFF800  }
0x121: {  	_ =	swait.ge [sflag:s31], $0x800  }
0x122: {  	[sflag:s31] =	ssyncset.done $0x0  }
0x123: {  	[sflag:s31] =	ssyncadd.s32 $0xFFFFF800  }
0x124: {  	_ =	swait.ge [sflag:s31], $0x800  }
0x125: {  	[sflag:s31] =	ssyncset.done $0x0  }
0x126: {  	[sflag:s31] =	ssyncadd.s32 $0xFFFFF800  }
0x127: {  	_ =	swait.ge [sflag:s31], $0x800  }
0x128: {  	[sflag:s31] =	ssyncset.done $0x0  }
0x129: {  	[sflag:s31] =	ssyncadd.s32 $0xFFFFF800  }
0x12a: {  	_ =	swait.ge [sflag:s31], $0x800  }
0x12b: {  	[sflag:s31] =	ssyncset.done $0x0  }
0x12c: {  	[sflag:s31] =	ssyncadd.s32 $0xFFFFF800  }
0x12d: {  	_ =	swait.ge [sflag:s31], $0x800  }
0x12e: {  	[sflag:s31] =	ssyncset.done $0x0  }
0x12f: {  	s5 =	rddreg [dreg:$0x15];
	[sflag:s31] =	ssyncadd.s32 $0xFFFFF800  }
0x130: {  	[tilespmem:s9], [sflag:$0x5] =	stream.linear.gather [hbm4b:s5+s3], $0x2800, $0x38;
	[tilespmem:$0x1D800] =	vst v63  }
0x131: {  	_ =	swait.ge [sflag:s8], $0x2800  }
0x132: {  	[sflag:s8] =	ssyncset.done $0x0  }
0x133: {  	[sflag:s8] =	ssyncadd.s32 $0xFFFFD800  }
0x134: {  	v1 =	vld [tilespmem:$0x2670];
	_ =	sdelay $0x7  }
0x135: {  	[spmem:s2] =	stream.indirect_vreg.scatter.add.f32 [tilespmem:s9], [sflag:$0x5], $0x80, v1, vm0, $0xb8;
	[tilespmem:$0x1D800] =	vst v63  }
0x136: {  	_ =	swait.ge [sflag:s8], $0x800  }
0x137: {  	[sflag:s8] =	ssyncset.done $0x0  }
0x138: {  	[sflag:s8] =	ssyncadd.s32 $0xFFFFF800  }
0x139: {  	v1 =	vld [tilespmem:$0x2680];
	_ =	sdelay $0x7  }
0x13a: {  	[spmem:s2] =	stream.indirect_vreg.scatter.add.f32 [tilespmem:s13], [sflag:$0x5], $0x80, v1, vm0, $0xb8;
	[tilespmem:$0x1D800] =	vst v63  }
0x13b: {  	_ =	swait.ge [sflag:s8], $0x800  }
0x13c: {  	[sflag:s8] =	ssyncset.done $0x0  }
0x13d: {  	[sflag:s8] =	ssyncadd.s32 $0xFFFFF800  }
0x13e: {  	v1 =	vld [tilespmem:$0x2690];
	_ =	sdelay $0x7  }
0x13f: {  	[spmem:s2] =	stream.indirect_vreg.scatter.add.f32 [tilespmem:s14], [sflag:$0x5], $0x80, v1, vm0, $0xb8;
	[tilespmem:$0x1D800] =	vst v63  }
0x140: {  	_ =	swait.ge [sflag:s8], $0x800  }
0x141: {  	[sflag:s8] =	ssyncset.done $0x0  }
0x142: {  	[sflag:s8] =	ssyncadd.s32 $0xFFFFF800  }
0x143: {  	v1 =	vld [tilespmem:$0x26A0];
	_ =	sdelay $0x7  }
0x144: {  	[spmem:s2] =	stream.indirect_vreg.scatter.add.f32 [tilespmem:s15], [sflag:$0x5], $0x80, v1, vm0, $0xb8;
	[tilespmem:$0x1D800] =	vst v63  }
0x145: {  	_ =	swait.ge [sflag:s8], $0x800  }
0x146: {  	[sflag:s8] =	ssyncset.done $0x0  }
0x147: {  	[sflag:s8] =	ssyncadd.s32 $0xFFFFF800  }
0x148: {  	v1 =	vld [tilespmem:$0x26B0];
	_ =	sdelay $0x7  }
0x149: {  	[spmem:s2] =	stream.indirect_vreg.scatter.add.f32 [tilespmem:s16], [sflag:$0x5], $0x80, v1, vm0, $0xb8;
	[tilespmem:$0x1D800] =	vst v63  }
0x14a: {  	_ =	swait.ge [sflag:s8], $0x800  }
0x14b: {  	[sflag:s8] =	ssyncset.done $0x0  }
0x14c: {  	s23 =	rddreg [dreg:$0x16];
	[sflag:s8] =	ssyncadd.s32 $0xFFFFF800  }
0x14d: {  	[tilespmem:s10], [sflag:$0x5] =	stream.linear.gather [hbm4b:s23+s3], $0x2800, $0x38;
	[tilespmem:$0x1D800] =	vst v63  }
0x14e: {  	_ =	swait.ge [sflag:s8], $0x2800  }
0x14f: {  	[sflag:s8] =	ssyncset.done $0x0  }
0x150: {  	[sflag:s8] =	ssyncadd.s32 $0xFFFFD800  }
0x151: {  	v1 =	vld [tilespmem:$0x26C0];
	_ =	sdelay $0x7  }
0x152: {  	[spmem:s2] =	stream.indirect_vreg.scatter.add.f32 [tilespmem:s10], [sflag:$0x5], $0x80, v1, vm0, $0xb8;
	[tilespmem:$0x1D800] =	vst v63  }
0x153: {  	_ =	swait.ge [sflag:s8], $0x800  }
0x154: {  	[sflag:s8] =	ssyncset.done $0x0  }
0x155: {  	[sflag:s8] =	ssyncadd.s32 $0xFFFFF800  }
0x156: {  	v1 =	vld [tilespmem:$0x26D0];
	_ =	sdelay $0x7  }
0x157: {  	[spmem:s2] =	stream.indirect_vreg.scatter.add.f32 [tilespmem:s18], [sflag:$0x5], $0x80, v1, vm0, $0xb8;
	[tilespmem:$0x1D800] =	vst v63  }
0x158: {  	_ =	swait.ge [sflag:s8], $0x800  }
0x159: {  	[sflag:s8] =	ssyncset.done $0x0  }
0x15a: {  	[sflag:s8] =	ssyncadd.s32 $0xFFFFF800  }
0x15b: {  	v1 =	vld [tilespmem:$0x26E0];
	_ =	sdelay $0x7  }
0x15c: {  	[spmem:s2] =	stream.indirect_vreg.scatter.add.f32 [tilespmem:s19], [sflag:$0x5], $0x80, v1, vm0, $0xb8;
	[tilespmem:$0x1D800] =	vst v63  }
0x15d: {  	_ =	swait.ge [sflag:s8], $0x800  }
0x15e: {  	[sflag:s8] =	ssyncset.done $0x0  }
0x15f: {  	[sflag:s8] =	ssyncadd.s32 $0xFFFFF800  }
0x160: {  	v1 =	vld [tilespmem:$0x26F0];
	_ =	sdelay $0x7  }
0x161: {  	[spmem:s2] =	stream.indirect_vreg.scatter.add.f32 [tilespmem:s20], [sflag:$0x5], $0x80, v1, vm0, $0xb8;
	[tilespmem:$0x1D800] =	vst v63  }
0x162: {  	_ =	swait.ge [sflag:s8], $0x800  }
0x163: {  	[sflag:s8] =	ssyncset.done $0x0  }
0x164: {  	[sflag:s8] =	ssyncadd.s32 $0xFFFFF800  }
0x165: {  	v1 =	vld [tilespmem:$0x2700];
	_ =	sdelay $0x7  }
0x166: {  	[spmem:s2] =	stream.indirect_vreg.scatter.add.f32 [tilespmem:s21], [sflag:$0x5], $0x80, v1, vm0, $0xb8;
	[tilespmem:$0x1D800] =	vst v63  }
0x167: {  	_ =	swait.ge [sflag:s8], $0x800  }
0x168: {  	s6 =	sshrl.u32 @!p0 s4, $0x3;
	s5 =	stileid.u32;
	[sflag:s8] =	ssyncset.done $0x0  }
0x169: {  	s1 =	sadd.s32 $0x1, s1;
	s5 =	sshll.u32 @!p0 s5, $0x6;
	[sflag:s8] =	ssyncadd.s32 $0xFFFFF800  }
0x16a: {  	p1 =	sne.s32 s1, s25;
	s5 =	sor.u32 @!p0 $0x1C05, s5;
	[bflag:$0x0] =	sbarrier.arrive $0xFFFF  }
0x16b: {  	[hbm:s24], [sflag:s5] =	dma.local @!p0 [spmem:s6], $0x3E80  }
.Ltmp3:
0x16c: {  	_ = 	snop;
	(pc) =	sbr.rel @p1 .LBB2_1-.Ltmp3, $4  }
0x16d: {  	s5 =	simm.s32 @!p0 $0x5  }
0x16e: {  	_ =	swait.ge @!p0 [sflag:s5], $0x3E80  }
0x16f: {  	[sflag:s5] =	ssyncset.done @!p0 $0x0  }
0x170: {  	[sflag:s5] =	ssyncadd.s32 @!p0 $0xFFFFC180  }
0x171: {  	_ =	sfence.sel $0x180000  }
0x172: {  	[bflag:$0x0] =	sbarrier.arrive $0xFFFF  }
0x173: {  	_ =	strace $0x9000004A  }
0x174: {  	s0 =	stileid.u32;
	[bflag:$0x2] =	sbarrier.arrive $0xFFFF  }
0x175: {  	p0 =	sne.s32 s0, $0x0;
	s0 =	rddreg [dreg:$0x2]  }
0x176: {  	s0 =	sadd.s32 @!p0 $0x100000, s0  }
0x177: {  	[sflag:s0] =	ssyncadd.tile.s32 @!p0 $0x1;
	_ =	shalt  }
.Lfunc_end2:
_tile_overlayer_lowered:
.L_overlay_start_2:
0x178: {  	(tag) =	ssettag $0x2  }
0x179: {  	s0 =	rddreg [dreg:$0x0];
	s2 =	stileid.u32  }
0x17a: {  	s1 =	rddreg [dreg:$0x1];
	p0 =	sne.s32 s2, $0x0  }
0x17b: {  	s3 =	rddreg [dreg:$0x2];
	[bflag:$0x3] =	sbarrier.arrive $0xFFFF;
	s2 =	simm.s32 @!p0 $0x1C05  }
0x17c: {  	[timem:s3], [sflag:s2] =	dma.local @!p0 [hbm:s0], s1  }
0x17d: {  	s0 =	simm.s32 @!p0 $0x5  }
0x17e: {  	_ =	swait.ge @!p0 [sflag:s0], s1  }
0x17f: {  	s1 =	ssub.s32 @!p0 $0x0, s1;
	[sflag:s0] =	ssyncset.done @!p0 $0x0  }
0x180: {  	[sflag:s0] =	ssyncadd.s32 @!p0 s1  }
0x181: {  	[bflag:$0x3] =	sbarrier.arrive $0xFFFF  }
0x182: {  	_ =	shalt  }

// kernel: kernel.7.cloned.1.call-start
scs
__scs_entry_jumppad:
0x0: {  	(pc) =	sbr.rel $0x88, $3  }
0x1: {  	(tag) =	ssettag $0x0;
	lr =	simm.s32 $0x1  }
0x2: {  	[smem:$0x3F8D] =	sst lr;
	_ =	strace $0xD0000000  }
0x3: {  	_ = 	snop  }
0x4: {  	_ = 	snop  }
0x5: {  	_ = 	snop  }
0x6: {  	_ = 	snop  }
0x7: {  	_ = 	snop  }
__scs_overlays_trampoline_lowered:
0x8: {  	[smem:$0x3F9C] =	sst s0  }
0x9: {  	[smem:$0x3F9D] =	sst s1  }
0xa: {  	[smem:$0x3F9E] =	sst s2  }
0xb: {  	[smem:$0x3F9F] =	sst s3  }
0xc: {  	[smem:$0x3FA0] =	sst s4  }
0xd: {  	[smem:$0x3FA1] =	sst s5  }
0xe: {  	[smem:$0x3FA2] =	sst s6  }
0xf: {  	[smem:$0x3FA3] =	sst s7  }
0x10: {  	[smem:$0x3FA4] =	sst s8  }
0x11: {  	[smem:$0x3FA5] =	sst s9;
	s0 =	simm.s32 @!p0 $0x0  }
0x12: {  	s1 =	sld [smem:$0x3F8B];
	s0 =	simm.s32 @p0 $0x1  }
0x13: {  	[smem:$0x3FA6] =	sst s0;
	s0 =	simm.s32 @!p1 $0x0  }
0x14: {  	s2 =	sld [smem:$0x3F8A];
	s0 =	simm.s32 @p1 $0x1  }
0x15: {  	[smem:$0x3FA7] =	sst s0;
	s0 =	simm.s32 @!p2 $0x0  }
0x16: {  	s3 =	sld [smem:$0x3FDB];
	s0 =	simm.s32 @p2 $0x1  }
0x17: {  	s4 =	simm.s32 $0x1BF5;
	[smem:$0x3FA9] =	sst s0  }
0x18: {  	s0 =	sld [smem:$0x3F8C];
	_ =	swait.ge [sflag:s4], $0x0  }
0x19: {  	s7 =	sld [smem:$0x3F8D]  }
0x1a: {  	s8 =	sadd.s32 $0xFFFFE003, lr  }
0x1b: {  	s9 =	sadd.s32 $0xFFFFFEF7, lr;
	s5 =	simm.s32 $0xFFFFFFFF;
	p2 =	slt.u32 s8, $0xFFFFF086  }
0x1c: {  	p1 =	slt.u32 s9, $0xF7A;
	s5 =	simm.s32 @!p2 $0x0  }
0x1d: {  	s5 =	simm.s32 @p1 $0x1;
	p0 =	seq.s32 s7, s2  }
0x1e: {  	s7 =	smul.u32 @!p0 $0xF7A, s2;
	p2 =	seq.s32 @!p0 s5, $0x0  }
0x1f: {  	s9 =	smul.u32 $0xF7A, s1;
	s8 =	simm.s32 @!p0 $0x1BF5;
	p2 =	por !p2, p0  }
0x20: {  	[sflag:s8] =	ssyncset.s32 @!p0 $0xFFFFF086;
	s6 =	sadd.s32 @!p0 s3, s7;
	s7 =	simm.s32 @!p0 $0x108  }
0x21: {  	s3 =	sadd.s32 s3, s9;
	s6 =	sadd.s32 @!p0 $0x88, s6;
	s7 =	simm.s32 @p2 $0x1082  }
0x22: {  	[simem:s7], [sflag:s8] =	dma.local @!p0 [hbm:s6], $0xF7A  }
0x23: {  	s9 =	sor.u32 $0xD0000000, s2;
	s6 =	simm.s32 $0x108;
	_ =	swait.ge @!p0 [sflag:s8], $0x0  }
0x24: {  	s3 =	sadd.s32 $0x88, s3;
	s6 =	simm.s32 @!p1 $0x1082;
	[sflag:s4] =	ssyncset.s32 $0xFFFFF086  }
0x25: {  	[simem:s6], [sflag:s4] =	dma.local [hbm:s3], $0xF7A  }
0x26: {  	[smem:$0x3F8D] =	sst s1;
	(tag) =	ssettag s2;
	_ =	strace s9  }
0x27: {  	s1 =	sld [smem:$0x3F9D]  }
0x28: {  	s2 =	sld [smem:$0x3F9E]  }
0x29: {  	s4 =	sld [smem:$0x3FA0]  }
0x2a: {  	p0 =	seq.s32 s5, $0x0;
	s5 =	sld [smem:$0x3FA1]  }
0x2b: {  	s6 =	sld [smem:$0x3FA2]  }
0x2c: {  	s7 =	sld [smem:$0x3FA3]  }
0x2d: {  	s3 =	simm.s32 $0x108;
	s8 =	sld [smem:$0x3FA4]  }
0x2e: {  	s3 =	simm.s32 @!p0 $0x1082;
	s9 =	sld [smem:$0x3FA5]  }
0x2f: {  	lr =	sadd.s32 s0, s3;
	s0 =	sld [smem:$0x3F9C]  }
0x30: {  	s3 =	sld [smem:$0x3F9F]  }
0x31: {  	[smem:$0x3FA8] =	sst s10  }
0x32: {  	s10 =	sld [smem:$0x3FA6];
	_ =	sdelay $0x3  }
0x33: {  	p0 =	seq.s32 s10, $0x1;
	s10 =	sld [smem:$0x3FA8];
	_ =	sdelay $0x3  }
0x34: {  	[smem:$0x3FA8] =	sst s10  }
0x35: {  	s10 =	sld [smem:$0x3FA7];
	_ =	sdelay $0x3  }
0x36: {  	p1 =	seq.s32 s10, $0x1;
	s10 =	sld [smem:$0x3FA8];
	_ =	sdelay $0x3  }
0x37: {  	[smem:$0x3FA8] =	sst s10  }
0x38: {  	s10 =	sld [smem:$0x3FA9]  }
0x39: {  	_ = 	snop;
	(pc) =	sbr.ind lr, $3  }
0x3a: {  	_ = 	snop  }
0x3b: {  	_ = 	snop  }
0x3c: {  	p2 =	seq.s32 s10, $0x1;
	s10 =	sld [smem:$0x3FA8]  }
0x3d: {  	_ =	shalt  }
0x3e: {  	_ =	shalt  }
0x3f: {  	_ =	shalt  }
0x40: {  	_ =	shalt  }
0x41: {  	_ =	shalt  }
0x42: {  	_ =	shalt  }
0x43: {  	_ =	shalt  }
0x44: {  	_ =	shalt  }
0x45: {  	_ =	shalt  }
0x46: {  	_ =	shalt  }
0x47: {  	_ =	shalt  }
0x48: {  	_ =	shalt  }
0x49: {  	_ =	shalt  }
0x4a: {  	_ =	shalt  }
0x4b: {  	_ =	shalt  }
0x4c: {  	_ =	shalt  }
0x4d: {  	_ =	shalt  }
0x4e: {  	_ =	shalt  }
0x4f: {  	_ =	shalt  }
0x50: {  	_ =	shalt  }
0x51: {  	_ =	shalt  }
0x52: {  	_ =	shalt  }
0x53: {  	_ =	shalt  }
0x54: {  	_ =	shalt  }
0x55: {  	_ =	shalt  }
0x56: {  	_ =	shalt  }
0x57: {  	_ =	shalt  }
0x58: {  	_ =	shalt  }
0x59: {  	_ =	shalt  }
0x5a: {  	_ =	shalt  }
0x5b: {  	_ =	shalt  }
0x5c: {  	_ =	shalt  }
0x5d: {  	_ =	shalt  }
0x5e: {  	_ =	shalt  }
0x5f: {  	_ =	shalt  }
0x60: {  	_ =	shalt  }
0x61: {  	_ =	shalt  }
0x62: {  	_ =	shalt  }
0x63: {  	_ =	shalt  }
0x64: {  	_ =	shalt  }
0x65: {  	_ =	shalt  }
0x66: {  	_ =	shalt  }
0x67: {  	_ =	shalt  }
0x68: {  	_ =	shalt  }
0x69: {  	_ =	shalt  }
0x6a: {  	_ =	shalt  }
0x6b: {  	_ =	shalt  }
0x6c: {  	_ =	shalt  }
0x6d: {  	_ =	shalt  }
0x6e: {  	_ =	shalt  }
0x6f: {  	_ =	shalt  }
0x70: {  	_ =	shalt  }
0x71: {  	_ =	shalt  }
0x72: {  	_ =	shalt  }
0x73: {  	_ =	shalt  }
0x74: {  	_ =	shalt  }
0x75: {  	_ =	shalt  }
0x76: {  	_ =	shalt  }
0x77: {  	_ =	shalt  }
0x78: {  	_ =	shalt  }
0x79: {  	_ =	shalt  }
0x7a: {  	_ =	shalt  }
0x7b: {  	_ =	shalt  }
0x7c: {  	_ =	shalt  }
0x7d: {  	_ =	shalt  }
0x7e: {  	_ =	shalt  }
0x7f: {  	_ =	shalt  }
0x80: {  	_ =	shalt  }
0x81: {  	_ =	shalt  }
0x82: {  	_ =	shalt  }
0x83: {  	_ =	shalt  }
0x84: {  	_ =	shalt  }
0x85: {  	_ =	shalt  }
0x86: {  	_ =	shalt  }
0x87: {  	_ =	shalt  }
.Lfunc_end0:
.L_simem_size_0:
called_computation_lowered:
.L_overlay_start_0:
0x88: {  	s2 =	sld [smem:$0x3FD9]  }
0x89: {  	s3 =	sld [smem:$0x3FFE];
	_ =	sdelay $0x1  }
0x8a: {  	s1 =	srdreg.scid  }
0x8b: {  	s0 =	sand.u32 $0x1, s1  }
0x8c: {  	s14 =	sshll.u32 s0, $0xA;
	s2 =	sadd.s32 s3, s2  }
0x8d: {  	s2 =	sadd.s32 s2, s14  }
0x8e: {  	[smem:$0x3FB4] =	sst s2  }
0x8f: {  	_ = 	snop  }
0x90: {  	s2 =	sld [smem:$0x3FD0];
	_ =	sdelay $0x2  }
0x91: {  	s15 =	simm.s32 $0xA;
	s4 =	simm.s32 $0x10  }
0x92: {  	[smem:s4], [sflag:s15] =	dma.local [hbm:s2], $0x1  }
0x93: {  	_ =	swait.eq [sflag:s15], $0x1  }
0x94: {  	[sflag:s15] =	ssyncset.done $0x0  }
0x95: {  	[sflag:s15] =	ssyncadd.s32 $0xFFFFFFFF  }
0x96: {  	s16 =	sld [smem:$0x11];
	(tm) =	ssettm $0x1  }
0x97: {  	s17 =	sld [smem:$0x3FFB];
	_ =	sdelay $0x3  }
0x98: {  	_ =	strace s17  }
0x99: {  	s3 =	sld [smem:$0x3FFC];
	_ =	sdelay $0x3  }
0x9a: {  	_ =	strace s3  }
0x9b: {  	s3 =	sld [smem:$0x3FFD];
	_ =	sdelay $0x3  }
0x9c: {  	_ =	strace s3  }
0x9d: {  	_ =	strace $0x8FFFFFFF  }
0x9e: {  	s18 =	sld [smem:$0x3FDB];
	_ =	sdelay $0x1  }
0x9f: {  	s19 =	simm.s32 $_scs_section_size  }
0xa0: {  	s5 =	simm.s32 $_size__tile_overlayer_lowered;
	s6 =	simm.s32 $_tile_overlayer_lowered  }
0xa1: {  	s22 =	simm.s32 $0x1BFF;
	s21 =	sshll.u32 s6, $0x1;
	s3 =	sadd.s32 s19, s18  }
0xa2: {  	s7 =	simm.s32 $0x0;
	s20 =	sshll.u32 s5, $0x1;
	s5 =	sadd.s32 s21, s3  }
0xa3: {  	[timem:s7], [sflag:s22] =	dma.local [hbm:s5], s20  }
0xa4: {  	_ =	swait.ge [sflag:s22], s20  }
0xa5: {  	s4 =	ssub.s32 $0x0, s20;
	[sflag:s22] =	ssyncset.done $0x0  }
0xa6: {  	[sflag:s22] =	ssyncadd.s32 s4;
	_ =	sdelay $0x1  }
0xa7: {  	s23 =	simm.s32 $0x1B8B  }
0xa8: {  	_ =	swait.ge [sflag:s23], $0x1  }
0xa9: {  	[sflag:s23] =	ssyncset.done $0x0  }
0xaa: {  	s25 =	simm.s32 $0x1B8E;
	s24 =	sld [smem:$0x3FFE];
	[sflag:s23] =	ssyncadd.s32 $0xFFFFFFFF  }
0xab: {  	s26 =	simm.s32 $execute0_lowered;
	[smem:$0x3FD2] =	sst s25  }
0xac: {  	s5 =	sshll.u32 s26, $0x1;
	_ =	strace $0x80000046;
	[dreg:$0x1] =	wrdreg $0xFFFFFFFF  }
0xad: {  	s28 =	simm.s32 $_size_execute0_lowered;
	s3 =	sadd.s32 s3, s5;
	[dreg:$0x0] =	wrdreg $0x0  }
0xae: {  	s5 =	sshll.u32 s28, $0x1;
	[dreg:$0x2] =	wrdreg s3  }
0xaf: {  	[dreg:$0x3] =	wrdreg s5  }
0xb0: {  	[dreg:$0x4] =	wrdreg $0xC0  }
0xb1: {  	_ =	task [dreg:s7], $0x5FFFF  }
0xb2: {  	[dreg:$0x1] =	wrdreg $0xFFFFFFFF  }
0xb3: {  	[dreg:$0x0] =	wrdreg $0x60  }
0xb4: {  	[dreg:$0x2] =	wrdreg s16  }
0xb5: {  	[dreg:$0x3] =	wrdreg s24  }
0xb6: {  	[dreg:$0x4] =	wrdreg $0x9  }
0xb7: {  	_ =	task.clear_ibuf [dreg:s7], $0x5FFFF;
	_ =	strace $0x90000046  }
0xb8: {  	s29 =	simm.s32 $0x9;
	_ =	strace $0x80000048  }
0xb9: {  	_ =	swait.ge [sflag:s29], $0x1  }
0xba: {  	[sflag:s29] =	ssyncadd.s32 $0xFFFFFFFF  }
0xbb: {  	_ =	strace $0x90000048  }
0xbc: {  	_ =	sfence  }
0xbd: {  	s30 =	sld [smem:$0x0];
	_ =	sdelay $0x2  }
0xbe: {  	s31 =	sshll.u32 s1, $0xD;
	s1 =	sshrl.u32 s1, $0x2  }
0xbf: {  	s3 =	sand.u32 $0x4000, s31;
	s1 =	sadd.s32 s1, s30  }
0xc0: {  	s0 =	sor.u32 s3, s0;
	s1 =	sshll.u32 s1, $0x11  }
0xc1: {  	s0 =	sor.u32 s1, s0  }
0xc2: {  	s0 =	sadd.s32 $0x8F2B, s0  }
0xc3: {  	[sflag:s0] =	ssyncadd.remote.s32 $0x1  }
0xc4: {  	_ =	sfence.sel $0xFFFF  }
0xc5: {  	[dreg:$0x0] =	wrdreg $0xFFFFFFFF;
	(pc) =	sbr.abs _section_cstart, $3  }
0xc6: {  	[dreg:$0x1] =	wrdreg $0xFFFFFFFF  }
0xc7: {  	_ =	task.clear_ibuf [dreg:s7], $0x2FFFF;
	_ =	strace $0x9FFFFFFF  }
0xc8: {  	(tm) =	ssettm $0x7FFFFFFF  }
0xc9: {  	_ =	shalt  }
tec
execute0_lowered:
.L_overlay_start_1:
0x0: {  	(tag) =	ssettag $0x1  }
0x1: {  	s0 =	srdreg.scid  }
0x2: {  	s1 =	stileid.u32;
	s2 =	rddreg [dreg:$0x0]  }
0x3: {  	s6 =	rddreg [dreg:$0x1];
	s3 =	simm.s32 $0x0;
	s10 =	simm.s32 $0x6  }
0x4: {  	s12 =	simm.s32 $0x28;
	s13 =	simm.s32 $0x4F00;
	s14 =	simm.s32 $0xB300  }
0x5: {  	s15 =	simm.s32 $0x6300;
	s16 =	simm.s32 $0xC700;
	s17 =	simm.s32 $0x7700  }
0x6: {  	s18 =	simm.s32 $0xDB00;
	s19 =	simm.s32 $0x8B00;
	s20 =	simm.s32 $0xEF00  }
0x7: {  	s21 =	simm.s32 $0x9F00;
	s0 =	sand.u32 $0x1, s0;
	s1 =	sshll.u32 s1, $0x1  }
0x8: {  	s22 =	simm.s32 $0x10300;
	s23 =	simm.s32 $0x1;
	s1 =	sor.u32 s0, s1  }
0x9: {  	s24 =	simm.s32 $0x2;
	s0 =	ssub.s32 $0x2, s0;
	s4 =	smul.u32 $0x2710, s1  }
0xa: {  	s25 =	simm.s32 $0x3;
	s26 =	simm.s32 $0x4;
	s7 =	sshrl.u32 s0, $0x1  }
0xb: {  	s28 =	simm.s32 $0x5;
	s0 =	ssub.s32 s0, s7;
	s1 =	sshrl.u32 s4, $0x3  }
0xc: {  	[smem:$0x7FF] =	sst s3;
	s0 =	smax.u32 s0, $0x1;
	s1 =	sadd.s32 s1, s6  }
0xd: {  	_ =	strace $0x80000047;
	[dreg:$0x5] =	wrdreg s0;
	s31 =	sadd.s32 $0xD400, s1  }
0xe: {  	s29 =	simm.s32 $0x0;
	s1 =	sadd.s32 $0x3600, s1;
	[dreg:$0x3] =	wrdreg s31  }
0xf: {  	s5 =	sadd.s32 $0x18200, s6;
	s6 =	sadd.s32 $0x3F400, s6;
	[dreg:$0x4] =	wrdreg s1  }
.LBB2_1:
0x10: {  	s0 =	rddreg [dreg:$0x3]  }
0x11: {  	[tilespmem:s3], [sflag:$0x6] =	stream.linear.gather [hbm4b:s0+s3], $0x2710, $0x38;
	[tilespmem:$0x11700] =	vst v63  }
0x12: {  	_ =	swait.ge [sflag:s10], $0x2710  }
0x13: {  	[sflag:s10] =	ssyncset.done $0x0  }
0x14: {  	s1 =	simm.s32 $0x2780;
	s31 =	rddreg [dreg:$0x4];
	[sflag:s10] =	ssyncadd.s32 $0xFFFFD8F0  }
0x15: {  	[tilespmem:s1], [sflag:$0x6] =	stream.linear.gather [hbm4b:s31+s3], $0x2710, $0x38;
	[tilespmem:$0x11700] =	vst v63  }
0x16: {  	_ =	swait.ge [sflag:s10], $0x2710  }
0x17: {  	[sflag:s10] =	ssyncset.done $0x0  }
0x18: {  	s30 =	simm.s32 $0x0;
	[sflag:s10] =	ssyncadd.s32 $0xFFFFD8F0  }
.LBB2_2:
0x19: {  	s7 =	smul.u32 $0xC8, s30;
	_ =	sdelay $0x1  }
0x1a: {  	[tilespmem:s13], [sflag:$0x1] =	stream.indirect.gather [hbm4b:s2+s12], $0x80, s7, s12, $0xb8;
	[tilespmem:$0x11700] =	vst v63  }
0x1b: {  	s0 =	sadd.s32 $0x2780, s7  }
0x1c: {  	[tilespmem:s14], [sflag:$0x1] =	stream.indirect.gather [hbm4b:s5+s12], $0x80, s0, s12, $0xb8;
	[tilespmem:$0x11700] =	vst v63  }
0x1d: {  	s11 =	sadd.s32 $0x28, s7  }
0x1e: {  	[tilespmem:s15], [sflag:$0x2] =	stream.indirect.gather [hbm4b:s2+s12], $0x80, s11, s12, $0xb8;
	[tilespmem:$0x11700] =	vst v63  }
0x1f: {  	s8 =	sadd.s32 $0x27A8, s7  }
0x20: {  	[tilespmem:s16], [sflag:$0x2] =	stream.indirect.gather [hbm4b:s5+s12], $0x80, s8, s12, $0xb8;
	[tilespmem:$0x11700] =	vst v63  }
0x21: {  	s0 =	sadd.s32 $0x50, s7  }
0x22: {  	[tilespmem:s17], [sflag:$0x3] =	stream.indirect.gather [hbm4b:s2+s12], $0x80, s0, s12, $0xb8;
	[tilespmem:$0x11700] =	vst v63  }
0x23: {  	s1 =	sadd.s32 $0x27D0, s7  }
0x24: {  	[tilespmem:s18], [sflag:$0x3] =	stream.indirect.gather [hbm4b:s5+s12], $0x80, s1, s12, $0xb8;
	[tilespmem:$0x11700] =	vst v63  }
0x25: {  	s1 =	sadd.s32 $0x78, s7  }
0x26: {  	[tilespmem:s19], [sflag:$0x4] =	stream.indirect.gather [hbm4b:s2+s12], $0x80, s1, s12, $0xb8;
	[tilespmem:$0x11700] =	vst v63  }
0x27: {  	s8 =	sadd.s32 $0x27F8, s7  }
0x28: {  	[tilespmem:s20], [sflag:$0x4] =	stream.indirect.gather [hbm4b:s5+s12], $0x80, s8, s12, $0xb8;
	[tilespmem:$0x11700] =	vst v63  }
0x29: {  	s31 =	sadd.s32 $0xA0, s7  }
0x2a: {  	[tilespmem:s21], [sflag:$0x5] =	stream.indirect.gather [hbm4b:s2+s12], $0x80, s31, s12, $0xb8;
	[tilespmem:$0x11700] =	vst v63  }
0x2b: {  	s9 =	sadd.s32 $0x2820, s7  }
0x2c: {  	[tilespmem:s22], [sflag:$0x5] =	stream.indirect.gather [hbm4b:s5+s12], $0x80, s9, s12, $0xb8;
	[tilespmem:$0x11700] =	vst v63  }
0x2d: {  	_ =	swait.ge [sflag:s23], $0x1400  }
0x2e: {  	[sflag:s23] =	ssyncset.done $0x0  }
0x2f: {  	[sflag:s23] =	ssyncadd.s32 $0xFFFFEC00  }
0x30: {  	_ =	swait.ge [sflag:s23], $0x1400  }
0x31: {  	[sflag:s23] =	ssyncset.done $0x0  }
0x32: {  	s8 =	simm.s32 $0x0;
	s9 =	simm.s32 $0x200;
	[sflag:s23] =	ssyncadd.s32 $0xFFFFEC00  }
.LBB2_3:
0x33: {  	p0 =	sne.s32 s9, $0x4E00;
	v0 =	vld [tilespmem:s8+$0xB370]  }
0x34: {  	v1 =	vld [tilespmem:s8+$0xB300]  }
0x35: {  	v2 =	vld [tilespmem:s8+$0xB310]  }
0x36: {  	v3 =	vld [tilespmem:s8+$0xB320]  }
0x37: {  	v4 =	vld [tilespmem:s8+$0xB330]  }
0x38: {  	[tilespmem:s8+$0x4F70] =	vst.add.f32.msk $0xffff, v0  }
0x39: {  	v0 =	vld [tilespmem:s8+$0xB340]  }
0x3a: {  	v5 =	vld [tilespmem:s8+$0xB350]  }
0x3b: {  	v6 =	vld [tilespmem:s8+$0xB360]  }
0x3c: {  	[tilespmem:s8+$0x4F00] =	vst.add.f32.msk $0xffff, v1  }
0x3d: {  	[tilespmem:s8+$0x4F10] =	vst.add.f32.msk $0xffff, v2  }
.Ltmp0:
0x3e: {  	[tilespmem:s8+$0x4F20] =	vst.add.f32.msk $0xffff, v3;
	(pc) =	sbr.rel @p0 .LBB2_3-.Ltmp0, $4  }
0x3f: {  	[tilespmem:s8+$0x4F30] =	vst.add.f32.msk $0xffff, v4  }
0x40: {  	[tilespmem:s8+$0x4F40] =	vst.add.f32.msk $0xffff, v0  }
0x41: {  	[tilespmem:s8+$0x4F50] =	vst.add.f32.msk $0xffff, v5  }
0x42: {  	[tilespmem:s8+$0x4F60] =	vst.add.f32.msk $0xffff, v6;
	s8 =	sshra.s32 s9, $0x2;
	s9 =	sadd.s32 $0x200, s9  }
0x43: {  	v0 =	vld [tilespmem:s8+$0xB370]  }
0x44: {  	v1 =	vld [tilespmem:s8+$0xB300]  }
0x45: {  	v2 =	vld [tilespmem:s8+$0xB310]  }
0x46: {  	v3 =	vld [tilespmem:s8+$0xB320]  }
0x47: {  	v4 =	vld [tilespmem:s8+$0xB330]  }
0x48: {  	v63 =	vld [tilespmem:s8+$0xB340]  }
0x49: {  	v5 =	vld [tilespmem:s8+$0xB350]  }
0x4a: {  	v6 =	vld [tilespmem:s8+$0xB360]  }
0x4b: {  	[tilespmem:s8+$0x4F70] =	vst.add.f32.msk $0xffff, v0  }
0x4c: {  	[tilespmem:s8+$0x4F00] =	vst.add.f32.msk $0xffff, v1  }
0x4d: {  	[tilespmem:s8+$0x4F10] =	vst.add.f32.msk $0xffff, v2  }
0x4e: {  	[tilespmem:s8+$0x4F20] =	vst.add.f32.msk $0xffff, v3  }
0x4f: {  	[tilespmem:s8+$0x4F30] =	vst.add.f32.msk $0xffff, v4  }
0x50: {  	s7 =	sadd.s32 s4, s7;
	[tilespmem:s8+$0x4F40] =	vst.add.f32.msk $0xffff, v63  }
0x51: {  	s7 =	sshll.u32 s7, $0x4;
	[tilespmem:s8+$0x4F50] =	vst.add.f32.msk $0xffff, v5  }
0x52: {  	s9 =	simm.s32 $0x0;
	s7 =	sadd.s32 s6, s7;
	[tilespmem:s8+$0x4F60] =	vst.add.f32.msk $0xffff, v6  }
0x53: {  	[hbm4b:s7+s9] =	stream.linear.scatter [tilespmem:s13], [sflag:$0x6], $0x1400, $0x38;
	[tilespmem:$0x11700] =	vst v63  }
0x54: {  	_ =	swait.ge [sflag:s10], $0x1400  }
0x55: {  	[sflag:s10] =	ssyncset.done $0x0  }
0x56: {  	[sflag:s10] =	ssyncadd.s32 $0xFFFFEC00  }
0x57: {  	_ =	swait.ge [sflag:s24], $0x1400  }
0x58: {  	[sflag:s24] =	ssyncset.done $0x0  }
0x59: {  	[sflag:s24] =	ssyncadd.s32 $0xFFFFEC00  }
0x5a: {  	_ =	swait.ge [sflag:s24], $0x1400  }
0x5b: {  	[sflag:s24] =	ssyncset.done $0x0  }
0x5c: {  	s8 =	simm.s32 $0x200;
	s7 =	simm.s32 $0x0;
	[sflag:s24] =	ssyncadd.s32 $0xFFFFEC00  }
.LBB2_5:
0x5d: {  	p0 =	sne.s32 s8, $0x4E00;
	v0 =	vld [tilespmem:s7+$0xC770]  }
0x5e: {  	v1 =	vld [tilespmem:s7+$0xC700]  }
0x5f: {  	v2 =	vld [tilespmem:s7+$0xC710]  }
0x60: {  	v3 =	vld [tilespmem:s7+$0xC720]  }
0x61: {  	v4 =	vld [tilespmem:s7+$0xC730]  }
0x62: {  	[tilespmem:s7+$0x6370] =	vst.add.f32.msk $0xffff, v0  }
0x63: {  	v0 =	vld [tilespmem:s7+$0xC740]  }
0x64: {  	v5 =	vld [tilespmem:s7+$0xC750]  }
0x65: {  	v6 =	vld [tilespmem:s7+$0xC760]  }
0x66: {  	[tilespmem:s7+$0x6300] =	vst.add.f32.msk $0xffff, v1  }
0x67: {  	[tilespmem:s7+$0x6310] =	vst.add.f32.msk $0xffff, v2  }
.Ltmp1:
0x68: {  	[tilespmem:s7+$0x6320] =	vst.add.f32.msk $0xffff, v3;
	(pc) =	sbr.rel @p0 .LBB2_5-.Ltmp1, $4  }
0x69: {  	[tilespmem:s7+$0x6330] =	vst.add.f32.msk $0xffff, v4  }
0x6a: {  	[tilespmem:s7+$0x6340] =	vst.add.f32.msk $0xffff, v0  }
0x6b: {  	[tilespmem:s7+$0x6350] =	vst.add.f32.msk $0xffff, v5  }
0x6c: {  	[tilespmem:s7+$0x6360] =	vst.add.f32.msk $0xffff, v6;
	s7 =	sshra.s32 s8, $0x2;
	s8 =	sadd.s32 $0x200, s8  }
0x6d: {  	v0 =	vld [tilespmem:s7+$0xC770]  }
0x6e: {  	v1 =	vld [tilespmem:s7+$0xC700]  }
0x6f: {  	v2 =	vld [tilespmem:s7+$0xC710]  }
0x70: {  	v3 =	vld [tilespmem:s7+$0xC720]  }
0x71: {  	v4 =	vld [tilespmem:s7+$0xC730]  }
0x72: {  	v63 =	vld [tilespmem:s7+$0xC740]  }
0x73: {  	v5 =	vld [tilespmem:s7+$0xC750]  }
0x74: {  	v6 =	vld [tilespmem:s7+$0xC760]  }
0x75: {  	[tilespmem:s7+$0x6370] =	vst.add.f32.msk $0xffff, v0  }
0x76: {  	[tilespmem:s7+$0x6300] =	vst.add.f32.msk $0xffff, v1  }
0x77: {  	[tilespmem:s7+$0x6310] =	vst.add.f32.msk $0xffff, v2  }
0x78: {  	[tilespmem:s7+$0x6320] =	vst.add.f32.msk $0xffff, v3  }
0x79: {  	[tilespmem:s7+$0x6330] =	vst.add.f32.msk $0xffff, v4  }
0x7a: {  	s8 =	sadd.s32 s4, s11;
	[tilespmem:s7+$0x6340] =	vst.add.f32.msk $0xffff, v63  }
0x7b: {  	s8 =	sshll.u32 s8, $0x4;
	[tilespmem:s7+$0x6350] =	vst.add.f32.msk $0xffff, v5  }
0x7c: {  	s11 =	simm.s32 $0x0;
	s9 =	sadd.s32 s6, s8;
	[tilespmem:s7+$0x6360] =	vst.add.f32.msk $0xffff, v6  }
0x7d: {  	[hbm4b:s9+s11] =	stream.linear.scatter [tilespmem:s15], [sflag:$0x6], $0x1400, $0x38;
	[tilespmem:$0x11700] =	vst v63  }
0x7e: {  	_ =	swait.ge [sflag:s10], $0x1400  }
0x7f: {  	[sflag:s10] =	ssyncset.done $0x0  }
0x80: {  	[sflag:s10] =	ssyncadd.s32 $0xFFFFEC00  }
0x81: {  	_ =	swait.ge [sflag:s25], $0x1400  }
0x82: {  	[sflag:s25] =	ssyncset.done $0x0  }
0x83: {  	[sflag:s25] =	ssyncadd.s32 $0xFFFFEC00  }
0x84: {  	_ =	swait.ge [sflag:s25], $0x1400  }
0x85: {  	[sflag:s25] =	ssyncset.done $0x0  }
0x86: {  	s8 =	simm.s32 $0x200;
	s7 =	simm.s32 $0x0;
	[sflag:s25] =	ssyncadd.s32 $0xFFFFEC00  }
.LBB2_7:
0x87: {  	p0 =	sne.s32 s8, $0x4E00;
	v0 =	vld [tilespmem:s7+$0xDB70]  }
0x88: {  	v1 =	vld [tilespmem:s7+$0xDB00]  }
0x89: {  	v2 =	vld [tilespmem:s7+$0xDB10]  }
0x8a: {  	v3 =	vld [tilespmem:s7+$0xDB20]  }
0x8b: {  	v4 =	vld [tilespmem:s7+$0xDB30]  }
0x8c: {  	[tilespmem:s7+$0x7770] =	vst.add.f32.msk $0xffff, v0  }
0x8d: {  	v0 =	vld [tilespmem:s7+$0xDB40]  }
0x8e: {  	v5 =	vld [tilespmem:s7+$0xDB50]  }
0x8f: {  	v6 =	vld [tilespmem:s7+$0xDB60]  }
0x90: {  	[tilespmem:s7+$0x7700] =	vst.add.f32.msk $0xffff, v1  }
0x91: {  	[tilespmem:s7+$0x7710] =	vst.add.f32.msk $0xffff, v2  }
.Ltmp2:
0x92: {  	[tilespmem:s7+$0x7720] =	vst.add.f32.msk $0xffff, v3;
	(pc) =	sbr.rel @p0 .LBB2_7-.Ltmp2, $4  }
0x93: {  	[tilespmem:s7+$0x7730] =	vst.add.f32.msk $0xffff, v4  }
0x94: {  	[tilespmem:s7+$0x7740] =	vst.add.f32.msk $0xffff, v0  }
0x95: {  	[tilespmem:s7+$0x7750] =	vst.add.f32.msk $0xffff, v5  }
0x96: {  	[tilespmem:s7+$0x7760] =	vst.add.f32.msk $0xffff, v6;
	s7 =	sshra.s32 s8, $0x2;
	s8 =	sadd.s32 $0x200, s8  }
0x97: {  	v0 =	vld [tilespmem:s7+$0xDB70]  }
0x98: {  	v1 =	vld [tilespmem:s7+$0xDB00]  }
0x99: {  	v2 =	vld [tilespmem:s7+$0xDB10]  }
0x9a: {  	v3 =	vld [tilespmem:s7+$0xDB20]  }
0x9b: {  	v4 =	vld [tilespmem:s7+$0xDB30]  }
0x9c: {  	v63 =	vld [tilespmem:s7+$0xDB40]  }
0x9d: {  	v5 =	vld [tilespmem:s7+$0xDB50]  }
0x9e: {  	v6 =	vld [tilespmem:s7+$0xDB60]  }
0x9f: {  	[tilespmem:s7+$0x7770] =	vst.add.f32.msk $0xffff, v0  }
0xa0: {  	[tilespmem:s7+$0x7700] =	vst.add.f32.msk $0xffff, v1  }
0xa1: {  	[tilespmem:s7+$0x7710] =	vst.add.f32.msk $0xffff, v2  }
0xa2: {  	[tilespmem:s7+$0x7720] =	vst.add.f32.msk $0xffff, v3  }
0xa3: {  	[tilespmem:s7+$0x7730] =	vst.add.f32.msk $0xffff, v4  }
0xa4: {  	s0 =	sadd.s32 s4, s0;
	[tilespmem:s7+$0x7740] =	vst.add.f32.msk $0xffff, v63  }
0xa5: {  	s0 =	sshll.u32 s0, $0x4;
	[tilespmem:s7+$0x7750] =	vst.add.f32.msk $0xffff, v5  }
0xa6: {  	s11 =	simm.s32 $0x0;
	s0 =	sadd.s32 s6, s0;
	[tilespmem:s7+$0x7760] =	vst.add.f32.msk $0xffff, v6  }
0xa7: {  	[hbm4b:s0+s11] =	stream.linear.scatter [tilespmem:s17], [sflag:$0x6], $0x1400, $0x38;
	[tilespmem:$0x11700] =	vst v63  }
0xa8: {  	_ =	swait.ge [sflag:s10], $0x1400  }
0xa9: {  	[sflag:s10] =	ssyncset.done $0x0  }
0xaa: {  	[sflag:s10] =	ssyncadd.s32 $0xFFFFEC00  }
0xab: {  	_ =	swait.ge [sflag:s26], $0x1400  }
0xac: {  	[sflag:s26] =	ssyncset.done $0x0  }
0xad: {  	[sflag:s26] =	ssyncadd.s32 $0xFFFFEC00  }
0xae: {  	_ =	swait.ge [sflag:s26], $0x1400  }
0xaf: {  	[sflag:s26] =	ssyncset.done $0x0  }
0xb0: {  	s7 =	simm.s32 $0x200;
	s0 =	simm.s32 $0x0;
	[sflag:s26] =	ssyncadd.s32 $0xFFFFEC00  }
.LBB2_9:
0xb1: {  	p0 =	sne.s32 s7, $0x4E00;
	v0 =	vld [tilespmem:s0+$0xEF70]  }
0xb2: {  	v1 =	vld [tilespmem:s0+$0xEF00]  }
0xb3: {  	v2 =	vld [tilespmem:s0+$0xEF10]  }
0xb4: {  	v3 =	vld [tilespmem:s0+$0xEF20]  }
0xb5: {  	v4 =	vld [tilespmem:s0+$0xEF30]  }
0xb6: {  	[tilespmem:s0+$0x8B70] =	vst.add.f32.msk $0xffff, v0  }
0xb7: {  	v0 =	vld [tilespmem:s0+$0xEF40]  }
0xb8: {  	v5 =	vld [tilespmem:s0+$0xEF50]  }
0xb9: {  	v6 =	vld [tilespmem:s0+$0xEF60]  }
0xba: {  	[tilespmem:s0+$0x8B00] =	vst.add.f32.msk $0xffff, v1  }
0xbb: {  	[tilespmem:s0+$0x8B10] =	vst.add.f32.msk $0xffff, v2  }
.Ltmp3:
0xbc: {  	[tilespmem:s0+$0x8B20] =	vst.add.f32.msk $0xffff, v3;
	(pc) =	sbr.rel @p0 .LBB2_9-.Ltmp3, $4  }
0xbd: {  	[tilespmem:s0+$0x8B30] =	vst.add.f32.msk $0xffff, v4  }
0xbe: {  	[tilespmem:s0+$0x8B40] =	vst.add.f32.msk $0xffff, v0  }
0xbf: {  	[tilespmem:s0+$0x8B50] =	vst.add.f32.msk $0xffff, v5  }
0xc0: {  	[tilespmem:s0+$0x8B60] =	vst.add.f32.msk $0xffff, v6;
	s0 =	sshra.s32 s7, $0x2;
	s7 =	sadd.s32 $0x200, s7  }
0xc1: {  	v0 =	vld [tilespmem:s0+$0xEF70]  }
0xc2: {  	v1 =	vld [tilespmem:s0+$0xEF00]  }
0xc3: {  	v2 =	vld [tilespmem:s0+$0xEF10]  }
0xc4: {  	v3 =	vld [tilespmem:s0+$0xEF20]  }
0xc5: {  	v4 =	vld [tilespmem:s0+$0xEF30]  }
0xc6: {  	v63 =	vld [tilespmem:s0+$0xEF40]  }
0xc7: {  	v5 =	vld [tilespmem:s0+$0xEF50]  }
0xc8: {  	v6 =	vld [tilespmem:s0+$0xEF60]  }
0xc9: {  	[tilespmem:s0+$0x8B70] =	vst.add.f32.msk $0xffff, v0  }
0xca: {  	[tilespmem:s0+$0x8B00] =	vst.add.f32.msk $0xffff, v1  }
0xcb: {  	[tilespmem:s0+$0x8B10] =	vst.add.f32.msk $0xffff, v2  }
0xcc: {  	[tilespmem:s0+$0x8B20] =	vst.add.f32.msk $0xffff, v3  }
0xcd: {  	[tilespmem:s0+$0x8B30] =	vst.add.f32.msk $0xffff, v4  }
0xce: {  	s1 =	sadd.s32 s4, s1;
	[tilespmem:s0+$0x8B40] =	vst.add.f32.msk $0xffff, v63  }
0xcf: {  	s1 =	sshll.u32 s1, $0x4;
	[tilespmem:s0+$0x8B50] =	vst.add.f32.msk $0xffff, v5  }
0xd0: {  	s11 =	simm.s32 $0x0;
	s9 =	sadd.s32 s6, s1;
	[tilespmem:s0+$0x8B60] =	vst.add.f32.msk $0xffff, v6  }
0xd1: {  	[hbm4b:s9+s11] =	stream.linear.scatter [tilespmem:s19], [sflag:$0x6], $0x1400, $0x38;
	[tilespmem:$0x11700] =	vst v63  }
0xd2: {  	_ =	swait.ge [sflag:s10], $0x1400  }
0xd3: {  	[sflag:s10] =	ssyncset.done $0x0  }
0xd4: {  	[sflag:s10] =	ssyncadd.s32 $0xFFFFEC00  }
0xd5: {  	_ =	swait.ge [sflag:s28], $0x1400  }
0xd6: {  	[sflag:s28] =	ssyncset.done $0x0  }
0xd7: {  	[sflag:s28] =	ssyncadd.s32 $0xFFFFEC00  }
0xd8: {  	_ =	swait.ge [sflag:s28], $0x1400  }
0xd9: {  	[sflag:s28] =	ssyncset.done $0x0  }
0xda: {  	s1 =	simm.s32 $0x200;
	s0 =	simm.s32 $0x0;
	[sflag:s28] =	ssyncadd.s32 $0xFFFFEC00  }
.LBB2_11:
0xdb: {  	p0 =	sne.s32 s1, $0x4E00;
	v0 =	vld [tilespmem:s0+$0x10370]  }
0xdc: {  	v1 =	vld [tilespmem:s0+$0x10300]  }
0xdd: {  	v2 =	vld [tilespmem:s0+$0x10310]  }
0xde: {  	v3 =	vld [tilespmem:s0+$0x10320]  }
0xdf: {  	v4 =	vld [tilespmem:s0+$0x10330]  }
0xe0: {  	[tilespmem:s0+$0x9F70] =	vst.add.f32.msk $0xffff, v0  }
0xe1: {  	v0 =	vld [tilespmem:s0+$0x10340]  }
0xe2: {  	v5 =	vld [tilespmem:s0+$0x10350]  }
0xe3: {  	v6 =	vld [tilespmem:s0+$0x10360]  }
0xe4: {  	[tilespmem:s0+$0x9F00] =	vst.add.f32.msk $0xffff, v1  }
0xe5: {  	[tilespmem:s0+$0x9F10] =	vst.add.f32.msk $0xffff, v2  }
.Ltmp4:
0xe6: {  	[tilespmem:s0+$0x9F20] =	vst.add.f32.msk $0xffff, v3;
	(pc) =	sbr.rel @p0 .LBB2_11-.Ltmp4, $4  }
0xe7: {  	[tilespmem:s0+$0x9F30] =	vst.add.f32.msk $0xffff, v4  }
0xe8: {  	[tilespmem:s0+$0x9F40] =	vst.add.f32.msk $0xffff, v0  }
0xe9: {  	[tilespmem:s0+$0x9F50] =	vst.add.f32.msk $0xffff, v5  }
0xea: {  	[tilespmem:s0+$0x9F60] =	vst.add.f32.msk $0xffff, v6;
	s0 =	sshra.s32 s1, $0x2;
	s1 =	sadd.s32 $0x200, s1  }
0xeb: {  	v0 =	vld [tilespmem:s0+$0x10370]  }
0xec: {  	v1 =	vld [tilespmem:s0+$0x10300]  }
0xed: {  	v2 =	vld [tilespmem:s0+$0x10310]  }
0xee: {  	v3 =	vld [tilespmem:s0+$0x10320]  }
0xef: {  	v4 =	vld [tilespmem:s0+$0x10330]  }
0xf0: {  	v63 =	vld [tilespmem:s0+$0x10340]  }
0xf1: {  	v5 =	vld [tilespmem:s0+$0x10350]  }
0xf2: {  	v6 =	vld [tilespmem:s0+$0x10360]  }
0xf3: {  	[tilespmem:s0+$0x9F70] =	vst.add.f32.msk $0xffff, v0  }
0xf4: {  	[tilespmem:s0+$0x9F00] =	vst.add.f32.msk $0xffff, v1  }
0xf5: {  	[tilespmem:s0+$0x9F10] =	vst.add.f32.msk $0xffff, v2  }
0xf6: {  	[tilespmem:s0+$0x9F20] =	vst.add.f32.msk $0xffff, v3  }
0xf7: {  	[tilespmem:s0+$0x9F30] =	vst.add.f32.msk $0xffff, v4  }
0xf8: {  	s1 =	sadd.s32 s4, s31;
	s30 =	sadd.s32 $0x1, s30;
	[tilespmem:s0+$0x9F40] =	vst.add.f32.msk $0xffff, v63  }
0xf9: {  	s1 =	sshll.u32 s1, $0x4;
	p0 =	sne.s32 s30, $0x32;
	[tilespmem:s0+$0x9F50] =	vst.add.f32.msk $0xffff, v5  }
.Ltmp5:
0xfa: {  	s31 =	sadd.s32 s6, s1;
	[tilespmem:s0+$0x9F60] =	vst.add.f32.msk $0xffff, v6;
	(pc) =	sbr.rel @p0 .LBB2_2-.Ltmp5, $4  }
0xfb: {  	[hbm4b:s31+s3] =	stream.linear.scatter [tilespmem:s21], [sflag:$0x6], $0x1400, $0x38;
	[tilespmem:$0x11700] =	vst v63  }
0xfc: {  	_ =	swait.ge [sflag:s10], $0x1400  }
0xfd: {  	[sflag:s10] =	ssyncset.done $0x0  }
0xfe: {  	[sflag:s10] =	ssyncadd.s32 $0xFFFFEC00  }
0xff: {  	s29 =	sadd.s32 $0x1, s29;
	s0 =	rddreg [dreg:$0x5]  }
0x100: {  	p0 =	sne.s32 s29, s0  }
.Ltmp6:
0x101: {  	_ = 	snop;
	(pc) =	sbr.rel @p0 .LBB2_1-.Ltmp6, $1  }
0x102: {  	_ =	sdelay $0x3  }
0x103: {  	_ =	sfence.sel $0x180000  }
0x104: {  	[bflag:$0x0] =	sbarrier.arrive $0xFFFF  }
0x105: {  	_ =	strace $0x90000047  }
0x106: {  	s0 =	stileid.u32;
	[bflag:$0x2] =	sbarrier.arrive $0xFFFF  }
0x107: {  	p0 =	sne.s32 s0, $0x0;
	s0 =	rddreg [dreg:$0x2]  }
0x108: {  	s0 =	sadd.s32 @!p0 $0x100000, s0  }
0x109: {  	[sflag:s0] =	ssyncadd.tile.s32 @!p0 $0x1;
	_ =	shalt  }
.Lfunc_end2:
_tile_overlayer_lowered:
.L_overlay_start_2:
0x10a: {  	(tag) =	ssettag $0x2  }
0x10b: {  	s0 =	rddreg [dreg:$0x0];
	s2 =	stileid.u32  }
0x10c: {  	s1 =	rddreg [dreg:$0x1];
	p0 =	sne.s32 s2, $0x0  }
0x10d: {  	s3 =	rddreg [dreg:$0x2];
	[bflag:$0x3] =	sbarrier.arrive $0xFFFF;
	s2 =	simm.s32 @!p0 $0x1C06  }
0x10e: {  	[timem:s3], [sflag:s2] =	dma.local @!p0 [hbm:s0], s1  }
0x10f: {  	s0 =	simm.s32 @!p0 $0x6  }
0x110: {  	_ =	swait.ge @!p0 [sflag:s0], s1  }
0x111: {  	s1 =	ssub.s32 @!p0 $0x0, s1;
	[sflag:s0] =	ssyncset.done @!p0 $0x0  }
0x112: {  	[sflag:s0] =	ssyncadd.s32 @!p0 s1  }
0x113: {  	[bflag:$0x3] =	sbarrier.arrive $0xFFFF  }
0x114: {  	_ =	shalt  }

</sc_bundles>
